<compile_context>
chip_gen: v7x
topology: tpu7x:2x2x1
jax: 0.10.2.dev20260603
libtpu: 0.0.44.dev20260713+nightly
codegen_flags: <defaults>
</compile_context>

<pallas_src>
import functools

import jax
import jax.numpy as jnp
from jax import lax
from jax.experimental import pallas as pl
from jax.experimental.pallas import tpu as pltpu
from jax.experimental.pallas import tpu_sc as plsc

NC = 2
NS = 16
NW = NC * NS
L = 16
SL = 128
PW = 128

N = 50000
M = 25000
K = 3
NEIGH = 9

BN = 1664
N_PAD = NW * BN
N_V = 51200
BMW = 896
M_PAD = NW * BMW
SUB = 1024
SCH = 7
BA = SUB * SCH
MN_PAD = NW * BA
MROWS = 128

_mesh = plsc.VectorSubcoreMesh(core_axis_name="c", subcore_axis_name="s")
_params = pltpu.CompilerParams(needs_layout_passes=False)


def _col(c):
    return jnp.full((L,), c, jnp.int32)


@functools.partial(
    pl.kernel,
    out_type=jax.ShapeDtypeStruct((M_PAD, PW), jnp.float32),
    mesh=_mesh,
    compiler_params=_params,
    scratch_types=[
        pltpu.VMEM((N_V,), jnp.float32),
        pltpu.VMEM((BMW,), jnp.int32),
        pltpu.VMEM((BMW,), jnp.float32),
        pltpu.VMEM((BMW,), jnp.float32),
        pltpu.VMEM((BMW,), jnp.float32),
        pltpu.VMEM((BMW * 9,), jnp.float32),
        pltpu.VMEM((BMW * 3,), jnp.float32),
        pltpu.VMEM((SL, PW), jnp.float32),
    ],
)
def _build_table(nidx, rflat, tflat, vt, p_out,
                 vfull_v, nidx_v, nx_v, ny_v, nz_v, rr_v, tr_v, p_v):
    sid = lax.axis_index("s")
    cid = lax.axis_index("c")
    wid = sid * NC + cid
    lanes = lax.iota(jnp.int32, L)
    mb = wid * BMW

    pltpu.sync_copy(nidx.at[pl.ds(mb, BMW)], nidx_v)
    for c, nc_v in enumerate((nx_v, ny_v, nz_v)):
        pltpu.sync_copy(vt.at[pl.ds(c * N_PAD, N_V)], vfull_v)

        def gbody(g, carry, nc_v=nc_v):
            iv = nidx_v[pl.ds(g * L, L)]
            nc_v[pl.ds(g * L, L)] = plsc.load_gather(vfull_v, [iv])
            return carry

        lax.fori_loop(0, BMW // L, gbody, 0)
    pltpu.sync_copy(rflat.at[pl.ds(mb * 9, BMW * 9)], rr_v)
    pltpu.sync_copy(tflat.at[pl.ds(mb * 3, BMW * 3)], tr_v)

    def pslice(j, carry):
        def pbody(g, c2):
            row = g * L + lanes
            b = j * SL + g * L
            grow = b + lanes
            plsc.store_scatter(p_v, [row, _col(0)], nx_v[pl.ds(b, L)])
            plsc.store_scatter(p_v, [row, _col(1)], ny_v[pl.ds(b, L)])
            plsc.store_scatter(p_v, [row, _col(2)], nz_v[pl.ds(b, L)])
            f3 = grow * 3
            f9 = grow * 9
            for c in range(3):
                plsc.store_scatter(p_v, [row, _col(3 + c)],
                                   plsc.load_gather(tr_v, [f3 + c]))
            for c in range(9):
                plsc.store_scatter(p_v, [row, _col(6 + c)],
                                   plsc.load_gather(rr_v, [f9 + c]))
            return c2

        lax.fori_loop(0, SL // L, pbody, 0)
        pltpu.sync_copy(p_v, p_out.at[pl.ds(mb + j * SL, SL)])
        return carry

    lax.fori_loop(0, BMW // SL, pslice, 0)


@functools.partial(
    pl.kernel,
    out_type=(
        jax.ShapeDtypeStruct((N_PAD * 3,), jnp.float32),
        jax.ShapeDtypeStruct((NW * 2 * L,), jnp.float32),
    ),
    mesh=_mesh,
    compiler_params=_params,
    scratch_types=[
        pltpu.VMEM((SL,), jnp.int32),
        pltpu.VMEM((SL,), jnp.int32),
        pltpu.VMEM((BN,), jnp.float32),
        pltpu.VMEM((BN,), jnp.float32),
        pltpu.VMEM((BN,), jnp.float32),
        pltpu.VMEM((BN,), jnp.float32),
        pltpu.VMEM((SL, PW), jnp.float32),
        pltpu.VMEM((SL, PW), jnp.float32),
        pltpu.VMEM((MROWS, PW), jnp.float32),
        pltpu.VMEM((BN * 3,), jnp.float32),
        pltpu.VMEM((SUB,), jnp.int32),
        pltpu.VMEM((2 * L,), jnp.float32),
        pltpu.SemaphoreType.DMA,
        pltpu.SemaphoreType.DMA,
    ],
)
def _warp_losses(p_tab, vt, inft, wt, ornf, mrep, out_w, out_loss,
                 gidx_v, gidx_b, vx_v, vy_v, vz_v, w_v, rows_v, rows_b,
                 mrows_v, out_v, mi_v, loss_v, sem, sem_b):
    sid = lax.axis_index("s")
    cid = lax.axis_index("c")
    wid = sid * NC + cid
    lanes = lax.iota(jnp.int32, L)
    lanes3 = lanes * 3

    base = wid * BN
    pltpu.sync_copy(vt.at[pl.ds(base, BN)], vx_v)
    pltpu.sync_copy(vt.at[pl.ds(N_PAD + base, BN)], vy_v)
    pltpu.sync_copy(vt.at[pl.ds(2 * N_PAD + base, BN)], vz_v)
    for k in range(K):
        pltpu.sync_copy(wt.at[pl.ds(k * N_PAD + base, BN)], w_v)

        def wcompute(j, rows, first):
            def wbody(g, c2):
                b = j * SL + g * L
                row = g * L + lanes
                pc = [plsc.load_gather(rows, [row, _col(c)])
                      for c in range(15)]
                vx = vx_v[pl.ds(b, L)]
                vy = vy_v[pl.ds(b, L)]
                vz = vz_v[pl.ds(b, L)]
                w = w_v[pl.ds(b, L)]
                dx = vx - pc[0]
                dy = vy - pc[1]
                dz = vz - pc[2]
                rx = pc[6] * dx + pc[7] * dy + pc[8] * dz
                ry = pc[9] * dx + pc[10] * dy + pc[11] * dz
                rz = pc[12] * dx + pc[13] * dy + pc[14] * dz
                ox = w * (rx + pc[0] + pc[3])
                oy = w * (ry + pc[1] + pc[4])
                oz = w * (rz + pc[2] + pc[5])
                flat = lanes3 + b * 3
                if first:
                    plsc.store_scatter(out_v, [flat], ox)
                    plsc.store_scatter(out_v, [flat + 1], oy)
                    plsc.store_scatter(out_v, [flat + 2], oz)
                else:
                    plsc.addupdate_scatter(out_v, [flat], ox)
                    plsc.addupdate_scatter(out_v, [flat + 1], oy)
                    plsc.addupdate_scatter(out_v, [flat + 2], oz)
                return c2

            lax.fori_loop(0, SL // L, wbody, 0)

        def wpair(j2, carry, first=(k == 0)):
            j0 = j2 * 2
            ib = k * N_PAD + base
            pltpu.sync_copy(inft.at[pl.ds(ib + j0 * SL, SL)], gidx_v)
            cpa = pltpu.async_copy(p_tab.at[gidx_v], rows_v, sem)
            pltpu.sync_copy(inft.at[pl.ds(ib + (j0 + 1) * SL, SL)], gidx_b)
            cpb = pltpu.async_copy(p_tab.at[gidx_b], rows_b, sem_b)
            cpa.wait()
            wcompute(j0, rows_v, first)
            cpb.wait()
            wcompute(j0 + 1, rows_b, first)
            return carry

        lax.fori_loop(0, BN // SL // 2, wpair, 0)
        jt = BN // SL - 1
        pltpu.sync_copy(inft.at[pl.ds(k * N_PAD + base + jt * SL, SL)],
                        gidx_v)
        pltpu.async_copy(p_tab.at[gidx_v], rows_v, sem).wait()
        wcompute(jt, rows_v, (k == 0))
    pltpu.sync_copy(out_v, out_w.at[pl.ds(base * 3, BN * 3)])

    abase = wid * BA

    def asub(si, acc):
        p0 = abase + si * SUB
        pltpu.sync_copy(mrep.at[pl.ds(p0, SUB)], mi_v)
        m0 = pl.multiple_of(
            jnp.minimum((p0 // NEIGH) // 8 * 8, (M - 1) // 8 * 8), 8)
        pltpu.sync_copy(p_tab.at[pl.ds(m0, MROWS)], mrows_v)

        def acompute(j, rows, acc2):
            def abody(g, acc3):
                aa, ss = acc3
                row = g * L + lanes
                ml = mi_v[pl.ds(j * SL + g * L, L)] - m0
                mc = [plsc.load_gather(mrows_v, [ml, _col(c)])
                      for c in range(15)]
                nc = [plsc.load_gather(rows, [row, _col(c)])
                      for c in range(15)]
                dx = mc[0] - nc[0]
                dy = mc[1] - nc[1]
                dz = mc[2] - nc[2]
                rx = mc[6] * dx + mc[7] * dy + mc[8] * dz
                ry = mc[9] * dx + mc[10] * dy + mc[11] * dz
                rz = mc[12] * dx + mc[13] * dy + mc[14] * dz
                ex = dx + (mc[3] - nc[3]) - rx
                ey = dy + (mc[4] - nc[4]) - ry
                ez = dz + (mc[5] - nc[5]) - rz
                aa = aa + ex * ex + ey * ey + ez * ez
                for c in range(9):
                    d = mc[6 + c] - nc[6 + c]
                    ss = ss + d * d
                return aa, ss

            return lax.fori_loop(0, SL // L, abody, acc2)

        def apair(j2, acc2):
            j0 = j2 * 2
            pltpu.sync_copy(ornf.at[pl.ds(p0 + j0 * SL, SL)], gidx_v)
            cpa = pltpu.async_copy(p_tab.at[gidx_v], rows_v, sem)
            pltpu.sync_copy(ornf.at[pl.ds(p0 + (j0 + 1) * SL, SL)], gidx_b)
            cpb = pltpu.async_copy(p_tab.at[gidx_b], rows_b, sem_b)
            cpa.wait()
            acc2 = acompute(j0, rows_v, acc2)
            cpb.wait()
            return acompute(j0 + 1, rows_b, acc2)

        return lax.fori_loop(0, SUB // SL // 2, apair, acc)

    acc_a, acc_s = lax.fori_loop(
        0, SCH, asub, (jnp.zeros((L,), jnp.float32),
                       jnp.zeros((L,), jnp.float32)))
    loss_v[pl.ds(0, L)] = acc_a
    loss_v[pl.ds(L, L)] = acc_s
    pltpu.sync_copy(loss_v, out_loss.at[pl.ds(wid * 2 * L, 2 * L)])


def kernel(vertices, opt_d_rotations, opt_d_translations, weights, nodes_idx,
           influence_nodes_idx, one_ring_neigh):
    rflat = jnp.pad(opt_d_rotations[0].reshape(M, 9).astype(jnp.float32),
                    ((0, M_PAD - M), (0, 0))).reshape(-1)
    tflat = jnp.pad(opt_d_translations[0].astype(jnp.float32),
                    ((0, M_PAD - M), (0, 0))).reshape(-1)
    nidx = jnp.pad(nodes_idx.astype(jnp.int32), (0, M_PAD - M))
    vt = jnp.pad(vertices.astype(jnp.float32),
                 ((0, N_PAD - N), (0, 0))).T.reshape(-1)
    inft = jnp.pad(influence_nodes_idx.astype(jnp.int32),
                   ((0, N_PAD - N), (0, 0))).T.reshape(-1)
    wt = jnp.pad(weights.astype(jnp.float32),
                 ((0, N_PAD - N), (0, 0))).T.reshape(-1)
    ornf = jnp.pad(one_ring_neigh.astype(jnp.int32).reshape(-1),
                   (0, MN_PAD - M * NEIGH), constant_values=M - 1)
    mrep = jnp.pad(jnp.repeat(jnp.arange(M, dtype=jnp.int32), NEIGH),
                   (0, MN_PAD - M * NEIGH), constant_values=M - 1)

    p_tab = _build_table(nidx, rflat, tflat, vt)
    out_w, out_loss = _warp_losses(p_tab, vt, inft, wt, ornf, mrep)

    warpped = out_w.reshape(N_PAD, 3)[:N][None]
    loss = out_loss.reshape(NW, 2 * L)
    arap = loss[:, :L].sum() / M
    sr = loss[:, L:].sum() / (M * NEIGH * 9)
    return (warpped, arap, sr)

# --- scband reference (transcript-rebuilt; emitter-appended) ---
"""Pipeline reference for scband-deformation-graph-geod-71287867179597 (READ-ONLY COPY).

The authoritative reference and input builder live on the scoring server;
editing this copy changes nothing except your own understanding.
"""

import jax, jax.numpy as jnp
import numpy as np

N = 50000
M = N // 2
K = 3
NEIGH = 9


def setup_inputs(seed: int = 0) -> dict:
    key = jax.random.key(seed)
    k1, k2, k3, k4, k5, k6, k7 = jax.random.split(key, 7)
    vertices = jax.random.normal(k1, (N, 3), dtype=jnp.float32)
    opt_d_rotations = jax.random.normal(k2, (1, M, 3, 3), dtype=jnp.float32) * 0.05 + jnp.eye(3, dtype=jnp.float32)[None, None]
    opt_d_translations = jax.random.normal(k3, (1, M, 3), dtype=jnp.float32) * 0.01
    # graph buffers normally built by construct_graph (KDTree / geodesic topk);
    # materialized here as in-range random index tensors + normalized weights
    nodes_idx = jax.random.randint(k4, (M,), 0, N)
    influence_nodes_idx = jax.random.randint(k5, (N, K), 0, M)
    one_ring_neigh = jax.random.randint(k6, (M, NEIGH), 0, M)
    w = jax.random.uniform(k7, (N, K), dtype=jnp.float32) + 0.1
    weights = w / w.sum(axis=1, keepdims=True)
    return {
        'vertices': vertices,
        'opt_d_rotations': opt_d_rotations,
        'opt_d_translations': opt_d_translations,
        'weights': weights,
        'nodes_idx': nodes_idx,
        'influence_nodes_idx': influence_nodes_idx,
        'one_ring_neigh': one_ring_neigh,
    }


def reference(vertices, opt_d_rotations, opt_d_translations, weights, nodes_idx, influence_nodes_idx, one_ring_neigh):
    nodes = jnp.take(vertices, nodes_idx, axis=0)  # (M, 3) gather
    inf = influence_nodes_idx.reshape((-1,))        # (N*K,)
    influence_nodes_v = jnp.take(nodes, inf, axis=0)  # (N*K, 3) gather
    R = opt_d_rotations[0]      # (M, 3, 3)
    T = opt_d_translations[0]   # (M, 3)
    opt_d_r = jnp.take(R, inf, axis=0)  # (N*K, 3, 3)
    opt_d_t = jnp.take(T, inf, axis=0)  # (N*K, 3)
    vrep = jnp.repeat(vertices, K, axis=0)  # (N*K, 3)
    rotated = jnp.einsum('bij,bj->bi', opt_d_r, vrep - influence_nodes_v)
    warpped_vertices = ((rotated + influence_nodes_v + opt_d_t).reshape((vertices.shape[0], K, 3)) * weights[..., None]).sum(axis=1).astype(jnp.float32)
    # ARAP / smooth-rotation regularizers over one-ring neighborhoods
    orn = one_ring_neigh.reshape((-1,))     # (M*NEIGH,)
    Rrep = jnp.repeat(R, NEIGH, axis=0)     # (M*NEIGH, 3, 3)
    nrep = jnp.repeat(nodes, NEIGH, axis=0)  # (M*NEIGH, 3)
    n_orn = jnp.take(nodes, orn, axis=0)
    diff_term = jnp.repeat(nodes + T, NEIGH, axis=0) - (n_orn + jnp.take(T, orn, axis=0)) - jnp.einsum('bij,bj->bi', Rrep, nrep - n_orn)
    sr_term = Rrep - jnp.take(R, orn, axis=0)
    sr_loss = jnp.mean(sr_term ** 2)
    arap_loss = jnp.sum(diff_term ** 2) / nodes_idx.shape[0]
    return (warpped_vertices[None], arap_loss, sr_loss)

if __name__ == "__main__":
    import jax
    _d = setup_inputs()
    print(jax.jit(kernel)(*tuple(_d.values())))

</pallas_src>

<mosaic_0001>
#map = affine_map<(d0, d1) -> (0)>
#map1 = affine_map<(d0, d1) -> (0, 0)>
module attributes {stable_mosaic.version = 14 : i64} {
  func.func @_build_table(%arg0: i32, %arg1: i32, %arg2: memref<28672xi32, #tpu.memory_space<hbm>>, %arg3: memref<258048xf32, #tpu.memory_space<hbm>>, %arg4: memref<86016xf32, #tpu.memory_space<hbm>>, %arg5: memref<159744xf32, #tpu.memory_space<hbm>>, %arg6: memref<28672x128xf32, #tpu.memory_space<hbm>>, %arg7: memref<51200xf32, #tpu.memory_space<vmem>>, %arg8: memref<896xi32, #tpu.memory_space<vmem>>, %arg9: memref<896xf32, #tpu.memory_space<vmem>>, %arg10: memref<896xf32, #tpu.memory_space<vmem>>, %arg11: memref<896xf32, #tpu.memory_space<vmem>>, %arg12: memref<8064xf32, #tpu.memory_space<vmem>>, %arg13: memref<2688xf32, #tpu.memory_space<vmem>>, %arg14: memref<128x128xf32, #tpu.memory_space<vmem>>) attributes {dimension_semantics = [#tpu.dimension_semantics<core_parallel>, #tpu.dimension_semantics<subcore_parallel>], iteration_bounds = array<i64: 2, 16>, scalar_prefetch = 0 : i64, scratch_operands = 8 : i64, tpu.core_type = #tpu.core_type<sc_vector_subcore>, window_params = [{transform_indices = #map}, {transform_indices = #map}, {transform_indices = #map}, {transform_indices = #map}, {transform_indices = #map1}]} {
    %mul3A = arith.constant 2 : i32
    %mul3A_0 = arith.muli %arg1, %mul3A : i32
    %add3A = arith.addi %mul3A_0, %arg0 : i32
    %iota3A = tpu.iota {dimensions = array<i32: 0>} : vector<16xi32>
    %mul3A_1 = arith.constant 896 : i32
    %mul3A_2 = arith.muli %add3A, %mul3A_1 : i32
    "tpu.region"() ({
      %run_scoped3A = tpu.sem_alloc : memref<!tpu.dma_semaphore, #tpu.memory_space<semaphore_mem>>
      %dma_start3A = tpu.memref_slice %arg2[%mul3A_2] : memref<28672xi32, #tpu.memory_space<hbm>> -> memref<896xi32, #tpu.memory_space<hbm>>
      %dma_start3A_30 = tpu.memref_slice %arg2[%mul3A_2] : memref<28672xi32, #tpu.memory_space<hbm>> -> memref<896xi32, #tpu.memory_space<hbm>>
      tpu.enqueue_dma source(%dma_start3A_30 : memref<896xi32, #tpu.memory_space<hbm>>) target(%arg8 : memref<896xi32, #tpu.memory_space<vmem>>) target_semaphore(%run_scoped3A : memref<!tpu.dma_semaphore, #tpu.memory_space<semaphore_mem>>)
      %dma_wait3A = tpu.memref_slice %arg2[%mul3A_2] : memref<28672xi32, #tpu.memory_space<hbm>> -> memref<896xi32, #tpu.memory_space<hbm>>
      %dma_wait3A_31 = tpu.memref_slice %arg2[%mul3A_2] : memref<28672xi32, #tpu.memory_space<hbm>> -> memref<896xi32, #tpu.memory_space<hbm>>
      tpu.wait_dma2 semaphore(%run_scoped3A : memref<!tpu.dma_semaphore, #tpu.memory_space<semaphore_mem>>) src(%dma_wait3A_31 : memref<896xi32, #tpu.memory_space<hbm>>) dst(%arg8 : memref<896xi32, #tpu.memory_space<vmem>>)
      tpu.yield
    }) : () -> ()
    "tpu.region"() ({
      %run_scoped3A = tpu.sem_alloc : memref<!tpu.dma_semaphore, #tpu.memory_space<semaphore_mem>>
      %dma_start3A = arith.constant 0 : i32
      %dma_start3A_30 = tpu.memref_slice %arg5[%dma_start3A] : memref<159744xf32, #tpu.memory_space<hbm>> -> memref<51200xf32, #tpu.memory_space<hbm>>
      %dma_start3A_31 = arith.constant 0 : i32
      %dma_start3A_32 = tpu.memref_slice %arg5[%dma_start3A_31] : memref<159744xf32, #tpu.memory_space<hbm>> -> memref<51200xf32, #tpu.memory_space<hbm>>
      tpu.enqueue_dma source(%dma_start3A_32 : memref<51200xf32, #tpu.memory_space<hbm>>) target(%arg7 : memref<51200xf32, #tpu.memory_space<vmem>>) target_semaphore(%run_scoped3A : memref<!tpu.dma_semaphore, #tpu.memory_space<semaphore_mem>>)
      %dma_wait3A = arith.constant 0 : i32
      %dma_wait3A_33 = tpu.memref_slice %arg5[%dma_wait3A] : memref<159744xf32, #tpu.memory_space<hbm>> -> memref<51200xf32, #tpu.memory_space<hbm>>
      %dma_wait3A_34 = arith.constant 0 : i32
      %dma_wait3A_35 = tpu.memref_slice %arg5[%dma_wait3A_34] : memref<159744xf32, #tpu.memory_space<hbm>> -> memref<51200xf32, #tpu.memory_space<hbm>>
      tpu.wait_dma2 semaphore(%run_scoped3A : memref<!tpu.dma_semaphore, #tpu.memory_space<semaphore_mem>>) src(%dma_wait3A_35 : memref<51200xf32, #tpu.memory_space<hbm>>) dst(%arg7 : memref<51200xf32, #tpu.memory_space<vmem>>)
      tpu.yield
    }) : () -> ()
    %scan3A = arith.constant 0 : i32
    %scan3A_3 = arith.constant 0 : i32
    %scan3A_4 = arith.constant 56 : i32
    %scan3A_5 = arith.addi %scan3A_3, %scan3A_4 : i32
    %scan3A_6 = arith.constant 1 : i32
    scf.for %scan3A_30 = %scan3A_3 to %scan3A_5 step %scan3A_6  : i32 {
      %mul3A_31 = arith.constant 16 : i32
      %mul3A_32 = arith.muli %scan3A_30, %mul3A_31 : i32
      %get3A = arith.index_cast %mul3A_32 : i32 to index
      %get3A_33 = tpu.vector_load %arg8[%get3A] {strides = array<i32>} : memref<896xi32, #tpu.memory_space<vmem>>, vector<16xi32>,
      %gather3A = tpu.vector_load_idx %arg7[%get3A_33] : memref<51200xf32, #tpu.memory_space<vmem>>[vector<16xi32>], vector<16xf32>,
      %mul3A_34 = arith.constant 16 : i32
      %mul3A_35 = arith.muli %scan3A_30, %mul3A_34 : i32
      %swap3A = arith.index_cast %mul3A_35 : i32 to index
      %swap3A_36 = tpu.vector_load %arg9[%swap3A] {strides = array<i32>} : memref<896xf32, #tpu.memory_space<vmem>>, vector<16xf32>,
      tpu.vector_store %arg9[%swap3A], %gather3A {strides = array<i32>} : memref<896xf32, #tpu.memory_space<vmem>>, vector<16xf32>,
    }
    %scan3A_7 = arith.constant 56 : i32
    "tpu.region"() ({
      %run_scoped3A = tpu.sem_alloc : memref<!tpu.dma_semaphore, #tpu.memory_space<semaphore_mem>>
      %dma_start3A = arith.constant 53248 : i32
      %dma_start3A_30 = tpu.memref_slice %arg5[%dma_start3A] : memref<159744xf32, #tpu.memory_space<hbm>> -> memref<51200xf32, #tpu.memory_space<hbm>>
      %dma_start3A_31 = arith.constant 53248 : i32
      %dma_start3A_32 = tpu.memref_slice %arg5[%dma_start3A_31] : memref<159744xf32, #tpu.memory_space<hbm>> -> memref<51200xf32, #tpu.memory_space<hbm>>
      tpu.enqueue_dma source(%dma_start3A_32 : memref<51200xf32, #tpu.memory_space<hbm>>) target(%arg7 : memref<51200xf32, #tpu.memory_space<vmem>>) target_semaphore(%run_scoped3A : memref<!tpu.dma_semaphore, #tpu.memory_space<semaphore_mem>>)
      %dma_wait3A = arith.constant 53248 : i32
      %dma_wait3A_33 = tpu.memref_slice %arg5[%dma_wait3A] : memref<159744xf32, #tpu.memory_space<hbm>> -> memref<51200xf32, #tpu.memory_space<hbm>>
      %dma_wait3A_34 = arith.constant 53248 : i32
      %dma_wait3A_35 = tpu.memref_slice %arg5[%dma_wait3A_34] : memref<159744xf32, #tpu.memory_space<hbm>> -> memref<51200xf32, #tpu.memory_space<hbm>>
      tpu.wait_dma2 semaphore(%run_scoped3A : memref<!tpu.dma_semaphore, #tpu.memory_space<semaphore_mem>>) src(%dma_wait3A_35 : memref<51200xf32, #tpu.memory_space<hbm>>) dst(%arg7 : memref<51200xf32, #tpu.memory_space<vmem>>)
      tpu.yield
    }) : () -> ()
    %scan3A_8 = arith.constant 0 : i32
    %scan3A_9 = arith.constant 0 : i32
    %scan3A_10 = arith.constant 56 : i32
    %scan3A_11 = arith.addi %scan3A_9, %scan3A_10 : i32
    %scan3A_12 = arith.constant 1 : i32
    scf.for %scan3A_30 = %scan3A_9 to %scan3A_11 step %scan3A_12  : i32 {
      %mul3A_31 = arith.constant 16 : i32
      %mul3A_32 = arith.muli %scan3A_30, %mul3A_31 : i32
      %get3A = arith.index_cast %mul3A_32 : i32 to index
      %get3A_33 = tpu.vector_load %arg8[%get3A] {strides = array<i32>} : memref<896xi32, #tpu.memory_space<vmem>>, vector<16xi32>,
      %gather3A = tpu.vector_load_idx %arg7[%get3A_33] : memref<51200xf32, #tpu.memory_space<vmem>>[vector<16xi32>], vector<16xf32>,
      %mul3A_34 = arith.constant 16 : i32
      %mul3A_35 = arith.muli %scan3A_30, %mul3A_34 : i32
      %swap3A = arith.index_cast %mul3A_35 : i32 to index
      %swap3A_36 = tpu.vector_load %arg10[%swap3A] {strides = array<i32>} : memref<896xf32, #tpu.memory_space<vmem>>, vector<16xf32>,
      tpu.vector_store %arg10[%swap3A], %gather3A {strides = array<i32>} : memref<896xf32, #tpu.memory_space<vmem>>, vector<16xf32>,
    }
    %scan3A_13 = arith.constant 56 : i32
    "tpu.region"() ({
      %run_scoped3A = tpu.sem_alloc : memref<!tpu.dma_semaphore, #tpu.memory_space<semaphore_mem>>
      %dma_start3A = arith.constant 106496 : i32
      %dma_start3A_30 = tpu.memref_slice %arg5[%dma_start3A] : memref<159744xf32, #tpu.memory_space<hbm>> -> memref<51200xf32, #tpu.memory_space<hbm>>
      %dma_start3A_31 = arith.constant 106496 : i32
      %dma_start3A_32 = tpu.memref_slice %arg5[%dma_start3A_31] : memref<159744xf32, #tpu.memory_space<hbm>> -> memref<51200xf32, #tpu.memory_space<hbm>>
      tpu.enqueue_dma source(%dma_start3A_32 : memref<51200xf32, #tpu.memory_space<hbm>>) target(%arg7 : memref<51200xf32, #tpu.memory_space<vmem>>) target_semaphore(%run_scoped3A : memref<!tpu.dma_semaphore, #tpu.memory_space<semaphore_mem>>)
      %dma_wait3A = arith.constant 106496 : i32
      %dma_wait3A_33 = tpu.memref_slice %arg5[%dma_wait3A] : memref<159744xf32, #tpu.memory_space<hbm>> -> memref<51200xf32, #tpu.memory_space<hbm>>
      %dma_wait3A_34 = arith.constant 106496 : i32
      %dma_wait3A_35 = tpu.memref_slice %arg5[%dma_wait3A_34] : memref<159744xf32, #tpu.memory_space<hbm>> -> memref<51200xf32, #tpu.memory_space<hbm>>
      tpu.wait_dma2 semaphore(%run_scoped3A : memref<!tpu.dma_semaphore, #tpu.memory_space<semaphore_mem>>) src(%dma_wait3A_35 : memref<51200xf32, #tpu.memory_space<hbm>>) dst(%arg7 : memref<51200xf32, #tpu.memory_space<vmem>>)
      tpu.yield
    }) : () -> ()
    %scan3A_14 = arith.constant 0 : i32
    %scan3A_15 = arith.constant 0 : i32
    %scan3A_16 = arith.constant 56 : i32
    %scan3A_17 = arith.addi %scan3A_15, %scan3A_16 : i32
    %scan3A_18 = arith.constant 1 : i32
    scf.for %scan3A_30 = %scan3A_15 to %scan3A_17 step %scan3A_18  : i32 {
      %mul3A_31 = arith.constant 16 : i32
      %mul3A_32 = arith.muli %scan3A_30, %mul3A_31 : i32
      %get3A = arith.index_cast %mul3A_32 : i32 to index
      %get3A_33 = tpu.vector_load %arg8[%get3A] {strides = array<i32>} : memref<896xi32, #tpu.memory_space<vmem>>, vector<16xi32>,
      %gather3A = tpu.vector_load_idx %arg7[%get3A_33] : memref<51200xf32, #tpu.memory_space<vmem>>[vector<16xi32>], vector<16xf32>,
      %mul3A_34 = arith.constant 16 : i32
      %mul3A_35 = arith.muli %scan3A_30, %mul3A_34 : i32
      %swap3A = arith.index_cast %mul3A_35 : i32 to index
      %swap3A_36 = tpu.vector_load %arg11[%swap3A] {strides = array<i32>} : memref<896xf32, #tpu.memory_space<vmem>>, vector<16xf32>,
      tpu.vector_store %arg11[%swap3A], %gather3A {strides = array<i32>} : memref<896xf32, #tpu.memory_space<vmem>>, vector<16xf32>,
    }
    %scan3A_19 = arith.constant 56 : i32
    %mul3A_20 = arith.constant 9 : i32
    %mul3A_21 = arith.muli %mul3A_2, %mul3A_20 : i32
    "tpu.region"() ({
      %run_scoped3A = tpu.sem_alloc : memref<!tpu.dma_semaphore, #tpu.memory_space<semaphore_mem>>
      %dma_start3A = tpu.memref_slice %arg3[%mul3A_21] : memref<258048xf32, #tpu.memory_space<hbm>> -> memref<8064xf32, #tpu.memory_space<hbm>>
      %dma_start3A_30 = tpu.memref_slice %arg3[%mul3A_21] : memref<258048xf32, #tpu.memory_space<hbm>> -> memref<8064xf32, #tpu.memory_space<hbm>>
      tpu.enqueue_dma source(%dma_start3A_30 : memref<8064xf32, #tpu.memory_space<hbm>>) target(%arg12 : memref<8064xf32, #tpu.memory_space<vmem>>) target_semaphore(%run_scoped3A : memref<!tpu.dma_semaphore, #tpu.memory_space<semaphore_mem>>)
      %dma_wait3A = tpu.memref_slice %arg3[%mul3A_21] : memref<258048xf32, #tpu.memory_space<hbm>> -> memref<8064xf32, #tpu.memory_space<hbm>>
      %dma_wait3A_31 = tpu.memref_slice %arg3[%mul3A_21] : memref<258048xf32, #tpu.memory_space<hbm>> -> memref<8064xf32, #tpu.memory_space<hbm>>
      tpu.wait_dma2 semaphore(%run_scoped3A : memref<!tpu.dma_semaphore, #tpu.memory_space<semaphore_mem>>) src(%dma_wait3A_31 : memref<8064xf32, #tpu.memory_space<hbm>>) dst(%arg12 : memref<8064xf32, #tpu.memory_space<vmem>>)
      tpu.yield
    }) : () -> ()
    %mul3A_22 = arith.constant 3 : i32
    %mul3A_23 = arith.muli %mul3A_2, %mul3A_22 : i32
    "tpu.region"() ({
      %run_scoped3A = tpu.sem_alloc : memref<!tpu.dma_semaphore, #tpu.memory_space<semaphore_mem>>
      %dma_start3A = tpu.memref_slice %arg4[%mul3A_23] : memref<86016xf32, #tpu.memory_space<hbm>> -> memref<2688xf32, #tpu.memory_space<hbm>>
      %dma_start3A_30 = tpu.memref_slice %arg4[%mul3A_23] : memref<86016xf32, #tpu.memory_space<hbm>> -> memref<2688xf32, #tpu.memory_space<hbm>>
      tpu.enqueue_dma source(%dma_start3A_30 : memref<2688xf32, #tpu.memory_space<hbm>>) target(%arg13 : memref<2688xf32, #tpu.memory_space<vmem>>) target_semaphore(%run_scoped3A : memref<!tpu.dma_semaphore, #tpu.memory_space<semaphore_mem>>)
      %dma_wait3A = tpu.memref_slice %arg4[%mul3A_23] : memref<86016xf32, #tpu.memory_space<hbm>> -> memref<2688xf32, #tpu.memory_space<hbm>>
      %dma_wait3A_31 = tpu.memref_slice %arg4[%mul3A_23] : memref<86016xf32, #tpu.memory_space<hbm>> -> memref<2688xf32, #tpu.memory_space<hbm>>
      tpu.wait_dma2 semaphore(%run_scoped3A : memref<!tpu.dma_semaphore, #tpu.memory_space<semaphore_mem>>) src(%dma_wait3A_31 : memref<2688xf32, #tpu.memory_space<hbm>>) dst(%arg13 : memref<2688xf32, #tpu.memory_space<vmem>>)
      tpu.yield
    }) : () -> ()
    %scan3A_24 = arith.constant 0 : i32
    %scan3A_25 = arith.constant 0 : i32
    %scan3A_26 = arith.constant 7 : i32
    %scan3A_27 = arith.addi %scan3A_25, %scan3A_26 : i32
    %scan3A_28 = arith.constant 1 : i32
    scf.for %scan3A_30 = %scan3A_25 to %scan3A_27 step %scan3A_28  : i32 {
      %scan3A_31 = arith.constant 0 : i32
      %scan3A_32 = arith.constant 0 : i32
      %scan3A_33 = arith.constant 8 : i32
      %scan3A_34 = arith.addi %scan3A_32, %scan3A_33 : i32
      %scan3A_35 = arith.constant 1 : i32
      scf.for %scan3A_40 = %scan3A_32 to %scan3A_34 step %scan3A_35  : i32 {
        %mul3A_41 = arith.constant 16 : i32
        %mul3A_42 = arith.muli %scan3A_40, %mul3A_41 : i32
        %add3A_43 = vector.broadcast %mul3A_42 : i32 to vector<16xi32>
        %add3A_44 = arith.addi %add3A_43, %iota3A : vector<16xi32>
        %mul3A_45 = arith.constant 128 : i32
        %mul3A_46 = arith.muli %scan3A_30, %mul3A_45 : i32
        %mul3A_47 = arith.constant 16 : i32
        %mul3A_48 = arith.muli %scan3A_40, %mul3A_47 : i32
        %add3A_49 = arith.addi %mul3A_46, %mul3A_48 : i32
        %add3A_50 = vector.broadcast %add3A_49 : i32 to vector<16xi32>
        %add3A_51 = arith.addi %add3A_50, %iota3A : vector<16xi32>
        %broadcast_in_dim3A = arith.constant 0 : i32
        %broadcast_in_dim3A_52 = vector.broadcast %broadcast_in_dim3A : i32 to vector<16xi32>
        %get3A = arith.index_cast %add3A_49 : i32 to index
        %get3A_53 = tpu.vector_load %arg9[%get3A] {strides = array<i32>} : memref<896xf32, #tpu.memory_space<vmem>>, vector<16xf32>,
        tpu.vector_store_idx %arg14[%add3A_44, %broadcast_in_dim3A_52], %get3A_53 : memref<128x128xf32, #tpu.memory_space<vmem>>[vector<16xi32>, vector<16xi32>], vector<16xf32>,
        %broadcast_in_dim3A_54 = arith.constant 1 : i32
        %broadcast_in_dim3A_55 = vector.broadcast %broadcast_in_dim3A_54 : i32 to vector<16xi32>
        %get3A_56 = arith.index_cast %add3A_49 : i32 to index
        %get3A_57 = tpu.vector_load %arg10[%get3A_56] {strides = array<i32>} : memref<896xf32, #tpu.memory_space<vmem>>, vector<16xf32>,
        tpu.vector_store_idx %arg14[%add3A_44, %broadcast_in_dim3A_55], %get3A_57 : memref<128x128xf32, #tpu.memory_space<vmem>>[vector<16xi32>, vector<16xi32>], vector<16xf32>,
        %broadcast_in_dim3A_58 = arith.constant 2 : i32
        %broadcast_in_dim3A_59 = vector.broadcast %broadcast_in_dim3A_58 : i32 to vector<16xi32>
        %get3A_60 = arith.index_cast %add3A_49 : i32 to index
        %get3A_61 = tpu.vector_load %arg11[%get3A_60] {strides = array<i32>} : memref<896xf32, #tpu.memory_space<vmem>>, vector<16xf32>,
        tpu.vector_store_idx %arg14[%add3A_44, %broadcast_in_dim3A_59], %get3A_61 : memref<128x128xf32, #tpu.memory_space<vmem>>[vector<16xi32>, vector<16xi32>], vector<16xf32>,
        %mul3A_62 = arith.constant 3 : i32
        %mul3A_63 = vector.broadcast %mul3A_62 : i32 to vector<16xi32>
        %mul3A_64 = arith.muli %add3A_51, %mul3A_63 : vector<16xi32>
        %mul3A_65 = arith.constant 9 : i32
        %mul3A_66 = vector.broadcast %mul3A_65 : i32 to vector<16xi32>
        %mul3A_67 = arith.muli %add3A_51, %mul3A_66 : vector<16xi32>
        %broadcast_in_dim3A_68 = arith.constant 3 : i32
        %broadcast_in_dim3A_69 = vector.broadcast %broadcast_in_dim3A_68 : i32 to vector<16xi32>
        %add3A_70 = arith.constant 0 : i32
        %add3A_71 = vector.broadcast %add3A_70 : i32 to vector<16xi32>
        %add3A_72 = arith.addi %mul3A_64, %add3A_71 : vector<16xi32>
        %gather3A = tpu.vector_load_idx %arg13[%add3A_72] : memref<2688xf32, #tpu.memory_space<vmem>>[vector<16xi32>], vector<16xf32>,
        tpu.vector_store_idx %arg14[%add3A_44, %broadcast_in_dim3A_69], %gather3A : memref<128x128xf32, #tpu.memory_space<vmem>>[vector<16xi32>, vector<16xi32>], vector<16xf32>,
        %broadcast_in_dim3A_73 = arith.constant 4 : i32
        %broadcast_in_dim3A_74 = vector.broadcast %broadcast_in_dim3A_73 : i32 to vector<16xi32>
        %add3A_75 = arith.constant 1 : i32
        %add3A_76 = vector.broadcast %add3A_75 : i32 to vector<16xi32>
        %add3A_77 = arith.addi %mul3A_64, %add3A_76 : vector<16xi32>
        %gather3A_78 = tpu.vector_load_idx %arg13[%add3A_77] : memref<2688xf32, #tpu.memory_space<vmem>>[vector<16xi32>], vector<16xf32>,
        tpu.vector_store_idx %arg14[%add3A_44, %broadcast_in_dim3A_74], %gather3A_78 : memref<128x128xf32, #tpu.memory_space<vmem>>[vector<16xi32>, vector<16xi32>], vector<16xf32>,
        %broadcast_in_dim3A_79 = arith.constant 5 : i32
        %broadcast_in_dim3A_80 = vector.broadcast %broadcast_in_dim3A_79 : i32 to vector<16xi32>
        %add3A_81 = arith.constant 2 : i32
        %add3A_82 = vector.broadcast %add3A_81 : i32 to vector<16xi32>
        %add3A_83 = arith.addi %mul3A_64, %add3A_82 : vector<16xi32>
        %gather3A_84 = tpu.vector_load_idx %arg13[%add3A_83] : memref<2688xf32, #tpu.memory_space<vmem>>[vector<16xi32>], vector<16xf32>,
        tpu.vector_store_idx %arg14[%add3A_44, %broadcast_in_dim3A_80], %gather3A_84 : memref<128x128xf32, #tpu.memory_space<vmem>>[vector<16xi32>, vector<16xi32>], vector<16xf32>,
        %broadcast_in_dim3A_85 = arith.constant 6 : i32
        %broadcast_in_dim3A_86 = vector.broadcast %broadcast_in_dim3A_85 : i32 to vector<16xi32>
        %add3A_87 = arith.constant 0 : i32
        %add3A_88 = vector.broadcast %add3A_87 : i32 to vector<16xi32>
        %add3A_89 = arith.addi %mul3A_67, %add3A_88 : vector<16xi32>
        %gather3A_90 = tpu.vector_load_idx %arg12[%add3A_89] : memref<8064xf32, #tpu.memory_space<vmem>>[vector<16xi32>], vector<16xf32>,
        tpu.vector_store_idx %arg14[%add3A_44, %broadcast_in_dim3A_86], %gather3A_90 : memref<128x128xf32, #tpu.memory_space<vmem>>[vector<16xi32>, vector<16xi32>], vector<16xf32>,
        %broadcast_in_dim3A_91 = arith.constant 7 : i32
        %broadcast_in_dim3A_92 = vector.broadcast %broadcast_in_dim3A_91 : i32 to vector<16xi32>
        %add3A_93 = arith.constant 1 : i32
        %add3A_94 = vector.broadcast %add3A_93 : i32 to vector<16xi32>
        %add3A_95 = arith.addi %mul3A_67, %add3A_94 : vector<16xi32>
        %gather3A_96 = tpu.vector_load_idx %arg12[%add3A_95] : memref<8064xf32, #tpu.memory_space<vmem>>[vector<16xi32>], vector<16xf32>,
        tpu.vector_store_idx %arg14[%add3A_44, %broadcast_in_dim3A_92], %gather3A_96 : memref<128x128xf32, #tpu.memory_space<vmem>>[vector<16xi32>, vector<16xi32>], vector<16xf32>,
        %broadcast_in_dim3A_97 = arith.constant 8 : i32
        %broadcast_in_dim3A_98 = vector.broadcast %broadcast_in_dim3A_97 : i32 to vector<16xi32>
        %add3A_99 = arith.constant 2 : i32
        %add3A_100 = vector.broadcast %add3A_99 : i32 to vector<16xi32>
        %add3A_101 = arith.addi %mul3A_67, %add3A_100 : vector<16xi32>
        %gather3A_102 = tpu.vector_load_idx %arg12[%add3A_101] : memref<8064xf32, #tpu.memory_space<vmem>>[vector<16xi32>], vector<16xf32>,
        tpu.vector_store_idx %arg14[%add3A_44, %broadcast_in_dim3A_98], %gather3A_102 : memref<128x128xf32, #tpu.memory_space<vmem>>[vector<16xi32>, vector<16xi32>], vector<16xf32>,
        %broadcast_in_dim3A_103 = arith.constant 9 : i32
        %broadcast_in_dim3A_104 = vector.broadcast %broadcast_in_dim3A_103 : i32 to vector<16xi32>
        %add3A_105 = arith.constant 3 : i32
        %add3A_106 = vector.broadcast %add3A_105 : i32 to vector<16xi32>
        %add3A_107 = arith.addi %mul3A_67, %add3A_106 : vector<16xi32>
        %gather3A_108 = tpu.vector_load_idx %arg12[%add3A_107] : memref<8064xf32, #tpu.memory_space<vmem>>[vector<16xi32>], vector<16xf32>,
        tpu.vector_store_idx %arg14[%add3A_44, %broadcast_in_dim3A_104], %gather3A_108 : memref<128x128xf32, #tpu.memory_space<vmem>>[vector<16xi32>, vector<16xi32>], vector<16xf32>,
        %broadcast_in_dim3A_109 = arith.constant 10 : i32
        %broadcast_in_dim3A_110 = vector.broadcast %broadcast_in_dim3A_109 : i32 to vector<16xi32>
        %add3A_111 = arith.constant 4 : i32
        %add3A_112 = vector.broadcast %add3A_111 : i32 to vector<16xi32>
        %add3A_113 = arith.addi %mul3A_67, %add3A_112 : vector<16xi32>
        %gather3A_114 = tpu.vector_load_idx %arg12[%add3A_113] : memref<8064xf32, #tpu.memory_space<vmem>>[vector<16xi32>], vector<16xf32>,
        tpu.vector_store_idx %arg14[%add3A_44, %broadcast_in_dim3A_110], %gather3A_114 : memref<128x128xf32, #tpu.memory_space<vmem>>[vector<16xi32>, vector<16xi32>], vector<16xf32>,
        %broadcast_in_dim3A_115 = arith.constant 11 : i32
        %broadcast_in_dim3A_116 = vector.broadcast %broadcast_in_dim3A_115 : i32 to vector<16xi32>
        %add3A_117 = arith.constant 5 : i32
        %add3A_118 = vector.broadcast %add3A_117 : i32 to vector<16xi32>
        %add3A_119 = arith.addi %mul3A_67, %add3A_118 : vector<16xi32>
        %gather3A_120 = tpu.vector_load_idx %arg12[%add3A_119] : memref<8064xf32, #tpu.memory_space<vmem>>[vector<16xi32>], vector<16xf32>,
        tpu.vector_store_idx %arg14[%add3A_44, %broadcast_in_dim3A_116], %gather3A_120 : memref<128x128xf32, #tpu.memory_space<vmem>>[vector<16xi32>, vector<16xi32>], vector<16xf32>,
        %broadcast_in_dim3A_121 = arith.constant 12 : i32
        %broadcast_in_dim3A_122 = vector.broadcast %broadcast_in_dim3A_121 : i32 to vector<16xi32>
        %add3A_123 = arith.constant 6 : i32
        %add3A_124 = vector.broadcast %add3A_123 : i32 to vector<16xi32>
        %add3A_125 = arith.addi %mul3A_67, %add3A_124 : vector<16xi32>
        %gather3A_126 = tpu.vector_load_idx %arg12[%add3A_125] : memref<8064xf32, #tpu.memory_space<vmem>>[vector<16xi32>], vector<16xf32>,
        tpu.vector_store_idx %arg14[%add3A_44, %broadcast_in_dim3A_122], %gather3A_126 : memref<128x128xf32, #tpu.memory_space<vmem>>[vector<16xi32>, vector<16xi32>], vector<16xf32>,
        %broadcast_in_dim3A_127 = arith.constant 13 : i32
        %broadcast_in_dim3A_128 = vector.broadcast %broadcast_in_dim3A_127 : i32 to vector<16xi32>
        %add3A_129 = arith.constant 7 : i32
        %add3A_130 = vector.broadcast %add3A_129 : i32 to vector<16xi32>
        %add3A_131 = arith.addi %mul3A_67, %add3A_130 : vector<16xi32>
        %gather3A_132 = tpu.vector_load_idx %arg12[%add3A_131] : memref<8064xf32, #tpu.memory_space<vmem>>[vector<16xi32>], vector<16xf32>,
        tpu.vector_store_idx %arg14[%add3A_44, %broadcast_in_dim3A_128], %gather3A_132 : memref<128x128xf32, #tpu.memory_space<vmem>>[vector<16xi32>, vector<16xi32>], vector<16xf32>,
        %broadcast_in_dim3A_133 = arith.constant 14 : i32
        %broadcast_in_dim3A_134 = vector.broadcast %broadcast_in_dim3A_133 : i32 to vector<16xi32>
        %add3A_135 = arith.constant 8 : i32
        %add3A_136 = vector.broadcast %add3A_135 : i32 to vector<16xi32>
        %add3A_137 = arith.addi %mul3A_67, %add3A_136 : vector<16xi32>
        %gather3A_138 = tpu.vector_load_idx %arg12[%add3A_137] : memref<8064xf32, #tpu.memory_space<vmem>>[vector<16xi32>], vector<16xf32>,
        tpu.vector_store_idx %arg14[%add3A_44, %broadcast_in_dim3A_134], %gather3A_138 : memref<128x128xf32, #tpu.memory_space<vmem>>[vector<16xi32>, vector<16xi32>], vector<16xf32>,
      }
      %scan3A_36 = arith.constant 8 : i32
      %mul3A_37 = arith.constant 128 : i32
      %mul3A_38 = arith.muli %scan3A_30, %mul3A_37 : i32
      %add3A_39 = arith.addi %mul3A_2, %mul3A_38 : i32
      "tpu.region"() ({
        %run_scoped3A = tpu.sem_alloc : memref<!tpu.dma_semaphore, #tpu.memory_space<semaphore_mem>>
        %dma_start3A = arith.constant 0 : i32
        %dma_start3A_40 = tpu.memref_slice %arg6[%add3A_39, %dma_start3A] : memref<28672x128xf32, #tpu.memory_space<hbm>> -> memref<128x128xf32, #tpu.memory_space<hbm>>
        %dma_start3A_41 = arith.constant 0 : i32
        %dma_start3A_42 = tpu.memref_slice %arg6[%add3A_39, %dma_start3A_41] : memref<28672x128xf32, #tpu.memory_space<hbm>> -> memref<128x128xf32, #tpu.memory_space<hbm>>
        tpu.enqueue_dma source(%arg14 : memref<128x128xf32, #tpu.memory_space<vmem>>) target(%dma_start3A_42 : memref<128x128xf32, #tpu.memory_space<hbm>>) target_semaphore(%run_scoped3A : memref<!tpu.dma_semaphore, #tpu.memory_space<semaphore_mem>>)
        %dma_wait3A = arith.constant 0 : i32
        %dma_wait3A_43 = tpu.memref_slice %arg6[%add3A_39, %dma_wait3A] : memref<28672x128xf32, #tpu.memory_space<hbm>> -> memref<128x128xf32, #tpu.memory_space<hbm>>
        %dma_wait3A_44 = arith.constant 0 : i32
        %dma_wait3A_45 = tpu.memref_slice %arg6[%add3A_39, %dma_wait3A_44] : memref<28672x128xf32, #tpu.memory_space<hbm>> -> memref<128x128xf32, #tpu.memory_space<hbm>>
        tpu.wait_dma2 semaphore(%run_scoped3A : memref<!tpu.dma_semaphore, #tpu.memory_space<semaphore_mem>>) src(%arg14 : memref<128x128xf32, #tpu.memory_space<vmem>>) dst(%dma_wait3A_45 : memref<128x128xf32, #tpu.memory_space<hbm>>)
        tpu.yield
      }) : () -> ()
    }
    %scan3A_29 = arith.constant 7 : i32
    return
  }
}

#map = affine_map<(d0, d1) -> (0, 0)>
#map1 = affine_map<(d0, d1) -> (0)>
module attributes {stable_mosaic.version = 14 : i64} {
  func.func @_warp_losses(%arg0: i32, %arg1: i32, %arg2: memref<28672x128xf32, #tpu.memory_space<hbm>>, %arg3: memref<159744xf32, #tpu.memory_space<hbm>>, %arg4: memref<159744xi32, #tpu.memory_space<hbm>>, %arg5: memref<159744xf32, #tpu.memory_space<hbm>>, %arg6: memref<229376xi32, #tpu.memory_space<hbm>>, %arg7: memref<229376xi32, #tpu.memory_space<hbm>>, %arg8: memref<159744xf32, #tpu.memory_space<hbm>>, %arg9: memref<1024xf32, #tpu.memory_space<hbm>>, %arg10: memref<128xi32, #tpu.memory_space<vmem>>, %arg11: memref<128xi32, #tpu.memory_space<vmem>>, %arg12: memref<1664xf32, #tpu.memory_space<vmem>>, %arg13: memref<1664xf32, #tpu.memory_space<vmem>>, %arg14: memref<1664xf32, #tpu.memory_space<vmem>>, %arg15: memref<1664xf32, #tpu.memory_space<vmem>>, %arg16: memref<128x128xf32, #tpu.memory_space<vmem>>, %arg17: memref<128x128xf32, #tpu.memory_space<vmem>>, %arg18: memref<128x128xf32, #tpu.memory_space<vmem>>, %arg19: memref<4992xf32, #tpu.memory_space<vmem>>, %arg20: memref<1024xi32, #tpu.memory_space<vmem>>, %arg21: memref<32xf32, #tpu.memory_space<vmem>>, %arg22: memref<!tpu.dma_semaphore, #tpu.memory_space<semaphore_mem>>, %arg23: memref<!tpu.dma_semaphore, #tpu.memory_space<semaphore_mem>>) attributes {dimension_semantics = [#tpu.dimension_semantics<core_parallel>, #tpu.dimension_semantics<subcore_parallel>], iteration_bounds = array<i64: 2, 16>, scalar_prefetch = 0 : i64, scratch_operands = 14 : i64, tpu.core_type = #tpu.core_type<sc_vector_subcore>, window_params = [{transform_indices = #map}, {transform_indices = #map1}, {transform_indices = #map1}, {transform_indices = #map1}, {transform_indices = #map1}, {transform_indices = #map1}, {transform_indices = #map1}, {transform_indices = #map1}]} {
    %mul3A = arith.constant 2 : i32
    %mul3A_0 = arith.muli %arg1, %mul3A : i32
    %add3A = arith.addi %mul3A_0, %arg0 : i32
    %iota3A = tpu.iota {dimensions = array<i32: 0>} : vector<16xi32>
    %mul3A_1 = arith.constant 3 : i32
    %mul3A_2 = vector.broadcast %mul3A_1 : i32 to vector<16xi32>
    %mul3A_3 = arith.muli %iota3A, %mul3A_2 : vector<16xi32>
    %mul3A_4 = arith.constant 1664 : i32
    %mul3A_5 = arith.muli %add3A, %mul3A_4 : i32
    "tpu.region"() ({
      %run_scoped3A = tpu.sem_alloc : memref<!tpu.dma_semaphore, #tpu.memory_space<semaphore_mem>>
      %dma_start3A_99 = tpu.memref_slice %arg3[%mul3A_5] : memref<159744xf32, #tpu.memory_space<hbm>> -> memref<1664xf32, #tpu.memory_space<hbm>>
      %dma_start3A_100 = tpu.memref_slice %arg3[%mul3A_5] : memref<159744xf32, #tpu.memory_space<hbm>> -> memref<1664xf32, #tpu.memory_space<hbm>>
      tpu.enqueue_dma source(%dma_start3A_100 : memref<1664xf32, #tpu.memory_space<hbm>>) target(%arg12 : memref<1664xf32, #tpu.memory_space<vmem>>) target_semaphore(%run_scoped3A : memref<!tpu.dma_semaphore, #tpu.memory_space<semaphore_mem>>)
      %dma_wait3A_101 = tpu.memref_slice %arg3[%mul3A_5] : memref<159744xf32, #tpu.memory_space<hbm>> -> memref<1664xf32, #tpu.memory_space<hbm>>
      %dma_wait3A_102 = tpu.memref_slice %arg3[%mul3A_5] : memref<159744xf32, #tpu.memory_space<hbm>> -> memref<1664xf32, #tpu.memory_space<hbm>>
      tpu.wait_dma2 semaphore(%run_scoped3A : memref<!tpu.dma_semaphore, #tpu.memory_space<semaphore_mem>>) src(%dma_wait3A_102 : memref<1664xf32, #tpu.memory_space<hbm>>) dst(%arg12 : memref<1664xf32, #tpu.memory_space<vmem>>)
      tpu.yield
    }) : () -> ()
    %add3A_6 = arith.constant 53248 : i32
    %add3A_7 = arith.addi %add3A_6, %mul3A_5 : i32
    "tpu.region"() ({
      %run_scoped3A = tpu.sem_alloc : memref<!tpu.dma_semaphore, #tpu.memory_space<semaphore_mem>>
      %dma_start3A_99 = tpu.memref_slice %arg3[%add3A_7] : memref<159744xf32, #tpu.memory_space<hbm>> -> memref<1664xf32, #tpu.memory_space<hbm>>
      %dma_start3A_100 = tpu.memref_slice %arg3[%add3A_7] : memref<159744xf32, #tpu.memory_space<hbm>> -> memref<1664xf32, #tpu.memory_space<hbm>>
      tpu.enqueue_dma source(%dma_start3A_100 : memref<1664xf32, #tpu.memory_space<hbm>>) target(%arg13 : memref<1664xf32, #tpu.memory_space<vmem>>) target_semaphore(%run_scoped3A : memref<!tpu.dma_semaphore, #tpu.memory_space<semaphore_mem>>)
      %dma_wait3A_101 = tpu.memref_slice %arg3[%add3A_7] : memref<159744xf32, #tpu.memory_space<hbm>> -> memref<1664xf32, #tpu.memory_space<hbm>>
      %dma_wait3A_102 = tpu.memref_slice %arg3[%add3A_7] : memref<159744xf32, #tpu.memory_space<hbm>> -> memref<1664xf32, #tpu.memory_space<hbm>>
      tpu.wait_dma2 semaphore(%run_scoped3A : memref<!tpu.dma_semaphore, #tpu.memory_space<semaphore_mem>>) src(%dma_wait3A_102 : memref<1664xf32, #tpu.memory_space<hbm>>) dst(%arg13 : memref<1664xf32, #tpu.memory_space<vmem>>)
      tpu.yield
    }) : () -> ()
    %add3A_8 = arith.constant 106496 : i32
    %add3A_9 = arith.addi %add3A_8, %mul3A_5 : i32
    "tpu.region"() ({
      %run_scoped3A = tpu.sem_alloc : memref<!tpu.dma_semaphore, #tpu.memory_space<semaphore_mem>>
      %dma_start3A_99 = tpu.memref_slice %arg3[%add3A_9] : memref<159744xf32, #tpu.memory_space<hbm>> -> memref<1664xf32, #tpu.memory_space<hbm>>
      %dma_start3A_100 = tpu.memref_slice %arg3[%add3A_9] : memref<159744xf32, #tpu.memory_space<hbm>> -> memref<1664xf32, #tpu.memory_space<hbm>>
      tpu.enqueue_dma source(%dma_start3A_100 : memref<1664xf32, #tpu.memory_space<hbm>>) target(%arg14 : memref<1664xf32, #tpu.memory_space<vmem>>) target_semaphore(%run_scoped3A : memref<!tpu.dma_semaphore, #tpu.memory_space<semaphore_mem>>)
      %dma_wait3A_101 = tpu.memref_slice %arg3[%add3A_9] : memref<159744xf32, #tpu.memory_space<hbm>> -> memref<1664xf32, #tpu.memory_space<hbm>>
      %dma_wait3A_102 = tpu.memref_slice %arg3[%add3A_9] : memref<159744xf32, #tpu.memory_space<hbm>> -> memref<1664xf32, #tpu.memory_space<hbm>>
      tpu.wait_dma2 semaphore(%run_scoped3A : memref<!tpu.dma_semaphore, #tpu.memory_space<semaphore_mem>>) src(%dma_wait3A_102 : memref<1664xf32, #tpu.memory_space<hbm>>) dst(%arg14 : memref<1664xf32, #tpu.memory_space<vmem>>)
      tpu.yield
    }) : () -> ()
    %add3A_10 = arith.constant 0 : i32
    %add3A_11 = arith.addi %add3A_10, %mul3A_5 : i32
    "tpu.region"() ({
      %run_scoped3A = tpu.sem_alloc : memref<!tpu.dma_semaphore, #tpu.memory_space<semaphore_mem>>
      %dma_start3A_99 = tpu.memref_slice %arg5[%add3A_11] : memref<159744xf32, #tpu.memory_space<hbm>> -> memref<1664xf32, #tpu.memory_space<hbm>>
      %dma_start3A_100 = tpu.memref_slice %arg5[%add3A_11] : memref<159744xf32, #tpu.memory_space<hbm>> -> memref<1664xf32, #tpu.memory_space<hbm>>
      tpu.enqueue_dma source(%dma_start3A_100 : memref<1664xf32, #tpu.memory_space<hbm>>) target(%arg15 : memref<1664xf32, #tpu.memory_space<vmem>>) target_semaphore(%run_scoped3A : memref<!tpu.dma_semaphore, #tpu.memory_space<semaphore_mem>>)
      %dma_wait3A_101 = tpu.memref_slice %arg5[%add3A_11] : memref<159744xf32, #tpu.memory_space<hbm>> -> memref<1664xf32, #tpu.memory_space<hbm>>
      %dma_wait3A_102 = tpu.memref_slice %arg5[%add3A_11] : memref<159744xf32, #tpu.memory_space<hbm>> -> memref<1664xf32, #tpu.memory_space<hbm>>
      tpu.wait_dma2 semaphore(%run_scoped3A : memref<!tpu.dma_semaphore, #tpu.memory_space<semaphore_mem>>) src(%dma_wait3A_102 : memref<1664xf32, #tpu.memory_space<hbm>>) dst(%arg15 : memref<1664xf32, #tpu.memory_space<vmem>>)
      tpu.yield
    }) : () -> ()
    %scan3A = arith.constant 0 : i32
    %scan3A_12 = arith.constant 0 : i32
    %scan3A_13 = arith.constant 6 : i32
    %scan3A_14 = arith.addi %scan3A_12, %scan3A_13 : i32
    %scan3A_15 = arith.constant 1 : i32
    scf.for %scan3A_99 = %scan3A_12 to %scan3A_14 step %scan3A_15  : i32 {
      %mul3A_100 = arith.constant 2 : i32
      %mul3A_101 = arith.muli %scan3A_99, %mul3A_100 : i32
      %add3A_102 = arith.constant 0 : i32
      %add3A_103 = arith.addi %add3A_102, %mul3A_5 : i32
      %mul3A_104 = arith.constant 128 : i32
      %mul3A_105 = arith.muli %mul3A_101, %mul3A_104 : i32
      %add3A_106 = arith.addi %add3A_103, %mul3A_105 : i32
      "tpu.region"() ({
        %run_scoped3A = tpu.sem_alloc : memref<!tpu.dma_semaphore, #tpu.memory_space<semaphore_mem>>
        %dma_start3A_138 = tpu.memref_slice %arg4[%add3A_106] : memref<159744xi32, #tpu.memory_space<hbm>> -> memref<128xi32, #tpu.memory_space<hbm>>
        %dma_start3A_139 = tpu.memref_slice %arg4[%add3A_106] : memref<159744xi32, #tpu.memory_space<hbm>> -> memref<128xi32, #tpu.memory_space<hbm>>
        tpu.enqueue_dma source(%dma_start3A_139 : memref<128xi32, #tpu.memory_space<hbm>>) target(%arg10 : memref<128xi32, #tpu.memory_space<vmem>>) target_semaphore(%run_scoped3A : memref<!tpu.dma_semaphore, #tpu.memory_space<semaphore_mem>>)
        %dma_wait3A_140 = tpu.memref_slice %arg4[%add3A_106] : memref<159744xi32, #tpu.memory_space<hbm>> -> memref<128xi32, #tpu.memory_space<hbm>>
        %dma_wait3A_141 = tpu.memref_slice %arg4[%add3A_106] : memref<159744xi32, #tpu.memory_space<hbm>> -> memref<128xi32, #tpu.memory_space<hbm>>
        tpu.wait_dma2 semaphore(%run_scoped3A : memref<!tpu.dma_semaphore, #tpu.memory_space<semaphore_mem>>) src(%dma_wait3A_141 : memref<128xi32, #tpu.memory_space<hbm>>) dst(%arg10 : memref<128xi32, #tpu.memory_space<vmem>>)
        tpu.yield
      }) : () -> ()
      %dma_start3A_107 = arith.constant 0 : i32
      %dma_start3A_108 = arith.constant 0 : i32
      %dma_start3A_109 = tpu.memref_slice %arg2[%dma_start3A_107, %dma_start3A_108] : memref<28672x128xf32, #tpu.memory_space<hbm>> -> memref<28672x128xf32, #tpu.memory_space<hbm>>
      tpu.enqueue_indirect_dma source(%dma_start3A_109 : memref<28672x128xf32, #tpu.memory_space<hbm>>) target(%arg16 : memref<128x128xf32, #tpu.memory_space<vmem>>) offsets(%arg10 : memref<128xi32, #tpu.memory_space<vmem>>) semaphore(%arg22 : memref<!tpu.dma_semaphore, #tpu.memory_space<semaphore_mem>>)
      %add3A_110 = arith.constant 1 : i32
      %add3A_111 = arith.addi %mul3A_101, %add3A_110 : i32
      %mul3A_112 = arith.constant 128 : i32
      %mul3A_113 = arith.muli %add3A_111, %mul3A_112 : i32
      %add3A_114 = arith.addi %add3A_103, %mul3A_113 : i32
      "tpu.region"() ({
        %run_scoped3A = tpu.sem_alloc : memref<!tpu.dma_semaphore, #tpu.memory_space<semaphore_mem>>
        %dma_start3A_138 = tpu.memref_slice %arg4[%add3A_114] : memref<159744xi32, #tpu.memory_space<hbm>> -> memref<128xi32, #tpu.memory_space<hbm>>
        %dma_start3A_139 = tpu.memref_slice %arg4[%add3A_114] : memref<159744xi32, #tpu.memory_space<hbm>> -> memref<128xi32, #tpu.memory_space<hbm>>
        tpu.enqueue_dma source(%dma_start3A_139 : memref<128xi32, #tpu.memory_space<hbm>>) target(%arg11 : memref<128xi32, #tpu.memory_space<vmem>>) target_semaphore(%run_scoped3A : memref<!tpu.dma_semaphore, #tpu.memory_space<semaphore_mem>>)
        %dma_wait3A_140 = tpu.memref_slice %arg4[%add3A_114] : memref<159744xi32, #tpu.memory_space<hbm>> -> memref<128xi32, #tpu.memory_space<hbm>>
        %dma_wait3A_141 = tpu.memref_slice %arg4[%add3A_114] : memref<159744xi32, #tpu.memory_space<hbm>> -> memref<128xi32, #tpu.memory_space<hbm>>
        tpu.wait_dma2 semaphore(%run_scoped3A : memref<!tpu.dma_semaphore, #tpu.memory_space<semaphore_mem>>) src(%dma_wait3A_141 : memref<128xi32, #tpu.memory_space<hbm>>) dst(%arg11 : memref<128xi32, #tpu.memory_space<vmem>>)
        tpu.yield
      }) : () -> ()
      %dma_start3A_115 = arith.constant 0 : i32
      %dma_start3A_116 = arith.constant 0 : i32
      %dma_start3A_117 = tpu.memref_slice %arg2[%dma_start3A_115, %dma_start3A_116] : memref<28672x128xf32, #tpu.memory_space<hbm>> -> memref<28672x128xf32, #tpu.memory_space<hbm>>
      tpu.enqueue_indirect_dma source(%dma_start3A_117 : memref<28672x128xf32, #tpu.memory_space<hbm>>) target(%arg17 : memref<128x128xf32, #tpu.memory_space<vmem>>) offsets(%arg11 : memref<128xi32, #tpu.memory_space<vmem>>) semaphore(%arg23 : memref<!tpu.dma_semaphore, #tpu.memory_space<semaphore_mem>>)
      %dma_wait3A_118 = arith.constant 0 : i32
      %dma_wait3A_119 = arith.constant 0 : i32
      %dma_wait3A_120 = tpu.memref_slice %arg2[%dma_wait3A_118, %dma_wait3A_119] : memref<28672x128xf32, #tpu.memory_space<hbm>> -> memref<28672x128xf32, #tpu.memory_space<hbm>>
      tpu.wait_indirect_dma semaphore(%arg22 : memref<!tpu.dma_semaphore, #tpu.memory_space<semaphore_mem>>) src(%dma_wait3A_120 : memref<28672x128xf32, #tpu.memory_space<hbm>>) dst(%arg16 : memref<128x128xf32, #tpu.memory_space<vmem>>)
      %scan3A_121 = arith.constant 0 : i32
      %scan3A_122 = arith.constant 0 : i32
      %scan3A_123 = arith.constant 8 : i32
      %scan3A_124 = arith.addi %scan3A_122, %scan3A_123 : i32
      %scan3A_125 = arith.constant 1 : i32
      scf.for %scan3A_138 = %scan3A_122 to %scan3A_124 step %scan3A_125  : i32 {
        %mul3A_139 = arith.constant 128 : i32
        %mul3A_140 = arith.muli %mul3A_101, %mul3A_139 : i32
        %mul3A_141 = arith.constant 16 : i32
        %mul3A_142 = arith.muli %scan3A_138, %mul3A_141 : i32
        %add3A_143 = arith.addi %mul3A_140, %mul3A_142 : i32
        %mul3A_144 = arith.constant 16 : i32
        %mul3A_145 = arith.muli %scan3A_138, %mul3A_144 : i32
        %add3A_146 = vector.broadcast %mul3A_145 : i32 to vector<16xi32>
        %add3A_147 = arith.addi %add3A_146, %iota3A : vector<16xi32>
        %broadcast_in_dim3A_148 = arith.constant 0 : i32
        %broadcast_in_dim3A_149 = vector.broadcast %broadcast_in_dim3A_148 : i32 to vector<16xi32>
        %gather3A = tpu.vector_load_idx %arg16[%add3A_147, %broadcast_in_dim3A_149] : memref<128x128xf32, #tpu.memory_space<vmem>>[vector<16xi32>, vector<16xi32>], vector<16xf32>,
        %broadcast_in_dim3A_150 = arith.constant 1 : i32
        %broadcast_in_dim3A_151 = vector.broadcast %broadcast_in_dim3A_150 : i32 to vector<16xi32>
        %gather3A_152 = tpu.vector_load_idx %arg16[%add3A_147, %broadcast_in_dim3A_151] : memref<128x128xf32, #tpu.memory_space<vmem>>[vector<16xi32>, vector<16xi32>], vector<16xf32>,
        %broadcast_in_dim3A_153 = arith.constant 2 : i32
        %broadcast_in_dim3A_154 = vector.broadcast %broadcast_in_dim3A_153 : i32 to vector<16xi32>
        %gather3A_155 = tpu.vector_load_idx %arg16[%add3A_147, %broadcast_in_dim3A_154] : memref<128x128xf32, #tpu.memory_space<vmem>>[vector<16xi32>, vector<16xi32>], vector<16xf32>,
        %broadcast_in_dim3A_156 = arith.constant 3 : i32
        %broadcast_in_dim3A_157 = vector.broadcast %broadcast_in_dim3A_156 : i32 to vector<16xi32>
        %gather3A_158 = tpu.vector_load_idx %arg16[%add3A_147, %broadcast_in_dim3A_157] : memref<128x128xf32, #tpu.memory_space<vmem>>[vector<16xi32>, vector<16xi32>], vector<16xf32>,
        %broadcast_in_dim3A_159 = arith.constant 4 : i32
        %broadcast_in_dim3A_160 = vector.broadcast %broadcast_in_dim3A_159 : i32 to vector<16xi32>
        %gather3A_161 = tpu.vector_load_idx %arg16[%add3A_147, %broadcast_in_dim3A_160] : memref<128x128xf32, #tpu.memory_space<vmem>>[vector<16xi32>, vector<16xi32>], vector<16xf32>,
        %broadcast_in_dim3A_162 = arith.constant 5 : i32
        %broadcast_in_dim3A_163 = vector.broadcast %broadcast_in_dim3A_162 : i32 to vector<16xi32>
        %gather3A_164 = tpu.vector_load_idx %arg16[%add3A_147, %broadcast_in_dim3A_163] : memref<128x128xf32, #tpu.memory_space<vmem>>[vector<16xi32>, vector<16xi32>], vector<16xf32>,
        %broadcast_in_dim3A_165 = arith.constant 6 : i32
        %broadcast_in_dim3A_166 = vector.broadcast %broadcast_in_dim3A_165 : i32 to vector<16xi32>
        %gather3A_167 = tpu.vector_load_idx %arg16[%add3A_147, %broadcast_in_dim3A_166] : memref<128x128xf32, #tpu.memory_space<vmem>>[vector<16xi32>, vector<16xi32>], vector<16xf32>,
        %broadcast_in_dim3A_168 = arith.constant 7 : i32
        %broadcast_in_dim3A_169 = vector.broadcast %broadcast_in_dim3A_168 : i32 to vector<16xi32>
        %gather3A_170 = tpu.vector_load_idx %arg16[%add3A_147, %broadcast_in_dim3A_169] : memref<128x128xf32, #tpu.memory_space<vmem>>[vector<16xi32>, vector<16xi32>], vector<16xf32>,
        %broadcast_in_dim3A_171 = arith.constant 8 : i32
        %broadcast_in_dim3A_172 = vector.broadcast %broadcast_in_dim3A_171 : i32 to vector<16xi32>
        %gather3A_173 = tpu.vector_load_idx %arg16[%add3A_147, %broadcast_in_dim3A_172] : memref<128x128xf32, #tpu.memory_space<vmem>>[vector<16xi32>, vector<16xi32>], vector<16xf32>,
        %broadcast_in_dim3A_174 = arith.constant 9 : i32
        %broadcast_in_dim3A_175 = vector.broadcast %broadcast_in_dim3A_174 : i32 to vector<16xi32>
        %gather3A_176 = tpu.vector_load_idx %arg16[%add3A_147, %broadcast_in_dim3A_175] : memref<128x128xf32, #tpu.memory_space<vmem>>[vector<16xi32>, vector<16xi32>], vector<16xf32>,
        %broadcast_in_dim3A_177 = arith.constant 10 : i32
        %broadcast_in_dim3A_178 = vector.broadcast %broadcast_in_dim3A_177 : i32 to vector<16xi32>
        %gather3A_179 = tpu.vector_load_idx %arg16[%add3A_147, %broadcast_in_dim3A_178] : memref<128x128xf32, #tpu.memory_space<vmem>>[vector<16xi32>, vector<16xi32>], vector<16xf32>,
        %broadcast_in_dim3A_180 = arith.constant 11 : i32
        %broadcast_in_dim3A_181 = vector.broadcast %broadcast_in_dim3A_180 : i32 to vector<16xi32>
        %gather3A_182 = tpu.vector_load_idx %arg16[%add3A_147, %broadcast_in_dim3A_181] : memref<128x128xf32, #tpu.memory_space<vmem>>[vector<16xi32>, vector<16xi32>], vector<16xf32>,
        %broadcast_in_dim3A_183 = arith.constant 12 : i32
        %broadcast_in_dim3A_184 = vector.broadcast %broadcast_in_dim3A_183 : i32 to vector<16xi32>
        %gather3A_185 = tpu.vector_load_idx %arg16[%add3A_147, %broadcast_in_dim3A_184] : memref<128x128xf32, #tpu.memory_space<vmem>>[vector<16xi32>, vector<16xi32>], vector<16xf32>,
        %broadcast_in_dim3A_186 = arith.constant 13 : i32
        %broadcast_in_dim3A_187 = vector.broadcast %broadcast_in_dim3A_186 : i32 to vector<16xi32>
        %gather3A_188 = tpu.vector_load_idx %arg16[%add3A_147, %broadcast_in_dim3A_187] : memref<128x128xf32, #tpu.memory_space<vmem>>[vector<16xi32>, vector<16xi32>], vector<16xf32>,
        %broadcast_in_dim3A_189 = arith.constant 14 : i32
        %broadcast_in_dim3A_190 = vector.broadcast %broadcast_in_dim3A_189 : i32 to vector<16xi32>
        %gather3A_191 = tpu.vector_load_idx %arg16[%add3A_147, %broadcast_in_dim3A_190] : memref<128x128xf32, #tpu.memory_space<vmem>>[vector<16xi32>, vector<16xi32>], vector<16xf32>,
        %get3A = arith.index_cast %add3A_143 : i32 to index
        %get3A_192 = tpu.vector_load %arg12[%get3A] {strides = array<i32>} : memref<1664xf32, #tpu.memory_space<vmem>>, vector<16xf32>,
        %get3A_193 = arith.index_cast %add3A_143 : i32 to index
        %get3A_194 = tpu.vector_load %arg13[%get3A_193] {strides = array<i32>} : memref<1664xf32, #tpu.memory_space<vmem>>, vector<16xf32>,
        %get3A_195 = arith.index_cast %add3A_143 : i32 to index
        %get3A_196 = tpu.vector_load %arg14[%get3A_195] {strides = array<i32>} : memref<1664xf32, #tpu.memory_space<vmem>>, vector<16xf32>,
        %get3A_197 = arith.index_cast %add3A_143 : i32 to index
        %get3A_198 = tpu.vector_load %arg15[%get3A_197] {strides = array<i32>} : memref<1664xf32, #tpu.memory_space<vmem>>, vector<16xf32>,
        %sub3A = arith.subf %get3A_192, %gather3A : vector<16xf32>
        %sub3A_199 = arith.subf %get3A_194, %gather3A_152 : vector<16xf32>
        %sub3A_200 = arith.subf %get3A_196, %gather3A_155 : vector<16xf32>
        %mul3A_201 = arith.mulf %gather3A_167, %sub3A : vector<16xf32>
        %mul3A_202 = arith.mulf %gather3A_170, %sub3A_199 : vector<16xf32>
        %add3A_203 = arith.addf %mul3A_201, %mul3A_202 : vector<16xf32>
        %mul3A_204 = arith.mulf %gather3A_173, %sub3A_200 : vector<16xf32>
        %add3A_205 = arith.addf %add3A_203, %mul3A_204 : vector<16xf32>
        %mul3A_206 = arith.mulf %gather3A_176, %sub3A : vector<16xf32>
        %mul3A_207 = arith.mulf %gather3A_179, %sub3A_199 : vector<16xf32>
        %add3A_208 = arith.addf %mul3A_206, %mul3A_207 : vector<16xf32>
        %mul3A_209 = arith.mulf %gather3A_182, %sub3A_200 : vector<16xf32>
        %add3A_210 = arith.addf %add3A_208, %mul3A_209 : vector<16xf32>
        %mul3A_211 = arith.mulf %gather3A_185, %sub3A : vector<16xf32>
        %mul3A_212 = arith.mulf %gather3A_188, %sub3A_199 : vector<16xf32>
        %add3A_213 = arith.addf %mul3A_211, %mul3A_212 : vector<16xf32>
        %mul3A_214 = arith.mulf %gather3A_191, %sub3A_200 : vector<16xf32>
        %add3A_215 = arith.addf %add3A_213, %mul3A_214 : vector<16xf32>
        %add3A_216 = arith.addf %add3A_205, %gather3A : vector<16xf32>
        %add3A_217 = arith.addf %add3A_216, %gather3A_158 : vector<16xf32>
        %mul3A_218 = arith.mulf %get3A_198, %add3A_217 : vector<16xf32>
        %add3A_219 = arith.addf %add3A_210, %gather3A_152 : vector<16xf32>
        %add3A_220 = arith.addf %add3A_219, %gather3A_161 : vector<16xf32>
        %mul3A_221 = arith.mulf %get3A_198, %add3A_220 : vector<16xf32>
        %add3A_222 = arith.addf %add3A_215, %gather3A_155 : vector<16xf32>
        %add3A_223 = arith.addf %add3A_222, %gather3A_164 : vector<16xf32>
        %mul3A_224 = arith.mulf %get3A_198, %add3A_223 : vector<16xf32>
        %mul3A_225 = arith.constant 3 : i32
        %mul3A_226 = arith.muli %add3A_143, %mul3A_225 : i32
        %add3A_227 = vector.broadcast %mul3A_226 : i32 to vector<16xi32>
        %add3A_228 = arith.addi %mul3A_3, %add3A_227 : vector<16xi32>
        tpu.vector_store_idx %arg19[%add3A_228], %mul3A_218 : memref<4992xf32, #tpu.memory_space<vmem>>[vector<16xi32>], vector<16xf32>,
        %add3A_229 = arith.constant 1 : i32
        %add3A_230 = vector.broadcast %add3A_229 : i32 to vector<16xi32>
        %add3A_231 = arith.addi %add3A_228, %add3A_230 : vector<16xi32>
        tpu.vector_store_idx %arg19[%add3A_231], %mul3A_221 : memref<4992xf32, #tpu.memory_space<vmem>>[vector<16xi32>], vector<16xf32>,
        %add3A_232 = arith.constant 2 : i32
        %add3A_233 = vector.broadcast %add3A_232 : i32 to vector<16xi32>
        %add3A_234 = arith.addi %add3A_228, %add3A_233 : vector<16xi32>
        tpu.vector_store_idx %arg19[%add3A_234], %mul3A_224 : memref<4992xf32, #tpu.memory_space<vmem>>[vector<16xi32>], vector<16xf32>,
      }
      %scan3A_126 = arith.constant 8 : i32
      %dma_wait3A_127 = arith.constant 0 : i32
      %dma_wait3A_128 = arith.constant 0 : i32
      %dma_wait3A_129 = tpu.memref_slice %arg2[%dma_wait3A_127, %dma_wait3A_128] : memref<28672x128xf32, #tpu.memory_space<hbm>> -> memref<28672x128xf32, #tpu.memory_space<hbm>>
      tpu.wait_indirect_dma semaphore(%arg23 : memref<!tpu.dma_semaphore, #tpu.memory_space<semaphore_mem>>) src(%dma_wait3A_129 : memref<28672x128xf32, #tpu.memory_space<hbm>>) dst(%arg17 : memref<128x128xf32, #tpu.memory_space<vmem>>)
      %add3A_130 = arith.constant 1 : i32
      %add3A_131 = arith.addi %mul3A_101, %add3A_130 : i32
      %scan3A_132 = arith.constant 0 : i32
      %scan3A_133 = arith.constant 0 : i32
      %scan3A_134 = arith.constant 8 : i32
      %scan3A_135 = arith.addi %scan3A_133, %scan3A_134 : i32
      %scan3A_136 = arith.constant 1 : i32
      scf.for %scan3A_138 = %scan3A_133 to %scan3A_135 step %scan3A_136  : i32 {
        %mul3A_139 = arith.constant 128 : i32
        %mul3A_140 = arith.muli %add3A_131, %mul3A_139 : i32
        %mul3A_141 = arith.constant 16 : i32
        %mul3A_142 = arith.muli %scan3A_138, %mul3A_141 : i32
        %add3A_143 = arith.addi %mul3A_140, %mul3A_142 : i32
        %mul3A_144 = arith.constant 16 : i32
        %mul3A_145 = arith.muli %scan3A_138, %mul3A_144 : i32
        %add3A_146 = vector.broadcast %mul3A_145 : i32 to vector<16xi32>
        %add3A_147 = arith.addi %add3A_146, %iota3A : vector<16xi32>
        %broadcast_in_dim3A_148 = arith.constant 0 : i32
        %broadcast_in_dim3A_149 = vector.broadcast %broadcast_in_dim3A_148 : i32 to vector<16xi32>
        %gather3A = tpu.vector_load_idx %arg17[%add3A_147, %broadcast_in_dim3A_149] : memref<128x128xf32, #tpu.memory_space<vmem>>[vector<16xi32>, vector<16xi32>], vector<16xf32>,
        %broadcast_in_dim3A_150 = arith.constant 1 : i32
        %broadcast_in_dim3A_151 = vector.broadcast %broadcast_in_dim3A_150 : i32 to vector<16xi32>
        %gather3A_152 = tpu.vector_load_idx %arg17[%add3A_147, %broadcast_in_dim3A_151] : memref<128x128xf32, #tpu.memory_space<vmem>>[vector<16xi32>, vector<16xi32>], vector<16xf32>,
        %broadcast_in_dim3A_153 = arith.constant 2 : i32
        %broadcast_in_dim3A_154 = vector.broadcast %broadcast_in_dim3A_153 : i32 to vector<16xi32>
        %gather3A_155 = tpu.vector_load_idx %arg17[%add3A_147, %broadcast_in_dim3A_154] : memref<128x128xf32, #tpu.memory_space<vmem>>[vector<16xi32>, vector<16xi32>], vector<16xf32>,
        %broadcast_in_dim3A_156 = arith.constant 3 : i32
        %broadcast_in_dim3A_157 = vector.broadcast %broadcast_in_dim3A_156 : i32 to vector<16xi32>
        %gather3A_158 = tpu.vector_load_idx %arg17[%add3A_147, %broadcast_in_dim3A_157] : memref<128x128xf32, #tpu.memory_space<vmem>>[vector<16xi32>, vector<16xi32>], vector<16xf32>,
        %broadcast_in_dim3A_159 = arith.constant 4 : i32
        %broadcast_in_dim3A_160 = vector.broadcast %broadcast_in_dim3A_159 : i32 to vector<16xi32>
        %gather3A_161 = tpu.vector_load_idx %arg17[%add3A_147, %broadcast_in_dim3A_160] : memref<128x128xf32, #tpu.memory_space<vmem>>[vector<16xi32>, vector<16xi32>], vector<16xf32>,
        %broadcast_in_dim3A_162 = arith.constant 5 : i32
        %broadcast_in_dim3A_163 = vector.broadcast %broadcast_in_dim3A_162 : i32 to vector<16xi32>
        %gather3A_164 = tpu.vector_load_idx %arg17[%add3A_147, %broadcast_in_dim3A_163] : memref<128x128xf32, #tpu.memory_space<vmem>>[vector<16xi32>, vector<16xi32>], vector<16xf32>,
        %broadcast_in_dim3A_165 = arith.constant 6 : i32
        %broadcast_in_dim3A_166 = vector.broadcast %broadcast_in_dim3A_165 : i32 to vector<16xi32>
        %gather3A_167 = tpu.vector_load_idx %arg17[%add3A_147, %broadcast_in_dim3A_166] : memref<128x128xf32, #tpu.memory_space<vmem>>[vector<16xi32>, vector<16xi32>], vector<16xf32>,
        %broadcast_in_dim3A_168 = arith.constant 7 : i32
        %broadcast_in_dim3A_169 = vector.broadcast %broadcast_in_dim3A_168 : i32 to vector<16xi32>
        %gather3A_170 = tpu.vector_load_idx %arg17[%add3A_147, %broadcast_in_dim3A_169] : memref<128x128xf32, #tpu.memory_space<vmem>>[vector<16xi32>, vector<16xi32>], vector<16xf32>,
        %broadcast_in_dim3A_171 = arith.constant 8 : i32
        %broadcast_in_dim3A_172 = vector.broadcast %broadcast_in_dim3A_171 : i32 to vector<16xi32>
        %gather3A_173 = tpu.vector_load_idx %arg17[%add3A_147, %broadcast_in_dim3A_172] : memref<128x128xf32, #tpu.memory_space<vmem>>[vector<16xi32>, vector<16xi32>], vector<16xf32>,
        %broadcast_in_dim3A_174 = arith.constant 9 : i32
        %broadcast_in_dim3A_175 = vector.broadcast %broadcast_in_dim3A_174 : i32 to vector<16xi32>
        %gather3A_176 = tpu.vector_load_idx %arg17[%add3A_147, %broadcast_in_dim3A_175] : memref<128x128xf32, #tpu.memory_space<vmem>>[vector<16xi32>, vector<16xi32>], vector<16xf32>,
        %broadcast_in_dim3A_177 = arith.constant 10 : i32
        %broadcast_in_dim3A_178 = vector.broadcast %broadcast_in_dim3A_177 : i32 to vector<16xi32>
        %gather3A_179 = tpu.vector_load_idx %arg17[%add3A_147, %broadcast_in_dim3A_178] : memref<128x128xf32, #tpu.memory_space<vmem>>[vector<16xi32>, vector<16xi32>], vector<16xf32>,
        %broadcast_in_dim3A_180 = arith.constant 11 : i32
        %broadcast_in_dim3A_181 = vector.broadcast %broadcast_in_dim3A_180 : i32 to vector<16xi32>
        %gather3A_182 = tpu.vector_load_idx %arg17[%add3A_147, %broadcast_in_dim3A_181] : memref<128x128xf32, #tpu.memory_space<vmem>>[vector<16xi32>, vector<16xi32>], vector<16xf32>,
        %broadcast_in_dim3A_183 = arith.constant 12 : i32
        %broadcast_in_dim3A_184 = vector.broadcast %broadcast_in_dim3A_183 : i32 to vector<16xi32>
        %gather3A_185 = tpu.vector_load_idx %arg17[%add3A_147, %broadcast_in_dim3A_184] : memref<128x128xf32, #tpu.memory_space<vmem>>[vector<16xi32>, vector<16xi32>], vector<16xf32>,
        %broadcast_in_dim3A_186 = arith.constant 13 : i32
        %broadcast_in_dim3A_187 = vector.broadcast %broadcast_in_dim3A_186 : i32 to vector<16xi32>
        %gather3A_188 = tpu.vector_load_idx %arg17[%add3A_147, %broadcast_in_dim3A_187] : memref<128x128xf32, #tpu.memory_space<vmem>>[vector<16xi32>, vector<16xi32>], vector<16xf32>,
        %broadcast_in_dim3A_189 = arith.constant 14 : i32
        %broadcast_in_dim3A_190 = vector.broadcast %broadcast_in_dim3A_189 : i32 to vector<16xi32>
        %gather3A_191 = tpu.vector_load_idx %arg17[%add3A_147, %broadcast_in_dim3A_190] : memref<128x128xf32, #tpu.memory_space<vmem>>[vector<16xi32>, vector<16xi32>], vector<16xf32>,
        %get3A = arith.index_cast %add3A_143 : i32 to index
        %get3A_192 = tpu.vector_load %arg12[%get3A] {strides = array<i32>} : memref<1664xf32, #tpu.memory_space<vmem>>, vector<16xf32>,
        %get3A_193 = arith.index_cast %add3A_143 : i32 to index
        %get3A_194 = tpu.vector_load %arg13[%get3A_193] {strides = array<i32>} : memref<1664xf32, #tpu.memory_space<vmem>>, vector<16xf32>,
        %get3A_195 = arith.index_cast %add3A_143 : i32 to index
        %get3A_196 = tpu.vector_load %arg14[%get3A_195] {strides = array<i32>} : memref<1664xf32, #tpu.memory_space<vmem>>, vector<16xf32>,
        %get3A_197 = arith.index_cast %add3A_143 : i32 to index
        %get3A_198 = tpu.vector_load %arg15[%get3A_197] {strides = array<i32>} : memref<1664xf32, #tpu.memory_space<vmem>>, vector<16xf32>,
        %sub3A = arith.subf %get3A_192, %gather3A : vector<16xf32>
        %sub3A_199 = arith.subf %get3A_194, %gather3A_152 : vector<16xf32>
        %sub3A_200 = arith.subf %get3A_196, %gather3A_155 : vector<16xf32>
        %mul3A_201 = arith.mulf %gather3A_167, %sub3A : vector<16xf32>
        %mul3A_202 = arith.mulf %gather3A_170, %sub3A_199 : vector<16xf32>
        %add3A_203 = arith.addf %mul3A_201, %mul3A_202 : vector<16xf32>
        %mul3A_204 = arith.mulf %gather3A_173, %sub3A_200 : vector<16xf32>
        %add3A_205 = arith.addf %add3A_203, %mul3A_204 : vector<16xf32>
        %mul3A_206 = arith.mulf %gather3A_176, %sub3A : vector<16xf32>
        %mul3A_207 = arith.mulf %gather3A_179, %sub3A_199 : vector<16xf32>
        %add3A_208 = arith.addf %mul3A_206, %mul3A_207 : vector<16xf32>
        %mul3A_209 = arith.mulf %gather3A_182, %sub3A_200 : vector<16xf32>
        %add3A_210 = arith.addf %add3A_208, %mul3A_209 : vector<16xf32>
        %mul3A_211 = arith.mulf %gather3A_185, %sub3A : vector<16xf32>
        %mul3A_212 = arith.mulf %gather3A_188, %sub3A_199 : vector<16xf32>
        %add3A_213 = arith.addf %mul3A_211, %mul3A_212 : vector<16xf32>
        %mul3A_214 = arith.mulf %gather3A_191, %sub3A_200 : vector<16xf32>
        %add3A_215 = arith.addf %add3A_213, %mul3A_214 : vector<16xf32>
        %add3A_216 = arith.addf %add3A_205, %gather3A : vector<16xf32>
        %add3A_217 = arith.addf %add3A_216, %gather3A_158 : vector<16xf32>
        %mul3A_218 = arith.mulf %get3A_198, %add3A_217 : vector<16xf32>
        %add3A_219 = arith.addf %add3A_210, %gather3A_152 : vector<16xf32>
        %add3A_220 = arith.addf %add3A_219, %gather3A_161 : vector<16xf32>
        %mul3A_221 = arith.mulf %get3A_198, %add3A_220 : vector<16xf32>
        %add3A_222 = arith.addf %add3A_215, %gather3A_155 : vector<16xf32>
        %add3A_223 = arith.addf %add3A_222, %gather3A_164 : vector<16xf32>
        %mul3A_224 = arith.mulf %get3A_198, %add3A_223 : vector<16xf32>
        %mul3A_225 = arith.constant 3 : i32
        %mul3A_226 = arith.muli %add3A_143, %mul3A_225 : i32
        %add3A_227 = vector.broadcast %mul3A_226 : i32 to vector<16xi32>
        %add3A_228 = arith.addi %mul3A_3, %add3A_227 : vector<16xi32>
        tpu.vector_store_idx %arg19[%add3A_228], %mul3A_218 : memref<4992xf32, #tpu.memory_space<vmem>>[vector<16xi32>], vector<16xf32>,
        %add3A_229 = arith.constant 1 : i32
        %add3A_230 = vector.broadcast %add3A_229 : i32 to vector<16xi32>
        %add3A_231 = arith.addi %add3A_228, %add3A_230 : vector<16xi32>
        tpu.vector_store_idx %arg19[%add3A_231], %mul3A_221 : memref<4992xf32, #tpu.memory_space<vmem>>[vector<16xi32>], vector<16xf32>,
        %add3A_232 = arith.constant 2 : i32
        %add3A_233 = vector.broadcast %add3A_232 : i32 to vector<16xi32>
        %add3A_234 = arith.addi %add3A_228, %add3A_233 : vector<16xi32>
        tpu.vector_store_idx %arg19[%add3A_234], %mul3A_224 : memref<4992xf32, #tpu.memory_space<vmem>>[vector<16xi32>], vector<16xf32>,
      }
      %scan3A_137 = arith.constant 8 : i32
    }
    %scan3A_16 = arith.constant 6 : i32
    %add3A_17 = arith.constant 0 : i32
    %add3A_18 = arith.addi %add3A_17, %mul3A_5 : i32
    %add3A_19 = arith.constant 1536 : i32
    %add3A_20 = arith.addi %add3A_18, %add3A_19 : i32
    "tpu.region"() ({
      %run_scoped3A = tpu.sem_alloc : memref<!tpu.dma_semaphore, #tpu.memory_space<semaphore_mem>>
      %dma_start3A_99 = tpu.memref_slice %arg4[%add3A_20] : memref<159744xi32, #tpu.memory_space<hbm>> -> memref<128xi32, #tpu.memory_space<hbm>>
      %dma_start3A_100 = tpu.memref_slice %arg4[%add3A_20] : memref<159744xi32, #tpu.memory_space<hbm>> -> memref<128xi32, #tpu.memory_space<hbm>>
      tpu.enqueue_dma source(%dma_start3A_100 : memref<128xi32, #tpu.memory_space<hbm>>) target(%arg10 : memref<128xi32, #tpu.memory_space<vmem>>) target_semaphore(%run_scoped3A : memref<!tpu.dma_semaphore, #tpu.memory_space<semaphore_mem>>)
      %dma_wait3A_101 = tpu.memref_slice %arg4[%add3A_20] : memref<159744xi32, #tpu.memory_space<hbm>> -> memref<128xi32, #tpu.memory_space<hbm>>
      %dma_wait3A_102 = tpu.memref_slice %arg4[%add3A_20] : memref<159744xi32, #tpu.memory_space<hbm>> -> memref<128xi32, #tpu.memory_space<hbm>>
      tpu.wait_dma2 semaphore(%run_scoped3A : memref<!tpu.dma_semaphore, #tpu.memory_space<semaphore_mem>>) src(%dma_wait3A_102 : memref<128xi32, #tpu.memory_space<hbm>>) dst(%arg10 : memref<128xi32, #tpu.memory_space<vmem>>)
      tpu.yield
    }) : () -> ()
    %dma_start3A = arith.constant 0 : i32
    %dma_start3A_21 = arith.constant 0 : i32
    %dma_start3A_22 = tpu.memref_slice %arg2[%dma_start3A, %dma_start3A_21] : memref<28672x128xf32, #tpu.memory_space<hbm>> -> memref<28672x128xf32, #tpu.memory_space<hbm>>
    tpu.enqueue_indirect_dma source(%dma_start3A_22 : memref<28672x128xf32, #tpu.memory_space<hbm>>) target(%arg16 : memref<128x128xf32, #tpu.memory_space<vmem>>) offsets(%arg10 : memref<128xi32, #tpu.memory_space<vmem>>) semaphore(%arg22 : memref<!tpu.dma_semaphore, #tpu.memory_space<semaphore_mem>>)
    %dma_wait3A = arith.constant 0 : i32
    %dma_wait3A_23 = arith.constant 0 : i32
    %dma_wait3A_24 = tpu.memref_slice %arg2[%dma_wait3A, %dma_wait3A_23] : memref<28672x128xf32, #tpu.memory_space<hbm>> -> memref<28672x128xf32, #tpu.memory_space<hbm>>
    tpu.wait_indirect_dma semaphore(%arg22 : memref<!tpu.dma_semaphore, #tpu.memory_space<semaphore_mem>>) src(%dma_wait3A_24 : memref<28672x128xf32, #tpu.memory_space<hbm>>) dst(%arg16 : memref<128x128xf32, #tpu.memory_space<vmem>>)
    %scan3A_25 = arith.constant 0 : i32
    %scan3A_26 = arith.constant 0 : i32
    %scan3A_27 = arith.constant 8 : i32
    %scan3A_28 = arith.addi %scan3A_26, %scan3A_27 : i32
    %scan3A_29 = arith.constant 1 : i32
    scf.for %scan3A_99 = %scan3A_26 to %scan3A_28 step %scan3A_29  : i32 {
      %mul3A_100 = arith.constant 16 : i32
      %mul3A_101 = arith.muli %scan3A_99, %mul3A_100 : i32
      %add3A_102 = arith.constant 1536 : i32
      %add3A_103 = arith.addi %add3A_102, %mul3A_101 : i32
      %mul3A_104 = arith.constant 16 : i32
      %mul3A_105 = arith.muli %scan3A_99, %mul3A_104 : i32
      %add3A_106 = vector.broadcast %mul3A_105 : i32 to vector<16xi32>
      %add3A_107 = arith.addi %add3A_106, %iota3A : vector<16xi32>
      %broadcast_in_dim3A_108 = arith.constant 0 : i32
      %broadcast_in_dim3A_109 = vector.broadcast %broadcast_in_dim3A_108 : i32 to vector<16xi32>
      %gather3A = tpu.vector_load_idx %arg16[%add3A_107, %broadcast_in_dim3A_109] : memref<128x128xf32, #tpu.memory_space<vmem>>[vector<16xi32>, vector<16xi32>], vector<16xf32>,
      %broadcast_in_dim3A_110 = arith.constant 1 : i32
      %broadcast_in_dim3A_111 = vector.broadcast %broadcast_in_dim3A_110 : i32 to vector<16xi32>
      %gather3A_112 = tpu.vector_load_idx %arg16[%add3A_107, %broadcast_in_dim3A_111] : memref<128x128xf32, #tpu.memory_space<vmem>>[vector<16xi32>, vector<16xi32>], vector<16xf32>,
      %broadcast_in_dim3A_113 = arith.constant 2 : i32
      %broadcast_in_dim3A_114 = vector.broadcast %broadcast_in_dim3A_113 : i32 to vector<16xi32>
      %gather3A_115 = tpu.vector_load_idx %arg16[%add3A_107, %broadcast_in_dim3A_114] : memref<128x128xf32, #tpu.memory_space<vmem>>[vector<16xi32>, vector<16xi32>], vector<16xf32>,
      %broadcast_in_dim3A_116 = arith.constant 3 : i32
      %broadcast_in_dim3A_117 = vector.broadcast %broadcast_in_dim3A_116 : i32 to vector<16xi32>
      %gather3A_118 = tpu.vector_load_idx %arg16[%add3A_107, %broadcast_in_dim3A_117] : memref<128x128xf32, #tpu.memory_space<vmem>>[vector<16xi32>, vector<16xi32>], vector<16xf32>,
      %broadcast_in_dim3A_119 = arith.constant 4 : i32
      %broadcast_in_dim3A_120 = vector.broadcast %broadcast_in_dim3A_119 : i32 to vector<16xi32>
      %gather3A_121 = tpu.vector_load_idx %arg16[%add3A_107, %broadcast_in_dim3A_120] : memref<128x128xf32, #tpu.memory_space<vmem>>[vector<16xi32>, vector<16xi32>], vector<16xf32>,
      %broadcast_in_dim3A_122 = arith.constant 5 : i32
      %broadcast_in_dim3A_123 = vector.broadcast %broadcast_in_dim3A_122 : i32 to vector<16xi32>
      %gather3A_124 = tpu.vector_load_idx %arg16[%add3A_107, %broadcast_in_dim3A_123] : memref<128x128xf32, #tpu.memory_space<vmem>>[vector<16xi32>, vector<16xi32>], vector<16xf32>,
      %broadcast_in_dim3A_125 = arith.constant 6 : i32
      %broadcast_in_dim3A_126 = vector.broadcast %broadcast_in_dim3A_125 : i32 to vector<16xi32>
      %gather3A_127 = tpu.vector_load_idx %arg16[%add3A_107, %broadcast_in_dim3A_126] : memref<128x128xf32, #tpu.memory_space<vmem>>[vector<16xi32>, vector<16xi32>], vector<16xf32>,
      %broadcast_in_dim3A_128 = arith.constant 7 : i32
      %broadcast_in_dim3A_129 = vector.broadcast %broadcast_in_dim3A_128 : i32 to vector<16xi32>
      %gather3A_130 = tpu.vector_load_idx %arg16[%add3A_107, %broadcast_in_dim3A_129] : memref<128x128xf32, #tpu.memory_space<vmem>>[vector<16xi32>, vector<16xi32>], vector<16xf32>,
      %broadcast_in_dim3A_131 = arith.constant 8 : i32
      %broadcast_in_dim3A_132 = vector.broadcast %broadcast_in_dim3A_131 : i32 to vector<16xi32>
      %gather3A_133 = tpu.vector_load_idx %arg16[%add3A_107, %broadcast_in_dim3A_132] : memref<128x128xf32, #tpu.memory_space<vmem>>[vector<16xi32>, vector<16xi32>], vector<16xf32>,
      %broadcast_in_dim3A_134 = arith.constant 9 : i32
      %broadcast_in_dim3A_135 = vector.broadcast %broadcast_in_dim3A_134 : i32 to vector<16xi32>
      %gather3A_136 = tpu.vector_load_idx %arg16[%add3A_107, %broadcast_in_dim3A_135] : memref<128x128xf32, #tpu.memory_space<vmem>>[vector<16xi32>, vector<16xi32>], vector<16xf32>,
      %broadcast_in_dim3A_137 = arith.constant 10 : i32
      %broadcast_in_dim3A_138 = vector.broadcast %broadcast_in_dim3A_137 : i32 to vector<16xi32>
      %gather3A_139 = tpu.vector_load_idx %arg16[%add3A_107, %broadcast_in_dim3A_138] : memref<128x128xf32, #tpu.memory_space<vmem>>[vector<16xi32>, vector<16xi32>], vector<16xf32>,
      %broadcast_in_dim3A_140 = arith.constant 11 : i32
      %broadcast_in_dim3A_141 = vector.broadcast %broadcast_in_dim3A_140 : i32 to vector<16xi32>
      %gather3A_142 = tpu.vector_load_idx %arg16[%add3A_107, %broadcast_in_dim3A_141] : memref<128x128xf32, #tpu.memory_space<vmem>>[vector<16xi32>, vector<16xi32>], vector<16xf32>,
      %broadcast_in_dim3A_143 = arith.constant 12 : i32
      %broadcast_in_dim3A_144 = vector.broadcast %broadcast_in_dim3A_143 : i32 to vector<16xi32>
      %gather3A_145 = tpu.vector_load_idx %arg16[%add3A_107, %broadcast_in_dim3A_144] : memref<128x128xf32, #tpu.memory_space<vmem>>[vector<16xi32>, vector<16xi32>], vector<16xf32>,
      %broadcast_in_dim3A_146 = arith.constant 13 : i32
      %broadcast_in_dim3A_147 = vector.broadcast %broadcast_in_dim3A_146 : i32 to vector<16xi32>
      %gather3A_148 = tpu.vector_load_idx %arg16[%add3A_107, %broadcast_in_dim3A_147] : memref<128x128xf32, #tpu.memory_space<vmem>>[vector<16xi32>, vector<16xi32>], vector<16xf32>,
      %broadcast_in_dim3A_149 = arith.constant 14 : i32
      %broadcast_in_dim3A_150 = vector.broadcast %broadcast_in_dim3A_149 : i32 to vector<16xi32>
      %gather3A_151 = tpu.vector_load_idx %arg16[%add3A_107, %broadcast_in_dim3A_150] : memref<128x128xf32, #tpu.memory_space<vmem>>[vector<16xi32>, vector<16xi32>], vector<16xf32>,
      %get3A = arith.index_cast %add3A_103 : i32 to index
      %get3A_152 = tpu.vector_load %arg12[%get3A] {strides = array<i32>} : memref<1664xf32, #tpu.memory_space<vmem>>, vector<16xf32>,
      %get3A_153 = arith.index_cast %add3A_103 : i32 to index
      %get3A_154 = tpu.vector_load %arg13[%get3A_153] {strides = array<i32>} : memref<1664xf32, #tpu.memory_space<vmem>>, vector<16xf32>,
      %get3A_155 = arith.index_cast %add3A_103 : i32 to index
      %get3A_156 = tpu.vector_load %arg14[%get3A_155] {strides = array<i32>} : memref<1664xf32, #tpu.memory_space<vmem>>, vector<16xf32>,
      %get3A_157 = arith.index_cast %add3A_103 : i32 to index
      %get3A_158 = tpu.vector_load %arg15[%get3A_157] {strides = array<i32>} : memref<1664xf32, #tpu.memory_space<vmem>>, vector<16xf32>,
      %sub3A = arith.subf %get3A_152, %gather3A : vector<16xf32>
      %sub3A_159 = arith.subf %get3A_154, %gather3A_112 : vector<16xf32>
      %sub3A_160 = arith.subf %get3A_156, %gather3A_115 : vector<16xf32>
      %mul3A_161 = arith.mulf %gather3A_127, %sub3A : vector<16xf32>
      %mul3A_162 = arith.mulf %gather3A_130, %sub3A_159 : vector<16xf32>
      %add3A_163 = arith.addf %mul3A_161, %mul3A_162 : vector<16xf32>
      %mul3A_164 = arith.mulf %gather3A_133, %sub3A_160 : vector<16xf32>
      %add3A_165 = arith.addf %add3A_163, %mul3A_164 : vector<16xf32>
      %mul3A_166 = arith.mulf %gather3A_136, %sub3A : vector<16xf32>
      %mul3A_167 = arith.mulf %gather3A_139, %sub3A_159 : vector<16xf32>
      %add3A_168 = arith.addf %mul3A_166, %mul3A_167 : vector<16xf32>
      %mul3A_169 = arith.mulf %gather3A_142, %sub3A_160 : vector<16xf32>
      %add3A_170 = arith.addf %add3A_168, %mul3A_169 : vector<16xf32>
      %mul3A_171 = arith.mulf %gather3A_145, %sub3A : vector<16xf32>
      %mul3A_172 = arith.mulf %gather3A_148, %sub3A_159 : vector<16xf32>
      %add3A_173 = arith.addf %mul3A_171, %mul3A_172 : vector<16xf32>
      %mul3A_174 = arith.mulf %gather3A_151, %sub3A_160 : vector<16xf32>
      %add3A_175 = arith.addf %add3A_173, %mul3A_174 : vector<16xf32>
      %add3A_176 = arith.addf %add3A_165, %gather3A : vector<16xf32>
      %add3A_177 = arith.addf %add3A_176, %gather3A_118 : vector<16xf32>
      %mul3A_178 = arith.mulf %get3A_158, %add3A_177 : vector<16xf32>
      %add3A_179 = arith.addf %add3A_170, %gather3A_112 : vector<16xf32>
      %add3A_180 = arith.addf %add3A_179, %gather3A_121 : vector<16xf32>
      %mul3A_181 = arith.mulf %get3A_158, %add3A_180 : vector<16xf32>
      %add3A_182 = arith.addf %add3A_175, %gather3A_115 : vector<16xf32>
      %add3A_183 = arith.addf %add3A_182, %gather3A_124 : vector<16xf32>
      %mul3A_184 = arith.mulf %get3A_158, %add3A_183 : vector<16xf32>
      %mul3A_185 = arith.constant 3 : i32
      %mul3A_186 = arith.muli %add3A_103, %mul3A_185 : i32
      %add3A_187 = vector.broadcast %mul3A_186 : i32 to vector<16xi32>
      %add3A_188 = arith.addi %mul3A_3, %add3A_187 : vector<16xi32>
      tpu.vector_store_idx %arg19[%add3A_188], %mul3A_178 : memref<4992xf32, #tpu.memory_space<vmem>>[vector<16xi32>], vector<16xf32>,
      %add3A_189 = arith.constant 1 : i32
      %add3A_190 = vector.broadcast %add3A_189 : i32 to vector<16xi32>
      %add3A_191 = arith.addi %add3A_188, %add3A_190 : vector<16xi32>
      tpu.vector_store_idx %arg19[%add3A_191], %mul3A_181 : memref<4992xf32, #tpu.memory_space<vmem>>[vector<16xi32>], vector<16xf32>,
      %add3A_192 = arith.constant 2 : i32
      %add3A_193 = vector.broadcast %add3A_192 : i32 to vector<16xi32>
      %add3A_194 = arith.addi %add3A_188, %add3A_193 : vector<16xi32>
      tpu.vector_store_idx %arg19[%add3A_194], %mul3A_184 : memref<4992xf32, #tpu.memory_space<vmem>>[vector<16xi32>], vector<16xf32>,
    }
    %scan3A_30 = arith.constant 8 : i32
    %add3A_31 = arith.constant 53248 : i32
    %add3A_32 = arith.addi %add3A_31, %mul3A_5 : i32
    "tpu.region"() ({
      %run_scoped3A = tpu.sem_alloc : memref<!tpu.dma_semaphore, #tpu.memory_space<semaphore_mem>>
      %dma_start3A_99 = tpu.memref_slice %arg5[%add3A_32] : memref<159744xf32, #tpu.memory_space<hbm>> -> memref<1664xf32, #tpu.memory_space<hbm>>
      %dma_start3A_100 = tpu.memref_slice %arg5[%add3A_32] : memref<159744xf32, #tpu.memory_space<hbm>> -> memref<1664xf32, #tpu.memory_space<hbm>>
      tpu.enqueue_dma source(%dma_start3A_100 : memref<1664xf32, #tpu.memory_space<hbm>>) target(%arg15 : memref<1664xf32, #tpu.memory_space<vmem>>) target_semaphore(%run_scoped3A : memref<!tpu.dma_semaphore, #tpu.memory_space<semaphore_mem>>)
      %dma_wait3A_101 = tpu.memref_slice %arg5[%add3A_32] : memref<159744xf32, #tpu.memory_space<hbm>> -> memref<1664xf32, #tpu.memory_space<hbm>>
      %dma_wait3A_102 = tpu.memref_slice %arg5[%add3A_32] : memref<159744xf32, #tpu.memory_space<hbm>> -> memref<1664xf32, #tpu.memory_space<hbm>>
      tpu.wait_dma2 semaphore(%run_scoped3A : memref<!tpu.dma_semaphore, #tpu.memory_space<semaphore_mem>>) src(%dma_wait3A_102 : memref<1664xf32, #tpu.memory_space<hbm>>) dst(%arg15 : memref<1664xf32, #tpu.memory_space<vmem>>)
      tpu.yield
    }) : () -> ()
    %scan3A_33 = arith.constant 0 : i32
    %scan3A_34 = arith.constant 0 : i32
    %scan3A_35 = arith.constant 6 : i32
    %scan3A_36 = arith.addi %scan3A_34, %scan3A_35 : i32
    %scan3A_37 = arith.constant 1 : i32
    scf.for %scan3A_99 = %scan3A_34 to %scan3A_36 step %scan3A_37  : i32 {
      %mul3A_100 = arith.constant 2 : i32
      %mul3A_101 = arith.muli %scan3A_99, %mul3A_100 : i32
      %add3A_102 = arith.constant 53248 : i32
      %add3A_103 = arith.addi %add3A_102, %mul3A_5 : i32
      %mul3A_104 = arith.constant 128 : i32
      %mul3A_105 = arith.muli %mul3A_101, %mul3A_104 : i32
      %add3A_106 = arith.addi %add3A_103, %mul3A_105 : i32
      "tpu.region"() ({
        %run_scoped3A = tpu.sem_alloc : memref<!tpu.dma_semaphore, #tpu.memory_space<semaphore_mem>>
        %dma_start3A_138 = tpu.memref_slice %arg4[%add3A_106] : memref<159744xi32, #tpu.memory_space<hbm>> -> memref<128xi32, #tpu.memory_space<hbm>>
        %dma_start3A_139 = tpu.memref_slice %arg4[%add3A_106] : memref<159744xi32, #tpu.memory_space<hbm>> -> memref<128xi32, #tpu.memory_space<hbm>>
        tpu.enqueue_dma source(%dma_start3A_139 : memref<128xi32, #tpu.memory_space<hbm>>) target(%arg10 : memref<128xi32, #tpu.memory_space<vmem>>) target_semaphore(%run_scoped3A : memref<!tpu.dma_semaphore, #tpu.memory_space<semaphore_mem>>)
        %dma_wait3A_140 = tpu.memref_slice %arg4[%add3A_106] : memref<159744xi32, #tpu.memory_space<hbm>> -> memref<128xi32, #tpu.memory_space<hbm>>
        %dma_wait3A_141 = tpu.memref_slice %arg4[%add3A_106] : memref<159744xi32, #tpu.memory_space<hbm>> -> memref<128xi32, #tpu.memory_space<hbm>>
        tpu.wait_dma2 semaphore(%run_scoped3A : memref<!tpu.dma_semaphore, #tpu.memory_space<semaphore_mem>>) src(%dma_wait3A_141 : memref<128xi32, #tpu.memory_space<hbm>>) dst(%arg10 : memref<128xi32, #tpu.memory_space<vmem>>)
        tpu.yield
      }) : () -> ()
      %dma_start3A_107 = arith.constant 0 : i32
      %dma_start3A_108 = arith.constant 0 : i32
      %dma_start3A_109 = tpu.memref_slice %arg2[%dma_start3A_107, %dma_start3A_108] : memref<28672x128xf32, #tpu.memory_space<hbm>> -> memref<28672x128xf32, #tpu.memory_space<hbm>>
      tpu.enqueue_indirect_dma source(%dma_start3A_109 : memref<28672x128xf32, #tpu.memory_space<hbm>>) target(%arg16 : memref<128x128xf32, #tpu.memory_space<vmem>>) offsets(%arg10 : memref<128xi32, #tpu.memory_space<vmem>>) semaphore(%arg22 : memref<!tpu.dma_semaphore, #tpu.memory_space<semaphore_mem>>)
      %add3A_110 = arith.constant 1 : i32
      %add3A_111 = arith.addi %mul3A_101, %add3A_110 : i32
      %mul3A_112 = arith.constant 128 : i32
      %mul3A_113 = arith.muli %add3A_111, %mul3A_112 : i32
      %add3A_114 = arith.addi %add3A_103, %mul3A_113 : i32
      "tpu.region"() ({
        %run_scoped3A = tpu.sem_alloc : memref<!tpu.dma_semaphore, #tpu.memory_space<semaphore_mem>>
        %dma_start3A_138 = tpu.memref_slice %arg4[%add3A_114] : memref<159744xi32, #tpu.memory_space<hbm>> -> memref<128xi32, #tpu.memory_space<hbm>>
        %dma_start3A_139 = tpu.memref_slice %arg4[%add3A_114] : memref<159744xi32, #tpu.memory_space<hbm>> -> memref<128xi32, #tpu.memory_space<hbm>>
        tpu.enqueue_dma source(%dma_start3A_139 : memref<128xi32, #tpu.memory_space<hbm>>) target(%arg11 : memref<128xi32, #tpu.memory_space<vmem>>) target_semaphore(%run_scoped3A : memref<!tpu.dma_semaphore, #tpu.memory_space<semaphore_mem>>)
        %dma_wait3A_140 = tpu.memref_slice %arg4[%add3A_114] : memref<159744xi32, #tpu.memory_space<hbm>> -> memref<128xi32, #tpu.memory_space<hbm>>
        %dma_wait3A_141 = tpu.memref_slice %arg4[%add3A_114] : memref<159744xi32, #tpu.memory_space<hbm>> -> memref<128xi32, #tpu.memory_space<hbm>>
        tpu.wait_dma2 semaphore(%run_scoped3A : memref<!tpu.dma_semaphore, #tpu.memory_space<semaphore_mem>>) src(%dma_wait3A_141 : memref<128xi32, #tpu.memory_space<hbm>>) dst(%arg11 : memref<128xi32, #tpu.memory_space<vmem>>)
        tpu.yield
      }) : () -> ()
      %dma_start3A_115 = arith.constant 0 : i32
      %dma_start3A_116 = arith.constant 0 : i32
      %dma_start3A_117 = tpu.memref_slice %arg2[%dma_start3A_115, %dma_start3A_116] : memref<28672x128xf32, #tpu.memory_space<hbm>> -> memref<28672x128xf32, #tpu.memory_space<hbm>>
      tpu.enqueue_indirect_dma source(%dma_start3A_117 : memref<28672x128xf32, #tpu.memory_space<hbm>>) target(%arg17 : memref<128x128xf32, #tpu.memory_space<vmem>>) offsets(%arg11 : memref<128xi32, #tpu.memory_space<vmem>>) semaphore(%arg23 : memref<!tpu.dma_semaphore, #tpu.memory_space<semaphore_mem>>)
      %dma_wait3A_118 = arith.constant 0 : i32
      %dma_wait3A_119 = arith.constant 0 : i32
      %dma_wait3A_120 = tpu.memref_slice %arg2[%dma_wait3A_118, %dma_wait3A_119] : memref<28672x128xf32, #tpu.memory_space<hbm>> -> memref<28672x128xf32, #tpu.memory_space<hbm>>
      tpu.wait_indirect_dma semaphore(%arg22 : memref<!tpu.dma_semaphore, #tpu.memory_space<semaphore_mem>>) src(%dma_wait3A_120 : memref<28672x128xf32, #tpu.memory_space<hbm>>) dst(%arg16 : memref<128x128xf32, #tpu.memory_space<vmem>>)
      %scan3A_121 = arith.constant 0 : i32
      %scan3A_122 = arith.constant 0 : i32
      %scan3A_123 = arith.constant 8 : i32
      %scan3A_124 = arith.addi %scan3A_122, %scan3A_123 : i32
      %scan3A_125 = arith.constant 1 : i32
      scf.for %scan3A_138 = %scan3A_122 to %scan3A_124 step %scan3A_125  : i32 {
        %mul3A_139 = arith.constant 128 : i32
        %mul3A_140 = arith.muli %mul3A_101, %mul3A_139 : i32
        %mul3A_141 = arith.constant 16 : i32
        %mul3A_142 = arith.muli %scan3A_138, %mul3A_141 : i32
        %add3A_143 = arith.addi %mul3A_140, %mul3A_142 : i32
        %mul3A_144 = arith.constant 16 : i32
        %mul3A_145 = arith.muli %scan3A_138, %mul3A_144 : i32
        %add3A_146 = vector.broadcast %mul3A_145 : i32 to vector<16xi32>
        %add3A_147 = arith.addi %add3A_146, %iota3A : vector<16xi32>
        %broadcast_in_dim3A_148 = arith.constant 0 : i32
        %broadcast_in_dim3A_149 = vector.broadcast %broadcast_in_dim3A_148 : i32 to vector<16xi32>
        %gather3A = tpu.vector_load_idx %arg16[%add3A_147, %broadcast_in_dim3A_149] : memref<128x128xf32, #tpu.memory_space<vmem>>[vector<16xi32>, vector<16xi32>], vector<16xf32>,
        %broadcast_in_dim3A_150 = arith.constant 1 : i32
        %broadcast_in_dim3A_151 = vector.broadcast %broadcast_in_dim3A_150 : i32 to vector<16xi32>
        %gather3A_152 = tpu.vector_load_idx %arg16[%add3A_147, %broadcast_in_dim3A_151] : memref<128x128xf32, #tpu.memory_space<vmem>>[vector<16xi32>, vector<16xi32>], vector<16xf32>,
        %broadcast_in_dim3A_153 = arith.constant 2 : i32
        %broadcast_in_dim3A_154 = vector.broadcast %broadcast_in_dim3A_153 : i32 to vector<16xi32>
        %gather3A_155 = tpu.vector_load_idx %arg16[%add3A_147, %broadcast_in_dim3A_154] : memref<128x128xf32, #tpu.memory_space<vmem>>[vector<16xi32>, vector<16xi32>], vector<16xf32>,
        %broadcast_in_dim3A_156 = arith.constant 3 : i32
        %broadcast_in_dim3A_157 = vector.broadcast %broadcast_in_dim3A_156 : i32 to vector<16xi32>
        %gather3A_158 = tpu.vector_load_idx %arg16[%add3A_147, %broadcast_in_dim3A_157] : memref<128x128xf32, #tpu.memory_space<vmem>>[vector<16xi32>, vector<16xi32>], vector<16xf32>,
        %broadcast_in_dim3A_159 = arith.constant 4 : i32
        %broadcast_in_dim3A_160 = vector.broadcast %broadcast_in_dim3A_159 : i32 to vector<16xi32>
        %gather3A_161 = tpu.vector_load_idx %arg16[%add3A_147, %broadcast_in_dim3A_160] : memref<128x128xf32, #tpu.memory_space<vmem>>[vector<16xi32>, vector<16xi32>], vector<16xf32>,
        %broadcast_in_dim3A_162 = arith.constant 5 : i32
        %broadcast_in_dim3A_163 = vector.broadcast %broadcast_in_dim3A_162 : i32 to vector<16xi32>
        %gather3A_164 = tpu.vector_load_idx %arg16[%add3A_147, %broadcast_in_dim3A_163] : memref<128x128xf32, #tpu.memory_space<vmem>>[vector<16xi32>, vector<16xi32>], vector<16xf32>,
        %broadcast_in_dim3A_165 = arith.constant 6 : i32
        %broadcast_in_dim3A_166 = vector.broadcast %broadcast_in_dim3A_165 : i32 to vector<16xi32>
        %gather3A_167 = tpu.vector_load_idx %arg16[%add3A_147, %broadcast_in_dim3A_166] : memref<128x128xf32, #tpu.memory_space<vmem>>[vector<16xi32>, vector<16xi32>], vector<16xf32>,
        %broadcast_in_dim3A_168 = arith.constant 7 : i32
        %broadcast_in_dim3A_169 = vector.broadcast %broadcast_in_dim3A_168 : i32 to vector<16xi32>
        %gather3A_170 = tpu.vector_load_idx %arg16[%add3A_147, %broadcast_in_dim3A_169] : memref<128x128xf32, #tpu.memory_space<vmem>>[vector<16xi32>, vector<16xi32>], vector<16xf32>,
        %broadcast_in_dim3A_171 = arith.constant 8 : i32
        %broadcast_in_dim3A_172 = vector.broadcast %broadcast_in_dim3A_171 : i32 to vector<16xi32>
        %gather3A_173 = tpu.vector_load_idx %arg16[%add3A_147, %broadcast_in_dim3A_172] : memref<128x128xf32, #tpu.memory_space<vmem>>[vector<16xi32>, vector<16xi32>], vector<16xf32>,
        %broadcast_in_dim3A_174 = arith.constant 9 : i32
        %broadcast_in_dim3A_175 = vector.broadcast %broadcast_in_dim3A_174 : i32 to vector<16xi32>
        %gather3A_176 = tpu.vector_load_idx %arg16[%add3A_147, %broadcast_in_dim3A_175] : memref<128x128xf32, #tpu.memory_space<vmem>>[vector<16xi32>, vector<16xi32>], vector<16xf32>,
        %broadcast_in_dim3A_177 = arith.constant 10 : i32
        %broadcast_in_dim3A_178 = vector.broadcast %broadcast_in_dim3A_177 : i32 to vector<16xi32>
        %gather3A_179 = tpu.vector_load_idx %arg16[%add3A_147, %broadcast_in_dim3A_178] : memref<128x128xf32, #tpu.memory_space<vmem>>[vector<16xi32>, vector<16xi32>], vector<16xf32>,
        %broadcast_in_dim3A_180 = arith.constant 11 : i32
        %broadcast_in_dim3A_181 = vector.broadcast %broadcast_in_dim3A_180 : i32 to vector<16xi32>
        %gather3A_182 = tpu.vector_load_idx %arg16[%add3A_147, %broadcast_in_dim3A_181] : memref<128x128xf32, #tpu.memory_space<vmem>>[vector<16xi32>, vector<16xi32>], vector<16xf32>,
        %broadcast_in_dim3A_183 = arith.constant 12 : i32
        %broadcast_in_dim3A_184 = vector.broadcast %broadcast_in_dim3A_183 : i32 to vector<16xi32>
        %gather3A_185 = tpu.vector_load_idx %arg16[%add3A_147, %broadcast_in_dim3A_184] : memref<128x128xf32, #tpu.memory_space<vmem>>[vector<16xi32>, vector<16xi32>], vector<16xf32>,
        %broadcast_in_dim3A_186 = arith.constant 13 : i32
        %broadcast_in_dim3A_187 = vector.broadcast %broadcast_in_dim3A_186 : i32 to vector<16xi32>
        %gather3A_188 = tpu.vector_load_idx %arg16[%add3A_147, %broadcast_in_dim3A_187] : memref<128x128xf32, #tpu.memory_space<vmem>>[vector<16xi32>, vector<16xi32>], vector<16xf32>,
        %broadcast_in_dim3A_189 = arith.constant 14 : i32
        %broadcast_in_dim3A_190 = vector.broadcast %broadcast_in_dim3A_189 : i32 to vector<16xi32>
        %gather3A_191 = tpu.vector_load_idx %arg16[%add3A_147, %broadcast_in_dim3A_190] : memref<128x128xf32, #tpu.memory_space<vmem>>[vector<16xi32>, vector<16xi32>], vector<16xf32>,
        %get3A = arith.index_cast %add3A_143 : i32 to index
        %get3A_192 = tpu.vector_load %arg12[%get3A] {strides = array<i32>} : memref<1664xf32, #tpu.memory_space<vmem>>, vector<16xf32>,
        %get3A_193 = arith.index_cast %add3A_143 : i32 to index
        %get3A_194 = tpu.vector_load %arg13[%get3A_193] {strides = array<i32>} : memref<1664xf32, #tpu.memory_space<vmem>>, vector<16xf32>,
        %get3A_195 = arith.index_cast %add3A_143 : i32 to index
        %get3A_196 = tpu.vector_load %arg14[%get3A_195] {strides = array<i32>} : memref<1664xf32, #tpu.memory_space<vmem>>, vector<16xf32>,
        %get3A_197 = arith.index_cast %add3A_143 : i32 to index
        %get3A_198 = tpu.vector_load %arg15[%get3A_197] {strides = array<i32>} : memref<1664xf32, #tpu.memory_space<vmem>>, vector<16xf32>,
        %sub3A = arith.subf %get3A_192, %gather3A : vector<16xf32>
        %sub3A_199 = arith.subf %get3A_194, %gather3A_152 : vector<16xf32>
        %sub3A_200 = arith.subf %get3A_196, %gather3A_155 : vector<16xf32>
        %mul3A_201 = arith.mulf %gather3A_167, %sub3A : vector<16xf32>
        %mul3A_202 = arith.mulf %gather3A_170, %sub3A_199 : vector<16xf32>
        %add3A_203 = arith.addf %mul3A_201, %mul3A_202 : vector<16xf32>
        %mul3A_204 = arith.mulf %gather3A_173, %sub3A_200 : vector<16xf32>
        %add3A_205 = arith.addf %add3A_203, %mul3A_204 : vector<16xf32>
        %mul3A_206 = arith.mulf %gather3A_176, %sub3A : vector<16xf32>
        %mul3A_207 = arith.mulf %gather3A_179, %sub3A_199 : vector<16xf32>
        %add3A_208 = arith.addf %mul3A_206, %mul3A_207 : vector<16xf32>
        %mul3A_209 = arith.mulf %gather3A_182, %sub3A_200 : vector<16xf32>
        %add3A_210 = arith.addf %add3A_208, %mul3A_209 : vector<16xf32>
        %mul3A_211 = arith.mulf %gather3A_185, %sub3A : vector<16xf32>
        %mul3A_212 = arith.mulf %gather3A_188, %sub3A_199 : vector<16xf32>
        %add3A_213 = arith.addf %mul3A_211, %mul3A_212 : vector<16xf32>
        %mul3A_214 = arith.mulf %gather3A_191, %sub3A_200 : vector<16xf32>
        %add3A_215 = arith.addf %add3A_213, %mul3A_214 : vector<16xf32>
        %add3A_216 = arith.addf %add3A_205, %gather3A : vector<16xf32>
        %add3A_217 = arith.addf %add3A_216, %gather3A_158 : vector<16xf32>
        %mul3A_218 = arith.mulf %get3A_198, %add3A_217 : vector<16xf32>
        %add3A_219 = arith.addf %add3A_210, %gather3A_152 : vector<16xf32>
        %add3A_220 = arith.addf %add3A_219, %gather3A_161 : vector<16xf32>
        %mul3A_221 = arith.mulf %get3A_198, %add3A_220 : vector<16xf32>
        %add3A_222 = arith.addf %add3A_215, %gather3A_155 : vector<16xf32>
        %add3A_223 = arith.addf %add3A_222, %gather3A_164 : vector<16xf32>
        %mul3A_224 = arith.mulf %get3A_198, %add3A_223 : vector<16xf32>
        %mul3A_225 = arith.constant 3 : i32
        %mul3A_226 = arith.muli %add3A_143, %mul3A_225 : i32
        %add3A_227 = vector.broadcast %mul3A_226 : i32 to vector<16xi32>
        %add3A_228 = arith.addi %mul3A_3, %add3A_227 : vector<16xi32>
        tpu.vector_store_idx %arg19[%add3A_228], %mul3A_218 {add = true} : memref<4992xf32, #tpu.memory_space<vmem>>[vector<16xi32>], vector<16xf32>,
        %add3A_229 = arith.constant 1 : i32
        %add3A_230 = vector.broadcast %add3A_229 : i32 to vector<16xi32>
        %add3A_231 = arith.addi %add3A_228, %add3A_230 : vector<16xi32>
        tpu.vector_store_idx %arg19[%add3A_231], %mul3A_221 {add = true} : memref<4992xf32, #tpu.memory_space<vmem>>[vector<16xi32>], vector<16xf32>,
        %add3A_232 = arith.constant 2 : i32
        %add3A_233 = vector.broadcast %add3A_232 : i32 to vector<16xi32>
        %add3A_234 = arith.addi %add3A_228, %add3A_233 : vector<16xi32>
        tpu.vector_store_idx %arg19[%add3A_234], %mul3A_224 {add = true} : memref<4992xf32, #tpu.memory_space<vmem>>[vector<16xi32>], vector<16xf32>,
      }
      %scan3A_126 = arith.constant 8 : i32
      %dma_wait3A_127 = arith.constant 0 : i32
      %dma_wait3A_128 = arith.constant 0 : i32
      %dma_wait3A_129 = tpu.memref_slice %arg2[%dma_wait3A_127, %dma_wait3A_128] : memref<28672x128xf32, #tpu.memory_space<hbm>> -> memref<28672x128xf32, #tpu.memory_space<hbm>>
      tpu.wait_indirect_dma semaphore(%arg23 : memref<!tpu.dma_semaphore, #tpu.memory_space<semaphore_mem>>) src(%dma_wait3A_129 : memref<28672x128xf32, #tpu.memory_space<hbm>>) dst(%arg17 : memref<128x128xf32, #tpu.memory_space<vmem>>)
      %add3A_130 = arith.constant 1 : i32
      %add3A_131 = arith.addi %mul3A_101, %add3A_130 : i32
      %scan3A_132 = arith.constant 0 : i32
      %scan3A_133 = arith.constant 0 : i32
      %scan3A_134 = arith.constant 8 : i32
      %scan3A_135 = arith.addi %scan3A_133, %scan3A_134 : i32
      %scan3A_136 = arith.constant 1 : i32
      scf.for %scan3A_138 = %scan3A_133 to %scan3A_135 step %scan3A_136  : i32 {
        %mul3A_139 = arith.constant 128 : i32
        %mul3A_140 = arith.muli %add3A_131, %mul3A_139 : i32
        %mul3A_141 = arith.constant 16 : i32
        %mul3A_142 = arith.muli %scan3A_138, %mul3A_141 : i32
        %add3A_143 = arith.addi %mul3A_140, %mul3A_142 : i32
        %mul3A_144 = arith.constant 16 : i32
        %mul3A_145 = arith.muli %scan3A_138, %mul3A_144 : i32
        %add3A_146 = vector.broadcast %mul3A_145 : i32 to vector<16xi32>
        %add3A_147 = arith.addi %add3A_146, %iota3A : vector<16xi32>
        %broadcast_in_dim3A_148 = arith.constant 0 : i32
        %broadcast_in_dim3A_149 = vector.broadcast %broadcast_in_dim3A_148 : i32 to vector<16xi32>
        %gather3A = tpu.vector_load_idx %arg17[%add3A_147, %broadcast_in_dim3A_149] : memref<128x128xf32, #tpu.memory_space<vmem>>[vector<16xi32>, vector<16xi32>], vector<16xf32>,
        %broadcast_in_dim3A_150 = arith.constant 1 : i32
        %broadcast_in_dim3A_151 = vector.broadcast %broadcast_in_dim3A_150 : i32 to vector<16xi32>
        %gather3A_152 = tpu.vector_load_idx %arg17[%add3A_147, %broadcast_in_dim3A_151] : memref<128x128xf32, #tpu.memory_space<vmem>>[vector<16xi32>, vector<16xi32>], vector<16xf32>,
        %broadcast_in_dim3A_153 = arith.constant 2 : i32
        %broadcast_in_dim3A_154 = vector.broadcast %broadcast_in_dim3A_153 : i32 to vector<16xi32>
        %gather3A_155 = tpu.vector_load_idx %arg17[%add3A_147, %broadcast_in_dim3A_154] : memref<128x128xf32, #tpu.memory_space<vmem>>[vector<16xi32>, vector<16xi32>], vector<16xf32>,
        %broadcast_in_dim3A_156 = arith.constant 3 : i32
        %broadcast_in_dim3A_157 = vector.broadcast %broadcast_in_dim3A_156 : i32 to vector<16xi32>
        %gather3A_158 = tpu.vector_load_idx %arg17[%add3A_147, %broadcast_in_dim3A_157] : memref<128x128xf32, #tpu.memory_space<vmem>>[vector<16xi32>, vector<16xi32>], vector<16xf32>,
        %broadcast_in_dim3A_159 = arith.constant 4 : i32
        %broadcast_in_dim3A_160 = vector.broadcast %broadcast_in_dim3A_159 : i32 to vector<16xi32>
        %gather3A_161 = tpu.vector_load_idx %arg17[%add3A_147, %broadcast_in_dim3A_160] : memref<128x128xf32, #tpu.memory_space<vmem>>[vector<16xi32>, vector<16xi32>], vector<16xf32>,
        %broadcast_in_dim3A_162 = arith.constant 5 : i32
        %broadcast_in_dim3A_163 = vector.broadcast %broadcast_in_dim3A_162 : i32 to vector<16xi32>
        %gather3A_164 = tpu.vector_load_idx %arg17[%add3A_147, %broadcast_in_dim3A_163] : memref<128x128xf32, #tpu.memory_space<vmem>>[vector<16xi32>, vector<16xi32>], vector<16xf32>,
        %broadcast_in_dim3A_165 = arith.constant 6 : i32
        %broadcast_in_dim3A_166 = vector.broadcast %broadcast_in_dim3A_165 : i32 to vector<16xi32>
        %gather3A_167 = tpu.vector_load_idx %arg17[%add3A_147, %broadcast_in_dim3A_166] : memref<128x128xf32, #tpu.memory_space<vmem>>[vector<16xi32>, vector<16xi32>], vector<16xf32>,
        %broadcast_in_dim3A_168 = arith.constant 7 : i32
        %broadcast_in_dim3A_169 = vector.broadcast %broadcast_in_dim3A_168 : i32 to vector<16xi32>
        %gather3A_170 = tpu.vector_load_idx %arg17[%add3A_147, %broadcast_in_dim3A_169] : memref<128x128xf32, #tpu.memory_space<vmem>>[vector<16xi32>, vector<16xi32>], vector<16xf32>,
        %broadcast_in_dim3A_171 = arith.constant 8 : i32
        %broadcast_in_dim3A_172 = vector.broadcast %broadcast_in_dim3A_171 : i32 to vector<16xi32>
        %gather3A_173 = tpu.vector_load_idx %arg17[%add3A_147, %broadcast_in_dim3A_172] : memref<128x128xf32, #tpu.memory_space<vmem>>[vector<16xi32>, vector<16xi32>], vector<16xf32>,
        %broadcast_in_dim3A_174 = arith.constant 9 : i32
        %broadcast_in_dim3A_175 = vector.broadcast %broadcast_in_dim3A_174 : i32 to vector<16xi32>
        %gather3A_176 = tpu.vector_load_idx %arg17[%add3A_147, %broadcast_in_dim3A_175] : memref<128x128xf32, #tpu.memory_space<vmem>>[vector<16xi32>, vector<16xi32>], vector<16xf32>,
        %broadcast_in_dim3A_177 = arith.constant 10 : i32
        %broadcast_in_dim3A_178 = vector.broadcast %broadcast_in_dim3A_177 : i32 to vector<16xi32>
        %gather3A_179 = tpu.vector_load_idx %arg17[%add3A_147, %broadcast_in_dim3A_178] : memref<128x128xf32, #tpu.memory_space<vmem>>[vector<16xi32>, vector<16xi32>], vector<16xf32>,
        %broadcast_in_dim3A_180 = arith.constant 11 : i32
        %broadcast_in_dim3A_181 = vector.broadcast %broadcast_in_dim3A_180 : i32 to vector<16xi32>
        %gather3A_182 = tpu.vector_load_idx %arg17[%add3A_147, %broadcast_in_dim3A_181] : memref<128x128xf32, #tpu.memory_space<vmem>>[vector<16xi32>, vector<16xi32>], vector<16xf32>,
        %broadcast_in_dim3A_183 = arith.constant 12 : i32
        %broadcast_in_dim3A_184 = vector.broadcast %broadcast_in_dim3A_183 : i32 to vector<16xi32>
        %gather3A_185 = tpu.vector_load_idx %arg17[%add3A_147, %broadcast_in_dim3A_184] : memref<128x128xf32, #tpu.memory_space<vmem>>[vector<16xi32>, vector<16xi32>], vector<16xf32>,
        %broadcast_in_dim3A_186 = arith.constant 13 : i32
        %broadcast_in_dim3A_187 = vector.broadcast %broadcast_in_dim3A_186 : i32 to vector<16xi32>
        %gather3A_188 = tpu.vector_load_idx %arg17[%add3A_147, %broadcast_in_dim3A_187] : memref<128x128xf32, #tpu.memory_space<vmem>>[vector<16xi32>, vector<16xi32>], vector<16xf32>,
        %broadcast_in_dim3A_189 = arith.constant 14 : i32
        %broadcast_in_dim3A_190 = vector.broadcast %broadcast_in_dim3A_189 : i32 to vector<16xi32>
        %gather3A_191 = tpu.vector_load_idx %arg17[%add3A_147, %broadcast_in_dim3A_190] : memref<128x128xf32, #tpu.memory_space<vmem>>[vector<16xi32>, vector<16xi32>], vector<16xf32>,
        %get3A = arith.index_cast %add3A_143 : i32 to index
        %get3A_192 = tpu.vector_load %arg12[%get3A] {strides = array<i32>} : memref<1664xf32, #tpu.memory_space<vmem>>, vector<16xf32>,
        %get3A_193 = arith.index_cast %add3A_143 : i32 to index
        %get3A_194 = tpu.vector_load %arg13[%get3A_193] {strides = array<i32>} : memref<1664xf32, #tpu.memory_space<vmem>>, vector<16xf32>,
        %get3A_195 = arith.index_cast %add3A_143 : i32 to index
        %get3A_196 = tpu.vector_load %arg14[%get3A_195] {strides = array<i32>} : memref<1664xf32, #tpu.memory_space<vmem>>, vector<16xf32>,
        %get3A_197 = arith.index_cast %add3A_143 : i32 to index
        %get3A_198 = tpu.vector_load %arg15[%get3A_197] {strides = array<i32>} : memref<1664xf32, #tpu.memory_space<vmem>>, vector<16xf32>,
        %sub3A = arith.subf %get3A_192, %gather3A : vector<16xf32>
        %sub3A_199 = arith.subf %get3A_194, %gather3A_152 : vector<16xf32>
        %sub3A_200 = arith.subf %get3A_196, %gather3A_155 : vector<16xf32>
        %mul3A_201 = arith.mulf %gather3A_167, %sub3A : vector<16xf32>
        %mul3A_202 = arith.mulf %gather3A_170, %sub3A_199 : vector<16xf32>
        %add3A_203 = arith.addf %mul3A_201, %mul3A_202 : vector<16xf32>
        %mul3A_204 = arith.mulf %gather3A_173, %sub3A_200 : vector<16xf32>
        %add3A_205 = arith.addf %add3A_203, %mul3A_204 : vector<16xf32>
        %mul3A_206 = arith.mulf %gather3A_176, %sub3A : vector<16xf32>
        %mul3A_207 = arith.mulf %gather3A_179, %sub3A_199 : vector<16xf32>
        %add3A_208 = arith.addf %mul3A_206, %mul3A_207 : vector<16xf32>
        %mul3A_209 = arith.mulf %gather3A_182, %sub3A_200 : vector<16xf32>
        %add3A_210 = arith.addf %add3A_208, %mul3A_209 : vector<16xf32>
        %mul3A_211 = arith.mulf %gather3A_185, %sub3A : vector<16xf32>
        %mul3A_212 = arith.mulf %gather3A_188, %sub3A_199 : vector<16xf32>
        %add3A_213 = arith.addf %mul3A_211, %mul3A_212 : vector<16xf32>
        %mul3A_214 = arith.mulf %gather3A_191, %sub3A_200 : vector<16xf32>
        %add3A_215 = arith.addf %add3A_213, %mul3A_214 : vector<16xf32>
        %add3A_216 = arith.addf %add3A_205, %gather3A : vector<16xf32>
        %add3A_217 = arith.addf %add3A_216, %gather3A_158 : vector<16xf32>
        %mul3A_218 = arith.mulf %get3A_198, %add3A_217 : vector<16xf32>
        %add3A_219 = arith.addf %add3A_210, %gather3A_152 : vector<16xf32>
        %add3A_220 = arith.addf %add3A_219, %gather3A_161 : vector<16xf32>
        %mul3A_221 = arith.mulf %get3A_198, %add3A_220 : vector<16xf32>
        %add3A_222 = arith.addf %add3A_215, %gather3A_155 : vector<16xf32>
        %add3A_223 = arith.addf %add3A_222, %gather3A_164 : vector<16xf32>
        %mul3A_224 = arith.mulf %get3A_198, %add3A_223 : vector<16xf32>
        %mul3A_225 = arith.constant 3 : i32
        %mul3A_226 = arith.muli %add3A_143, %mul3A_225 : i32
        %add3A_227 = vector.broadcast %mul3A_226 : i32 to vector<16xi32>
        %add3A_228 = arith.addi %mul3A_3, %add3A_227 : vector<16xi32>
        tpu.vector_store_idx %arg19[%add3A_228], %mul3A_218 {add = true} : memref<4992xf32, #tpu.memory_space<vmem>>[vector<16xi32>], vector<16xf32>,
        %add3A_229 = arith.constant 1 : i32
        %add3A_230 = vector.broadcast %add3A_229 : i32 to vector<16xi32>
        %add3A_231 = arith.addi %add3A_228, %add3A_230 : vector<16xi32>
        tpu.vector_store_idx %arg19[%add3A_231], %mul3A_221 {add = true} : memref<4992xf32, #tpu.memory_space<vmem>>[vector<16xi32>], vector<16xf32>,
        %add3A_232 = arith.constant 2 : i32
        %add3A_233 = vector.broadcast %add3A_232 : i32 to vector<16xi32>
        %add3A_234 = arith.addi %add3A_228, %add3A_233 : vector<16xi32>
        tpu.vector_store_idx %arg19[%add3A_234], %mul3A_224 {add = true} : memref<4992xf32, #tpu.memory_space<vmem>>[vector<16xi32>], vector<16xf32>,
      }
      %scan3A_137 = arith.constant 8 : i32
    }
    %scan3A_38 = arith.constant 6 : i32
    %add3A_39 = arith.constant 53248 : i32
    %add3A_40 = arith.addi %add3A_39, %mul3A_5 : i32
    %add3A_41 = arith.constant 1536 : i32
    %add3A_42 = arith.addi %add3A_40, %add3A_41 : i32
    "tpu.region"() ({
      %run_scoped3A = tpu.sem_alloc : memref<!tpu.dma_semaphore, #tpu.memory_space<semaphore_mem>>
      %dma_start3A_99 = tpu.memref_slice %arg4[%add3A_42] : memref<159744xi32, #tpu.memory_space<hbm>> -> memref<128xi32, #tpu.memory_space<hbm>>
      %dma_start3A_100 = tpu.memref_slice %arg4[%add3A_42] : memref<159744xi32, #tpu.memory_space<hbm>> -> memref<128xi32, #tpu.memory_space<hbm>>
      tpu.enqueue_dma source(%dma_start3A_100 : memref<128xi32, #tpu.memory_space<hbm>>) target(%arg10 : memref<128xi32, #tpu.memory_space<vmem>>) target_semaphore(%run_scoped3A : memref<!tpu.dma_semaphore, #tpu.memory_space<semaphore_mem>>)
      %dma_wait3A_101 = tpu.memref_slice %arg4[%add3A_42] : memref<159744xi32, #tpu.memory_space<hbm>> -> memref<128xi32, #tpu.memory_space<hbm>>
      %dma_wait3A_102 = tpu.memref_slice %arg4[%add3A_42] : memref<159744xi32, #tpu.memory_space<hbm>> -> memref<128xi32, #tpu.memory_space<hbm>>
      tpu.wait_dma2 semaphore(%run_scoped3A : memref<!tpu.dma_semaphore, #tpu.memory_space<semaphore_mem>>) src(%dma_wait3A_102 : memref<128xi32, #tpu.memory_space<hbm>>) dst(%arg10 : memref<128xi32, #tpu.memory_space<vmem>>)
      tpu.yield
    }) : () -> ()
    %dma_start3A_43 = arith.constant 0 : i32
    %dma_start3A_44 = arith.constant 0 : i32
    %dma_start3A_45 = tpu.memref_slice %arg2[%dma_start3A_43, %dma_start3A_44] : memref<28672x128xf32, #tpu.memory_space<hbm>> -> memref<28672x128xf32, #tpu.memory_space<hbm>>
    tpu.enqueue_indirect_dma source(%dma_start3A_45 : memref<28672x128xf32, #tpu.memory_space<hbm>>) target(%arg16 : memref<128x128xf32, #tpu.memory_space<vmem>>) offsets(%arg10 : memref<128xi32, #tpu.memory_space<vmem>>) semaphore(%arg22 : memref<!tpu.dma_semaphore, #tpu.memory_space<semaphore_mem>>)
    %dma_wait3A_46 = arith.constant 0 : i32
    %dma_wait3A_47 = arith.constant 0 : i32
    %dma_wait3A_48 = tpu.memref_slice %arg2[%dma_wait3A_46, %dma_wait3A_47] : memref<28672x128xf32, #tpu.memory_space<hbm>> -> memref<28672x128xf32, #tpu.memory_space<hbm>>
    tpu.wait_indirect_dma semaphore(%arg22 : memref<!tpu.dma_semaphore, #tpu.memory_space<semaphore_mem>>) src(%dma_wait3A_48 : memref<28672x128xf32, #tpu.memory_space<hbm>>) dst(%arg16 : memref<128x128xf32, #tpu.memory_space<vmem>>)
    %scan3A_49 = arith.constant 0 : i32
    %scan3A_50 = arith.constant 0 : i32
    %scan3A_51 = arith.constant 8 : i32
    %scan3A_52 = arith.addi %scan3A_50, %scan3A_51 : i32
    %scan3A_53 = arith.constant 1 : i32
    scf.for %scan3A_99 = %scan3A_50 to %scan3A_52 step %scan3A_53  : i32 {
      %mul3A_100 = arith.constant 16 : i32
      %mul3A_101 = arith.muli %scan3A_99, %mul3A_100 : i32
      %add3A_102 = arith.constant 1536 : i32
      %add3A_103 = arith.addi %add3A_102, %mul3A_101 : i32
      %mul3A_104 = arith.constant 16 : i32
      %mul3A_105 = arith.muli %scan3A_99, %mul3A_104 : i32
      %add3A_106 = vector.broadcast %mul3A_105 : i32 to vector<16xi32>
      %add3A_107 = arith.addi %add3A_106, %iota3A : vector<16xi32>
      %broadcast_in_dim3A_108 = arith.constant 0 : i32
      %broadcast_in_dim3A_109 = vector.broadcast %broadcast_in_dim3A_108 : i32 to vector<16xi32>
      %gather3A = tpu.vector_load_idx %arg16[%add3A_107, %broadcast_in_dim3A_109] : memref<128x128xf32, #tpu.memory_space<vmem>>[vector<16xi32>, vector<16xi32>], vector<16xf32>,
      %broadcast_in_dim3A_110 = arith.constant 1 : i32
      %broadcast_in_dim3A_111 = vector.broadcast %broadcast_in_dim3A_110 : i32 to vector<16xi32>
      %gather3A_112 = tpu.vector_load_idx %arg16[%add3A_107, %broadcast_in_dim3A_111] : memref<128x128xf32, #tpu.memory_space<vmem>>[vector<16xi32>, vector<16xi32>], vector<16xf32>,
      %broadcast_in_dim3A_113 = arith.constant 2 : i32
      %broadcast_in_dim3A_114 = vector.broadcast %broadcast_in_dim3A_113 : i32 to vector<16xi32>
      %gather3A_115 = tpu.vector_load_idx %arg16[%add3A_107, %broadcast_in_dim3A_114] : memref<128x128xf32, #tpu.memory_space<vmem>>[vector<16xi32>, vector<16xi32>], vector<16xf32>,
      %broadcast_in_dim3A_116 = arith.constant 3 : i32
      %broadcast_in_dim3A_117 = vector.broadcast %broadcast_in_dim3A_116 : i32 to vector<16xi32>
      %gather3A_118 = tpu.vector_load_idx %arg16[%add3A_107, %broadcast_in_dim3A_117] : memref<128x128xf32, #tpu.memory_space<vmem>>[vector<16xi32>, vector<16xi32>], vector<16xf32>,
      %broadcast_in_dim3A_119 = arith.constant 4 : i32
      %broadcast_in_dim3A_120 = vector.broadcast %broadcast_in_dim3A_119 : i32 to vector<16xi32>
      %gather3A_121 = tpu.vector_load_idx %arg16[%add3A_107, %broadcast_in_dim3A_120] : memref<128x128xf32, #tpu.memory_space<vmem>>[vector<16xi32>, vector<16xi32>], vector<16xf32>,
      %broadcast_in_dim3A_122 = arith.constant 5 : i32
      %broadcast_in_dim3A_123 = vector.broadcast %broadcast_in_dim3A_122 : i32 to vector<16xi32>
      %gather3A_124 = tpu.vector_load_idx %arg16[%add3A_107, %broadcast_in_dim3A_123] : memref<128x128xf32, #tpu.memory_space<vmem>>[vector<16xi32>, vector<16xi32>], vector<16xf32>,
      %broadcast_in_dim3A_125 = arith.constant 6 : i32
      %broadcast_in_dim3A_126 = vector.broadcast %broadcast_in_dim3A_125 : i32 to vector<16xi32>
      %gather3A_127 = tpu.vector_load_idx %arg16[%add3A_107, %broadcast_in_dim3A_126] : memref<128x128xf32, #tpu.memory_space<vmem>>[vector<16xi32>, vector<16xi32>], vector<16xf32>,
      %broadcast_in_dim3A_128 = arith.constant 7 : i32
      %broadcast_in_dim3A_129 = vector.broadcast %broadcast_in_dim3A_128 : i32 to vector<16xi32>
      %gather3A_130 = tpu.vector_load_idx %arg16[%add3A_107, %broadcast_in_dim3A_129] : memref<128x128xf32, #tpu.memory_space<vmem>>[vector<16xi32>, vector<16xi32>], vector<16xf32>,
      %broadcast_in_dim3A_131 = arith.constant 8 : i32
      %broadcast_in_dim3A_132 = vector.broadcast %broadcast_in_dim3A_131 : i32 to vector<16xi32>
      %gather3A_133 = tpu.vector_load_idx %arg16[%add3A_107, %broadcast_in_dim3A_132] : memref<128x128xf32, #tpu.memory_space<vmem>>[vector<16xi32>, vector<16xi32>], vector<16xf32>,
      %broadcast_in_dim3A_134 = arith.constant 9 : i32
      %broadcast_in_dim3A_135 = vector.broadcast %broadcast_in_dim3A_134 : i32 to vector<16xi32>
      %gather3A_136 = tpu.vector_load_idx %arg16[%add3A_107, %broadcast_in_dim3A_135] : memref<128x128xf32, #tpu.memory_space<vmem>>[vector<16xi32>, vector<16xi32>], vector<16xf32>,
      %broadcast_in_dim3A_137 = arith.constant 10 : i32
      %broadcast_in_dim3A_138 = vector.broadcast %broadcast_in_dim3A_137 : i32 to vector<16xi32>
      %gather3A_139 = tpu.vector_load_idx %arg16[%add3A_107, %broadcast_in_dim3A_138] : memref<128x128xf32, #tpu.memory_space<vmem>>[vector<16xi32>, vector<16xi32>], vector<16xf32>,
      %broadcast_in_dim3A_140 = arith.constant 11 : i32
      %broadcast_in_dim3A_141 = vector.broadcast %broadcast_in_dim3A_140 : i32 to vector<16xi32>
      %gather3A_142 = tpu.vector_load_idx %arg16[%add3A_107, %broadcast_in_dim3A_141] : memref<128x128xf32, #tpu.memory_space<vmem>>[vector<16xi32>, vector<16xi32>], vector<16xf32>,
      %broadcast_in_dim3A_143 = arith.constant 12 : i32
      %broadcast_in_dim3A_144 = vector.broadcast %broadcast_in_dim3A_143 : i32 to vector<16xi32>
      %gather3A_145 = tpu.vector_load_idx %arg16[%add3A_107, %broadcast_in_dim3A_144] : memref<128x128xf32, #tpu.memory_space<vmem>>[vector<16xi32>, vector<16xi32>], vector<16xf32>,
      %broadcast_in_dim3A_146 = arith.constant 13 : i32
      %broadcast_in_dim3A_147 = vector.broadcast %broadcast_in_dim3A_146 : i32 to vector<16xi32>
      %gather3A_148 = tpu.vector_load_idx %arg16[%add3A_107, %broadcast_in_dim3A_147] : memref<128x128xf32, #tpu.memory_space<vmem>>[vector<16xi32>, vector<16xi32>], vector<16xf32>,
      %broadcast_in_dim3A_149 = arith.constant 14 : i32
      %broadcast_in_dim3A_150 = vector.broadcast %broadcast_in_dim3A_149 : i32 to vector<16xi32>
      %gather3A_151 = tpu.vector_load_idx %arg16[%add3A_107, %broadcast_in_dim3A_150] : memref<128x128xf32, #tpu.memory_space<vmem>>[vector<16xi32>, vector<16xi32>], vector<16xf32>,
      %get3A = arith.index_cast %add3A_103 : i32 to index
      %get3A_152 = tpu.vector_load %arg12[%get3A] {strides = array<i32>} : memref<1664xf32, #tpu.memory_space<vmem>>, vector<16xf32>,
      %get3A_153 = arith.index_cast %add3A_103 : i32 to index
      %get3A_154 = tpu.vector_load %arg13[%get3A_153] {strides = array<i32>} : memref<1664xf32, #tpu.memory_space<vmem>>, vector<16xf32>,
      %get3A_155 = arith.index_cast %add3A_103 : i32 to index
      %get3A_156 = tpu.vector_load %arg14[%get3A_155] {strides = array<i32>} : memref<1664xf32, #tpu.memory_space<vmem>>, vector<16xf32>,
      %get3A_157 = arith.index_cast %add3A_103 : i32 to index
      %get3A_158 = tpu.vector_load %arg15[%get3A_157] {strides = array<i32>} : memref<1664xf32, #tpu.memory_space<vmem>>, vector<16xf32>,
      %sub3A = arith.subf %get3A_152, %gather3A : vector<16xf32>
      %sub3A_159 = arith.subf %get3A_154, %gather3A_112 : vector<16xf32>
      %sub3A_160 = arith.subf %get3A_156, %gather3A_115 : vector<16xf32>
      %mul3A_161 = arith.mulf %gather3A_127, %sub3A : vector<16xf32>
      %mul3A_162 = arith.mulf %gather3A_130, %sub3A_159 : vector<16xf32>
      %add3A_163 = arith.addf %mul3A_161, %mul3A_162 : vector<16xf32>
      %mul3A_164 = arith.mulf %gather3A_133, %sub3A_160 : vector<16xf32>
      %add3A_165 = arith.addf %add3A_163, %mul3A_164 : vector<16xf32>
      %mul3A_166 = arith.mulf %gather3A_136, %sub3A : vector<16xf32>
      %mul3A_167 = arith.mulf %gather3A_139, %sub3A_159 : vector<16xf32>
      %add3A_168 = arith.addf %mul3A_166, %mul3A_167 : vector<16xf32>
      %mul3A_169 = arith.mulf %gather3A_142, %sub3A_160 : vector<16xf32>
      %add3A_170 = arith.addf %add3A_168, %mul3A_169 : vector<16xf32>
      %mul3A_171 = arith.mulf %gather3A_145, %sub3A : vector<16xf32>
      %mul3A_172 = arith.mulf %gather3A_148, %sub3A_159 : vector<16xf32>
      %add3A_173 = arith.addf %mul3A_171, %mul3A_172 : vector<16xf32>
      %mul3A_174 = arith.mulf %gather3A_151, %sub3A_160 : vector<16xf32>
      %add3A_175 = arith.addf %add3A_173, %mul3A_174 : vector<16xf32>
      %add3A_176 = arith.addf %add3A_165, %gather3A : vector<16xf32>
      %add3A_177 = arith.addf %add3A_176, %gather3A_118 : vector<16xf32>
      %mul3A_178 = arith.mulf %get3A_158, %add3A_177 : vector<16xf32>
      %add3A_179 = arith.addf %add3A_170, %gather3A_112 : vector<16xf32>
      %add3A_180 = arith.addf %add3A_179, %gather3A_121 : vector<16xf32>
      %mul3A_181 = arith.mulf %get3A_158, %add3A_180 : vector<16xf32>
      %add3A_182 = arith.addf %add3A_175, %gather3A_115 : vector<16xf32>
      %add3A_183 = arith.addf %add3A_182, %gather3A_124 : vector<16xf32>
      %mul3A_184 = arith.mulf %get3A_158, %add3A_183 : vector<16xf32>
      %mul3A_185 = arith.constant 3 : i32
      %mul3A_186 = arith.muli %add3A_103, %mul3A_185 : i32
      %add3A_187 = vector.broadcast %mul3A_186 : i32 to vector<16xi32>
      %add3A_188 = arith.addi %mul3A_3, %add3A_187 : vector<16xi32>
      tpu.vector_store_idx %arg19[%add3A_188], %mul3A_178 {add = true} : memref<4992xf32, #tpu.memory_space<vmem>>[vector<16xi32>], vector<16xf32>,
      %add3A_189 = arith.constant 1 : i32
      %add3A_190 = vector.broadcast %add3A_189 : i32 to vector<16xi32>
      %add3A_191 = arith.addi %add3A_188, %add3A_190 : vector<16xi32>
      tpu.vector_store_idx %arg19[%add3A_191], %mul3A_181 {add = true} : memref<4992xf32, #tpu.memory_space<vmem>>[vector<16xi32>], vector<16xf32>,
      %add3A_192 = arith.constant 2 : i32
      %add3A_193 = vector.broadcast %add3A_192 : i32 to vector<16xi32>
      %add3A_194 = arith.addi %add3A_188, %add3A_193 : vector<16xi32>
      tpu.vector_store_idx %arg19[%add3A_194], %mul3A_184 {add = true} : memref<4992xf32, #tpu.memory_space<vmem>>[vector<16xi32>], vector<16xf32>,
    }
    %scan3A_54 = arith.constant 8 : i32
    %add3A_55 = arith.constant 106496 : i32
    %add3A_56 = arith.addi %add3A_55, %mul3A_5 : i32
    "tpu.region"() ({
      %run_scoped3A = tpu.sem_alloc : memref<!tpu.dma_semaphore, #tpu.memory_space<semaphore_mem>>
      %dma_start3A_99 = tpu.memref_slice %arg5[%add3A_56] : memref<159744xf32, #tpu.memory_space<hbm>> -> memref<1664xf32, #tpu.memory_space<hbm>>
      %dma_start3A_100 = tpu.memref_slice %arg5[%add3A_56] : memref<159744xf32, #tpu.memory_space<hbm>> -> memref<1664xf32, #tpu.memory_space<hbm>>
      tpu.enqueue_dma source(%dma_start3A_100 : memref<1664xf32, #tpu.memory_space<hbm>>) target(%arg15 : memref<1664xf32, #tpu.memory_space<vmem>>) target_semaphore(%run_scoped3A : memref<!tpu.dma_semaphore, #tpu.memory_space<semaphore_mem>>)
      %dma_wait3A_101 = tpu.memref_slice %arg5[%add3A_56] : memref<159744xf32, #tpu.memory_space<hbm>> -> memref<1664xf32, #tpu.memory_space<hbm>>
      %dma_wait3A_102 = tpu.memref_slice %arg5[%add3A_56] : memref<159744xf32, #tpu.memory_space<hbm>> -> memref<1664xf32, #tpu.memory_space<hbm>>
      tpu.wait_dma2 semaphore(%run_scoped3A : memref<!tpu.dma_semaphore, #tpu.memory_space<semaphore_mem>>) src(%dma_wait3A_102 : memref<1664xf32, #tpu.memory_space<hbm>>) dst(%arg15 : memref<1664xf32, #tpu.memory_space<vmem>>)
      tpu.yield
    }) : () -> ()
    %scan3A_57 = arith.constant 0 : i32
    %scan3A_58 = arith.constant 0 : i32
    %scan3A_59 = arith.constant 6 : i32
    %scan3A_60 = arith.addi %scan3A_58, %scan3A_59 : i32
    %scan3A_61 = arith.constant 1 : i32
    scf.for %scan3A_99 = %scan3A_58 to %scan3A_60 step %scan3A_61  : i32 {
      %mul3A_100 = arith.constant 2 : i32
      %mul3A_101 = arith.muli %scan3A_99, %mul3A_100 : i32
      %add3A_102 = arith.constant 106496 : i32
      %add3A_103 = arith.addi %add3A_102, %mul3A_5 : i32
      %mul3A_104 = arith.constant 128 : i32
      %mul3A_105 = arith.muli %mul3A_101, %mul3A_104 : i32
      %add3A_106 = arith.addi %add3A_103, %mul3A_105 : i32
      "tpu.region"() ({
        %run_scoped3A = tpu.sem_alloc : memref<!tpu.dma_semaphore, #tpu.memory_space<semaphore_mem>>
        %dma_start3A_138 = tpu.memref_slice %arg4[%add3A_106] : memref<159744xi32, #tpu.memory_space<hbm>> -> memref<128xi32, #tpu.memory_space<hbm>>
        %dma_start3A_139 = tpu.memref_slice %arg4[%add3A_106] : memref<159744xi32, #tpu.memory_space<hbm>> -> memref<128xi32, #tpu.memory_space<hbm>>
        tpu.enqueue_dma source(%dma_start3A_139 : memref<128xi32, #tpu.memory_space<hbm>>) target(%arg10 : memref<128xi32, #tpu.memory_space<vmem>>) target_semaphore(%run_scoped3A : memref<!tpu.dma_semaphore, #tpu.memory_space<semaphore_mem>>)
        %dma_wait3A_140 = tpu.memref_slice %arg4[%add3A_106] : memref<159744xi32, #tpu.memory_space<hbm>> -> memref<128xi32, #tpu.memory_space<hbm>>
        %dma_wait3A_141 = tpu.memref_slice %arg4[%add3A_106] : memref<159744xi32, #tpu.memory_space<hbm>> -> memref<128xi32, #tpu.memory_space<hbm>>
        tpu.wait_dma2 semaphore(%run_scoped3A : memref<!tpu.dma_semaphore, #tpu.memory_space<semaphore_mem>>) src(%dma_wait3A_141 : memref<128xi32, #tpu.memory_space<hbm>>) dst(%arg10 : memref<128xi32, #tpu.memory_space<vmem>>)
        tpu.yield
      }) : () -> ()
      %dma_start3A_107 = arith.constant 0 : i32
      %dma_start3A_108 = arith.constant 0 : i32
      %dma_start3A_109 = tpu.memref_slice %arg2[%dma_start3A_107, %dma_start3A_108] : memref<28672x128xf32, #tpu.memory_space<hbm>> -> memref<28672x128xf32, #tpu.memory_space<hbm>>
      tpu.enqueue_indirect_dma source(%dma_start3A_109 : memref<28672x128xf32, #tpu.memory_space<hbm>>) target(%arg16 : memref<128x128xf32, #tpu.memory_space<vmem>>) offsets(%arg10 : memref<128xi32, #tpu.memory_space<vmem>>) semaphore(%arg22 : memref<!tpu.dma_semaphore, #tpu.memory_space<semaphore_mem>>)
      %add3A_110 = arith.constant 1 : i32
      %add3A_111 = arith.addi %mul3A_101, %add3A_110 : i32
      %mul3A_112 = arith.constant 128 : i32
      %mul3A_113 = arith.muli %add3A_111, %mul3A_112 : i32
      %add3A_114 = arith.addi %add3A_103, %mul3A_113 : i32
      "tpu.region"() ({
        %run_scoped3A = tpu.sem_alloc : memref<!tpu.dma_semaphore, #tpu.memory_space<semaphore_mem>>
        %dma_start3A_138 = tpu.memref_slice %arg4[%add3A_114] : memref<159744xi32, #tpu.memory_space<hbm>> -> memref<128xi32, #tpu.memory_space<hbm>>
        %dma_start3A_139 = tpu.memref_slice %arg4[%add3A_114] : memref<159744xi32, #tpu.memory_space<hbm>> -> memref<128xi32, #tpu.memory_space<hbm>>
        tpu.enqueue_dma source(%dma_start3A_139 : memref<128xi32, #tpu.memory_space<hbm>>) target(%arg11 : memref<128xi32, #tpu.memory_space<vmem>>) target_semaphore(%run_scoped3A : memref<!tpu.dma_semaphore, #tpu.memory_space<semaphore_mem>>)
        %dma_wait3A_140 = tpu.memref_slice %arg4[%add3A_114] : memref<159744xi32, #tpu.memory_space<hbm>> -> memref<128xi32, #tpu.memory_space<hbm>>
        %dma_wait3A_141 = tpu.memref_slice %arg4[%add3A_114] : memref<159744xi32, #tpu.memory_space<hbm>> -> memref<128xi32, #tpu.memory_space<hbm>>
        tpu.wait_dma2 semaphore(%run_scoped3A : memref<!tpu.dma_semaphore, #tpu.memory_space<semaphore_mem>>) src(%dma_wait3A_141 : memref<128xi32, #tpu.memory_space<hbm>>) dst(%arg11 : memref<128xi32, #tpu.memory_space<vmem>>)
        tpu.yield
      }) : () -> ()
      %dma_start3A_115 = arith.constant 0 : i32
      %dma_start3A_116 = arith.constant 0 : i32
      %dma_start3A_117 = tpu.memref_slice %arg2[%dma_start3A_115, %dma_start3A_116] : memref<28672x128xf32, #tpu.memory_space<hbm>> -> memref<28672x128xf32, #tpu.memory_space<hbm>>
      tpu.enqueue_indirect_dma source(%dma_start3A_117 : memref<28672x128xf32, #tpu.memory_space<hbm>>) target(%arg17 : memref<128x128xf32, #tpu.memory_space<vmem>>) offsets(%arg11 : memref<128xi32, #tpu.memory_space<vmem>>) semaphore(%arg23 : memref<!tpu.dma_semaphore, #tpu.memory_space<semaphore_mem>>)
      %dma_wait3A_118 = arith.constant 0 : i32
      %dma_wait3A_119 = arith.constant 0 : i32
      %dma_wait3A_120 = tpu.memref_slice %arg2[%dma_wait3A_118, %dma_wait3A_119] : memref<28672x128xf32, #tpu.memory_space<hbm>> -> memref<28672x128xf32, #tpu.memory_space<hbm>>
      tpu.wait_indirect_dma semaphore(%arg22 : memref<!tpu.dma_semaphore, #tpu.memory_space<semaphore_mem>>) src(%dma_wait3A_120 : memref<28672x128xf32, #tpu.memory_space<hbm>>) dst(%arg16 : memref<128x128xf32, #tpu.memory_space<vmem>>)
      %scan3A_121 = arith.constant 0 : i32
      %scan3A_122 = arith.constant 0 : i32
      %scan3A_123 = arith.constant 8 : i32
      %scan3A_124 = arith.addi %scan3A_122, %scan3A_123 : i32
      %scan3A_125 = arith.constant 1 : i32
      scf.for %scan3A_138 = %scan3A_122 to %scan3A_124 step %scan3A_125  : i32 {
        %mul3A_139 = arith.constant 128 : i32
        %mul3A_140 = arith.muli %mul3A_101, %mul3A_139 : i32
        %mul3A_141 = arith.constant 16 : i32
        %mul3A_142 = arith.muli %scan3A_138, %mul3A_141 : i32
        %add3A_143 = arith.addi %mul3A_140, %mul3A_142 : i32
        %mul3A_144 = arith.constant 16 : i32
        %mul3A_145 = arith.muli %scan3A_138, %mul3A_144 : i32
        %add3A_146 = vector.broadcast %mul3A_145 : i32 to vector<16xi32>
        %add3A_147 = arith.addi %add3A_146, %iota3A : vector<16xi32>
        %broadcast_in_dim3A_148 = arith.constant 0 : i32
        %broadcast_in_dim3A_149 = vector.broadcast %broadcast_in_dim3A_148 : i32 to vector<16xi32>
        %gather3A = tpu.vector_load_idx %arg16[%add3A_147, %broadcast_in_dim3A_149] : memref<128x128xf32, #tpu.memory_space<vmem>>[vector<16xi32>, vector<16xi32>], vector<16xf32>,
        %broadcast_in_dim3A_150 = arith.constant 1 : i32
        %broadcast_in_dim3A_151 = vector.broadcast %broadcast_in_dim3A_150 : i32 to vector<16xi32>
        %gather3A_152 = tpu.vector_load_idx %arg16[%add3A_147, %broadcast_in_dim3A_151] : memref<128x128xf32, #tpu.memory_space<vmem>>[vector<16xi32>, vector<16xi32>], vector<16xf32>,
        %broadcast_in_dim3A_153 = arith.constant 2 : i32
        %broadcast_in_dim3A_154 = vector.broadcast %broadcast_in_dim3A_153 : i32 to vector<16xi32>
        %gather3A_155 = tpu.vector_load_idx %arg16[%add3A_147, %broadcast_in_dim3A_154] : memref<128x128xf32, #tpu.memory_space<vmem>>[vector<16xi32>, vector<16xi32>], vector<16xf32>,
        %broadcast_in_dim3A_156 = arith.constant 3 : i32
        %broadcast_in_dim3A_157 = vector.broadcast %broadcast_in_dim3A_156 : i32 to vector<16xi32>
        %gather3A_158 = tpu.vector_load_idx %arg16[%add3A_147, %broadcast_in_dim3A_157] : memref<128x128xf32, #tpu.memory_space<vmem>>[vector<16xi32>, vector<16xi32>], vector<16xf32>,
        %broadcast_in_dim3A_159 = arith.constant 4 : i32
        %broadcast_in_dim3A_160 = vector.broadcast %broadcast_in_dim3A_159 : i32 to vector<16xi32>
        %gather3A_161 = tpu.vector_load_idx %arg16[%add3A_147, %broadcast_in_dim3A_160] : memref<128x128xf32, #tpu.memory_space<vmem>>[vector<16xi32>, vector<16xi32>], vector<16xf32>,
        %broadcast_in_dim3A_162 = arith.constant 5 : i32
        %broadcast_in_dim3A_163 = vector.broadcast %broadcast_in_dim3A_162 : i32 to vector<16xi32>
        %gather3A_164 = tpu.vector_load_idx %arg16[%add3A_147, %broadcast_in_dim3A_163] : memref<128x128xf32, #tpu.memory_space<vmem>>[vector<16xi32>, vector<16xi32>], vector<16xf32>,
        %broadcast_in_dim3A_165 = arith.constant 6 : i32
        %broadcast_in_dim3A_166 = vector.broadcast %broadcast_in_dim3A_165 : i32 to vector<16xi32>
        %gather3A_167 = tpu.vector_load_idx %arg16[%add3A_147, %broadcast_in_dim3A_166] : memref<128x128xf32, #tpu.memory_space<vmem>>[vector<16xi32>, vector<16xi32>], vector<16xf32>,
        %broadcast_in_dim3A_168 = arith.constant 7 : i32
        %broadcast_in_dim3A_169 = vector.broadcast %broadcast_in_dim3A_168 : i32 to vector<16xi32>
        %gather3A_170 = tpu.vector_load_idx %arg16[%add3A_147, %broadcast_in_dim3A_169] : memref<128x128xf32, #tpu.memory_space<vmem>>[vector<16xi32>, vector<16xi32>], vector<16xf32>,
        %broadcast_in_dim3A_171 = arith.constant 8 : i32
        %broadcast_in_dim3A_172 = vector.broadcast %broadcast_in_dim3A_171 : i32 to vector<16xi32>
        %gather3A_173 = tpu.vector_load_idx %arg16[%add3A_147, %broadcast_in_dim3A_172] : memref<128x128xf32, #tpu.memory_space<vmem>>[vector<16xi32>, vector<16xi32>], vector<16xf32>,
        %broadcast_in_dim3A_174 = arith.constant 9 : i32
        %broadcast_in_dim3A_175 = vector.broadcast %broadcast_in_dim3A_174 : i32 to vector<16xi32>
        %gather3A_176 = tpu.vector_load_idx %arg16[%add3A_147, %broadcast_in_dim3A_175] : memref<128x128xf32, #tpu.memory_space<vmem>>[vector<16xi32>, vector<16xi32>], vector<16xf32>,
        %broadcast_in_dim3A_177 = arith.constant 10 : i32
        %broadcast_in_dim3A_178 = vector.broadcast %broadcast_in_dim3A_177 : i32 to vector<16xi32>
        %gather3A_179 = tpu.vector_load_idx %arg16[%add3A_147, %broadcast_in_dim3A_178] : memref<128x128xf32, #tpu.memory_space<vmem>>[vector<16xi32>, vector<16xi32>], vector<16xf32>,
        %broadcast_in_dim3A_180 = arith.constant 11 : i32
        %broadcast_in_dim3A_181 = vector.broadcast %broadcast_in_dim3A_180 : i32 to vector<16xi32>
        %gather3A_182 = tpu.vector_load_idx %arg16[%add3A_147, %broadcast_in_dim3A_181] : memref<128x128xf32, #tpu.memory_space<vmem>>[vector<16xi32>, vector<16xi32>], vector<16xf32>,
        %broadcast_in_dim3A_183 = arith.constant 12 : i32
        %broadcast_in_dim3A_184 = vector.broadcast %broadcast_in_dim3A_183 : i32 to vector<16xi32>
        %gather3A_185 = tpu.vector_load_idx %arg16[%add3A_147, %broadcast_in_dim3A_184] : memref<128x128xf32, #tpu.memory_space<vmem>>[vector<16xi32>, vector<16xi32>], vector<16xf32>,
        %broadcast_in_dim3A_186 = arith.constant 13 : i32
        %broadcast_in_dim3A_187 = vector.broadcast %broadcast_in_dim3A_186 : i32 to vector<16xi32>
        %gather3A_188 = tpu.vector_load_idx %arg16[%add3A_147, %broadcast_in_dim3A_187] : memref<128x128xf32, #tpu.memory_space<vmem>>[vector<16xi32>, vector<16xi32>], vector<16xf32>,
        %broadcast_in_dim3A_189 = arith.constant 14 : i32
        %broadcast_in_dim3A_190 = vector.broadcast %broadcast_in_dim3A_189 : i32 to vector<16xi32>
        %gather3A_191 = tpu.vector_load_idx %arg16[%add3A_147, %broadcast_in_dim3A_190] : memref<128x128xf32, #tpu.memory_space<vmem>>[vector<16xi32>, vector<16xi32>], vector<16xf32>,
        %get3A = arith.index_cast %add3A_143 : i32 to index
        %get3A_192 = tpu.vector_load %arg12[%get3A] {strides = array<i32>} : memref<1664xf32, #tpu.memory_space<vmem>>, vector<16xf32>,
        %get3A_193 = arith.index_cast %add3A_143 : i32 to index
        %get3A_194 = tpu.vector_load %arg13[%get3A_193] {strides = array<i32>} : memref<1664xf32, #tpu.memory_space<vmem>>, vector<16xf32>,
        %get3A_195 = arith.index_cast %add3A_143 : i32 to index
        %get3A_196 = tpu.vector_load %arg14[%get3A_195] {strides = array<i32>} : memref<1664xf32, #tpu.memory_space<vmem>>, vector<16xf32>,
        %get3A_197 = arith.index_cast %add3A_143 : i32 to index
        %get3A_198 = tpu.vector_load %arg15[%get3A_197] {strides = array<i32>} : memref<1664xf32, #tpu.memory_space<vmem>>, vector<16xf32>,
        %sub3A = arith.subf %get3A_192, %gather3A : vector<16xf32>
        %sub3A_199 = arith.subf %get3A_194, %gather3A_152 : vector<16xf32>
        %sub3A_200 = arith.subf %get3A_196, %gather3A_155 : vector<16xf32>
        %mul3A_201 = arith.mulf %gather3A_167, %sub3A : vector<16xf32>
        %mul3A_202 = arith.mulf %gather3A_170, %sub3A_199 : vector<16xf32>
        %add3A_203 = arith.addf %mul3A_201, %mul3A_202 : vector<16xf32>
        %mul3A_204 = arith.mulf %gather3A_173, %sub3A_200 : vector<16xf32>
        %add3A_205 = arith.addf %add3A_203, %mul3A_204 : vector<16xf32>
        %mul3A_206 = arith.mulf %gather3A_176, %sub3A : vector<16xf32>
        %mul3A_207 = arith.mulf %gather3A_179, %sub3A_199 : vector<16xf32>
        %add3A_208 = arith.addf %mul3A_206, %mul3A_207 : vector<16xf32>
        %mul3A_209 = arith.mulf %gather3A_182, %sub3A_200 : vector<16xf32>
        %add3A_210 = arith.addf %add3A_208, %mul3A_209 : vector<16xf32>
        %mul3A_211 = arith.mulf %gather3A_185, %sub3A : vector<16xf32>
        %mul3A_212 = arith.mulf %gather3A_188, %sub3A_199 : vector<16xf32>
        %add3A_213 = arith.addf %mul3A_211, %mul3A_212 : vector<16xf32>
        %mul3A_214 = arith.mulf %gather3A_191, %sub3A_200 : vector<16xf32>
        %add3A_215 = arith.addf %add3A_213, %mul3A_214 : vector<16xf32>
        %add3A_216 = arith.addf %add3A_205, %gather3A : vector<16xf32>
        %add3A_217 = arith.addf %add3A_216, %gather3A_158 : vector<16xf32>
        %mul3A_218 = arith.mulf %get3A_198, %add3A_217 : vector<16xf32>
        %add3A_219 = arith.addf %add3A_210, %gather3A_152 : vector<16xf32>
        %add3A_220 = arith.addf %add3A_219, %gather3A_161 : vector<16xf32>
        %mul3A_221 = arith.mulf %get3A_198, %add3A_220 : vector<16xf32>
        %add3A_222 = arith.addf %add3A_215, %gather3A_155 : vector<16xf32>
        %add3A_223 = arith.addf %add3A_222, %gather3A_164 : vector<16xf32>
        %mul3A_224 = arith.mulf %get3A_198, %add3A_223 : vector<16xf32>
        %mul3A_225 = arith.constant 3 : i32
        %mul3A_226 = arith.muli %add3A_143, %mul3A_225 : i32
        %add3A_227 = vector.broadcast %mul3A_226 : i32 to vector<16xi32>
        %add3A_228 = arith.addi %mul3A_3, %add3A_227 : vector<16xi32>
        tpu.vector_store_idx %arg19[%add3A_228], %mul3A_218 {add = true} : memref<4992xf32, #tpu.memory_space<vmem>>[vector<16xi32>], vector<16xf32>,
        %add3A_229 = arith.constant 1 : i32
        %add3A_230 = vector.broadcast %add3A_229 : i32 to vector<16xi32>
        %add3A_231 = arith.addi %add3A_228, %add3A_230 : vector<16xi32>
        tpu.vector_store_idx %arg19[%add3A_231], %mul3A_221 {add = true} : memref<4992xf32, #tpu.memory_space<vmem>>[vector<16xi32>], vector<16xf32>,
        %add3A_232 = arith.constant 2 : i32
        %add3A_233 = vector.broadcast %add3A_232 : i32 to vector<16xi32>
        %add3A_234 = arith.addi %add3A_228, %add3A_233 : vector<16xi32>
        tpu.vector_store_idx %arg19[%add3A_234], %mul3A_224 {add = true} : memref<4992xf32, #tpu.memory_space<vmem>>[vector<16xi32>], vector<16xf32>,
      }
      %scan3A_126 = arith.constant 8 : i32
      %dma_wait3A_127 = arith.constant 0 : i32
      %dma_wait3A_128 = arith.constant 0 : i32
      %dma_wait3A_129 = tpu.memref_slice %arg2[%dma_wait3A_127, %dma_wait3A_128] : memref<28672x128xf32, #tpu.memory_space<hbm>> -> memref<28672x128xf32, #tpu.memory_space<hbm>>
      tpu.wait_indirect_dma semaphore(%arg23 : memref<!tpu.dma_semaphore, #tpu.memory_space<semaphore_mem>>) src(%dma_wait3A_129 : memref<28672x128xf32, #tpu.memory_space<hbm>>) dst(%arg17 : memref<128x128xf32, #tpu.memory_space<vmem>>)
      %add3A_130 = arith.constant 1 : i32
      %add3A_131 = arith.addi %mul3A_101, %add3A_130 : i32
      %scan3A_132 = arith.constant 0 : i32
      %scan3A_133 = arith.constant 0 : i32
      %scan3A_134 = arith.constant 8 : i32
      %scan3A_135 = arith.addi %scan3A_133, %scan3A_134 : i32
      %scan3A_136 = arith.constant 1 : i32
      scf.for %scan3A_138 = %scan3A_133 to %scan3A_135 step %scan3A_136  : i32 {
        %mul3A_139 = arith.constant 128 : i32
        %mul3A_140 = arith.muli %add3A_131, %mul3A_139 : i32
        %mul3A_141 = arith.constant 16 : i32
        %mul3A_142 = arith.muli %scan3A_138, %mul3A_141 : i32
        %add3A_143 = arith.addi %mul3A_140, %mul3A_142 : i32
        %mul3A_144 = arith.constant 16 : i32
        %mul3A_145 = arith.muli %scan3A_138, %mul3A_144 : i32
        %add3A_146 = vector.broadcast %mul3A_145 : i32 to vector<16xi32>
        %add3A_147 = arith.addi %add3A_146, %iota3A : vector<16xi32>
        %broadcast_in_dim3A_148 = arith.constant 0 : i32
        %broadcast_in_dim3A_149 = vector.broadcast %broadcast_in_dim3A_148 : i32 to vector<16xi32>
        %gather3A = tpu.vector_load_idx %arg17[%add3A_147, %broadcast_in_dim3A_149] : memref<128x128xf32, #tpu.memory_space<vmem>>[vector<16xi32>, vector<16xi32>], vector<16xf32>,
        %broadcast_in_dim3A_150 = arith.constant 1 : i32
        %broadcast_in_dim3A_151 = vector.broadcast %broadcast_in_dim3A_150 : i32 to vector<16xi32>
        %gather3A_152 = tpu.vector_load_idx %arg17[%add3A_147, %broadcast_in_dim3A_151] : memref<128x128xf32, #tpu.memory_space<vmem>>[vector<16xi32>, vector<16xi32>], vector<16xf32>,
        %broadcast_in_dim3A_153 = arith.constant 2 : i32
        %broadcast_in_dim3A_154 = vector.broadcast %broadcast_in_dim3A_153 : i32 to vector<16xi32>
        %gather3A_155 = tpu.vector_load_idx %arg17[%add3A_147, %broadcast_in_dim3A_154] : memref<128x128xf32, #tpu.memory_space<vmem>>[vector<16xi32>, vector<16xi32>], vector<16xf32>,
        %broadcast_in_dim3A_156 = arith.constant 3 : i32
        %broadcast_in_dim3A_157 = vector.broadcast %broadcast_in_dim3A_156 : i32 to vector<16xi32>
        %gather3A_158 = tpu.vector_load_idx %arg17[%add3A_147, %broadcast_in_dim3A_157] : memref<128x128xf32, #tpu.memory_space<vmem>>[vector<16xi32>, vector<16xi32>], vector<16xf32>,
        %broadcast_in_dim3A_159 = arith.constant 4 : i32
        %broadcast_in_dim3A_160 = vector.broadcast %broadcast_in_dim3A_159 : i32 to vector<16xi32>
        %gather3A_161 = tpu.vector_load_idx %arg17[%add3A_147, %broadcast_in_dim3A_160] : memref<128x128xf32, #tpu.memory_space<vmem>>[vector<16xi32>, vector<16xi32>], vector<16xf32>,
        %broadcast_in_dim3A_162 = arith.constant 5 : i32
        %broadcast_in_dim3A_163 = vector.broadcast %broadcast_in_dim3A_162 : i32 to vector<16xi32>
        %gather3A_164 = tpu.vector_load_idx %arg17[%add3A_147, %broadcast_in_dim3A_163] : memref<128x128xf32, #tpu.memory_space<vmem>>[vector<16xi32>, vector<16xi32>], vector<16xf32>,
        %broadcast_in_dim3A_165 = arith.constant 6 : i32
        %broadcast_in_dim3A_166 = vector.broadcast %broadcast_in_dim3A_165 : i32 to vector<16xi32>
        %gather3A_167 = tpu.vector_load_idx %arg17[%add3A_147, %broadcast_in_dim3A_166] : memref<128x128xf32, #tpu.memory_space<vmem>>[vector<16xi32>, vector<16xi32>], vector<16xf32>,
        %broadcast_in_dim3A_168 = arith.constant 7 : i32
        %broadcast_in_dim3A_169 = vector.broadcast %broadcast_in_dim3A_168 : i32 to vector<16xi32>
        %gather3A_170 = tpu.vector_load_idx %arg17[%add3A_147, %broadcast_in_dim3A_169] : memref<128x128xf32, #tpu.memory_space<vmem>>[vector<16xi32>, vector<16xi32>], vector<16xf32>,
        %broadcast_in_dim3A_171 = arith.constant 8 : i32
        %broadcast_in_dim3A_172 = vector.broadcast %broadcast_in_dim3A_171 : i32 to vector<16xi32>
        %gather3A_173 = tpu.vector_load_idx %arg17[%add3A_147, %broadcast_in_dim3A_172] : memref<128x128xf32, #tpu.memory_space<vmem>>[vector<16xi32>, vector<16xi32>], vector<16xf32>,
        %broadcast_in_dim3A_174 = arith.constant 9 : i32
        %broadcast_in_dim3A_175 = vector.broadcast %broadcast_in_dim3A_174 : i32 to vector<16xi32>
        %gather3A_176 = tpu.vector_load_idx %arg17[%add3A_147, %broadcast_in_dim3A_175] : memref<128x128xf32, #tpu.memory_space<vmem>>[vector<16xi32>, vector<16xi32>], vector<16xf32>,
        %broadcast_in_dim3A_177 = arith.constant 10 : i32
        %broadcast_in_dim3A_178 = vector.broadcast %broadcast_in_dim3A_177 : i32 to vector<16xi32>
        %gather3A_179 = tpu.vector_load_idx %arg17[%add3A_147, %broadcast_in_dim3A_178] : memref<128x128xf32, #tpu.memory_space<vmem>>[vector<16xi32>, vector<16xi32>], vector<16xf32>,
        %broadcast_in_dim3A_180 = arith.constant 11 : i32
        %broadcast_in_dim3A_181 = vector.broadcast %broadcast_in_dim3A_180 : i32 to vector<16xi32>
        %gather3A_182 = tpu.vector_load_idx %arg17[%add3A_147, %broadcast_in_dim3A_181] : memref<128x128xf32, #tpu.memory_space<vmem>>[vector<16xi32>, vector<16xi32>], vector<16xf32>,
        %broadcast_in_dim3A_183 = arith.constant 12 : i32
        %broadcast_in_dim3A_184 = vector.broadcast %broadcast_in_dim3A_183 : i32 to vector<16xi32>
        %gather3A_185 = tpu.vector_load_idx %arg17[%add3A_147, %broadcast_in_dim3A_184] : memref<128x128xf32, #tpu.memory_space<vmem>>[vector<16xi32>, vector<16xi32>], vector<16xf32>,
        %broadcast_in_dim3A_186 = arith.constant 13 : i32
        %broadcast_in_dim3A_187 = vector.broadcast %broadcast_in_dim3A_186 : i32 to vector<16xi32>
        %gather3A_188 = tpu.vector_load_idx %arg17[%add3A_147, %broadcast_in_dim3A_187] : memref<128x128xf32, #tpu.memory_space<vmem>>[vector<16xi32>, vector<16xi32>], vector<16xf32>,
        %broadcast_in_dim3A_189 = arith.constant 14 : i32
        %broadcast_in_dim3A_190 = vector.broadcast %broadcast_in_dim3A_189 : i32 to vector<16xi32>
        %gather3A_191 = tpu.vector_load_idx %arg17[%add3A_147, %broadcast_in_dim3A_190] : memref<128x128xf32, #tpu.memory_space<vmem>>[vector<16xi32>, vector<16xi32>], vector<16xf32>,
        %get3A = arith.index_cast %add3A_143 : i32 to index
        %get3A_192 = tpu.vector_load %arg12[%get3A] {strides = array<i32>} : memref<1664xf32, #tpu.memory_space<vmem>>, vector<16xf32>,
        %get3A_193 = arith.index_cast %add3A_143 : i32 to index
        %get3A_194 = tpu.vector_load %arg13[%get3A_193] {strides = array<i32>} : memref<1664xf32, #tpu.memory_space<vmem>>, vector<16xf32>,
        %get3A_195 = arith.index_cast %add3A_143 : i32 to index
        %get3A_196 = tpu.vector_load %arg14[%get3A_195] {strides = array<i32>} : memref<1664xf32, #tpu.memory_space<vmem>>, vector<16xf32>,
        %get3A_197 = arith.index_cast %add3A_143 : i32 to index
        %get3A_198 = tpu.vector_load %arg15[%get3A_197] {strides = array<i32>} : memref<1664xf32, #tpu.memory_space<vmem>>, vector<16xf32>,
        %sub3A = arith.subf %get3A_192, %gather3A : vector<16xf32>
        %sub3A_199 = arith.subf %get3A_194, %gather3A_152 : vector<16xf32>
        %sub3A_200 = arith.subf %get3A_196, %gather3A_155 : vector<16xf32>
        %mul3A_201 = arith.mulf %gather3A_167, %sub3A : vector<16xf32>
        %mul3A_202 = arith.mulf %gather3A_170, %sub3A_199 : vector<16xf32>
        %add3A_203 = arith.addf %mul3A_201, %mul3A_202 : vector<16xf32>
        %mul3A_204 = arith.mulf %gather3A_173, %sub3A_200 : vector<16xf32>
        %add3A_205 = arith.addf %add3A_203, %mul3A_204 : vector<16xf32>
        %mul3A_206 = arith.mulf %gather3A_176, %sub3A : vector<16xf32>
        %mul3A_207 = arith.mulf %gather3A_179, %sub3A_199 : vector<16xf32>
        %add3A_208 = arith.addf %mul3A_206, %mul3A_207 : vector<16xf32>
        %mul3A_209 = arith.mulf %gather3A_182, %sub3A_200 : vector<16xf32>
        %add3A_210 = arith.addf %add3A_208, %mul3A_209 : vector<16xf32>
        %mul3A_211 = arith.mulf %gather3A_185, %sub3A : vector<16xf32>
        %mul3A_212 = arith.mulf %gather3A_188, %sub3A_199 : vector<16xf32>
        %add3A_213 = arith.addf %mul3A_211, %mul3A_212 : vector<16xf32>
        %mul3A_214 = arith.mulf %gather3A_191, %sub3A_200 : vector<16xf32>
        %add3A_215 = arith.addf %add3A_213, %mul3A_214 : vector<16xf32>
        %add3A_216 = arith.addf %add3A_205, %gather3A : vector<16xf32>
        %add3A_217 = arith.addf %add3A_216, %gather3A_158 : vector<16xf32>
        %mul3A_218 = arith.mulf %get3A_198, %add3A_217 : vector<16xf32>
        %add3A_219 = arith.addf %add3A_210, %gather3A_152 : vector<16xf32>
        %add3A_220 = arith.addf %add3A_219, %gather3A_161 : vector<16xf32>
        %mul3A_221 = arith.mulf %get3A_198, %add3A_220 : vector<16xf32>
        %add3A_222 = arith.addf %add3A_215, %gather3A_155 : vector<16xf32>
        %add3A_223 = arith.addf %add3A_222, %gather3A_164 : vector<16xf32>
        %mul3A_224 = arith.mulf %get3A_198, %add3A_223 : vector<16xf32>
        %mul3A_225 = arith.constant 3 : i32
        %mul3A_226 = arith.muli %add3A_143, %mul3A_225 : i32
        %add3A_227 = vector.broadcast %mul3A_226 : i32 to vector<16xi32>
        %add3A_228 = arith.addi %mul3A_3, %add3A_227 : vector<16xi32>
        tpu.vector_store_idx %arg19[%add3A_228], %mul3A_218 {add = true} : memref<4992xf32, #tpu.memory_space<vmem>>[vector<16xi32>], vector<16xf32>,
        %add3A_229 = arith.constant 1 : i32
        %add3A_230 = vector.broadcast %add3A_229 : i32 to vector<16xi32>
        %add3A_231 = arith.addi %add3A_228, %add3A_230 : vector<16xi32>
        tpu.vector_store_idx %arg19[%add3A_231], %mul3A_221 {add = true} : memref<4992xf32, #tpu.memory_space<vmem>>[vector<16xi32>], vector<16xf32>,
        %add3A_232 = arith.constant 2 : i32
        %add3A_233 = vector.broadcast %add3A_232 : i32 to vector<16xi32>
        %add3A_234 = arith.addi %add3A_228, %add3A_233 : vector<16xi32>
        tpu.vector_store_idx %arg19[%add3A_234], %mul3A_224 {add = true} : memref<4992xf32, #tpu.memory_space<vmem>>[vector<16xi32>], vector<16xf32>,
      }
      %scan3A_137 = arith.constant 8 : i32
    }
    %scan3A_62 = arith.constant 6 : i32
    %add3A_63 = arith.constant 106496 : i32
    %add3A_64 = arith.addi %add3A_63, %mul3A_5 : i32
    %add3A_65 = arith.constant 1536 : i32
    %add3A_66 = arith.addi %add3A_64, %add3A_65 : i32
    "tpu.region"() ({
      %run_scoped3A = tpu.sem_alloc : memref<!tpu.dma_semaphore, #tpu.memory_space<semaphore_mem>>
      %dma_start3A_99 = tpu.memref_slice %arg4[%add3A_66] : memref<159744xi32, #tpu.memory_space<hbm>> -> memref<128xi32, #tpu.memory_space<hbm>>
      %dma_start3A_100 = tpu.memref_slice %arg4[%add3A_66] : memref<159744xi32, #tpu.memory_space<hbm>> -> memref<128xi32, #tpu.memory_space<hbm>>
      tpu.enqueue_dma source(%dma_start3A_100 : memref<128xi32, #tpu.memory_space<hbm>>) target(%arg10 : memref<128xi32, #tpu.memory_space<vmem>>) target_semaphore(%run_scoped3A : memref<!tpu.dma_semaphore, #tpu.memory_space<semaphore_mem>>)
      %dma_wait3A_101 = tpu.memref_slice %arg4[%add3A_66] : memref<159744xi32, #tpu.memory_space<hbm>> -> memref<128xi32, #tpu.memory_space<hbm>>
      %dma_wait3A_102 = tpu.memref_slice %arg4[%add3A_66] : memref<159744xi32, #tpu.memory_space<hbm>> -> memref<128xi32, #tpu.memory_space<hbm>>
      tpu.wait_dma2 semaphore(%run_scoped3A : memref<!tpu.dma_semaphore, #tpu.memory_space<semaphore_mem>>) src(%dma_wait3A_102 : memref<128xi32, #tpu.memory_space<hbm>>) dst(%arg10 : memref<128xi32, #tpu.memory_space<vmem>>)
      tpu.yield
    }) : () -> ()
    %dma_start3A_67 = arith.constant 0 : i32
    %dma_start3A_68 = arith.constant 0 : i32
    %dma_start3A_69 = tpu.memref_slice %arg2[%dma_start3A_67, %dma_start3A_68] : memref<28672x128xf32, #tpu.memory_space<hbm>> -> memref<28672x128xf32, #tpu.memory_space<hbm>>
    tpu.enqueue_indirect_dma source(%dma_start3A_69 : memref<28672x128xf32, #tpu.memory_space<hbm>>) target(%arg16 : memref<128x128xf32, #tpu.memory_space<vmem>>) offsets(%arg10 : memref<128xi32, #tpu.memory_space<vmem>>) semaphore(%arg22 : memref<!tpu.dma_semaphore, #tpu.memory_space<semaphore_mem>>)
    %dma_wait3A_70 = arith.constant 0 : i32
    %dma_wait3A_71 = arith.constant 0 : i32
    %dma_wait3A_72 = tpu.memref_slice %arg2[%dma_wait3A_70, %dma_wait3A_71] : memref<28672x128xf32, #tpu.memory_space<hbm>> -> memref<28672x128xf32, #tpu.memory_space<hbm>>
    tpu.wait_indirect_dma semaphore(%arg22 : memref<!tpu.dma_semaphore, #tpu.memory_space<semaphore_mem>>) src(%dma_wait3A_72 : memref<28672x128xf32, #tpu.memory_space<hbm>>) dst(%arg16 : memref<128x128xf32, #tpu.memory_space<vmem>>)
    %scan3A_73 = arith.constant 0 : i32
    %scan3A_74 = arith.constant 0 : i32
    %scan3A_75 = arith.constant 8 : i32
    %scan3A_76 = arith.addi %scan3A_74, %scan3A_75 : i32
    %scan3A_77 = arith.constant 1 : i32
    scf.for %scan3A_99 = %scan3A_74 to %scan3A_76 step %scan3A_77  : i32 {
      %mul3A_100 = arith.constant 16 : i32
      %mul3A_101 = arith.muli %scan3A_99, %mul3A_100 : i32
      %add3A_102 = arith.constant 1536 : i32
      %add3A_103 = arith.addi %add3A_102, %mul3A_101 : i32
      %mul3A_104 = arith.constant 16 : i32
      %mul3A_105 = arith.muli %scan3A_99, %mul3A_104 : i32
      %add3A_106 = vector.broadcast %mul3A_105 : i32 to vector<16xi32>
      %add3A_107 = arith.addi %add3A_106, %iota3A : vector<16xi32>
      %broadcast_in_dim3A_108 = arith.constant 0 : i32
      %broadcast_in_dim3A_109 = vector.broadcast %broadcast_in_dim3A_108 : i32 to vector<16xi32>
      %gather3A = tpu.vector_load_idx %arg16[%add3A_107, %broadcast_in_dim3A_109] : memref<128x128xf32, #tpu.memory_space<vmem>>[vector<16xi32>, vector<16xi32>], vector<16xf32>,
      %broadcast_in_dim3A_110 = arith.constant 1 : i32
      %broadcast_in_dim3A_111 = vector.broadcast %broadcast_in_dim3A_110 : i32 to vector<16xi32>
      %gather3A_112 = tpu.vector_load_idx %arg16[%add3A_107, %broadcast_in_dim3A_111] : memref<128x128xf32, #tpu.memory_space<vmem>>[vector<16xi32>, vector<16xi32>], vector<16xf32>,
      %broadcast_in_dim3A_113 = arith.constant 2 : i32
      %broadcast_in_dim3A_114 = vector.broadcast %broadcast_in_dim3A_113 : i32 to vector<16xi32>
      %gather3A_115 = tpu.vector_load_idx %arg16[%add3A_107, %broadcast_in_dim3A_114] : memref<128x128xf32, #tpu.memory_space<vmem>>[vector<16xi32>, vector<16xi32>], vector<16xf32>,
      %broadcast_in_dim3A_116 = arith.constant 3 : i32
      %broadcast_in_dim3A_117 = vector.broadcast %broadcast_in_dim3A_116 : i32 to vector<16xi32>
      %gather3A_118 = tpu.vector_load_idx %arg16[%add3A_107, %broadcast_in_dim3A_117] : memref<128x128xf32, #tpu.memory_space<vmem>>[vector<16xi32>, vector<16xi32>], vector<16xf32>,
      %broadcast_in_dim3A_119 = arith.constant 4 : i32
      %broadcast_in_dim3A_120 = vector.broadcast %broadcast_in_dim3A_119 : i32 to vector<16xi32>
      %gather3A_121 = tpu.vector_load_idx %arg16[%add3A_107, %broadcast_in_dim3A_120] : memref<128x128xf32, #tpu.memory_space<vmem>>[vector<16xi32>, vector<16xi32>], vector<16xf32>,
      %broadcast_in_dim3A_122 = arith.constant 5 : i32
      %broadcast_in_dim3A_123 = vector.broadcast %broadcast_in_dim3A_122 : i32 to vector<16xi32>
      %gather3A_124 = tpu.vector_load_idx %arg16[%add3A_107, %broadcast_in_dim3A_123] : memref<128x128xf32, #tpu.memory_space<vmem>>[vector<16xi32>, vector<16xi32>], vector<16xf32>,
      %broadcast_in_dim3A_125 = arith.constant 6 : i32
      %broadcast_in_dim3A_126 = vector.broadcast %broadcast_in_dim3A_125 : i32 to vector<16xi32>
      %gather3A_127 = tpu.vector_load_idx %arg16[%add3A_107, %broadcast_in_dim3A_126] : memref<128x128xf32, #tpu.memory_space<vmem>>[vector<16xi32>, vector<16xi32>], vector<16xf32>,
      %broadcast_in_dim3A_128 = arith.constant 7 : i32
      %broadcast_in_dim3A_129 = vector.broadcast %broadcast_in_dim3A_128 : i32 to vector<16xi32>
      %gather3A_130 = tpu.vector_load_idx %arg16[%add3A_107, %broadcast_in_dim3A_129] : memref<128x128xf32, #tpu.memory_space<vmem>>[vector<16xi32>, vector<16xi32>], vector<16xf32>,
      %broadcast_in_dim3A_131 = arith.constant 8 : i32
      %broadcast_in_dim3A_132 = vector.broadcast %broadcast_in_dim3A_131 : i32 to vector<16xi32>
      %gather3A_133 = tpu.vector_load_idx %arg16[%add3A_107, %broadcast_in_dim3A_132] : memref<128x128xf32, #tpu.memory_space<vmem>>[vector<16xi32>, vector<16xi32>], vector<16xf32>,
      %broadcast_in_dim3A_134 = arith.constant 9 : i32
      %broadcast_in_dim3A_135 = vector.broadcast %broadcast_in_dim3A_134 : i32 to vector<16xi32>
      %gather3A_136 = tpu.vector_load_idx %arg16[%add3A_107, %broadcast_in_dim3A_135] : memref<128x128xf32, #tpu.memory_space<vmem>>[vector<16xi32>, vector<16xi32>], vector<16xf32>,
      %broadcast_in_dim3A_137 = arith.constant 10 : i32
      %broadcast_in_dim3A_138 = vector.broadcast %broadcast_in_dim3A_137 : i32 to vector<16xi32>
      %gather3A_139 = tpu.vector_load_idx %arg16[%add3A_107, %broadcast_in_dim3A_138] : memref<128x128xf32, #tpu.memory_space<vmem>>[vector<16xi32>, vector<16xi32>], vector<16xf32>,
      %broadcast_in_dim3A_140 = arith.constant 11 : i32
      %broadcast_in_dim3A_141 = vector.broadcast %broadcast_in_dim3A_140 : i32 to vector<16xi32>
      %gather3A_142 = tpu.vector_load_idx %arg16[%add3A_107, %broadcast_in_dim3A_141] : memref<128x128xf32, #tpu.memory_space<vmem>>[vector<16xi32>, vector<16xi32>], vector<16xf32>,
      %broadcast_in_dim3A_143 = arith.constant 12 : i32
      %broadcast_in_dim3A_144 = vector.broadcast %broadcast_in_dim3A_143 : i32 to vector<16xi32>
      %gather3A_145 = tpu.vector_load_idx %arg16[%add3A_107, %broadcast_in_dim3A_144] : memref<128x128xf32, #tpu.memory_space<vmem>>[vector<16xi32>, vector<16xi32>], vector<16xf32>,
      %broadcast_in_dim3A_146 = arith.constant 13 : i32
      %broadcast_in_dim3A_147 = vector.broadcast %broadcast_in_dim3A_146 : i32 to vector<16xi32>
      %gather3A_148 = tpu.vector_load_idx %arg16[%add3A_107, %broadcast_in_dim3A_147] : memref<128x128xf32, #tpu.memory_space<vmem>>[vector<16xi32>, vector<16xi32>], vector<16xf32>,
      %broadcast_in_dim3A_149 = arith.constant 14 : i32
      %broadcast_in_dim3A_150 = vector.broadcast %broadcast_in_dim3A_149 : i32 to vector<16xi32>
      %gather3A_151 = tpu.vector_load_idx %arg16[%add3A_107, %broadcast_in_dim3A_150] : memref<128x128xf32, #tpu.memory_space<vmem>>[vector<16xi32>, vector<16xi32>], vector<16xf32>,
      %get3A = arith.index_cast %add3A_103 : i32 to index
      %get3A_152 = tpu.vector_load %arg12[%get3A] {strides = array<i32>} : memref<1664xf32, #tpu.memory_space<vmem>>, vector<16xf32>,
      %get3A_153 = arith.index_cast %add3A_103 : i32 to index
      %get3A_154 = tpu.vector_load %arg13[%get3A_153] {strides = array<i32>} : memref<1664xf32, #tpu.memory_space<vmem>>, vector<16xf32>,
      %get3A_155 = arith.index_cast %add3A_103 : i32 to index
      %get3A_156 = tpu.vector_load %arg14[%get3A_155] {strides = array<i32>} : memref<1664xf32, #tpu.memory_space<vmem>>, vector<16xf32>,
      %get3A_157 = arith.index_cast %add3A_103 : i32 to index
      %get3A_158 = tpu.vector_load %arg15[%get3A_157] {strides = array<i32>} : memref<1664xf32, #tpu.memory_space<vmem>>, vector<16xf32>,
      %sub3A = arith.subf %get3A_152, %gather3A : vector<16xf32>
      %sub3A_159 = arith.subf %get3A_154, %gather3A_112 : vector<16xf32>
      %sub3A_160 = arith.subf %get3A_156, %gather3A_115 : vector<16xf32>
      %mul3A_161 = arith.mulf %gather3A_127, %sub3A : vector<16xf32>
      %mul3A_162 = arith.mulf %gather3A_130, %sub3A_159 : vector<16xf32>
      %add3A_163 = arith.addf %mul3A_161, %mul3A_162 : vector<16xf32>
      %mul3A_164 = arith.mulf %gather3A_133, %sub3A_160 : vector<16xf32>
      %add3A_165 = arith.addf %add3A_163, %mul3A_164 : vector<16xf32>
      %mul3A_166 = arith.mulf %gather3A_136, %sub3A : vector<16xf32>
      %mul3A_167 = arith.mulf %gather3A_139, %sub3A_159 : vector<16xf32>
      %add3A_168 = arith.addf %mul3A_166, %mul3A_167 : vector<16xf32>
      %mul3A_169 = arith.mulf %gather3A_142, %sub3A_160 : vector<16xf32>
      %add3A_170 = arith.addf %add3A_168, %mul3A_169 : vector<16xf32>
      %mul3A_171 = arith.mulf %gather3A_145, %sub3A : vector<16xf32>
      %mul3A_172 = arith.mulf %gather3A_148, %sub3A_159 : vector<16xf32>
      %add3A_173 = arith.addf %mul3A_171, %mul3A_172 : vector<16xf32>
      %mul3A_174 = arith.mulf %gather3A_151, %sub3A_160 : vector<16xf32>
      %add3A_175 = arith.addf %add3A_173, %mul3A_174 : vector<16xf32>
      %add3A_176 = arith.addf %add3A_165, %gather3A : vector<16xf32>
      %add3A_177 = arith.addf %add3A_176, %gather3A_118 : vector<16xf32>
      %mul3A_178 = arith.mulf %get3A_158, %add3A_177 : vector<16xf32>
      %add3A_179 = arith.addf %add3A_170, %gather3A_112 : vector<16xf32>
      %add3A_180 = arith.addf %add3A_179, %gather3A_121 : vector<16xf32>
      %mul3A_181 = arith.mulf %get3A_158, %add3A_180 : vector<16xf32>
      %add3A_182 = arith.addf %add3A_175, %gather3A_115 : vector<16xf32>
      %add3A_183 = arith.addf %add3A_182, %gather3A_124 : vector<16xf32>
      %mul3A_184 = arith.mulf %get3A_158, %add3A_183 : vector<16xf32>
      %mul3A_185 = arith.constant 3 : i32
      %mul3A_186 = arith.muli %add3A_103, %mul3A_185 : i32
      %add3A_187 = vector.broadcast %mul3A_186 : i32 to vector<16xi32>
      %add3A_188 = arith.addi %mul3A_3, %add3A_187 : vector<16xi32>
      tpu.vector_store_idx %arg19[%add3A_188], %mul3A_178 {add = true} : memref<4992xf32, #tpu.memory_space<vmem>>[vector<16xi32>], vector<16xf32>,
      %add3A_189 = arith.constant 1 : i32
      %add3A_190 = vector.broadcast %add3A_189 : i32 to vector<16xi32>
      %add3A_191 = arith.addi %add3A_188, %add3A_190 : vector<16xi32>
      tpu.vector_store_idx %arg19[%add3A_191], %mul3A_181 {add = true} : memref<4992xf32, #tpu.memory_space<vmem>>[vector<16xi32>], vector<16xf32>,
      %add3A_192 = arith.constant 2 : i32
      %add3A_193 = vector.broadcast %add3A_192 : i32 to vector<16xi32>
      %add3A_194 = arith.addi %add3A_188, %add3A_193 : vector<16xi32>
      tpu.vector_store_idx %arg19[%add3A_194], %mul3A_184 {add = true} : memref<4992xf32, #tpu.memory_space<vmem>>[vector<16xi32>], vector<16xf32>,
    }
    %scan3A_78 = arith.constant 8 : i32
    %mul3A_79 = arith.constant 3 : i32
    %mul3A_80 = arith.muli %mul3A_5, %mul3A_79 : i32
    "tpu.region"() ({
      %run_scoped3A = tpu.sem_alloc : memref<!tpu.dma_semaphore, #tpu.memory_space<semaphore_mem>>
      %dma_start3A_99 = tpu.memref_slice %arg8[%mul3A_80] : memref<159744xf32, #tpu.memory_space<hbm>> -> memref<4992xf32, #tpu.memory_space<hbm>>
      %dma_start3A_100 = tpu.memref_slice %arg8[%mul3A_80] : memref<159744xf32, #tpu.memory_space<hbm>> -> memref<4992xf32, #tpu.memory_space<hbm>>
      tpu.enqueue_dma source(%arg19 : memref<4992xf32, #tpu.memory_space<vmem>>) target(%dma_start3A_100 : memref<4992xf32, #tpu.memory_space<hbm>>) target_semaphore(%run_scoped3A : memref<!tpu.dma_semaphore, #tpu.memory_space<semaphore_mem>>)
      %dma_wait3A_101 = tpu.memref_slice %arg8[%mul3A_80] : memref<159744xf32, #tpu.memory_space<hbm>> -> memref<4992xf32, #tpu.memory_space<hbm>>
      %dma_wait3A_102 = tpu.memref_slice %arg8[%mul3A_80] : memref<159744xf32, #tpu.memory_space<hbm>> -> memref<4992xf32, #tpu.memory_space<hbm>>
      tpu.wait_dma2 semaphore(%run_scoped3A : memref<!tpu.dma_semaphore, #tpu.memory_space<semaphore_mem>>) src(%arg19 : memref<4992xf32, #tpu.memory_space<vmem>>) dst(%dma_wait3A_102 : memref<4992xf32, #tpu.memory_space<hbm>>)
      tpu.yield
    }) : () -> ()
    %mul3A_81 = arith.constant 7168 : i32
    %mul3A_82 = arith.muli %add3A, %mul3A_81 : i32
    %broadcast_in_dim3A = arith.constant 0.000000e+00 : f32
    %broadcast_in_dim3A_83 = vector.broadcast %broadcast_in_dim3A : f32 to vector<16xf32>
    %broadcast_in_dim3A_84 = arith.constant 0.000000e+00 : f32
    %broadcast_in_dim3A_85 = vector.broadcast %broadcast_in_dim3A_84 : f32 to vector<16xf32>
    %scan3A_86 = arith.constant 0 : i32
    %scan3A_87 = arith.constant 7 : i32
    %scan3A_88 = arith.addi %scan3A_86, %scan3A_87 : i32
    %scan3A_89 = arith.constant 1 : i32
    %scan3A_90:2 = scf.for %scan3A_99 = %scan3A_86 to %scan3A_88 step %scan3A_89 iter_args(%scan3A_100 = %broadcast_in_dim3A_83, %scan3A_101 = %broadcast_in_dim3A_85) -> (vector<16xf32>, vector<16xf32>)  : i32 {
      %mul3A_102 = arith.constant 1024 : i32
      %mul3A_103 = arith.muli %scan3A_99, %mul3A_102 : i32
      %add3A_104 = arith.addi %mul3A_82, %mul3A_103 : i32
      "tpu.region"() ({
        %run_scoped3A = tpu.sem_alloc : memref<!tpu.dma_semaphore, #tpu.memory_space<semaphore_mem>>
        %dma_start3A_154 = tpu.memref_slice %arg7[%add3A_104] : memref<229376xi32, #tpu.memory_space<hbm>> -> memref<1024xi32, #tpu.memory_space<hbm>>
        %dma_start3A_155 = tpu.memref_slice %arg7[%add3A_104] : memref<229376xi32, #tpu.memory_space<hbm>> -> memref<1024xi32, #tpu.memory_space<hbm>>
        tpu.enqueue_dma source(%dma_start3A_155 : memref<1024xi32, #tpu.memory_space<hbm>>) target(%arg20 : memref<1024xi32, #tpu.memory_space<vmem>>) target_semaphore(%run_scoped3A : memref<!tpu.dma_semaphore, #tpu.memory_space<semaphore_mem>>)
        %dma_wait3A_156 = tpu.memref_slice %arg7[%add3A_104] : memref<229376xi32, #tpu.memory_space<hbm>> -> memref<1024xi32, #tpu.memory_space<hbm>>
        %dma_wait3A_157 = tpu.memref_slice %arg7[%add3A_104] : memref<229376xi32, #tpu.memory_space<hbm>> -> memref<1024xi32, #tpu.memory_space<hbm>>
        tpu.wait_dma2 semaphore(%run_scoped3A : memref<!tpu.dma_semaphore, #tpu.memory_space<semaphore_mem>>) src(%dma_wait3A_157 : memref<1024xi32, #tpu.memory_space<hbm>>) dst(%arg20 : memref<1024xi32, #tpu.memory_space<vmem>>)
        tpu.yield
      }) : () -> ()
      %jit3A = arith.constant 9 : i32
      %div3A = arith.divsi %add3A_104, %jit3A : i32
      %sign3A = arith.constant 0 : i32
      %sign3A_105 = arith.cmpi sgt, %add3A_104, %sign3A : i32
      %sign3A_106 = arith.extui %sign3A_105 : i1 to i32
      %sign3A_107 = arith.constant 0 : i32
      %sign3A_108 = arith.cmpi slt, %add3A_104, %sign3A_107 : i32
      %sign3A_109 = arith.extui %sign3A_108 : i1 to i32
      %sign3A_110 = arith.subi %sign3A_106, %sign3A_109 : i32
      %sign3A_111 = arith.constant 0 : i32
      %sign3A_112 = arith.cmpi sgt, %jit3A, %sign3A_111 : i32
      %sign3A_113 = arith.extui %sign3A_112 : i1 to i32
      %sign3A_114 = arith.constant 0 : i32
      %sign3A_115 = arith.cmpi slt, %jit3A, %sign3A_114 : i32
      %sign3A_116 = arith.extui %sign3A_115 : i1 to i32
      %sign3A_117 = arith.subi %sign3A_113, %sign3A_116 : i32
      %ne3A = arith.cmpi ne, %sign3A_110, %sign3A_117 : i32
      %rem3A = arith.remsi %add3A_104, %jit3A : i32
      %ne3A_118 = arith.constant 0 : i32
      %ne3A_119 = arith.cmpi ne, %rem3A, %ne3A_118 : i32
      %and3A = arith.andi %ne3A, %ne3A_119 : i1
      %sub3A = arith.constant 1 : i32
      %sub3A_120 = arith.subi %div3A, %sub3A : i32
      %select_n3A = arith.select %and3A, %sub3A_120, %div3A : i32
      %jit3A_121 = arith.constant 8 : i32
      %div3A_122 = arith.divsi %select_n3A, %jit3A_121 : i32
      %sign3A_123 = arith.constant 0 : i32
      %sign3A_124 = arith.cmpi sgt, %select_n3A, %sign3A_123 : i32
      %sign3A_125 = arith.extui %sign3A_124 : i1 to i32
      %sign3A_126 = arith.constant 0 : i32
      %sign3A_127 = arith.cmpi slt, %select_n3A, %sign3A_126 : i32
      %sign3A_128 = arith.extui %sign3A_127 : i1 to i32
      %sign3A_129 = arith.subi %sign3A_125, %sign3A_128 : i32
      %sign3A_130 = arith.constant 0 : i32
      %sign3A_131 = arith.cmpi sgt, %jit3A_121, %sign3A_130 : i32
      %sign3A_132 = arith.extui %sign3A_131 : i1 to i32
      %sign3A_133 = arith.constant 0 : i32
      %sign3A_134 = arith.cmpi slt, %jit3A_121, %sign3A_133 : i32
      %sign3A_135 = arith.extui %sign3A_134 : i1 to i32
      %sign3A_136 = arith.subi %sign3A_132, %sign3A_135 : i32
      %ne3A_137 = arith.cmpi ne, %sign3A_129, %sign3A_136 : i32
      %rem3A_138 = arith.remsi %select_n3A, %jit3A_121 : i32
      %ne3A_139 = arith.constant 0 : i32
      %ne3A_140 = arith.cmpi ne, %rem3A_138, %ne3A_139 : i32
      %and3A_141 = arith.andi %ne3A_137, %ne3A_140 : i1
      %sub3A_142 = arith.constant 1 : i32
      %sub3A_143 = arith.subi %div3A_122, %sub3A_142 : i32
      %select_n3A_144 = arith.select %and3A_141, %sub3A_143, %div3A_122 : i32
      %mul3A_145 = arith.constant 8 : i32
      %mul3A_146 = arith.muli %select_n3A_144, %mul3A_145 : i32
      %min3A = arith.constant 24992 : i32
      %min3A_147 = arith.minsi %mul3A_146, %min3A : i32
      %multiple_of3A = tpu.assume_multiple %min3A_147, 8 : i32
      "tpu.region"() ({
        %run_scoped3A = tpu.sem_alloc : memref<!tpu.dma_semaphore, #tpu.memory_space<semaphore_mem>>
        %dma_start3A_154 = arith.constant 0 : i32
        %dma_start3A_155 = tpu.memref_slice %arg2[%multiple_of3A, %dma_start3A_154] : memref<28672x128xf32, #tpu.memory_space<hbm>> -> memref<128x128xf32, #tpu.memory_space<hbm>>
        %dma_start3A_156 = arith.constant 0 : i32
        %dma_start3A_157 = tpu.memref_slice %arg2[%multiple_of3A, %dma_start3A_156] : memref<28672x128xf32, #tpu.memory_space<hbm>> -> memref<128x128xf32, #tpu.memory_space<hbm>>
        tpu.enqueue_dma source(%dma_start3A_157 : memref<128x128xf32, #tpu.memory_space<hbm>>) target(%arg18 : memref<128x128xf32, #tpu.memory_space<vmem>>) target_semaphore(%run_scoped3A : memref<!tpu.dma_semaphore, #tpu.memory_space<semaphore_mem>>)
        %dma_wait3A_158 = arith.constant 0 : i32
        %dma_wait3A_159 = tpu.memref_slice %arg2[%multiple_of3A, %dma_wait3A_158] : memref<28672x128xf32, #tpu.memory_space<hbm>> -> memref<128x128xf32, #tpu.memory_space<hbm>>
        %dma_wait3A_160 = arith.constant 0 : i32
        %dma_wait3A_161 = tpu.memref_slice %arg2[%multiple_of3A, %dma_wait3A_160] : memref<28672x128xf32, #tpu.memory_space<hbm>> -> memref<128x128xf32, #tpu.memory_space<hbm>>
        tpu.wait_dma2 semaphore(%run_scoped3A : memref<!tpu.dma_semaphore, #tpu.memory_space<semaphore_mem>>) src(%dma_wait3A_161 : memref<128x128xf32, #tpu.memory_space<hbm>>) dst(%arg18 : memref<128x128xf32, #tpu.memory_space<vmem>>)
        tpu.yield
      }) : () -> ()
      %scan3A_148 = arith.constant 0 : i32
      %scan3A_149 = arith.constant 4 : i32
      %scan3A_150 = arith.addi %scan3A_148, %scan3A_149 : i32
      %scan3A_151 = arith.constant 1 : i32
      %scan3A_152:2 = scf.for %scan3A_154 = %scan3A_148 to %scan3A_150 step %scan3A_151 iter_args(%scan3A_155 = %scan3A_100, %scan3A_156 = %scan3A_101) -> (vector<16xf32>, vector<16xf32>)  : i32 {
        %mul3A_157 = arith.constant 2 : i32
        %mul3A_158 = arith.muli %scan3A_154, %mul3A_157 : i32
        %mul3A_159 = arith.constant 128 : i32
        %mul3A_160 = arith.muli %mul3A_158, %mul3A_159 : i32
        %add3A_161 = arith.addi %add3A_104, %mul3A_160 : i32
        "tpu.region"() ({
          %run_scoped3A = tpu.sem_alloc : memref<!tpu.dma_semaphore, #tpu.memory_space<semaphore_mem>>
          %dma_start3A_193 = tpu.memref_slice %arg6[%add3A_161] : memref<229376xi32, #tpu.memory_space<hbm>> -> memref<128xi32, #tpu.memory_space<hbm>>
          %dma_start3A_194 = tpu.memref_slice %arg6[%add3A_161] : memref<229376xi32, #tpu.memory_space<hbm>> -> memref<128xi32, #tpu.memory_space<hbm>>
          tpu.enqueue_dma source(%dma_start3A_194 : memref<128xi32, #tpu.memory_space<hbm>>) target(%arg10 : memref<128xi32, #tpu.memory_space<vmem>>) target_semaphore(%run_scoped3A : memref<!tpu.dma_semaphore, #tpu.memory_space<semaphore_mem>>)
          %dma_wait3A_195 = tpu.memref_slice %arg6[%add3A_161] : memref<229376xi32, #tpu.memory_space<hbm>> -> memref<128xi32, #tpu.memory_space<hbm>>
          %dma_wait3A_196 = tpu.memref_slice %arg6[%add3A_161] : memref<229376xi32, #tpu.memory_space<hbm>> -> memref<128xi32, #tpu.memory_space<hbm>>
          tpu.wait_dma2 semaphore(%run_scoped3A : memref<!tpu.dma_semaphore, #tpu.memory_space<semaphore_mem>>) src(%dma_wait3A_196 : memref<128xi32, #tpu.memory_space<hbm>>) dst(%arg10 : memref<128xi32, #tpu.memory_space<vmem>>)
          tpu.yield
        }) : () -> ()
        %dma_start3A_162 = arith.constant 0 : i32
        %dma_start3A_163 = arith.constant 0 : i32
        %dma_start3A_164 = tpu.memref_slice %arg2[%dma_start3A_162, %dma_start3A_163] : memref<28672x128xf32, #tpu.memory_space<hbm>> -> memref<28672x128xf32, #tpu.memory_space<hbm>>
        tpu.enqueue_indirect_dma source(%dma_start3A_164 : memref<28672x128xf32, #tpu.memory_space<hbm>>) target(%arg16 : memref<128x128xf32, #tpu.memory_space<vmem>>) offsets(%arg10 : memref<128xi32, #tpu.memory_space<vmem>>) semaphore(%arg22 : memref<!tpu.dma_semaphore, #tpu.memory_space<semaphore_mem>>)
        %add3A_165 = arith.constant 1 : i32
        %add3A_166 = arith.addi %mul3A_158, %add3A_165 : i32
        %mul3A_167 = arith.constant 128 : i32
        %mul3A_168 = arith.muli %add3A_166, %mul3A_167 : i32
        %add3A_169 = arith.addi %add3A_104, %mul3A_168 : i32
        "tpu.region"() ({
          %run_scoped3A = tpu.sem_alloc : memref<!tpu.dma_semaphore, #tpu.memory_space<semaphore_mem>>
          %dma_start3A_193 = tpu.memref_slice %arg6[%add3A_169] : memref<229376xi32, #tpu.memory_space<hbm>> -> memref<128xi32, #tpu.memory_space<hbm>>
          %dma_start3A_194 = tpu.memref_slice %arg6[%add3A_169] : memref<229376xi32, #tpu.memory_space<hbm>> -> memref<128xi32, #tpu.memory_space<hbm>>
          tpu.enqueue_dma source(%dma_start3A_194 : memref<128xi32, #tpu.memory_space<hbm>>) target(%arg11 : memref<128xi32, #tpu.memory_space<vmem>>) target_semaphore(%run_scoped3A : memref<!tpu.dma_semaphore, #tpu.memory_space<semaphore_mem>>)
          %dma_wait3A_195 = tpu.memref_slice %arg6[%add3A_169] : memref<229376xi32, #tpu.memory_space<hbm>> -> memref<128xi32, #tpu.memory_space<hbm>>
          %dma_wait3A_196 = tpu.memref_slice %arg6[%add3A_169] : memref<229376xi32, #tpu.memory_space<hbm>> -> memref<128xi32, #tpu.memory_space<hbm>>
          tpu.wait_dma2 semaphore(%run_scoped3A : memref<!tpu.dma_semaphore, #tpu.memory_space<semaphore_mem>>) src(%dma_wait3A_196 : memref<128xi32, #tpu.memory_space<hbm>>) dst(%arg11 : memref<128xi32, #tpu.memory_space<vmem>>)
          tpu.yield
        }) : () -> ()
        %dma_start3A_170 = arith.constant 0 : i32
        %dma_start3A_171 = arith.constant 0 : i32
        %dma_start3A_172 = tpu.memref_slice %arg2[%dma_start3A_170, %dma_start3A_171] : memref<28672x128xf32, #tpu.memory_space<hbm>> -> memref<28672x128xf32, #tpu.memory_space<hbm>>
        tpu.enqueue_indirect_dma source(%dma_start3A_172 : memref<28672x128xf32, #tpu.memory_space<hbm>>) target(%arg17 : memref<128x128xf32, #tpu.memory_space<vmem>>) offsets(%arg11 : memref<128xi32, #tpu.memory_space<vmem>>) semaphore(%arg23 : memref<!tpu.dma_semaphore, #tpu.memory_space<semaphore_mem>>)
        %dma_wait3A_173 = arith.constant 0 : i32
        %dma_wait3A_174 = arith.constant 0 : i32
        %dma_wait3A_175 = tpu.memref_slice %arg2[%dma_wait3A_173, %dma_wait3A_174] : memref<28672x128xf32, #tpu.memory_space<hbm>> -> memref<28672x128xf32, #tpu.memory_space<hbm>>
        tpu.wait_indirect_dma semaphore(%arg22 : memref<!tpu.dma_semaphore, #tpu.memory_space<semaphore_mem>>) src(%dma_wait3A_175 : memref<28672x128xf32, #tpu.memory_space<hbm>>) dst(%arg16 : memref<128x128xf32, #tpu.memory_space<vmem>>)
        %scan3A_176 = arith.constant 0 : i32
        %scan3A_177 = arith.constant 8 : i32
        %scan3A_178 = arith.addi %scan3A_176, %scan3A_177 : i32
        %scan3A_179 = arith.constant 1 : i32
        %scan3A_180:2 = scf.for %scan3A_193 = %scan3A_176 to %scan3A_178 step %scan3A_179 iter_args(%scan3A_194 = %scan3A_155, %scan3A_195 = %scan3A_156) -> (vector<16xf32>, vector<16xf32>)  : i32 {
          %mul3A_196 = arith.constant 16 : i32
          %mul3A_197 = arith.muli %scan3A_193, %mul3A_196 : i32
          %add3A_198 = vector.broadcast %mul3A_197 : i32 to vector<16xi32>
          %add3A_199 = arith.addi %add3A_198, %iota3A : vector<16xi32>
          %mul3A_200 = arith.constant 128 : i32
          %mul3A_201 = arith.muli %mul3A_158, %mul3A_200 : i32
          %mul3A_202 = arith.constant 16 : i32
          %mul3A_203 = arith.muli %scan3A_193, %mul3A_202 : i32
          %add3A_204 = arith.addi %mul3A_201, %mul3A_203 : i32
          %get3A = arith.index_cast %add3A_204 : i32 to index
          %get3A_205 = tpu.vector_load %arg20[%get3A] {strides = array<i32>} : memref<1024xi32, #tpu.memory_space<vmem>>, vector<16xi32>,
          %sub3A_206 = vector.broadcast %multiple_of3A : i32 to vector<16xi32>
          %sub3A_207 = arith.subi %get3A_205, %sub3A_206 : vector<16xi32>
          %broadcast_in_dim3A_208 = arith.constant 0 : i32
          %broadcast_in_dim3A_209 = vector.broadcast %broadcast_in_dim3A_208 : i32 to vector<16xi32>
          %gather3A = tpu.vector_load_idx %arg18[%sub3A_207, %broadcast_in_dim3A_209] : memref<128x128xf32, #tpu.memory_space<vmem>>[vector<16xi32>, vector<16xi32>], vector<16xf32>,
          %broadcast_in_dim3A_210 = arith.constant 1 : i32
          %broadcast_in_dim3A_211 = vector.broadcast %broadcast_in_dim3A_210 : i32 to vector<16xi32>
          %gather3A_212 = tpu.vector_load_idx %arg18[%sub3A_207, %broadcast_in_dim3A_211] : memref<128x128xf32, #tpu.memory_space<vmem>>[vector<16xi32>, vector<16xi32>], vector<16xf32>,
          %broadcast_in_dim3A_213 = arith.constant 2 : i32
          %broadcast_in_dim3A_214 = vector.broadcast %broadcast_in_dim3A_213 : i32 to vector<16xi32>
          %gather3A_215 = tpu.vector_load_idx %arg18[%sub3A_207, %broadcast_in_dim3A_214] : memref<128x128xf32, #tpu.memory_space<vmem>>[vector<16xi32>, vector<16xi32>], vector<16xf32>,
          %broadcast_in_dim3A_216 = arith.constant 3 : i32
          %broadcast_in_dim3A_217 = vector.broadcast %broadcast_in_dim3A_216 : i32 to vector<16xi32>
          %gather3A_218 = tpu.vector_load_idx %arg18[%sub3A_207, %broadcast_in_dim3A_217] : memref<128x128xf32, #tpu.memory_space<vmem>>[vector<16xi32>, vector<16xi32>], vector<16xf32>,
          %broadcast_in_dim3A_219 = arith.constant 4 : i32
          %broadcast_in_dim3A_220 = vector.broadcast %broadcast_in_dim3A_219 : i32 to vector<16xi32>
          %gather3A_221 = tpu.vector_load_idx %arg18[%sub3A_207, %broadcast_in_dim3A_220] : memref<128x128xf32, #tpu.memory_space<vmem>>[vector<16xi32>, vector<16xi32>], vector<16xf32>,
          %broadcast_in_dim3A_222 = arith.constant 5 : i32
          %broadcast_in_dim3A_223 = vector.broadcast %broadcast_in_dim3A_222 : i32 to vector<16xi32>
          %gather3A_224 = tpu.vector_load_idx %arg18[%sub3A_207, %broadcast_in_dim3A_223] : memref<128x128xf32, #tpu.memory_space<vmem>>[vector<16xi32>, vector<16xi32>], vector<16xf32>,
          %broadcast_in_dim3A_225 = arith.constant 6 : i32
          %broadcast_in_dim3A_226 = vector.broadcast %broadcast_in_dim3A_225 : i32 to vector<16xi32>
          %gather3A_227 = tpu.vector_load_idx %arg18[%sub3A_207, %broadcast_in_dim3A_226] : memref<128x128xf32, #tpu.memory_space<vmem>>[vector<16xi32>, vector<16xi32>], vector<16xf32>,
          %broadcast_in_dim3A_228 = arith.constant 7 : i32
          %broadcast_in_dim3A_229 = vector.broadcast %broadcast_in_dim3A_228 : i32 to vector<16xi32>
          %gather3A_230 = tpu.vector_load_idx %arg18[%sub3A_207, %broadcast_in_dim3A_229] : memref<128x128xf32, #tpu.memory_space<vmem>>[vector<16xi32>, vector<16xi32>], vector<16xf32>,
          %broadcast_in_dim3A_231 = arith.constant 8 : i32
          %broadcast_in_dim3A_232 = vector.broadcast %broadcast_in_dim3A_231 : i32 to vector<16xi32>
          %gather3A_233 = tpu.vector_load_idx %arg18[%sub3A_207, %broadcast_in_dim3A_232] : memref<128x128xf32, #tpu.memory_space<vmem>>[vector<16xi32>, vector<16xi32>], vector<16xf32>,
          %broadcast_in_dim3A_234 = arith.constant 9 : i32
          %broadcast_in_dim3A_235 = vector.broadcast %broadcast_in_dim3A_234 : i32 to vector<16xi32>
          %gather3A_236 = tpu.vector_load_idx %arg18[%sub3A_207, %broadcast_in_dim3A_235] : memref<128x128xf32, #tpu.memory_space<vmem>>[vector<16xi32>, vector<16xi32>], vector<16xf32>,
          %broadcast_in_dim3A_237 = arith.constant 10 : i32
          %broadcast_in_dim3A_238 = vector.broadcast %broadcast_in_dim3A_237 : i32 to vector<16xi32>
          %gather3A_239 = tpu.vector_load_idx %arg18[%sub3A_207, %broadcast_in_dim3A_238] : memref<128x128xf32, #tpu.memory_space<vmem>>[vector<16xi32>, vector<16xi32>], vector<16xf32>,
          %broadcast_in_dim3A_240 = arith.constant 11 : i32
          %broadcast_in_dim3A_241 = vector.broadcast %broadcast_in_dim3A_240 : i32 to vector<16xi32>
          %gather3A_242 = tpu.vector_load_idx %arg18[%sub3A_207, %broadcast_in_dim3A_241] : memref<128x128xf32, #tpu.memory_space<vmem>>[vector<16xi32>, vector<16xi32>], vector<16xf32>,
          %broadcast_in_dim3A_243 = arith.constant 12 : i32
          %broadcast_in_dim3A_244 = vector.broadcast %broadcast_in_dim3A_243 : i32 to vector<16xi32>
          %gather3A_245 = tpu.vector_load_idx %arg18[%sub3A_207, %broadcast_in_dim3A_244] : memref<128x128xf32, #tpu.memory_space<vmem>>[vector<16xi32>, vector<16xi32>], vector<16xf32>,
          %broadcast_in_dim3A_246 = arith.constant 13 : i32
          %broadcast_in_dim3A_247 = vector.broadcast %broadcast_in_dim3A_246 : i32 to vector<16xi32>
          %gather3A_248 = tpu.vector_load_idx %arg18[%sub3A_207, %broadcast_in_dim3A_247] : memref<128x128xf32, #tpu.memory_space<vmem>>[vector<16xi32>, vector<16xi32>], vector<16xf32>,
          %broadcast_in_dim3A_249 = arith.constant 14 : i32
          %broadcast_in_dim3A_250 = vector.broadcast %broadcast_in_dim3A_249 : i32 to vector<16xi32>
          %gather3A_251 = tpu.vector_load_idx %arg18[%sub3A_207, %broadcast_in_dim3A_250] : memref<128x128xf32, #tpu.memory_space<vmem>>[vector<16xi32>, vector<16xi32>], vector<16xf32>,
          %broadcast_in_dim3A_252 = arith.constant 0 : i32
          %broadcast_in_dim3A_253 = vector.broadcast %broadcast_in_dim3A_252 : i32 to vector<16xi32>
          %gather3A_254 = tpu.vector_load_idx %arg16[%add3A_199, %broadcast_in_dim3A_253] : memref<128x128xf32, #tpu.memory_space<vmem>>[vector<16xi32>, vector<16xi32>], vector<16xf32>,
          %broadcast_in_dim3A_255 = arith.constant 1 : i32
          %broadcast_in_dim3A_256 = vector.broadcast %broadcast_in_dim3A_255 : i32 to vector<16xi32>
          %gather3A_257 = tpu.vector_load_idx %arg16[%add3A_199, %broadcast_in_dim3A_256] : memref<128x128xf32, #tpu.memory_space<vmem>>[vector<16xi32>, vector<16xi32>], vector<16xf32>,
          %broadcast_in_dim3A_258 = arith.constant 2 : i32
          %broadcast_in_dim3A_259 = vector.broadcast %broadcast_in_dim3A_258 : i32 to vector<16xi32>
          %gather3A_260 = tpu.vector_load_idx %arg16[%add3A_199, %broadcast_in_dim3A_259] : memref<128x128xf32, #tpu.memory_space<vmem>>[vector<16xi32>, vector<16xi32>], vector<16xf32>,
          %broadcast_in_dim3A_261 = arith.constant 3 : i32
          %broadcast_in_dim3A_262 = vector.broadcast %broadcast_in_dim3A_261 : i32 to vector<16xi32>
          %gather3A_263 = tpu.vector_load_idx %arg16[%add3A_199, %broadcast_in_dim3A_262] : memref<128x128xf32, #tpu.memory_space<vmem>>[vector<16xi32>, vector<16xi32>], vector<16xf32>,
          %broadcast_in_dim3A_264 = arith.constant 4 : i32
          %broadcast_in_dim3A_265 = vector.broadcast %broadcast_in_dim3A_264 : i32 to vector<16xi32>
          %gather3A_266 = tpu.vector_load_idx %arg16[%add3A_199, %broadcast_in_dim3A_265] : memref<128x128xf32, #tpu.memory_space<vmem>>[vector<16xi32>, vector<16xi32>], vector<16xf32>,
          %broadcast_in_dim3A_267 = arith.constant 5 : i32
          %broadcast_in_dim3A_268 = vector.broadcast %broadcast_in_dim3A_267 : i32 to vector<16xi32>
          %gather3A_269 = tpu.vector_load_idx %arg16[%add3A_199, %broadcast_in_dim3A_268] : memref<128x128xf32, #tpu.memory_space<vmem>>[vector<16xi32>, vector<16xi32>], vector<16xf32>,
          %broadcast_in_dim3A_270 = arith.constant 6 : i32
          %broadcast_in_dim3A_271 = vector.broadcast %broadcast_in_dim3A_270 : i32 to vector<16xi32>
          %gather3A_272 = tpu.vector_load_idx %arg16[%add3A_199, %broadcast_in_dim3A_271] : memref<128x128xf32, #tpu.memory_space<vmem>>[vector<16xi32>, vector<16xi32>], vector<16xf32>,
          %broadcast_in_dim3A_273 = arith.constant 7 : i32
          %broadcast_in_dim3A_274 = vector.broadcast %broadcast_in_dim3A_273 : i32 to vector<16xi32>
          %gather3A_275 = tpu.vector_load_idx %arg16[%add3A_199, %broadcast_in_dim3A_274] : memref<128x128xf32, #tpu.memory_space<vmem>>[vector<16xi32>, vector<16xi32>], vector<16xf32>,
          %broadcast_in_dim3A_276 = arith.constant 8 : i32
          %broadcast_in_dim3A_277 = vector.broadcast %broadcast_in_dim3A_276 : i32 to vector<16xi32>
          %gather3A_278 = tpu.vector_load_idx %arg16[%add3A_199, %broadcast_in_dim3A_277] : memref<128x128xf32, #tpu.memory_space<vmem>>[vector<16xi32>, vector<16xi32>], vector<16xf32>,
          %broadcast_in_dim3A_279 = arith.constant 9 : i32
          %broadcast_in_dim3A_280 = vector.broadcast %broadcast_in_dim3A_279 : i32 to vector<16xi32>
          %gather3A_281 = tpu.vector_load_idx %arg16[%add3A_199, %broadcast_in_dim3A_280] : memref<128x128xf32, #tpu.memory_space<vmem>>[vector<16xi32>, vector<16xi32>], vector<16xf32>,
          %broadcast_in_dim3A_282 = arith.constant 10 : i32
          %broadcast_in_dim3A_283 = vector.broadcast %broadcast_in_dim3A_282 : i32 to vector<16xi32>
          %gather3A_284 = tpu.vector_load_idx %arg16[%add3A_199, %broadcast_in_dim3A_283] : memref<128x128xf32, #tpu.memory_space<vmem>>[vector<16xi32>, vector<16xi32>], vector<16xf32>,
          %broadcast_in_dim3A_285 = arith.constant 11 : i32
          %broadcast_in_dim3A_286 = vector.broadcast %broadcast_in_dim3A_285 : i32 to vector<16xi32>
          %gather3A_287 = tpu.vector_load_idx %arg16[%add3A_199, %broadcast_in_dim3A_286] : memref<128x128xf32, #tpu.memory_space<vmem>>[vector<16xi32>, vector<16xi32>], vector<16xf32>,
          %broadcast_in_dim3A_288 = arith.constant 12 : i32
          %broadcast_in_dim3A_289 = vector.broadcast %broadcast_in_dim3A_288 : i32 to vector<16xi32>
          %gather3A_290 = tpu.vector_load_idx %arg16[%add3A_199, %broadcast_in_dim3A_289] : memref<128x128xf32, #tpu.memory_space<vmem>>[vector<16xi32>, vector<16xi32>], vector<16xf32>,
          %broadcast_in_dim3A_291 = arith.constant 13 : i32
          %broadcast_in_dim3A_292 = vector.broadcast %broadcast_in_dim3A_291 : i32 to vector<16xi32>
          %gather3A_293 = tpu.vector_load_idx %arg16[%add3A_199, %broadcast_in_dim3A_292] : memref<128x128xf32, #tpu.memory_space<vmem>>[vector<16xi32>, vector<16xi32>], vector<16xf32>,
          %broadcast_in_dim3A_294 = arith.constant 14 : i32
          %broadcast_in_dim3A_295 = vector.broadcast %broadcast_in_dim3A_294 : i32 to vector<16xi32>
          %gather3A_296 = tpu.vector_load_idx %arg16[%add3A_199, %broadcast_in_dim3A_295] : memref<128x128xf32, #tpu.memory_space<vmem>>[vector<16xi32>, vector<16xi32>], vector<16xf32>,
          %sub3A_297 = arith.subf %gather3A, %gather3A_254 : vector<16xf32>
          %sub3A_298 = arith.subf %gather3A_212, %gather3A_257 : vector<16xf32>
          %sub3A_299 = arith.subf %gather3A_215, %gather3A_260 : vector<16xf32>
          %mul3A_300 = arith.mulf %gather3A_227, %sub3A_297 : vector<16xf32>
          %mul3A_301 = arith.mulf %gather3A_230, %sub3A_298 : vector<16xf32>
          %add3A_302 = arith.addf %mul3A_300, %mul3A_301 : vector<16xf32>
          %mul3A_303 = arith.mulf %gather3A_233, %sub3A_299 : vector<16xf32>
          %add3A_304 = arith.addf %add3A_302, %mul3A_303 : vector<16xf32>
          %mul3A_305 = arith.mulf %gather3A_236, %sub3A_297 : vector<16xf32>
          %mul3A_306 = arith.mulf %gather3A_239, %sub3A_298 : vector<16xf32>
          %add3A_307 = arith.addf %mul3A_305, %mul3A_306 : vector<16xf32>
          %mul3A_308 = arith.mulf %gather3A_242, %sub3A_299 : vector<16xf32>
          %add3A_309 = arith.addf %add3A_307, %mul3A_308 : vector<16xf32>
          %mul3A_310 = arith.mulf %gather3A_245, %sub3A_297 : vector<16xf32>
          %mul3A_311 = arith.mulf %gather3A_248, %sub3A_298 : vector<16xf32>
          %add3A_312 = arith.addf %mul3A_310, %mul3A_311 : vector<16xf32>
          %mul3A_313 = arith.mulf %gather3A_251, %sub3A_299 : vector<16xf32>
          %add3A_314 = arith.addf %add3A_312, %mul3A_313 : vector<16xf32>
          %sub3A_315 = arith.subf %gather3A_218, %gather3A_263 : vector<16xf32>
          %add3A_316 = arith.addf %sub3A_297, %sub3A_315 : vector<16xf32>
          %sub3A_317 = arith.subf %add3A_316, %add3A_304 : vector<16xf32>
          %sub3A_318 = arith.subf %gather3A_221, %gather3A_266 : vector<16xf32>
          %add3A_319 = arith.addf %sub3A_298, %sub3A_318 : vector<16xf32>
          %sub3A_320 = arith.subf %add3A_319, %add3A_309 : vector<16xf32>
          %sub3A_321 = arith.subf %gather3A_224, %gather3A_269 : vector<16xf32>
          %add3A_322 = arith.addf %sub3A_299, %sub3A_321 : vector<16xf32>
          %sub3A_323 = arith.subf %add3A_322, %add3A_314 : vector<16xf32>
          %mul3A_324 = arith.mulf %sub3A_317, %sub3A_317 : vector<16xf32>
          %add3A_325 = arith.addf %scan3A_194, %mul3A_324 : vector<16xf32>
          %mul3A_326 = arith.mulf %sub3A_320, %sub3A_320 : vector<16xf32>
          %add3A_327 = arith.addf %add3A_325, %mul3A_326 : vector<16xf32>
          %mul3A_328 = arith.mulf %sub3A_323, %sub3A_323 : vector<16xf32>
          %add3A_329 = arith.addf %add3A_327, %mul3A_328 : vector<16xf32>
          %sub3A_330 = arith.subf %gather3A_227, %gather3A_272 : vector<16xf32>
          %mul3A_331 = arith.mulf %sub3A_330, %sub3A_330 : vector<16xf32>
          %add3A_332 = arith.addf %scan3A_195, %mul3A_331 : vector<16xf32>
          %sub3A_333 = arith.subf %gather3A_230, %gather3A_275 : vector<16xf32>
          %mul3A_334 = arith.mulf %sub3A_333, %sub3A_333 : vector<16xf32>
          %add3A_335 = arith.addf %add3A_332, %mul3A_334 : vector<16xf32>
          %sub3A_336 = arith.subf %gather3A_233, %gather3A_278 : vector<16xf32>
          %mul3A_337 = arith.mulf %sub3A_336, %sub3A_336 : vector<16xf32>
          %add3A_338 = arith.addf %add3A_335, %mul3A_337 : vector<16xf32>
          %sub3A_339 = arith.subf %gather3A_236, %gather3A_281 : vector<16xf32>
          %mul3A_340 = arith.mulf %sub3A_339, %sub3A_339 : vector<16xf32>
          %add3A_341 = arith.addf %add3A_338, %mul3A_340 : vector<16xf32>
          %sub3A_342 = arith.subf %gather3A_239, %gather3A_284 : vector<16xf32>
          %mul3A_343 = arith.mulf %sub3A_342, %sub3A_342 : vector<16xf32>
          %add3A_344 = arith.addf %add3A_341, %mul3A_343 : vector<16xf32>
          %sub3A_345 = arith.subf %gather3A_242, %gather3A_287 : vector<16xf32>
          %mul3A_346 = arith.mulf %sub3A_345, %sub3A_345 : vector<16xf32>
          %add3A_347 = arith.addf %add3A_344, %mul3A_346 : vector<16xf32>
          %sub3A_348 = arith.subf %gather3A_245, %gather3A_290 : vector<16xf32>
          %mul3A_349 = arith.mulf %sub3A_348, %sub3A_348 : vector<16xf32>
          %add3A_350 = arith.addf %add3A_347, %mul3A_349 : vector<16xf32>
          %sub3A_351 = arith.subf %gather3A_248, %gather3A_293 : vector<16xf32>
          %mul3A_352 = arith.mulf %sub3A_351, %sub3A_351 : vector<16xf32>
          %add3A_353 = arith.addf %add3A_350, %mul3A_352 : vector<16xf32>
          %sub3A_354 = arith.subf %gather3A_251, %gather3A_296 : vector<16xf32>
          %mul3A_355 = arith.mulf %sub3A_354, %sub3A_354 : vector<16xf32>
          %add3A_356 = arith.addf %add3A_353, %mul3A_355 : vector<16xf32>
          scf.yield %add3A_329, %add3A_356 : vector<16xf32>, vector<16xf32>
        }
        %scan3A_181 = arith.constant 8 : i32
        %dma_wait3A_182 = arith.constant 0 : i32
        %dma_wait3A_183 = arith.constant 0 : i32
        %dma_wait3A_184 = tpu.memref_slice %arg2[%dma_wait3A_182, %dma_wait3A_183] : memref<28672x128xf32, #tpu.memory_space<hbm>> -> memref<28672x128xf32, #tpu.memory_space<hbm>>
        tpu.wait_indirect_dma semaphore(%arg23 : memref<!tpu.dma_semaphore, #tpu.memory_space<semaphore_mem>>) src(%dma_wait3A_184 : memref<28672x128xf32, #tpu.memory_space<hbm>>) dst(%arg17 : memref<128x128xf32, #tpu.memory_space<vmem>>)
        %add3A_185 = arith.constant 1 : i32
        %add3A_186 = arith.addi %mul3A_158, %add3A_185 : i32
        %scan3A_187 = arith.constant 0 : i32
        %scan3A_188 = arith.constant 8 : i32
        %scan3A_189 = arith.addi %scan3A_187, %scan3A_188 : i32
        %scan3A_190 = arith.constant 1 : i32
        %scan3A_191:2 = scf.for %scan3A_193 = %scan3A_187 to %scan3A_189 step %scan3A_190 iter_args(%scan3A_194 = %scan3A_180#0, %scan3A_195 = %scan3A_180#1) -> (vector<16xf32>, vector<16xf32>)  : i32 {
          %mul3A_196 = arith.constant 16 : i32
          %mul3A_197 = arith.muli %scan3A_193, %mul3A_196 : i32
          %add3A_198 = vector.broadcast %mul3A_197 : i32 to vector<16xi32>
          %add3A_199 = arith.addi %add3A_198, %iota3A : vector<16xi32>
          %mul3A_200 = arith.constant 128 : i32
          %mul3A_201 = arith.muli %add3A_186, %mul3A_200 : i32
          %mul3A_202 = arith.constant 16 : i32
          %mul3A_203 = arith.muli %scan3A_193, %mul3A_202 : i32
          %add3A_204 = arith.addi %mul3A_201, %mul3A_203 : i32
          %get3A = arith.index_cast %add3A_204 : i32 to index
          %get3A_205 = tpu.vector_load %arg20[%get3A] {strides = array<i32>} : memref<1024xi32, #tpu.memory_space<vmem>>, vector<16xi32>,
          %sub3A_206 = vector.broadcast %multiple_of3A : i32 to vector<16xi32>
          %sub3A_207 = arith.subi %get3A_205, %sub3A_206 : vector<16xi32>
          %broadcast_in_dim3A_208 = arith.constant 0 : i32
          %broadcast_in_dim3A_209 = vector.broadcast %broadcast_in_dim3A_208 : i32 to vector<16xi32>
          %gather3A = tpu.vector_load_idx %arg18[%sub3A_207, %broadcast_in_dim3A_209] : memref<128x128xf32, #tpu.memory_space<vmem>>[vector<16xi32>, vector<16xi32>], vector<16xf32>,
          %broadcast_in_dim3A_210 = arith.constant 1 : i32
          %broadcast_in_dim3A_211 = vector.broadcast %broadcast_in_dim3A_210 : i32 to vector<16xi32>
          %gather3A_212 = tpu.vector_load_idx %arg18[%sub3A_207, %broadcast_in_dim3A_211] : memref<128x128xf32, #tpu.memory_space<vmem>>[vector<16xi32>, vector<16xi32>], vector<16xf32>,
          %broadcast_in_dim3A_213 = arith.constant 2 : i32
          %broadcast_in_dim3A_214 = vector.broadcast %broadcast_in_dim3A_213 : i32 to vector<16xi32>
          %gather3A_215 = tpu.vector_load_idx %arg18[%sub3A_207, %broadcast_in_dim3A_214] : memref<128x128xf32, #tpu.memory_space<vmem>>[vector<16xi32>, vector<16xi32>], vector<16xf32>,
          %broadcast_in_dim3A_216 = arith.constant 3 : i32
          %broadcast_in_dim3A_217 = vector.broadcast %broadcast_in_dim3A_216 : i32 to vector<16xi32>
          %gather3A_218 = tpu.vector_load_idx %arg18[%sub3A_207, %broadcast_in_dim3A_217] : memref<128x128xf32, #tpu.memory_space<vmem>>[vector<16xi32>, vector<16xi32>], vector<16xf32>,
          %broadcast_in_dim3A_219 = arith.constant 4 : i32
          %broadcast_in_dim3A_220 = vector.broadcast %broadcast_in_dim3A_219 : i32 to vector<16xi32>
          %gather3A_221 = tpu.vector_load_idx %arg18[%sub3A_207, %broadcast_in_dim3A_220] : memref<128x128xf32, #tpu.memory_space<vmem>>[vector<16xi32>, vector<16xi32>], vector<16xf32>,
          %broadcast_in_dim3A_222 = arith.constant 5 : i32
          %broadcast_in_dim3A_223 = vector.broadcast %broadcast_in_dim3A_222 : i32 to vector<16xi32>
          %gather3A_224 = tpu.vector_load_idx %arg18[%sub3A_207, %broadcast_in_dim3A_223] : memref<128x128xf32, #tpu.memory_space<vmem>>[vector<16xi32>, vector<16xi32>], vector<16xf32>,
          %broadcast_in_dim3A_225 = arith.constant 6 : i32
          %broadcast_in_dim3A_226 = vector.broadcast %broadcast_in_dim3A_225 : i32 to vector<16xi32>
          %gather3A_227 = tpu.vector_load_idx %arg18[%sub3A_207, %broadcast_in_dim3A_226] : memref<128x128xf32, #tpu.memory_space<vmem>>[vector<16xi32>, vector<16xi32>], vector<16xf32>,
          %broadcast_in_dim3A_228 = arith.constant 7 : i32
          %broadcast_in_dim3A_229 = vector.broadcast %broadcast_in_dim3A_228 : i32 to vector<16xi32>
          %gather3A_230 = tpu.vector_load_idx %arg18[%sub3A_207, %broadcast_in_dim3A_229] : memref<128x128xf32, #tpu.memory_space<vmem>>[vector<16xi32>, vector<16xi32>], vector<16xf32>,
          %broadcast_in_dim3A_231 = arith.constant 8 : i32
          %broadcast_in_dim3A_232 = vector.broadcast %broadcast_in_dim3A_231 : i32 to vector<16xi32>
          %gather3A_233 = tpu.vector_load_idx %arg18[%sub3A_207, %broadcast_in_dim3A_232] : memref<128x128xf32, #tpu.memory_space<vmem>>[vector<16xi32>, vector<16xi32>], vector<16xf32>,
          %broadcast_in_dim3A_234 = arith.constant 9 : i32
          %broadcast_in_dim3A_235 = vector.broadcast %broadcast_in_dim3A_234 : i32 to vector<16xi32>
          %gather3A_236 = tpu.vector_load_idx %arg18[%sub3A_207, %broadcast_in_dim3A_235] : memref<128x128xf32, #tpu.memory_space<vmem>>[vector<16xi32>, vector<16xi32>], vector<16xf32>,
          %broadcast_in_dim3A_237 = arith.constant 10 : i32
          %broadcast_in_dim3A_238 = vector.broadcast %broadcast_in_dim3A_237 : i32 to vector<16xi32>
          %gather3A_239 = tpu.vector_load_idx %arg18[%sub3A_207, %broadcast_in_dim3A_238] : memref<128x128xf32, #tpu.memory_space<vmem>>[vector<16xi32>, vector<16xi32>], vector<16xf32>,
          %broadcast_in_dim3A_240 = arith.constant 11 : i32
          %broadcast_in_dim3A_241 = vector.broadcast %broadcast_in_dim3A_240 : i32 to vector<16xi32>
          %gather3A_242 = tpu.vector_load_idx %arg18[%sub3A_207, %broadcast_in_dim3A_241] : memref<128x128xf32, #tpu.memory_space<vmem>>[vector<16xi32>, vector<16xi32>], vector<16xf32>,
          %broadcast_in_dim3A_243 = arith.constant 12 : i32
          %broadcast_in_dim3A_244 = vector.broadcast %broadcast_in_dim3A_243 : i32 to vector<16xi32>
          %gather3A_245 = tpu.vector_load_idx %arg18[%sub3A_207, %broadcast_in_dim3A_244] : memref<128x128xf32, #tpu.memory_space<vmem>>[vector<16xi32>, vector<16xi32>], vector<16xf32>,
          %broadcast_in_dim3A_246 = arith.constant 13 : i32
          %broadcast_in_dim3A_247 = vector.broadcast %broadcast_in_dim3A_246 : i32 to vector<16xi32>
          %gather3A_248 = tpu.vector_load_idx %arg18[%sub3A_207, %broadcast_in_dim3A_247] : memref<128x128xf32, #tpu.memory_space<vmem>>[vector<16xi32>, vector<16xi32>], vector<16xf32>,
          %broadcast_in_dim3A_249 = arith.constant 14 : i32
          %broadcast_in_dim3A_250 = vector.broadcast %broadcast_in_dim3A_249 : i32 to vector<16xi32>
          %gather3A_251 = tpu.vector_load_idx %arg18[%sub3A_207, %broadcast_in_dim3A_250] : memref<128x128xf32, #tpu.memory_space<vmem>>[vector<16xi32>, vector<16xi32>], vector<16xf32>,
          %broadcast_in_dim3A_252 = arith.constant 0 : i32
          %broadcast_in_dim3A_253 = vector.broadcast %broadcast_in_dim3A_252 : i32 to vector<16xi32>
          %gather3A_254 = tpu.vector_load_idx %arg17[%add3A_199, %broadcast_in_dim3A_253] : memref<128x128xf32, #tpu.memory_space<vmem>>[vector<16xi32>, vector<16xi32>], vector<16xf32>,
          %broadcast_in_dim3A_255 = arith.constant 1 : i32
          %broadcast_in_dim3A_256 = vector.broadcast %broadcast_in_dim3A_255 : i32 to vector<16xi32>
          %gather3A_257 = tpu.vector_load_idx %arg17[%add3A_199, %broadcast_in_dim3A_256] : memref<128x128xf32, #tpu.memory_space<vmem>>[vector<16xi32>, vector<16xi32>], vector<16xf32>,
          %broadcast_in_dim3A_258 = arith.constant 2 : i32
          %broadcast_in_dim3A_259 = vector.broadcast %broadcast_in_dim3A_258 : i32 to vector<16xi32>
          %gather3A_260 = tpu.vector_load_idx %arg17[%add3A_199, %broadcast_in_dim3A_259] : memref<128x128xf32, #tpu.memory_space<vmem>>[vector<16xi32>, vector<16xi32>], vector<16xf32>,
          %broadcast_in_dim3A_261 = arith.constant 3 : i32
          %broadcast_in_dim3A_262 = vector.broadcast %broadcast_in_dim3A_261 : i32 to vector<16xi32>
          %gather3A_263 = tpu.vector_load_idx %arg17[%add3A_199, %broadcast_in_dim3A_262] : memref<128x128xf32, #tpu.memory_space<vmem>>[vector<16xi32>, vector<16xi32>], vector<16xf32>,
          %broadcast_in_dim3A_264 = arith.constant 4 : i32
          %broadcast_in_dim3A_265 = vector.broadcast %broadcast_in_dim3A_264 : i32 to vector<16xi32>
          %gather3A_266 = tpu.vector_load_idx %arg17[%add3A_199, %broadcast_in_dim3A_265] : memref<128x128xf32, #tpu.memory_space<vmem>>[vector<16xi32>, vector<16xi32>], vector<16xf32>,
          %broadcast_in_dim3A_267 = arith.constant 5 : i32
          %broadcast_in_dim3A_268 = vector.broadcast %broadcast_in_dim3A_267 : i32 to vector<16xi32>
          %gather3A_269 = tpu.vector_load_idx %arg17[%add3A_199, %broadcast_in_dim3A_268] : memref<128x128xf32, #tpu.memory_space<vmem>>[vector<16xi32>, vector<16xi32>], vector<16xf32>,
          %broadcast_in_dim3A_270 = arith.constant 6 : i32
          %broadcast_in_dim3A_271 = vector.broadcast %broadcast_in_dim3A_270 : i32 to vector<16xi32>
          %gather3A_272 = tpu.vector_load_idx %arg17[%add3A_199, %broadcast_in_dim3A_271] : memref<128x128xf32, #tpu.memory_space<vmem>>[vector<16xi32>, vector<16xi32>], vector<16xf32>,
          %broadcast_in_dim3A_273 = arith.constant 7 : i32
          %broadcast_in_dim3A_274 = vector.broadcast %broadcast_in_dim3A_273 : i32 to vector<16xi32>
          %gather3A_275 = tpu.vector_load_idx %arg17[%add3A_199, %broadcast_in_dim3A_274] : memref<128x128xf32, #tpu.memory_space<vmem>>[vector<16xi32>, vector<16xi32>], vector<16xf32>,
          %broadcast_in_dim3A_276 = arith.constant 8 : i32
          %broadcast_in_dim3A_277 = vector.broadcast %broadcast_in_dim3A_276 : i32 to vector<16xi32>
          %gather3A_278 = tpu.vector_load_idx %arg17[%add3A_199, %broadcast_in_dim3A_277] : memref<128x128xf32, #tpu.memory_space<vmem>>[vector<16xi32>, vector<16xi32>], vector<16xf32>,
          %broadcast_in_dim3A_279 = arith.constant 9 : i32
          %broadcast_in_dim3A_280 = vector.broadcast %broadcast_in_dim3A_279 : i32 to vector<16xi32>
          %gather3A_281 = tpu.vector_load_idx %arg17[%add3A_199, %broadcast_in_dim3A_280] : memref<128x128xf32, #tpu.memory_space<vmem>>[vector<16xi32>, vector<16xi32>], vector<16xf32>,
          %broadcast_in_dim3A_282 = arith.constant 10 : i32
          %broadcast_in_dim3A_283 = vector.broadcast %broadcast_in_dim3A_282 : i32 to vector<16xi32>
          %gather3A_284 = tpu.vector_load_idx %arg17[%add3A_199, %broadcast_in_dim3A_283] : memref<128x128xf32, #tpu.memory_space<vmem>>[vector<16xi32>, vector<16xi32>], vector<16xf32>,
          %broadcast_in_dim3A_285 = arith.constant 11 : i32
          %broadcast_in_dim3A_286 = vector.broadcast %broadcast_in_dim3A_285 : i32 to vector<16xi32>
          %gather3A_287 = tpu.vector_load_idx %arg17[%add3A_199, %broadcast_in_dim3A_286] : memref<128x128xf32, #tpu.memory_space<vmem>>[vector<16xi32>, vector<16xi32>], vector<16xf32>,
          %broadcast_in_dim3A_288 = arith.constant 12 : i32
          %broadcast_in_dim3A_289 = vector.broadcast %broadcast_in_dim3A_288 : i32 to vector<16xi32>
          %gather3A_290 = tpu.vector_load_idx %arg17[%add3A_199, %broadcast_in_dim3A_289] : memref<128x128xf32, #tpu.memory_space<vmem>>[vector<16xi32>, vector<16xi32>], vector<16xf32>,
          %broadcast_in_dim3A_291 = arith.constant 13 : i32
          %broadcast_in_dim3A_292 = vector.broadcast %broadcast_in_dim3A_291 : i32 to vector<16xi32>
          %gather3A_293 = tpu.vector_load_idx %arg17[%add3A_199, %broadcast_in_dim3A_292] : memref<128x128xf32, #tpu.memory_space<vmem>>[vector<16xi32>, vector<16xi32>], vector<16xf32>,
          %broadcast_in_dim3A_294 = arith.constant 14 : i32
          %broadcast_in_dim3A_295 = vector.broadcast %broadcast_in_dim3A_294 : i32 to vector<16xi32>
          %gather3A_296 = tpu.vector_load_idx %arg17[%add3A_199, %broadcast_in_dim3A_295] : memref<128x128xf32, #tpu.memory_space<vmem>>[vector<16xi32>, vector<16xi32>], vector<16xf32>,
          %sub3A_297 = arith.subf %gather3A, %gather3A_254 : vector<16xf32>
          %sub3A_298 = arith.subf %gather3A_212, %gather3A_257 : vector<16xf32>
          %sub3A_299 = arith.subf %gather3A_215, %gather3A_260 : vector<16xf32>
          %mul3A_300 = arith.mulf %gather3A_227, %sub3A_297 : vector<16xf32>
          %mul3A_301 = arith.mulf %gather3A_230, %sub3A_298 : vector<16xf32>
          %add3A_302 = arith.addf %mul3A_300, %mul3A_301 : vector<16xf32>
          %mul3A_303 = arith.mulf %gather3A_233, %sub3A_299 : vector<16xf32>
          %add3A_304 = arith.addf %add3A_302, %mul3A_303 : vector<16xf32>
          %mul3A_305 = arith.mulf %gather3A_236, %sub3A_297 : vector<16xf32>
          %mul3A_306 = arith.mulf %gather3A_239, %sub3A_298 : vector<16xf32>
          %add3A_307 = arith.addf %mul3A_305, %mul3A_306 : vector<16xf32>
          %mul3A_308 = arith.mulf %gather3A_242, %sub3A_299 : vector<16xf32>
          %add3A_309 = arith.addf %add3A_307, %mul3A_308 : vector<16xf32>
          %mul3A_310 = arith.mulf %gather3A_245, %sub3A_297 : vector<16xf32>
          %mul3A_311 = arith.mulf %gather3A_248, %sub3A_298 : vector<16xf32>
          %add3A_312 = arith.addf %mul3A_310, %mul3A_311 : vector<16xf32>
          %mul3A_313 = arith.mulf %gather3A_251, %sub3A_299 : vector<16xf32>
          %add3A_314 = arith.addf %add3A_312, %mul3A_313 : vector<16xf32>
          %sub3A_315 = arith.subf %gather3A_218, %gather3A_263 : vector<16xf32>
          %add3A_316 = arith.addf %sub3A_297, %sub3A_315 : vector<16xf32>
          %sub3A_317 = arith.subf %add3A_316, %add3A_304 : vector<16xf32>
          %sub3A_318 = arith.subf %gather3A_221, %gather3A_266 : vector<16xf32>
          %add3A_319 = arith.addf %sub3A_298, %sub3A_318 : vector<16xf32>
          %sub3A_320 = arith.subf %add3A_319, %add3A_309 : vector<16xf32>
          %sub3A_321 = arith.subf %gather3A_224, %gather3A_269 : vector<16xf32>
          %add3A_322 = arith.addf %sub3A_299, %sub3A_321 : vector<16xf32>
          %sub3A_323 = arith.subf %add3A_322, %add3A_314 : vector<16xf32>
          %mul3A_324 = arith.mulf %sub3A_317, %sub3A_317 : vector<16xf32>
          %add3A_325 = arith.addf %scan3A_194, %mul3A_324 : vector<16xf32>
          %mul3A_326 = arith.mulf %sub3A_320, %sub3A_320 : vector<16xf32>
          %add3A_327 = arith.addf %add3A_325, %mul3A_326 : vector<16xf32>
          %mul3A_328 = arith.mulf %sub3A_323, %sub3A_323 : vector<16xf32>
          %add3A_329 = arith.addf %add3A_327, %mul3A_328 : vector<16xf32>
          %sub3A_330 = arith.subf %gather3A_227, %gather3A_272 : vector<16xf32>
          %mul3A_331 = arith.mulf %sub3A_330, %sub3A_330 : vector<16xf32>
          %add3A_332 = arith.addf %scan3A_195, %mul3A_331 : vector<16xf32>
          %sub3A_333 = arith.subf %gather3A_230, %gather3A_275 : vector<16xf32>
          %mul3A_334 = arith.mulf %sub3A_333, %sub3A_333 : vector<16xf32>
          %add3A_335 = arith.addf %add3A_332, %mul3A_334 : vector<16xf32>
          %sub3A_336 = arith.subf %gather3A_233, %gather3A_278 : vector<16xf32>
          %mul3A_337 = arith.mulf %sub3A_336, %sub3A_336 : vector<16xf32>
          %add3A_338 = arith.addf %add3A_335, %mul3A_337 : vector<16xf32>
          %sub3A_339 = arith.subf %gather3A_236, %gather3A_281 : vector<16xf32>
          %mul3A_340 = arith.mulf %sub3A_339, %sub3A_339 : vector<16xf32>
          %add3A_341 = arith.addf %add3A_338, %mul3A_340 : vector<16xf32>
          %sub3A_342 = arith.subf %gather3A_239, %gather3A_284 : vector<16xf32>
          %mul3A_343 = arith.mulf %sub3A_342, %sub3A_342 : vector<16xf32>
          %add3A_344 = arith.addf %add3A_341, %mul3A_343 : vector<16xf32>
          %sub3A_345 = arith.subf %gather3A_242, %gather3A_287 : vector<16xf32>
          %mul3A_346 = arith.mulf %sub3A_345, %sub3A_345 : vector<16xf32>
          %add3A_347 = arith.addf %add3A_344, %mul3A_346 : vector<16xf32>
          %sub3A_348 = arith.subf %gather3A_245, %gather3A_290 : vector<16xf32>
          %mul3A_349 = arith.mulf %sub3A_348, %sub3A_348 : vector<16xf32>
          %add3A_350 = arith.addf %add3A_347, %mul3A_349 : vector<16xf32>
          %sub3A_351 = arith.subf %gather3A_248, %gather3A_293 : vector<16xf32>
          %mul3A_352 = arith.mulf %sub3A_351, %sub3A_351 : vector<16xf32>
          %add3A_353 = arith.addf %add3A_350, %mul3A_352 : vector<16xf32>
          %sub3A_354 = arith.subf %gather3A_251, %gather3A_296 : vector<16xf32>
          %mul3A_355 = arith.mulf %sub3A_354, %sub3A_354 : vector<16xf32>
          %add3A_356 = arith.addf %add3A_353, %mul3A_355 : vector<16xf32>
          scf.yield %add3A_329, %add3A_356 : vector<16xf32>, vector<16xf32>
        }
        %scan3A_192 = arith.constant 8 : i32
        scf.yield %scan3A_191#0, %scan3A_191#1 : vector<16xf32>, vector<16xf32>
      }
      %scan3A_153 = arith.constant 4 : i32
      scf.yield %scan3A_152#0, %scan3A_152#1 : vector<16xf32>, vector<16xf32>
    }
    %scan3A_91 = arith.constant 7 : i32
    %swap3A = arith.constant 0 : index
    %swap3A_92 = tpu.vector_load %arg21[%swap3A] {strides = array<i32>} : memref<32xf32, #tpu.memory_space<vmem>>, vector<16xf32>,
    tpu.vector_store %arg21[%swap3A], %scan3A_90#0 {strides = array<i32>} : memref<32xf32, #tpu.memory_space<vmem>>, vector<16xf32>,
    %swap3A_93 = arith.constant 16 : index
    %swap3A_94 = tpu.vector_load %arg21[%swap3A_93] {strides = array<i32>} : memref<32xf32, #tpu.memory_space<vmem>>, vector<16xf32>,
    tpu.vector_store %arg21[%swap3A_93], %scan3A_90#1 {strides = array<i32>} : memref<32xf32, #tpu.memory_space<vmem>>, vector<16xf32>,
    %mul3A_95 = arith.constant 2 : i32
    %mul3A_96 = arith.muli %add3A, %mul3A_95 : i32
    %mul3A_97 = arith.constant 16 : i32
    %mul3A_98 = arith.muli %mul3A_96, %mul3A_97 : i32
    "tpu.region"() ({
      %run_scoped3A = tpu.sem_alloc : memref<!tpu.dma_semaphore, #tpu.memory_space<semaphore_mem>>
      %dma_start3A_99 = tpu.memref_slice %arg9[%mul3A_98] : memref<1024xf32, #tpu.memory_space<hbm>> -> memref<32xf32, #tpu.memory_space<hbm>>
      %dma_start3A_100 = tpu.memref_slice %arg9[%mul3A_98] : memref<1024xf32, #tpu.memory_space<hbm>> -> memref<32xf32, #tpu.memory_space<hbm>>
      tpu.enqueue_dma source(%arg21 : memref<32xf32, #tpu.memory_space<vmem>>) target(%dma_start3A_100 : memref<32xf32, #tpu.memory_space<hbm>>) target_semaphore(%run_scoped3A : memref<!tpu.dma_semaphore, #tpu.memory_space<semaphore_mem>>)
      %dma_wait3A_101 = tpu.memref_slice %arg9[%mul3A_98] : memref<1024xf32, #tpu.memory_space<hbm>> -> memref<32xf32, #tpu.memory_space<hbm>>
      %dma_wait3A_102 = tpu.memref_slice %arg9[%mul3A_98] : memref<1024xf32, #tpu.memory_space<hbm>> -> memref<32xf32, #tpu.memory_space<hbm>>
      tpu.wait_dma2 semaphore(%run_scoped3A : memref<!tpu.dma_semaphore, #tpu.memory_space<semaphore_mem>>) src(%arg21 : memref<32xf32, #tpu.memory_space<vmem>>) dst(%dma_wait3A_102 : memref<32xf32, #tpu.memory_space<hbm>>)
      tpu.yield
    }) : () -> ()
    return
  }
}

</mosaic_0001>

<sc_bundles>
// kernel: kernel.4.cloned.1.call-start
scs
__scs_entry_jumppad:
0x0: {  	(pc) =	sbr.rel $0x88, $3  }
0x1: {  	(tag) =	ssettag $0x0;
	lr =	simm.s32 $0x1  }
0x2: {  	[smem:$0x3F9A] =	sst lr;
	_ =	strace $0xD0000000  }
0x3: {  	_ = 	snop  }
0x4: {  	_ = 	snop  }
0x5: {  	_ = 	snop  }
0x6: {  	_ = 	snop  }
0x7: {  	_ = 	snop  }
__scs_overlays_trampoline_lowered:
0x8: {  	[smem:$0x3FA9] =	sst s0  }
0x9: {  	[smem:$0x3FAA] =	sst s1  }
0xa: {  	[smem:$0x3FAB] =	sst s2  }
0xb: {  	[smem:$0x3FAC] =	sst s3  }
0xc: {  	[smem:$0x3FAD] =	sst s4  }
0xd: {  	[smem:$0x3FAE] =	sst s5  }
0xe: {  	[smem:$0x3FAF] =	sst s6  }
0xf: {  	[smem:$0x3FB0] =	sst s7  }
0x10: {  	[smem:$0x3FB1] =	sst s8  }
0x11: {  	[smem:$0x3FB2] =	sst s9;
	s0 =	simm.s32 @!p0 $0x0  }
0x12: {  	s1 =	sld [smem:$0x3F98];
	s0 =	simm.s32 @p0 $0x1  }
0x13: {  	[smem:$0x3FB3] =	sst s0;
	s0 =	simm.s32 @!p1 $0x0  }
0x14: {  	s2 =	sld [smem:$0x3F97];
	s0 =	simm.s32 @p1 $0x1  }
0x15: {  	[smem:$0x3FB4] =	sst s0;
	s0 =	simm.s32 @!p2 $0x0  }
0x16: {  	s3 =	sld [smem:$0x3FDB];
	s0 =	simm.s32 @p2 $0x1  }
0x17: {  	s4 =	simm.s32 $0x1BF5;
	[smem:$0x3FB6] =	sst s0  }
0x18: {  	s0 =	sld [smem:$0x3F99];
	_ =	swait.ge [sflag:s4], $0x0  }
0x19: {  	s7 =	sld [smem:$0x3F9A]  }
0x1a: {  	s8 =	sadd.s32 $0xFFFFE003, lr  }
0x1b: {  	s9 =	sadd.s32 $0xFFFFFEF7, lr;
	s5 =	simm.s32 $0xFFFFFFFF;
	p2 =	slt.u32 s8, $0xFFFFF086  }
0x1c: {  	p1 =	slt.u32 s9, $0xF7A;
	s5 =	simm.s32 @!p2 $0x0  }
0x1d: {  	s5 =	simm.s32 @p1 $0x1;
	p0 =	seq.s32 s7, s2  }
0x1e: {  	s7 =	smul.u32 @!p0 $0xF7A, s2;
	p2 =	seq.s32 @!p0 s5, $0x0  }
0x1f: {  	s9 =	smul.u32 $0xF7A, s1;
	s8 =	simm.s32 @!p0 $0x1BF5;
	p2 =	por !p2, p0  }
0x20: {  	[sflag:s8] =	ssyncset.s32 @!p0 $0xFFFFF086;
	s6 =	sadd.s32 @!p0 s3, s7;
	s7 =	simm.s32 @!p0 $0x108  }
0x21: {  	s3 =	sadd.s32 s3, s9;
	s6 =	sadd.s32 @!p0 $0x88, s6;
	s7 =	simm.s32 @p2 $0x1082  }
0x22: {  	[simem:s7], [sflag:s8] =	dma.local @!p0 [hbm:s6], $0xF7A  }
0x23: {  	s9 =	sor.u32 $0xD0000000, s2;
	s6 =	simm.s32 $0x108;
	_ =	swait.ge @!p0 [sflag:s8], $0x0  }
0x24: {  	s3 =	sadd.s32 $0x88, s3;
	s6 =	simm.s32 @!p1 $0x1082;
	[sflag:s4] =	ssyncset.s32 $0xFFFFF086  }
0x25: {  	[simem:s6], [sflag:s4] =	dma.local [hbm:s3], $0xF7A  }
0x26: {  	[smem:$0x3F9A] =	sst s1;
	(tag) =	ssettag s2;
	_ =	strace s9  }
0x27: {  	s1 =	sld [smem:$0x3FAA]  }
0x28: {  	s2 =	sld [smem:$0x3FAB]  }
0x29: {  	s4 =	sld [smem:$0x3FAD]  }
0x2a: {  	p0 =	seq.s32 s5, $0x0;
	s5 =	sld [smem:$0x3FAE]  }
0x2b: {  	s6 =	sld [smem:$0x3FAF]  }
0x2c: {  	s7 =	sld [smem:$0x3FB0]  }
0x2d: {  	s3 =	simm.s32 $0x108;
	s8 =	sld [smem:$0x3FB1]  }
0x2e: {  	s3 =	simm.s32 @!p0 $0x1082;
	s9 =	sld [smem:$0x3FB2]  }
0x2f: {  	lr =	sadd.s32 s0, s3;
	s0 =	sld [smem:$0x3FA9]  }
0x30: {  	s3 =	sld [smem:$0x3FAC]  }
0x31: {  	[smem:$0x3FB5] =	sst s10  }
0x32: {  	s10 =	sld [smem:$0x3FB3];
	_ =	sdelay $0x3  }
0x33: {  	p0 =	seq.s32 s10, $0x1;
	s10 =	sld [smem:$0x3FB5];
	_ =	sdelay $0x3  }
0x34: {  	[smem:$0x3FB5] =	sst s10  }
0x35: {  	s10 =	sld [smem:$0x3FB4];
	_ =	sdelay $0x3  }
0x36: {  	p1 =	seq.s32 s10, $0x1;
	s10 =	sld [smem:$0x3FB5];
	_ =	sdelay $0x3  }
0x37: {  	[smem:$0x3FB5] =	sst s10  }
0x38: {  	s10 =	sld [smem:$0x3FB6]  }
0x39: {  	_ = 	snop;
	(pc) =	sbr.ind lr, $3  }
0x3a: {  	_ = 	snop  }
0x3b: {  	_ = 	snop  }
0x3c: {  	p2 =	seq.s32 s10, $0x1;
	s10 =	sld [smem:$0x3FB5]  }
0x3d: {  	_ =	shalt  }
0x3e: {  	_ =	shalt  }
0x3f: {  	_ =	shalt  }
0x40: {  	_ =	shalt  }
0x41: {  	_ =	shalt  }
0x42: {  	_ =	shalt  }
0x43: {  	_ =	shalt  }
0x44: {  	_ =	shalt  }
0x45: {  	_ =	shalt  }
0x46: {  	_ =	shalt  }
0x47: {  	_ =	shalt  }
0x48: {  	_ =	shalt  }
0x49: {  	_ =	shalt  }
0x4a: {  	_ =	shalt  }
0x4b: {  	_ =	shalt  }
0x4c: {  	_ =	shalt  }
0x4d: {  	_ =	shalt  }
0x4e: {  	_ =	shalt  }
0x4f: {  	_ =	shalt  }
0x50: {  	_ =	shalt  }
0x51: {  	_ =	shalt  }
0x52: {  	_ =	shalt  }
0x53: {  	_ =	shalt  }
0x54: {  	_ =	shalt  }
0x55: {  	_ =	shalt  }
0x56: {  	_ =	shalt  }
0x57: {  	_ =	shalt  }
0x58: {  	_ =	shalt  }
0x59: {  	_ =	shalt  }
0x5a: {  	_ =	shalt  }
0x5b: {  	_ =	shalt  }
0x5c: {  	_ =	shalt  }
0x5d: {  	_ =	shalt  }
0x5e: {  	_ =	shalt  }
0x5f: {  	_ =	shalt  }
0x60: {  	_ =	shalt  }
0x61: {  	_ =	shalt  }
0x62: {  	_ =	shalt  }
0x63: {  	_ =	shalt  }
0x64: {  	_ =	shalt  }
0x65: {  	_ =	shalt  }
0x66: {  	_ =	shalt  }
0x67: {  	_ =	shalt  }
0x68: {  	_ =	shalt  }
0x69: {  	_ =	shalt  }
0x6a: {  	_ =	shalt  }
0x6b: {  	_ =	shalt  }
0x6c: {  	_ =	shalt  }
0x6d: {  	_ =	shalt  }
0x6e: {  	_ =	shalt  }
0x6f: {  	_ =	shalt  }
0x70: {  	_ =	shalt  }
0x71: {  	_ =	shalt  }
0x72: {  	_ =	shalt  }
0x73: {  	_ =	shalt  }
0x74: {  	_ =	shalt  }
0x75: {  	_ =	shalt  }
0x76: {  	_ =	shalt  }
0x77: {  	_ =	shalt  }
0x78: {  	_ =	shalt  }
0x79: {  	_ =	shalt  }
0x7a: {  	_ =	shalt  }
0x7b: {  	_ =	shalt  }
0x7c: {  	_ =	shalt  }
0x7d: {  	_ =	shalt  }
0x7e: {  	_ =	shalt  }
0x7f: {  	_ =	shalt  }
0x80: {  	_ =	shalt  }
0x81: {  	_ =	shalt  }
0x82: {  	_ =	shalt  }
0x83: {  	_ =	shalt  }
0x84: {  	_ =	shalt  }
0x85: {  	_ =	shalt  }
0x86: {  	_ =	shalt  }
0x87: {  	_ =	shalt  }
.Lfunc_end0:
.L_simem_size_0:
called_computation_lowered:
.L_overlay_start_0:
0x88: {  	s2 =	sld [smem:$0x3FD9]  }
0x89: {  	s3 =	sld [smem:$0x3FFE];
	_ =	sdelay $0x1  }
0x8a: {  	s1 =	srdreg.scid  }
0x8b: {  	s0 =	sand.u32 $0x1, s1  }
0x8c: {  	s14 =	sshll.u32 s0, $0xA;
	s2 =	sadd.s32 s3, s2  }
0x8d: {  	s2 =	sadd.s32 s2, s14  }
0x8e: {  	[smem:$0x3FC1] =	sst s2  }
0x8f: {  	_ = 	snop  }
0x90: {  	s2 =	sld [smem:$0x3FD0];
	_ =	sdelay $0x2  }
0x91: {  	s15 =	simm.s32 $0xA;
	s4 =	simm.s32 $0x10  }
0x92: {  	[smem:s4], [sflag:s15] =	dma.local [hbm:s2], $0x1  }
0x93: {  	_ =	swait.eq [sflag:s15], $0x1  }
0x94: {  	[sflag:s15] =	ssyncset.done $0x0  }
0x95: {  	[sflag:s15] =	ssyncadd.s32 $0xFFFFFFFF  }
0x96: {  	s16 =	sld [smem:$0x10];
	(tm) =	ssettm $0x1  }
0x97: {  	s17 =	sld [smem:$0x3FFB];
	_ =	sdelay $0x3  }
0x98: {  	_ =	strace s17  }
0x99: {  	s3 =	sld [smem:$0x3FFC];
	_ =	sdelay $0x3  }
0x9a: {  	_ =	strace s3  }
0x9b: {  	s3 =	sld [smem:$0x3FFD];
	_ =	sdelay $0x3  }
0x9c: {  	_ =	strace s3  }
0x9d: {  	_ =	strace $0x8FFFFFFF  }
0x9e: {  	s18 =	sld [smem:$0x3FDB];
	_ =	sdelay $0x1  }
0x9f: {  	s19 =	simm.s32 $_scs_section_size  }
0xa0: {  	s5 =	simm.s32 $_size__tile_overlayer_lowered;
	s6 =	simm.s32 $_tile_overlayer_lowered  }
0xa1: {  	s22 =	simm.s32 $0x1BFF;
	s21 =	sshll.u32 s6, $0x1;
	s3 =	sadd.s32 s19, s18  }
0xa2: {  	s7 =	simm.s32 $0x0;
	s20 =	sshll.u32 s5, $0x1;
	s5 =	sadd.s32 s21, s3  }
0xa3: {  	[timem:s7], [sflag:s22] =	dma.local [hbm:s5], s20  }
0xa4: {  	_ =	swait.ge [sflag:s22], s20  }
0xa5: {  	s4 =	ssub.s32 $0x0, s20;
	[sflag:s22] =	ssyncset.done $0x0  }
0xa6: {  	[sflag:s22] =	ssyncadd.s32 s4;
	_ =	sdelay $0x1  }
0xa7: {  	s23 =	simm.s32 $0x1B8B  }
0xa8: {  	_ =	swait.ge [sflag:s23], $0x1  }
0xa9: {  	[sflag:s23] =	ssyncset.done $0x0  }
0xaa: {  	s25 =	simm.s32 $0x1B8E;
	s24 =	sld [smem:$0x3FFE];
	[sflag:s23] =	ssyncadd.s32 $0xFFFFFFFF  }
0xab: {  	s26 =	simm.s32 $execute0_lowered;
	[smem:$0x3FD2] =	sst s25  }
0xac: {  	s5 =	sshll.u32 s26, $0x1;
	_ =	strace $0x80000046;
	[dreg:$0x1] =	wrdreg $0xFFFFFFFF  }
0xad: {  	s28 =	simm.s32 $_size_execute0_lowered;
	s3 =	sadd.s32 s3, s5;
	[dreg:$0x0] =	wrdreg $0x0  }
0xae: {  	s5 =	sshll.u32 s28, $0x1;
	[dreg:$0x2] =	wrdreg s3  }
0xaf: {  	[dreg:$0x3] =	wrdreg s5  }
0xb0: {  	[dreg:$0x4] =	wrdreg $0xC0  }
0xb1: {  	_ =	task [dreg:s7], $0x5FFFF  }
0xb2: {  	[dreg:$0x1] =	wrdreg $0xFFFFFFFF  }
0xb3: {  	[dreg:$0x0] =	wrdreg $0x60  }
0xb4: {  	[dreg:$0x2] =	wrdreg s24  }
0xb5: {  	[dreg:$0x3] =	wrdreg s16  }
0xb6: {  	[dreg:$0x4] =	wrdreg $0x9  }
0xb7: {  	_ =	task.clear_ibuf [dreg:s7], $0x5FFFF;
	_ =	strace $0x90000046  }
0xb8: {  	s29 =	simm.s32 $0x9;
	_ =	strace $0x80000048  }
0xb9: {  	_ =	swait.ge [sflag:s29], $0x1  }
0xba: {  	[sflag:s29] =	ssyncadd.s32 $0xFFFFFFFF  }
0xbb: {  	_ =	strace $0x90000048  }
0xbc: {  	_ =	sfence  }
0xbd: {  	s30 =	sld [smem:$0x0];
	_ =	sdelay $0x2  }
0xbe: {  	s31 =	sshll.u32 s1, $0xD;
	s1 =	sshrl.u32 s1, $0x2  }
0xbf: {  	s3 =	sand.u32 $0x4000, s31;
	s1 =	sadd.s32 s1, s30  }
0xc0: {  	s0 =	sor.u32 s3, s0;
	s1 =	sshll.u32 s1, $0x11  }
0xc1: {  	s0 =	sor.u32 s1, s0  }
0xc2: {  	s0 =	sadd.s32 $0x8F2B, s0  }
0xc3: {  	[sflag:s0] =	ssyncadd.remote.s32 $0x1  }
0xc4: {  	_ =	sfence.sel $0xFFFF  }
0xc5: {  	[dreg:$0x0] =	wrdreg $0xFFFFFFFF;
	(pc) =	sbr.abs _section_cstart, $3  }
0xc6: {  	[dreg:$0x1] =	wrdreg $0xFFFFFFFF  }
0xc7: {  	_ =	task.clear_ibuf [dreg:s7], $0x2FFFF;
	_ =	strace $0x9FFFFFFF  }
0xc8: {  	(tm) =	ssettm $0x7FFFFFFF  }
0xc9: {  	_ =	shalt  }
tec
execute0_lowered:
.L_overlay_start_1:
0x0: {  	(tag) =	ssettag $0x1  }
0x1: {  	s1 =	srdreg.scid;
	s7 =	rddreg [dreg:$0x0]  }
0x2: {  	s0 =	stileid.u32;
	s9 =	rddreg [dreg:$0x1]  }
0x3: {  	s2 =	simm.s32 $0x0;
	s13 =	simm.s32 $0x1;
	s14 =	simm.s32 $0xD600  }
0x4: {  	s15 =	simm.s32 $0xF580;
	s3 =	sand.u32 $0x1, s1;
	s30 =	sshll.u32 s0, $0x1  }
0x5: {  	s16 =	simm.s32 $0x10000;
	s1 =	rddreg [dreg:$0x2];
	s10 =	sor.u32 s3, s30  }
0x6: {  	s17 =	simm.s32 $0x0;
	[smem:$0x7FF] =	sst s2;
	s4 =	smul.u32 $0x70, s10  }
0x7: {  	_ =	strace $0x80000047;
	s31 =	ssub.s32 $0x2, s3;
	s5 =	smul.u32 $0x3F0, s10  }
0x8: {  	s3 =	sadd.s32 $0x800, s7;
	s11 =	sshrl.u32 s31, $0x1;
	s12 =	smul.u32 $0x150, s10  }
0x9: {  	s10 =	smul.u32 $0x1C000, s10;
	s11 =	ssub.s32 s31, s11;
	s6 =	sadd.s32 s4, s7  }
0xa: {  	s8 =	sadd.s32 s5, s7;
	s4 =	sadd.s32 $0xE200, s7;
	s9 =	sadd.s32 s9, s12  }
0xb: {  	v0 =	vlaneseq.u32;
	s11 =	smax.u32 s11, $0x1;
	s12 =	simm.s32 $0xC800;
	s5 =	sadd.s32 $0xD400, s6  }
0xc: {  	v1 =	vmul.u32 $0x80, v0;
	s6 =	sadd.s32 $0x2200, s7;
	s7 =	sadd.s32 $0x3C00, s7;
	s8 =	sadd.s32 $0x5600, s8  }
.LBB2_1:
0xd: {  	[tilespmem:s12], [sflag:$0x1] =	stream.linear.gather [hbm4b:s5+s2], $0x380, $0x38;
	[tilespmem:$0x14000] =	vst v63  }
0xe: {  	_ =	swait.ge [sflag:s13], $0x380  }
0xf: {  	[sflag:s13] =	ssyncset.done $0x0  }
0x10: {  	[sflag:s13] =	ssyncadd.s32 $0xFFFFFC80  }
0x11: {  	[tilespmem:s2], [sflag:$0x1] =	stream.linear.gather [hbm4b:s3+s2], $0xC800, $0x38;
	[tilespmem:$0x14000] =	vst v63  }
0x12: {  	_ =	swait.ge [sflag:s13], $0xC800  }
0x13: {  	[sflag:s13] =	ssyncset.done $0x0  }
0x14: {  	s18 =	simm.s32 $0x0;
	[sflag:s13] =	ssyncadd.s32 $0xFFFF3800  }
0x15: {  	v2 =	vld [tilespmem:s18+$0xC800];
	_ =	sdelay $0x7  }
0x16: {  	s19 =	simm.s32 $0x10;
	s20 =	simm.s32 $0x80;
	v2 =	vld.idx.msk [tilespmem:v2+s2+$0x0], $0xffff  }
.LBB2_2:
0x17: {  	p0 =	sne.s32 s20, $0xDC0;
	v3 =	vld [tilespmem:s19+$0xC800];
	_ =	sdelay $0x3  }
.Ltmp0:
0x18: {  	(pc) =	sbr.rel @p0 .LBB2_2-.Ltmp0, $2  }
0x19: {  	[tilespmem:s18+$0xCB80] =	vst v2;
	s18 =	smov.u32 s19;
	_ =	sdelay $0x2  }
0x1a: {  	s19 =	sshra.s32 s20, $0x2;
	s20 =	sadd.s32 $0x40, s20;
	v2 =	vld.idx.msk [tilespmem:v3+s2+$0x0], $0xffff  }
0x1b: {  	v3 =	vld [tilespmem:s19+$0xC800];
	_ =	sdelay $0x6  }
0x1c: {  	[tilespmem:s18+$0xCB80] =	vst v2  }
0x1d: {  	v2 =	vld.idx.msk [tilespmem:v3+s2+$0x0], $0xffff;
	_ =	sdelay $0x4  }
0x1e: {  	s31 =	simm.s32 $0x0;
	[tilespmem:s19+$0xCB80] =	vst v2  }
0x1f: {  	[tilespmem:s31], [sflag:$0x1] =	stream.linear.gather [hbm4b:s6+s31], $0xC800, $0x38;
	[tilespmem:$0x14000] =	vst v63  }
0x20: {  	_ =	swait.ge [sflag:s13], $0xC800  }
0x21: {  	[sflag:s13] =	ssyncset.done $0x0  }
0x22: {  	s18 =	simm.s32 $0x0;
	[sflag:s13] =	ssyncadd.s32 $0xFFFF3800  }
0x23: {  	v2 =	vld [tilespmem:s18+$0xC800];
	_ =	sdelay $0x7  }
0x24: {  	s20 =	simm.s32 $0x80;
	s19 =	simm.s32 $0x10;
	v2 =	vld.idx.msk [tilespmem:v2+s2+$0x0], $0xffff  }
.LBB2_4:
0x25: {  	p0 =	sne.s32 s20, $0xDC0;
	v3 =	vld [tilespmem:s19+$0xC800];
	_ =	sdelay $0x3  }
.Ltmp1:
0x26: {  	(pc) =	sbr.rel @p0 .LBB2_4-.Ltmp1, $2  }
0x27: {  	[tilespmem:s18+$0xCF00] =	vst v2;
	s18 =	smov.u32 s19;
	_ =	sdelay $0x2  }
0x28: {  	s19 =	sshra.s32 s20, $0x2;
	s20 =	sadd.s32 $0x40, s20;
	v2 =	vld.idx.msk [tilespmem:v3+s2+$0x0], $0xffff  }
0x29: {  	v3 =	vld [tilespmem:s19+$0xC800];
	_ =	sdelay $0x6  }
0x2a: {  	[tilespmem:s18+$0xCF00] =	vst v2  }
0x2b: {  	v2 =	vld.idx.msk [tilespmem:v3+s2+$0x0], $0xffff;
	_ =	sdelay $0x4  }
0x2c: {  	s31 =	simm.s32 $0x0;
	[tilespmem:s19+$0xCF00] =	vst v2  }
0x2d: {  	[tilespmem:s31], [sflag:$0x1] =	stream.linear.gather [hbm4b:s7+s31], $0xC800, $0x38;
	[tilespmem:$0x14000] =	vst v63  }
0x2e: {  	_ =	swait.ge [sflag:s13], $0xC800  }
0x2f: {  	[sflag:s13] =	ssyncset.done $0x0  }
0x30: {  	s18 =	simm.s32 $0x0;
	[sflag:s13] =	ssyncadd.s32 $0xFFFF3800  }
0x31: {  	v2 =	vld [tilespmem:s18+$0xC800];
	_ =	sdelay $0x7  }
0x32: {  	s20 =	simm.s32 $0x80;
	s19 =	simm.s32 $0x10;
	v2 =	vld.idx.msk [tilespmem:v2+s2+$0x0], $0xffff  }
.LBB2_6:
0x33: {  	p0 =	sne.s32 s20, $0xDC0;
	v3 =	vld [tilespmem:s19+$0xC800];
	_ =	sdelay $0x3  }
.Ltmp2:
0x34: {  	(pc) =	sbr.rel @p0 .LBB2_6-.Ltmp2, $2  }
0x35: {  	[tilespmem:s18+$0xD280] =	vst v2;
	s18 =	smov.u32 s19;
	_ =	sdelay $0x2  }
0x36: {  	s19 =	sshra.s32 s20, $0x2;
	s20 =	sadd.s32 $0x40, s20;
	v2 =	vld.idx.msk [tilespmem:v3+s2+$0x0], $0xffff  }
0x37: {  	v3 =	vld [tilespmem:s19+$0xC800];
	_ =	sdelay $0x6  }
0x38: {  	[tilespmem:s18+$0xD280] =	vst v2  }
0x39: {  	v2 =	vld.idx.msk [tilespmem:v3+s2+$0x0], $0xffff;
	_ =	sdelay $0x4  }
0x3a: {  	s18 =	simm.s32 $0x0;
	[tilespmem:s19+$0xD280] =	vst v2  }
0x3b: {  	[tilespmem:s14], [sflag:$0x1] =	stream.linear.gather [hbm4b:s8+s18], $0x1F80, $0x38;
	[tilespmem:$0x14000] =	vst v63  }
0x3c: {  	_ =	swait.ge [sflag:s13], $0x1F80  }
0x3d: {  	[sflag:s13] =	ssyncset.done $0x0  }
0x3e: {  	[sflag:s13] =	ssyncadd.s32 $0xFFFFE080  }
0x3f: {  	[tilespmem:s15], [sflag:$0x1] =	stream.linear.gather [hbm4b:s9+s18], $0xA80, $0x38;
	[tilespmem:$0x14000] =	vst v63  }
0x40: {  	s20 =	simm.s32 $0xCF00;
	_ =	swait.ge [sflag:s13], $0xA80  }
0x41: {  	s21 =	simm.s32 $0xD280;
	s22 =	simm.s32 $0x0;
	[sflag:s13] =	ssyncset.done $0x0  }
0x42: {  	s23 =	simm.s32 $0x0;
	s19 =	simm.s32 $0xCB80;
	[sflag:s13] =	ssyncadd.s32 $0xFFFFF580  }
.LBB2_8:
0x43: {  	v2 =	vmov s18  }
0x44: {  	v2 =	vshll.u32 v2, $0x7  }
0x45: {  	v3 =	vld [tilespmem:s19+$0x0];
	v2 =	vor.u32 v1, v2;
	_ =	sdelay $0x4  }
0x46: {  	[tilespmem:v2+s16+$0x0] =	vst.idx.msk $0xffff, v3  }
0x47: {  	v4 =	vor.u32 $0x1, v2;
	v3 =	vld [tilespmem:s20+$0x0];
	_ =	sdelay $0x3  }
0x48: {  	s24 =	sadd.s32 $0x0, s22  }
0x49: {  	v5 =	vor.u32 s24, v0;
	[tilespmem:v4+s16+$0x0] =	vst.idx.msk $0xffff, v3  }
0x4a: {  	v6 =	vmul.u32 $0x3, v5;
	v4 =	vor.u32 $0x2, v2;
	v3 =	vld [tilespmem:s21+$0x0];
	_ =	sdelay $0x4  }
0x4b: {  	[tilespmem:v4+s16+$0x0] =	vst.idx.msk $0xffff, v3  }
0x4c: {  	v4 =	vor.u32 $0x3, v2;
	v3 =	vld.idx.msk [tilespmem:v6+s15+$0x0], $0xffff  }
0x4d: {  	v7 =	vadd.s32 $0x1, v6;
	_ =	sdelay $0x3  }
0x4e: {  	[tilespmem:v4+s16+$0x0] =	vst.idx.msk $0xffff, v3  }
0x4f: {  	v4 =	vor.u32 $0x4, v2;
	v3 =	vld.idx.msk [tilespmem:v7+s15+$0x0], $0xffff  }
0x50: {  	v6 =	vadd.s32 $0x2, v6;
	_ =	sdelay $0x3  }
0x51: {  	[tilespmem:v4+s16+$0x0] =	vst.idx.msk $0xffff, v3  }
0x52: {  	v4 =	vmul.u32 $0x9, v5;
	v5 =	vor.u32 $0x5, v2;
	v3 =	vld.idx.msk [tilespmem:v6+s15+$0x0], $0xffff;
	_ =	sdelay $0x4  }
0x53: {  	[tilespmem:v5+s16+$0x0] =	vst.idx.msk $0xffff, v3  }
0x54: {  	v5 =	vor.u32 $0x6, v2;
	v3 =	vld.idx.msk [tilespmem:v4+s14+$0x0], $0xffff  }
0x55: {  	v6 =	vadd.s32 $0x1, v4;
	_ =	sdelay $0x3  }
0x56: {  	[tilespmem:v5+s16+$0x0] =	vst.idx.msk $0xffff, v3  }
0x57: {  	v5 =	vor.u32 $0x7, v2;
	v3 =	vld.idx.msk [tilespmem:v6+s14+$0x0], $0xffff  }
0x58: {  	v6 =	vadd.s32 $0x2, v4;
	_ =	sdelay $0x3  }
0x59: {  	[tilespmem:v5+s16+$0x0] =	vst.idx.msk $0xffff, v3  }
0x5a: {  	v5 =	vor.u32 $0x8, v2;
	v3 =	vld.idx.msk [tilespmem:v6+s14+$0x0], $0xffff  }
0x5b: {  	v6 =	vadd.s32 $0x3, v4;
	_ =	sdelay $0x3  }
0x5c: {  	[tilespmem:v5+s16+$0x0] =	vst.idx.msk $0xffff, v3  }
0x5d: {  	v5 =	vor.u32 $0x9, v2;
	v3 =	vld.idx.msk [tilespmem:v6+s14+$0x0], $0xffff  }
0x5e: {  	v6 =	vadd.s32 $0x4, v4;
	_ =	sdelay $0x3  }
0x5f: {  	[tilespmem:v5+s16+$0x0] =	vst.idx.msk $0xffff, v3  }
0x60: {  	v5 =	vor.u32 $0xA, v2;
	v3 =	vld.idx.msk [tilespmem:v6+s14+$0x0], $0xffff  }
0x61: {  	v6 =	vadd.s32 $0x5, v4;
	_ =	sdelay $0x3  }
0x62: {  	[tilespmem:v5+s16+$0x0] =	vst.idx.msk $0xffff, v3  }
0x63: {  	v5 =	vor.u32 $0xB, v2;
	v3 =	vld.idx.msk [tilespmem:v6+s14+$0x0], $0xffff  }
0x64: {  	v6 =	vadd.s32 $0x6, v4;
	_ =	sdelay $0x3  }
0x65: {  	[tilespmem:v5+s16+$0x0] =	vst.idx.msk $0xffff, v3  }
0x66: {  	v5 =	vor.u32 $0xC, v2;
	v3 =	vld.idx.msk [tilespmem:v6+s14+$0x0], $0xffff  }
0x67: {  	v6 =	vadd.s32 $0x7, v4;
	_ =	sdelay $0x3  }
0x68: {  	[tilespmem:v5+s16+$0x0] =	vst.idx.msk $0xffff, v3  }
0x69: {  	v5 =	vor.u32 $0xD, v2;
	v3 =	vld.idx.msk [tilespmem:v6+s14+$0x0], $0xffff  }
0x6a: {  	v4 =	vadd.s32 $0x8, v4;
	_ =	sdelay $0x3  }
0x6b: {  	[tilespmem:v5+s16+$0x0] =	vst.idx.msk $0xffff, v3  }
0x6c: {  	v2 =	vor.u32 $0xE, v2;
	v3 =	vld.idx.msk [tilespmem:v4+s14+$0x0], $0xffff;
	_ =	sdelay $0x2  }
0x6d: {  	s29 =	simm.s32 $0x20;
	s24 =	simm.s32 $0x10  }
0x6e: {  	s28 =	smov.u32 s19;
	s26 =	smov.u32 s20;
	s25 =	smov.u32 s21;
	v4 =	vmov s24  }
.LBB2_9:
0x6f: {  	p0 =	sne.s32 s29, $0x70;
	v4 =	vshll.u32 v4, $0x7;
	[tilespmem:v2+s16+$0x0] =	vst.idx.msk $0xffff, v3;
	s28 =	sadd.s32 $0x10, s28  }
0x70: {  	v3 =	vld [tilespmem:s28+$0x0];
	v2 =	vor.u32 v1, v4;
	_ =	sdelay $0x4  }
0x71: {  	s26 =	sadd.s32 $0x10, s26;
	[tilespmem:v2+s16+$0x0] =	vst.idx.msk $0xffff, v3  }
0x72: {  	v4 =	vor.u32 $0x1, v2;
	v3 =	vld [tilespmem:s26+$0x0];
	_ =	sdelay $0x3  }
0x73: {  	s30 =	sadd.s32 s24, s22;
	s24 =	smov.u32 s29  }
0x74: {  	s25 =	sadd.s32 $0x10, s25;
	v5 =	vor.u32 s30, v0;
	[tilespmem:v4+s16+$0x0] =	vst.idx.msk $0xffff, v3  }
0x75: {  	v6 =	vmul.u32 $0x3, v5;
	v4 =	vor.u32 $0x2, v2;
	v3 =	vld [tilespmem:s25+$0x0];
	_ =	sdelay $0x4  }
0x76: {  	[tilespmem:v4+s16+$0x0] =	vst.idx.msk $0xffff, v3  }
0x77: {  	v3 =	vld.idx.msk [tilespmem:v6+s15+$0x0], $0xffff  }
0x78: {  	v4 =	vor.u32 $0x3, v2  }
0x79: {  	v7 =	vadd.s32 $0x1, v6;
	_ =	sdelay $0x3  }
0x7a: {  	[tilespmem:v4+s16+$0x0] =	vst.idx.msk $0xffff, v3  }
0x7b: {  	v3 =	vld.idx.msk [tilespmem:v7+s15+$0x0], $0xffff  }
0x7c: {  	v4 =	vor.u32 $0x4, v2  }
0x7d: {  	v6 =	vadd.s32 $0x2, v6;
	_ =	sdelay $0x3  }
0x7e: {  	[tilespmem:v4+s16+$0x0] =	vst.idx.msk $0xffff, v3  }
0x7f: {  	v3 =	vld.idx.msk [tilespmem:v6+s15+$0x0], $0xffff  }
0x80: {  	v4 =	vmul.u32 $0x9, v5;
	v5 =	vor.u32 $0x5, v2;
	_ =	sdelay $0x4  }
0x81: {  	[tilespmem:v5+s16+$0x0] =	vst.idx.msk $0xffff, v3  }
0x82: {  	v3 =	vld.idx.msk [tilespmem:v4+s14+$0x0], $0xffff  }
0x83: {  	v5 =	vor.u32 $0x6, v2  }
0x84: {  	v6 =	vadd.s32 $0x1, v4;
	_ =	sdelay $0x3  }
0x85: {  	[tilespmem:v5+s16+$0x0] =	vst.idx.msk $0xffff, v3  }
0x86: {  	v3 =	vld.idx.msk [tilespmem:v6+s14+$0x0], $0xffff  }
0x87: {  	v5 =	vor.u32 $0x7, v2  }
0x88: {  	v6 =	vadd.s32 $0x2, v4;
	_ =	sdelay $0x3  }
0x89: {  	[tilespmem:v5+s16+$0x0] =	vst.idx.msk $0xffff, v3  }
0x8a: {  	v3 =	vld.idx.msk [tilespmem:v6+s14+$0x0], $0xffff  }
0x8b: {  	v5 =	vor.u32 $0x8, v2  }
0x8c: {  	v6 =	vadd.s32 $0x3, v4;
	_ =	sdelay $0x3  }
0x8d: {  	[tilespmem:v5+s16+$0x0] =	vst.idx.msk $0xffff, v3  }
0x8e: {  	v3 =	vld.idx.msk [tilespmem:v6+s14+$0x0], $0xffff  }
0x8f: {  	v5 =	vor.u32 $0x9, v2  }
0x90: {  	v6 =	vadd.s32 $0x4, v4;
	_ =	sdelay $0x3  }
0x91: {  	[tilespmem:v5+s16+$0x0] =	vst.idx.msk $0xffff, v3  }
0x92: {  	v3 =	vld.idx.msk [tilespmem:v6+s14+$0x0], $0xffff  }
0x93: {  	v5 =	vor.u32 $0xA, v2  }
0x94: {  	v6 =	vadd.s32 $0x5, v4;
	_ =	sdelay $0x3  }
0x95: {  	[tilespmem:v5+s16+$0x0] =	vst.idx.msk $0xffff, v3  }
0x96: {  	v3 =	vld.idx.msk [tilespmem:v6+s14+$0x0], $0xffff  }
0x97: {  	v5 =	vor.u32 $0xB, v2  }
0x98: {  	v6 =	vadd.s32 $0x6, v4;
	_ =	sdelay $0x3  }
0x99: {  	[tilespmem:v5+s16+$0x0] =	vst.idx.msk $0xffff, v3  }
0x9a: {  	v3 =	vld.idx.msk [tilespmem:v6+s14+$0x0], $0xffff  }
0x9b: {  	v5 =	vor.u32 $0xC, v2  }
0x9c: {  	v6 =	vadd.s32 $0x7, v4;
	_ =	sdelay $0x3  }
0x9d: {  	[tilespmem:v5+s16+$0x0] =	vst.idx.msk $0xffff, v3  }
0x9e: {  	v3 =	vld.idx.msk [tilespmem:v6+s14+$0x0], $0xffff  }
0x9f: {  	v5 =	vor.u32 $0xD, v2  }
0xa0: {  	v4 =	vadd.s32 $0x8, v4;
	_ =	sdelay $0x3  }
0xa1: {  	[tilespmem:v5+s16+$0x0] =	vst.idx.msk $0xffff, v3  }
0xa2: {  	v3 =	vld.idx.msk [tilespmem:v4+s14+$0x0], $0xffff  }
.Ltmp3:
0xa3: {  	v2 =	vor.u32 $0xE, v2;
	(pc) =	sbr.rel @p0 .LBB2_9-.Ltmp3, $2  }
0xa4: {  	_ =	sdelay $0x2  }
0xa5: {  	s29 =	sadd.s32 $0x10, s29;
	v4 =	vmov s24  }
0xa6: {  	_ =	sdelay $0x3  }
0xa7: {  	v4 =	vshll.u32 v4, $0x7;
	[tilespmem:v2+s16+$0x0] =	vst.idx.msk $0xffff, v3;
	s28 =	sadd.s32 $0x10, s28  }
0xa8: {  	v2 =	vld [tilespmem:s28+$0x0];
	v3 =	vor.u32 v1, v4;
	_ =	sdelay $0x4  }
0xa9: {  	s26 =	sadd.s32 $0x10, s26;
	[tilespmem:v3+s16+$0x0] =	vst.idx.msk $0xffff, v2  }
0xaa: {  	v4 =	vor.u32 $0x1, v3;
	v2 =	vld [tilespmem:s26+$0x0];
	_ =	sdelay $0x3  }
0xab: {  	s24 =	sadd.s32 s24, s22  }
0xac: {  	s30 =	sadd.s32 $0x10, s25;
	v5 =	vor.u32 s24, v0;
	[tilespmem:v4+s16+$0x0] =	vst.idx.msk $0xffff, v2  }
0xad: {  	v44 =	vor.u32 $0x2, v3;
	v6 =	vmul.u32 $0x3, v5;
	v2 =	vld [tilespmem:s30+$0x0];
	_ =	sdelay $0x4  }
0xae: {  	[tilespmem:v44+s16+$0x0] =	vst.idx.msk $0xffff, v2  }
0xaf: {  	v45 =	vor.u32 $0x3, v3;
	v2 =	vld.idx.msk [tilespmem:v6+s15+$0x0], $0xffff  }
0xb0: {  	v7 =	vadd.s32 $0x1, v6;
	_ =	sdelay $0x3  }
0xb1: {  	[tilespmem:v45+s16+$0x0] =	vst.idx.msk $0xffff, v2  }
0xb2: {  	v46 =	vor.u32 $0x4, v3;
	v2 =	vld.idx.msk [tilespmem:v7+s15+$0x0], $0xffff  }
0xb3: {  	v6 =	vadd.s32 $0x2, v6;
	_ =	sdelay $0x3  }
0xb4: {  	[tilespmem:v46+s16+$0x0] =	vst.idx.msk $0xffff, v2  }
0xb5: {  	v47 =	vmul.u32 $0x9, v5;
	v48 =	vor.u32 $0x5, v3;
	v2 =	vld.idx.msk [tilespmem:v6+s15+$0x0], $0xffff;
	_ =	sdelay $0x4  }
0xb6: {  	[tilespmem:v48+s16+$0x0] =	vst.idx.msk $0xffff, v2  }
0xb7: {  	v49 =	vor.u32 $0x6, v3;
	v2 =	vld.idx.msk [tilespmem:v47+s14+$0x0], $0xffff  }
0xb8: {  	v50 =	vadd.s32 $0x1, v47;
	_ =	sdelay $0x3  }
0xb9: {  	[tilespmem:v49+s16+$0x0] =	vst.idx.msk $0xffff, v2  }
0xba: {  	v51 =	vor.u32 $0x7, v3;
	v2 =	vld.idx.msk [tilespmem:v50+s14+$0x0], $0xffff  }
0xbb: {  	v52 =	vadd.s32 $0x2, v47;
	_ =	sdelay $0x3  }
0xbc: {  	[tilespmem:v51+s16+$0x0] =	vst.idx.msk $0xffff, v2  }
0xbd: {  	v53 =	vor.u32 $0x8, v3;
	v2 =	vld.idx.msk [tilespmem:v52+s14+$0x0], $0xffff  }
0xbe: {  	v54 =	vadd.s32 $0x3, v47;
	_ =	sdelay $0x3  }
0xbf: {  	[tilespmem:v53+s16+$0x0] =	vst.idx.msk $0xffff, v2  }
0xc0: {  	v55 =	vor.u32 $0x9, v3;
	v2 =	vld.idx.msk [tilespmem:v54+s14+$0x0], $0xffff  }
0xc1: {  	v56 =	vadd.s32 $0x4, v47;
	_ =	sdelay $0x3  }
0xc2: {  	[tilespmem:v55+s16+$0x0] =	vst.idx.msk $0xffff, v2  }
0xc3: {  	v57 =	vor.u32 $0xA, v3;
	v2 =	vld.idx.msk [tilespmem:v56+s14+$0x0], $0xffff  }
0xc4: {  	v58 =	vadd.s32 $0x5, v47;
	_ =	sdelay $0x3  }
0xc5: {  	[tilespmem:v57+s16+$0x0] =	vst.idx.msk $0xffff, v2  }
0xc6: {  	v59 =	vor.u32 $0xB, v3;
	v2 =	vld.idx.msk [tilespmem:v58+s14+$0x0], $0xffff  }
0xc7: {  	v60 =	vadd.s32 $0x6, v47;
	_ =	sdelay $0x3  }
0xc8: {  	[tilespmem:v59+s16+$0x0] =	vst.idx.msk $0xffff, v2  }
0xc9: {  	v61 =	vor.u32 $0xC, v3;
	v2 =	vld.idx.msk [tilespmem:v60+s14+$0x0], $0xffff  }
0xca: {  	v62 =	vadd.s32 $0x7, v47;
	_ =	sdelay $0x3  }
0xcb: {  	[tilespmem:v61+s16+$0x0] =	vst.idx.msk $0xffff, v2  }
0xcc: {  	v63 =	vor.u32 $0xD, v3;
	v2 =	vld.idx.msk [tilespmem:v62+s14+$0x0], $0xffff  }
0xcd: {  	v4 =	vadd.s32 $0x8, v47;
	_ =	sdelay $0x3  }
0xce: {  	[tilespmem:v63+s16+$0x0] =	vst.idx.msk $0xffff, v2  }
0xcf: {  	v3 =	vor.u32 $0xE, v3;
	v2 =	vld.idx.msk [tilespmem:v4+s14+$0x0], $0xffff;
	_ =	sdelay $0x1  }
0xd0: {  	s31 =	sshll.u32 s23, $0xE  }
0xd1: {  	s23 =	sadd.s32 $0x1, s23;
	s24 =	sadd.s32 s10, s31  }
0xd2: {  	p0 =	sne.s32 s23, $0x7;
	s24 =	sshrl.u32 s24, $0x3  }
.Ltmp4:
0xd3: {  	s24 =	sadd.s32 s4, s24;
	[tilespmem:v3+s16+$0x0] =	vst.idx.msk $0xffff, v2;
	(pc) =	sbr.rel @p0 .LBB2_8-.Ltmp4, $4  }
0xd4: {  	[hbm4b:s24+s2] =	stream.linear.scatter [tilespmem:s16], [sflag:$0x1], $0x4000, $0x38;
	[tilespmem:$0x14000] =	vst v63  }
0xd5: {  	_ =	swait.ge [sflag:s13], $0x4000  }
0xd6: {  	s22 =	sadd.s32 $0x80, s22;
	s19 =	sadd.s32 $0x80, s19;
	[sflag:s13] =	ssyncset.done $0x0  }
0xd7: {  	s20 =	sadd.s32 $0x80, s20;
	s21 =	sadd.s32 $0x80, s21;
	[sflag:s13] =	ssyncadd.s32 $0xFFFFC000  }
0xd8: {  	s17 =	sadd.s32 $0x1, s17  }
0xd9: {  	p0 =	sne.s32 s17, s11  }
.Ltmp5:
0xda: {  	_ = 	snop;
	(pc) =	sbr.rel @p0 .LBB2_1-.Ltmp5, $1  }
0xdb: {  	_ =	sdelay $0x3  }
0xdc: {  	_ =	sfence.sel $0x180000  }
0xdd: {  	[bflag:$0x0] =	sbarrier.arrive $0xFFFF  }
0xde: {  	p0 =	sne.s32 s0, $0x0;
	_ =	strace $0x90000047  }
0xdf: {  	s0 =	sadd.s32 @!p0 $0x100000, s1;
	[bflag:$0x2] =	sbarrier.arrive $0xFFFF  }
0xe0: {  	[sflag:s0] =	ssyncadd.tile.s32 @!p0 $0x1;
	_ =	shalt  }
.Lfunc_end2:
_tile_overlayer_lowered:
.L_overlay_start_2:
0xe1: {  	(tag) =	ssettag $0x2  }
0xe2: {  	s0 =	rddreg [dreg:$0x0];
	s2 =	stileid.u32  }
0xe3: {  	s1 =	rddreg [dreg:$0x1];
	p0 =	sne.s32 s2, $0x0  }
0xe4: {  	s3 =	rddreg [dreg:$0x2];
	[bflag:$0x3] =	sbarrier.arrive $0xFFFF;
	s2 =	simm.s32 @!p0 $0x1C01  }
0xe5: {  	[timem:s3], [sflag:s2] =	dma.local @!p0 [hbm:s0], s1  }
0xe6: {  	s0 =	simm.s32 @!p0 $0x1  }
0xe7: {  	_ =	swait.ge @!p0 [sflag:s0], s1  }
0xe8: {  	s1 =	ssub.s32 @!p0 $0x0, s1;
	[sflag:s0] =	ssyncset.done @!p0 $0x0  }
0xe9: {  	[sflag:s0] =	ssyncadd.s32 @!p0 s1  }
0xea: {  	[bflag:$0x3] =	sbarrier.arrive $0xFFFF  }
0xeb: {  	_ =	shalt  }

// kernel: kernel.7.cloned.1.call-start
scs
__scs_entry_jumppad:
0x0: {  	(pc) =	sbr.rel $0x88, $3  }
0x1: {  	(tag) =	ssettag $0x0;
	lr =	simm.s32 $0x1  }
0x2: {  	[smem:$0x3F9A] =	sst lr;
	_ =	strace $0xD0000000  }
0x3: {  	_ = 	snop  }
0x4: {  	_ = 	snop  }
0x5: {  	_ = 	snop  }
0x6: {  	_ = 	snop  }
0x7: {  	_ = 	snop  }
__scs_overlays_trampoline_lowered:
0x8: {  	[smem:$0x3FA9] =	sst s0  }
0x9: {  	[smem:$0x3FAA] =	sst s1  }
0xa: {  	[smem:$0x3FAB] =	sst s2  }
0xb: {  	[smem:$0x3FAC] =	sst s3  }
0xc: {  	[smem:$0x3FAD] =	sst s4  }
0xd: {  	[smem:$0x3FAE] =	sst s5  }
0xe: {  	[smem:$0x3FAF] =	sst s6  }
0xf: {  	[smem:$0x3FB0] =	sst s7  }
0x10: {  	[smem:$0x3FB1] =	sst s8  }
0x11: {  	[smem:$0x3FB2] =	sst s9;
	s0 =	simm.s32 @!p0 $0x0  }
0x12: {  	s1 =	sld [smem:$0x3F98];
	s0 =	simm.s32 @p0 $0x1  }
0x13: {  	[smem:$0x3FB3] =	sst s0;
	s0 =	simm.s32 @!p1 $0x0  }
0x14: {  	s2 =	sld [smem:$0x3F97];
	s0 =	simm.s32 @p1 $0x1  }
0x15: {  	[smem:$0x3FB4] =	sst s0;
	s0 =	simm.s32 @!p2 $0x0  }
0x16: {  	s3 =	sld [smem:$0x3FDB];
	s0 =	simm.s32 @p2 $0x1  }
0x17: {  	s4 =	simm.s32 $0x1BF5;
	[smem:$0x3FB6] =	sst s0  }
0x18: {  	s0 =	sld [smem:$0x3F99];
	_ =	swait.ge [sflag:s4], $0x0  }
0x19: {  	s7 =	sld [smem:$0x3F9A]  }
0x1a: {  	s8 =	sadd.s32 $0xFFFFE003, lr  }
0x1b: {  	s9 =	sadd.s32 $0xFFFFFEF7, lr;
	s5 =	simm.s32 $0xFFFFFFFF;
	p2 =	slt.u32 s8, $0xFFFFF086  }
0x1c: {  	p1 =	slt.u32 s9, $0xF7A;
	s5 =	simm.s32 @!p2 $0x0  }
0x1d: {  	s5 =	simm.s32 @p1 $0x1;
	p0 =	seq.s32 s7, s2  }
0x1e: {  	s7 =	smul.u32 @!p0 $0xF7A, s2;
	p2 =	seq.s32 @!p0 s5, $0x0  }
0x1f: {  	s9 =	smul.u32 $0xF7A, s1;
	s8 =	simm.s32 @!p0 $0x1BF5;
	p2 =	por !p2, p0  }
0x20: {  	[sflag:s8] =	ssyncset.s32 @!p0 $0xFFFFF086;
	s6 =	sadd.s32 @!p0 s3, s7;
	s7 =	simm.s32 @!p0 $0x108  }
0x21: {  	s3 =	sadd.s32 s3, s9;
	s6 =	sadd.s32 @!p0 $0x88, s6;
	s7 =	simm.s32 @p2 $0x1082  }
0x22: {  	[simem:s7], [sflag:s8] =	dma.local @!p0 [hbm:s6], $0xF7A  }
0x23: {  	s9 =	sor.u32 $0xD0000000, s2;
	s6 =	simm.s32 $0x108;
	_ =	swait.ge @!p0 [sflag:s8], $0x0  }
0x24: {  	s3 =	sadd.s32 $0x88, s3;
	s6 =	simm.s32 @!p1 $0x1082;
	[sflag:s4] =	ssyncset.s32 $0xFFFFF086  }
0x25: {  	[simem:s6], [sflag:s4] =	dma.local [hbm:s3], $0xF7A  }
0x26: {  	[smem:$0x3F9A] =	sst s1;
	(tag) =	ssettag s2;
	_ =	strace s9  }
0x27: {  	s1 =	sld [smem:$0x3FAA]  }
0x28: {  	s2 =	sld [smem:$0x3FAB]  }
0x29: {  	s4 =	sld [smem:$0x3FAD]  }
0x2a: {  	p0 =	seq.s32 s5, $0x0;
	s5 =	sld [smem:$0x3FAE]  }
0x2b: {  	s6 =	sld [smem:$0x3FAF]  }
0x2c: {  	s7 =	sld [smem:$0x3FB0]  }
0x2d: {  	s3 =	simm.s32 $0x108;
	s8 =	sld [smem:$0x3FB1]  }
0x2e: {  	s3 =	simm.s32 @!p0 $0x1082;
	s9 =	sld [smem:$0x3FB2]  }
0x2f: {  	lr =	sadd.s32 s0, s3;
	s0 =	sld [smem:$0x3FA9]  }
0x30: {  	s3 =	sld [smem:$0x3FAC]  }
0x31: {  	[smem:$0x3FB5] =	sst s10  }
0x32: {  	s10 =	sld [smem:$0x3FB3];
	_ =	sdelay $0x3  }
0x33: {  	p0 =	seq.s32 s10, $0x1;
	s10 =	sld [smem:$0x3FB5];
	_ =	sdelay $0x3  }
0x34: {  	[smem:$0x3FB5] =	sst s10  }
0x35: {  	s10 =	sld [smem:$0x3FB4];
	_ =	sdelay $0x3  }
0x36: {  	p1 =	seq.s32 s10, $0x1;
	s10 =	sld [smem:$0x3FB5];
	_ =	sdelay $0x3  }
0x37: {  	[smem:$0x3FB5] =	sst s10  }
0x38: {  	s10 =	sld [smem:$0x3FB6]  }
0x39: {  	_ = 	snop;
	(pc) =	sbr.ind lr, $3  }
0x3a: {  	_ = 	snop  }
0x3b: {  	_ = 	snop  }
0x3c: {  	p2 =	seq.s32 s10, $0x1;
	s10 =	sld [smem:$0x3FB5]  }
0x3d: {  	_ =	shalt  }
0x3e: {  	_ =	shalt  }
0x3f: {  	_ =	shalt  }
0x40: {  	_ =	shalt  }
0x41: {  	_ =	shalt  }
0x42: {  	_ =	shalt  }
0x43: {  	_ =	shalt  }
0x44: {  	_ =	shalt  }
0x45: {  	_ =	shalt  }
0x46: {  	_ =	shalt  }
0x47: {  	_ =	shalt  }
0x48: {  	_ =	shalt  }
0x49: {  	_ =	shalt  }
0x4a: {  	_ =	shalt  }
0x4b: {  	_ =	shalt  }
0x4c: {  	_ =	shalt  }
0x4d: {  	_ =	shalt  }
0x4e: {  	_ =	shalt  }
0x4f: {  	_ =	shalt  }
0x50: {  	_ =	shalt  }
0x51: {  	_ =	shalt  }
0x52: {  	_ =	shalt  }
0x53: {  	_ =	shalt  }
0x54: {  	_ =	shalt  }
0x55: {  	_ =	shalt  }
0x56: {  	_ =	shalt  }
0x57: {  	_ =	shalt  }
0x58: {  	_ =	shalt  }
0x59: {  	_ =	shalt  }
0x5a: {  	_ =	shalt  }
0x5b: {  	_ =	shalt  }
0x5c: {  	_ =	shalt  }
0x5d: {  	_ =	shalt  }
0x5e: {  	_ =	shalt  }
0x5f: {  	_ =	shalt  }
0x60: {  	_ =	shalt  }
0x61: {  	_ =	shalt  }
0x62: {  	_ =	shalt  }
0x63: {  	_ =	shalt  }
0x64: {  	_ =	shalt  }
0x65: {  	_ =	shalt  }
0x66: {  	_ =	shalt  }
0x67: {  	_ =	shalt  }
0x68: {  	_ =	shalt  }
0x69: {  	_ =	shalt  }
0x6a: {  	_ =	shalt  }
0x6b: {  	_ =	shalt  }
0x6c: {  	_ =	shalt  }
0x6d: {  	_ =	shalt  }
0x6e: {  	_ =	shalt  }
0x6f: {  	_ =	shalt  }
0x70: {  	_ =	shalt  }
0x71: {  	_ =	shalt  }
0x72: {  	_ =	shalt  }
0x73: {  	_ =	shalt  }
0x74: {  	_ =	shalt  }
0x75: {  	_ =	shalt  }
0x76: {  	_ =	shalt  }
0x77: {  	_ =	shalt  }
0x78: {  	_ =	shalt  }
0x79: {  	_ =	shalt  }
0x7a: {  	_ =	shalt  }
0x7b: {  	_ =	shalt  }
0x7c: {  	_ =	shalt  }
0x7d: {  	_ =	shalt  }
0x7e: {  	_ =	shalt  }
0x7f: {  	_ =	shalt  }
0x80: {  	_ =	shalt  }
0x81: {  	_ =	shalt  }
0x82: {  	_ =	shalt  }
0x83: {  	_ =	shalt  }
0x84: {  	_ =	shalt  }
0x85: {  	_ =	shalt  }
0x86: {  	_ =	shalt  }
0x87: {  	_ =	shalt  }
.Lfunc_end0:
.L_simem_size_0:
called_computation.1_lowered:
.L_overlay_start_0:
0x88: {  	s2 =	sld [smem:$0x3FD9]  }
0x89: {  	s3 =	sld [smem:$0x3FFE];
	_ =	sdelay $0x1  }
0x8a: {  	s1 =	srdreg.scid  }
0x8b: {  	s0 =	sand.u32 $0x1, s1  }
0x8c: {  	s14 =	sshll.u32 s0, $0xA;
	s2 =	sadd.s32 s3, s2  }
0x8d: {  	s2 =	sadd.s32 s2, s14  }
0x8e: {  	[smem:$0x3FC1] =	sst s2  }
0x8f: {  	_ = 	snop  }
0x90: {  	s2 =	sld [smem:$0x3FD0];
	_ =	sdelay $0x2  }
0x91: {  	s15 =	simm.s32 $0xA;
	s4 =	simm.s32 $0x10  }
0x92: {  	[smem:s4], [sflag:s15] =	dma.local [hbm:s2], $0x1  }
0x93: {  	_ =	swait.eq [sflag:s15], $0x1  }
0x94: {  	[sflag:s15] =	ssyncset.done $0x0  }
0x95: {  	[sflag:s15] =	ssyncadd.s32 $0xFFFFFFFF  }
0x96: {  	s16 =	sld [smem:$0x10];
	(tm) =	ssettm $0x1  }
0x97: {  	s17 =	sld [smem:$0x3FFB];
	_ =	sdelay $0x3  }
0x98: {  	_ =	strace s17  }
0x99: {  	s3 =	sld [smem:$0x3FFC];
	_ =	sdelay $0x3  }
0x9a: {  	_ =	strace s3  }
0x9b: {  	s3 =	sld [smem:$0x3FFD];
	_ =	sdelay $0x3  }
0x9c: {  	_ =	strace s3  }
0x9d: {  	_ =	strace $0x8FFFFFFF  }
0x9e: {  	s18 =	sld [smem:$0x3FDB];
	_ =	sdelay $0x1  }
0x9f: {  	s19 =	simm.s32 $_scs_section_size  }
0xa0: {  	s5 =	simm.s32 $_size__tile_overlayer_lowered;
	s6 =	simm.s32 $_tile_overlayer_lowered  }
0xa1: {  	s22 =	simm.s32 $0x1BFF;
	s21 =	sshll.u32 s6, $0x1;
	s3 =	sadd.s32 s19, s18  }
0xa2: {  	s7 =	simm.s32 $0x0;
	s20 =	sshll.u32 s5, $0x1;
	s5 =	sadd.s32 s21, s3  }
0xa3: {  	[timem:s7], [sflag:s22] =	dma.local [hbm:s5], s20  }
0xa4: {  	_ =	swait.ge [sflag:s22], s20  }
0xa5: {  	s4 =	ssub.s32 $0x0, s20;
	[sflag:s22] =	ssyncset.done $0x0  }
0xa6: {  	[sflag:s22] =	ssyncadd.s32 s4;
	_ =	sdelay $0x1  }
0xa7: {  	s23 =	simm.s32 $0x1B8B  }
0xa8: {  	_ =	swait.ge [sflag:s23], $0x1  }
0xa9: {  	[sflag:s23] =	ssyncset.done $0x0  }
0xaa: {  	s25 =	simm.s32 $0x1B8E;
	s24 =	sld [smem:$0x3FFE];
	[sflag:s23] =	ssyncadd.s32 $0xFFFFFFFF  }
0xab: {  	s26 =	simm.s32 $execute0_lowered;
	[smem:$0x3FD2] =	sst s25  }
0xac: {  	s5 =	sshll.u32 s26, $0x1;
	_ =	strace $0x80000049;
	[dreg:$0x1] =	wrdreg $0xFFFFFFFF  }
0xad: {  	s28 =	simm.s32 $_size_execute0_lowered;
	s3 =	sadd.s32 s3, s5;
	[dreg:$0x0] =	wrdreg $0x0  }
0xae: {  	s5 =	sshll.u32 s28, $0x1;
	[dreg:$0x2] =	wrdreg s3  }
0xaf: {  	[dreg:$0x3] =	wrdreg s5  }
0xb0: {  	[dreg:$0x4] =	wrdreg $0xC0  }
0xb1: {  	_ =	task [dreg:s7], $0x5FFFF  }
0xb2: {  	[dreg:$0x1] =	wrdreg $0xFFFFFFFF  }
0xb3: {  	[dreg:$0x0] =	wrdreg $0x60  }
0xb4: {  	[dreg:$0x2] =	wrdreg s24  }
0xb5: {  	[dreg:$0x3] =	wrdreg s16  }
0xb6: {  	[dreg:$0x4] =	wrdreg $0x9  }
0xb7: {  	_ =	task.clear_ibuf [dreg:s7], $0x5FFFF;
	_ =	strace $0x90000049  }
0xb8: {  	s29 =	simm.s32 $0x9;
	_ =	strace $0x8000004B  }
0xb9: {  	_ =	swait.ge [sflag:s29], $0x1  }
0xba: {  	[sflag:s29] =	ssyncadd.s32 $0xFFFFFFFF  }
0xbb: {  	_ =	strace $0x9000004B  }
0xbc: {  	_ =	sfence  }
0xbd: {  	s30 =	sld [smem:$0x0];
	_ =	sdelay $0x2  }
0xbe: {  	s31 =	sshll.u32 s1, $0xD;
	s1 =	sshrl.u32 s1, $0x2  }
0xbf: {  	s3 =	sand.u32 $0x4000, s31;
	s1 =	sadd.s32 s1, s30  }
0xc0: {  	s0 =	sor.u32 s3, s0;
	s1 =	sshll.u32 s1, $0x11  }
0xc1: {  	s0 =	sor.u32 s1, s0  }
0xc2: {  	s0 =	sadd.s32 $0x8F2B, s0  }
0xc3: {  	[sflag:s0] =	ssyncadd.remote.s32 $0x1  }
0xc4: {  	_ =	sfence.sel $0xFFFF  }
0xc5: {  	[dreg:$0x0] =	wrdreg $0xFFFFFFFF;
	(pc) =	sbr.abs _section_cstart, $3  }
0xc6: {  	[dreg:$0x1] =	wrdreg $0xFFFFFFFF  }
0xc7: {  	_ =	task.clear_ibuf [dreg:s7], $0x2FFFF;
	_ =	strace $0x9FFFFFFF  }
0xc8: {  	(tm) =	ssettm $0x7FFFFFFF  }
0xc9: {  	_ =	shalt  }
tec
execute0_lowered:
.L_overlay_start_1:
0x0: {  	(tag) =	ssettag $0x1  }
0x1: {  	s0 =	rddreg [dreg:$0x0]  }
0x2: {  	s1 =	rddreg [dreg:$0x1]  }
0x3: {  	s13 =	simm.s32 $0x0;
	s2 =	srdreg.scid;
	s4 =	stileid.u32  }
0x4: {  	s23 =	simm.s32 $0x3;
	[smem:$0x7FF] =	sst s13;
	s3 =	sadd.s32 $0xE200, s0  }
0x5: {  	s2 =	sand.u32 $0x1, s2;
	s5 =	sshll.u32 s4, $0x1;
	s6 =	sadd.s32 $0x800, s0  }
0x6: {  	s4 =	sadd.s32 $0x8C200, s0;
	s8 =	sadd.s32 $0x91000, s0;
	s7 =	sor.u32 s2, s5  }
0x7: {  	s17 =	sadd.s32 $0x85200, s0;
	_ =	strace $0x8000004A;
	s20 =	smul.u32 $0x680, s7  }
0x8: {  	s2 =	ssub.s32 $0x2, s2;
	[dreg:$0x4] =	wrdreg s17;
	s22 =	smul.u32 $0x1C00, s7  }
0x9: {  	s5 =	sadd.s32 $0x7E200, s0;
	s9 =	smul.u32 $0x270, s7;
	[dreg:$0x3] =	wrdreg s20  }
0xa: {  	s10 =	sshrl.u32 s2, $0x1;
	s14 =	sadd.s32 $0xD000, s20;
	[dreg:$0x11] =	wrdreg s22  }
0xb: {  	s26 =	sshrl.u32 s20, $0x3;
	s11 =	sadd.s32 $0x1A000, s20;
	[dreg:$0x5] =	wrdreg s14  }
0xc: {  	s2 =	ssub.s32 s2, s10;
	s12 =	sadd.s32 s6, s26;
	[dreg:$0x6] =	wrdreg s11  }
0xd: {  	s0 =	sadd.s32 s9, s0;
	s9 =	sadd.s32 s8, s26;
	[dreg:$0x7] =	wrdreg s12  }
0xe: {  	s10 =	sshrl.u32 s14, $0x3;
	s0 =	sadd.s32 $0x5600, s0;
	[dreg:$0xa] =	wrdreg s9  }
0xf: {  	s16 =	sadd.s32 s4, s26;
	s26 =	smax.u32 s2, $0x1;
	[dreg:$0x10] =	wrdreg s0  }
0x10: {  	s11 =	sshrl.u32 s11, $0x3;
	s15 =	sadd.s32 s6, s10;
	[dreg:$0x13] =	wrdreg s26  }
0x11: {  	s24 =	simm.s32 $0x80;
	s6 =	sadd.s32 s6, s11;
	[dreg:$0x8] =	wrdreg s15  }
0x12: {  	s28 =	simm.s32 $0x1;
	s18 =	sadd.s32 $0xC0, s16;
	[dreg:$0x9] =	wrdreg s6  }
0x13: {  	s29 =	simm.s32 $0xDB00;
	s19 =	sadd.s32 s8, s10;
	[dreg:$0xb] =	wrdreg s18  }
0x14: {  	s30 =	simm.s32 $0x2;
	s21 =	sadd.s32 $0x1AC0, s16;
	[dreg:$0xc] =	wrdreg s19  }
0x15: {  	v1 =	vlaneseq.u32;
	s25 =	sshll.u32 s7, $0x2;
	s8 =	sadd.s32 s8, s11;
	[dreg:$0xd] =	wrdreg s21  }
0x16: {  	s31 =	simm.s32 $0x9B00;
	v0 =	vmul.u32 $0x3, v1;
	s0 =	sadd.s32 s1, s25;
	[dreg:$0xe] =	wrdreg s8  }
0x17: {  	s25 =	simm.s32 $0x1B00;
	s6 =	sadd.s32 $0x34C0, s16;
	[dreg:$0x12] =	wrdreg s0  }
0x18: {  	v1 =	vmul.u32 $0x80, v1;
	v2 =	vadd.s32 $0x1, v0;
	v3 =	vadd.s32 $0x2, v0;
	s26 =	simm.s32 $0x5B00;
	s1 =	simm.s32 $0x0;
	[dreg:$0xf] =	wrdreg s6  }
.LBB2_1:
0x19: {  	[dreg:$0x14] =	wrdreg s1  }
0x1a: {  	s0 =	simm.s32 $0x100;
	s18 =	rddreg [dreg:$0x7]  }
0x1b: {  	[tilespmem:s0], [sflag:$0x3] =	stream.linear.gather [hbm4b:s18+s13], $0x680, $0x38;
	[tilespmem:$0xF300] =	vst v63  }
0x1c: {  	_ =	swait.ge [sflag:s23], $0x680  }
0x1d: {  	[sflag:s23] =	ssyncset.done $0x0  }
0x1e: {  	s10 =	simm.s32 $0x780;
	s19 =	rddreg [dreg:$0x8];
	[sflag:s23] =	ssyncadd.s32 $0xFFFFF980  }
0x1f: {  	[tilespmem:s10], [sflag:$0x3] =	stream.linear.gather [hbm4b:s19+s13], $0x680, $0x38;
	[tilespmem:$0xF300] =	vst v63  }
0x20: {  	_ =	swait.ge [sflag:s23], $0x680  }
0x21: {  	[sflag:s23] =	ssyncset.done $0x0  }
0x22: {  	s11 =	simm.s32 $0xE00;
	s21 =	rddreg [dreg:$0x9];
	[sflag:s23] =	ssyncadd.s32 $0xFFFFF980  }
0x23: {  	[tilespmem:s11], [sflag:$0x3] =	stream.linear.gather [hbm4b:s21+s13], $0x680, $0x38;
	[tilespmem:$0xF300] =	vst v63  }
0x24: {  	_ =	swait.ge [sflag:s23], $0x680  }
0x25: {  	s12 =	simm.s32 $0x1480;
	[sflag:s23] =	ssyncset.done $0x0  }
0x26: {  	s14 =	simm.s32 $0xE80;
	s22 =	rddreg [dreg:$0xa];
	[sflag:s23] =	ssyncadd.s32 $0xFFFFF980  }
0x27: {  	[tilespmem:s12], [sflag:$0x3] =	stream.linear.gather [hbm4b:s22+s13], $0x680, $0x38;
	[tilespmem:$0xF300] =	vst v63  }
0x28: {  	s15 =	simm.s32 $0x800;
	s16 =	simm.s32 $0x180;
	_ =	swait.ge [sflag:s23], $0x680  }
0x29: {  	s17 =	simm.s32 $0x180;
	s18 =	simm.s32 $0x0;
	[sflag:s23] =	ssyncset.done $0x0  }
0x2a: {  	s19 =	simm.s32 $0x0;
	s13 =	simm.s32 $0x1500;
	[sflag:s23] =	ssyncadd.s32 $0xFFFFF980  }
.LBB2_2:
0x2b: {  	s1 =	sshll.u32 s19, $0x8  }
0x2c: {  	s1 =	sadd.s32 s20, s1  }
0x2d: {  	s2 =	sshrl.u32 s1, $0x3  }
0x2e: {  	s6 =	simm.s32 $0x0;
	s2 =	sadd.s32 s4, s2  }
0x2f: {  	[tilespmem:s6], [sflag:$0x3] =	stream.linear.gather [hbm4b:s2+s6], $0x80, $0x38;
	[tilespmem:$0xF300] =	vst v63  }
0x30: {  	_ =	swait.ge [sflag:s23], $0x80  }
0x31: {  	s1 =	sadd.s32 $0x80, s1;
	[sflag:s23] =	ssyncset.done $0x0  }
0x32: {  	s1 =	sshrl.u32 s1, $0x3;
	[sflag:s23] =	ssyncadd.s32 $0xFFFFFF80  }
0x33: {  	[tilespmem:s25], [sflag:$0x1] =	stream.indirect.gather [hbm4b:s3+s24], $0x80, s6, s24, $0xb8;
	[tilespmem:$0xF300] =	vst v63  }
0x34: {  	s1 =	sadd.s32 s4, s1  }
0x35: {  	v4 =	vmov s6;
	[tilespmem:s24], [sflag:$0x3] =	stream.linear.gather [hbm4b:s1+s6], $0x80, $0x38;
	[tilespmem:$0xF300] =	vst v63  }
0x36: {  	v4 =	vshll.u32 v4, $0x7;
	_ =	swait.ge [sflag:s23], $0x80  }
0x37: {  	v4 =	vor.u32 v1, v4;
	[sflag:s23] =	ssyncset.done $0x0  }
0x38: {  	v5 =	vor.u32 $0x6, v4;
	[sflag:s23] =	ssyncadd.s32 $0xFFFFFF80  }
0x39: {  	[tilespmem:s26], [sflag:$0x2] =	stream.indirect.gather [hbm4b:s3+s24], $0x80, s24, s24, $0xb8;
	[tilespmem:$0xF300] =	vst v63  }
0x3a: {  	v6 =	vor.u32 $0x7, v4;
	_ =	swait.ge [sflag:s28], $0x4000  }
0x3b: {  	v7 =	vor.u32 $0xC, v4;
	[sflag:s28] =	ssyncset.done $0x0  }
0x3c: {  	[sflag:s28] =	ssyncadd.s32 $0xFFFFC000  }
0x3d: {  	v12 =	vld.idx.msk [tilespmem:v5+s25+$0x0], $0xffff  }
0x3e: {  	v9 =	vor.u32 $0x2, v4;
	v14 =	vld [tilespmem:s0+$0x0]  }
0x3f: {  	v5 =	vor.u32 $0x1, v4;
	v13 =	vld.idx.msk [tilespmem:v6+s25+$0x0], $0xffff  }
0x40: {  	v11 =	vld.idx.msk [tilespmem:v7+s25+$0x0], $0xffff  }
0x41: {  	v15 =	vor.u32 $0xD, v4;
	v16 =	vld [tilespmem:s11+$0x0]  }
0x42: {  	s22 =	sadd.s32 $0x10, s0;
	s7 =	sadd.s32 $0x30, s18;
	v10 =	vor.u32 $0x9, v4;
	v17 =	vld [tilespmem:s10+$0x0]  }
0x43: {  	s8 =	smov.u32 s12;
	s9 =	smov.u32 s10;
	s21 =	smov.u32 s18;
	v18 =	vor.u32 $0xA, v4;
	v9 =	vld.idx.msk [tilespmem:v9+s25+$0x0], $0xffff  }
0x44: {  	s2 =	simm.s32 $0x10;
	s6 =	smov.u32 s11;
	s1 =	smov.u32 s12;
	v7 =	vor.u32 $0x8, v4;
	v6 =	vor.u32 $0xB, v4;
	v8 =	vld.idx.msk [tilespmem:v5+s25+$0x0], $0xffff;
	v5 =	vor.u32 $0xE, v4  }
.LBB2_3:
0x45: {  	v19 =	vld.idx.msk [tilespmem:v4+s25+$0x0], $0xffff;
	s8 =	sadd.s32 $0x10, s8;
	s6 =	sadd.s32 $0x10, s6;
	s9 =	sadd.s32 $0x10, s9  }
0x46: {  	v20 =	vmov s2;
	p0 =	sne.s32 s2, $0x70;
	s2 =	sadd.s32 $0x10, s2;
	v15 =	vld.idx.msk [tilespmem:v15+s25+$0x0], $0xffff  }
0x47: {  	v21 =	vor.u32 $0x5, v4;
	v20 =	vshll.u32 v20, $0x7;
	v22 =	vld.idx.msk [tilespmem:v10+s25+$0x0], $0xffff  }
0x48: {  	v23 =	vor.u32 $0x3, v4;
	v24 =	vor.u32 $0x4, v4;
	v4 =	vor.u32 v1, v20;
	v18 =	vld.idx.msk [tilespmem:v18+s25+$0x0], $0xffff  }
0x49: {  	v20 =	vor.u32 $0x1, v4;
	v25 =	vor.u32 $0x2, v4;
	v17 =	vsub.f32 v17, v8;
	v26 =	vld.idx.msk [tilespmem:v7+s25+$0x0], $0xffff  }
0x4a: {  	v27 =	vor.u32 $0x7, v4;
	v10 =	vor.u32 $0x9, v4;
	v16 =	vsub.f32 v16, v9;
	v28 =	vld.idx.msk [tilespmem:v6+s25+$0x0], $0xffff  }
0x4b: {  	v29 =	vor.u32 $0xC, v4;
	v7 =	vor.u32 $0x8, v4;
	v14 =	vsub.f32 v14, v19;
	v30 =	vld.idx.msk [tilespmem:v5+s25+$0x0], $0xffff  }
0x4c: {  	v6 =	vor.u32 $0xB, v4;
	v13 =	vmul.f32 v17, v13;
	v5 =	vor.u32 $0xE, v4  }
0x4d: {  	v12 =	vmul.f32 v14, v12;
	v22 =	vmul.f32 v14, v22  }
0x4e: {  	v15 =	vmul.f32 v17, v15;
	v18 =	vmul.f32 v17, v18  }
0x4f: {  	v11 =	vmul.f32 v14, v11;
	v12 =	vadd.f32 v13, v12;
	v13 =	vmul.f32 v16, v26;
	v17 =	vld.idx.msk [tilespmem:v23+s25+$0x0], $0xffff  }
0x50: {  	v18 =	vadd.f32 v18, v22;
	v22 =	vmul.f32 v16, v28;
	v14 =	vld.idx.msk [tilespmem:v24+s25+$0x0], $0xffff  }
0x51: {  	v11 =	vadd.f32 v15, v11;
	v12 =	vadd.f32 v13, v12;
	v13 =	vmul.f32 v16, v30;
	v21 =	vld.idx.msk [tilespmem:v21+s25+$0x0], $0xffff  }
0x52: {  	v15 =	vor.u32 $0xD, v4;
	v18 =	vadd.f32 v22, v18;
	v16 =	vld [tilespmem:s1+$0x0];
	s1 =	smov.u32 s8  }
0x53: {  	v11 =	vadd.f32 v13, v11;
	v12 =	vadd.f32 v12, v19  }
0x54: {  	v13 =	vadd.s32 s21, v0;
	v8 =	vadd.f32 v18, v8  }
0x55: {  	v12 =	vadd.f32 v12, v17;
	v9 =	vadd.f32 v11, v9;
	v11 =	vadd.s32 s21, v2  }
0x56: {  	v8 =	vadd.f32 v8, v14;
	v14 =	vadd.s32 s21, v3;
	s21 =	smov.u32 s7  }
0x57: {  	v17 =	vor.u32 $0x6, v4;
	v9 =	vadd.f32 v9, v21;
	v12 =	vmul.f32 v12, v16  }
0x58: {  	v8 =	vmul.f32 v8, v16  }
0x59: {  	v9 =	vmul.f32 v9, v16;
	[tilespmem:v13+s29+$0x0] =	vst.idx.msk $0xffff, v12  }
0x5a: {  	[tilespmem:v11+s29+$0x0] =	vst.idx.msk $0xffff, v8  }
0x5b: {  	[tilespmem:v14+s29+$0x0] =	vst.idx.msk $0xffff, v9  }
0x5c: {  	v12 =	vld.idx.msk [tilespmem:v17+s25+$0x0], $0xffff  }
0x5d: {  	v14 =	vld [tilespmem:s22+$0x0]  }
0x5e: {  	v13 =	vld.idx.msk [tilespmem:v27+s25+$0x0], $0xffff  }
.Ltmp0:
0x5f: {  	v11 =	vld.idx.msk [tilespmem:v29+s25+$0x0], $0xffff;
	(pc) =	sbr.rel @p0 .LBB2_3-.Ltmp0, $4  }
0x60: {  	v16 =	vld [tilespmem:s6+$0x0]  }
0x61: {  	v17 =	vld [tilespmem:s9+$0x0]  }
0x62: {  	v18 =	vor.u32 $0xA, v4;
	v8 =	vld.idx.msk [tilespmem:v20+s25+$0x0], $0xffff  }
0x63: {  	s7 =	sadd.s32 $0x30, s7;
	s22 =	sadd.s32 $0x10, s22;
	v9 =	vld.idx.msk [tilespmem:v25+s25+$0x0], $0xffff  }
0x64: {  	_ =	sdelay $0x3  }
0x65: {  	v19 =	vld.idx.msk [tilespmem:v4+s25+$0x0], $0xffff  }
0x66: {  	v15 =	vld.idx.msk [tilespmem:v15+s25+$0x0], $0xffff  }
0x67: {  	v18 =	vld.idx.msk [tilespmem:v18+s25+$0x0], $0xffff  }
0x68: {  	v10 =	vld.idx.msk [tilespmem:v10+s25+$0x0], $0xffff  }
0x69: {  	v20 =	vor.u32 $0x3, v4;
	v7 =	vld.idx.msk [tilespmem:v7+s25+$0x0], $0xffff;
	v17 =	vsub.f32 v17, v8  }
0x6a: {  	v21 =	vor.u32 $0x4, v4;
	v6 =	vld.idx.msk [tilespmem:v6+s25+$0x0], $0xffff;
	v4 =	vor.u32 $0x5, v4;
	v14 =	vsub.f32 v14, v19  }
0x6b: {  	v5 =	vld.idx.msk [tilespmem:v5+s25+$0x0], $0xffff;
	v13 =	vmul.f32 v17, v13  }
0x6c: {  	v16 =	vsub.f32 v16, v9;
	v18 =	vmul.f32 v17, v18;
	v12 =	vmul.f32 v14, v12  }
0x6d: {  	v15 =	vmul.f32 v17, v15;
	v10 =	vmul.f32 v14, v10  }
0x6e: {  	v17 =	vld.idx.msk [tilespmem:v20+s25+$0x0], $0xffff;
	v7 =	vmul.f32 v16, v7;
	v11 =	vmul.f32 v14, v11;
	v12 =	vadd.f32 v13, v12  }
0x6f: {  	v4 =	vld.idx.msk [tilespmem:v4+s25+$0x0], $0xffff;
	v6 =	vmul.f32 v16, v6;
	v10 =	vadd.f32 v18, v10  }
0x70: {  	v5 =	vmul.f32 v16, v5;
	v13 =	vld.idx.msk [tilespmem:v21+s25+$0x0], $0xffff;
	v11 =	vadd.f32 v15, v11;
	v7 =	vadd.f32 v7, v12  }
0x71: {  	v12 =	vld [tilespmem:s1+$0x0];
	v6 =	vadd.f32 v6, v10  }
0x72: {  	v5 =	vadd.f32 v5, v11;
	v7 =	vadd.f32 v7, v19  }
0x73: {  	v6 =	vadd.f32 v6, v8;
	v8 =	vadd.s32 s21, v0  }
0x74: {  	v5 =	vadd.f32 v5, v9;
	v9 =	vadd.s32 s21, v2;
	v7 =	vadd.f32 v7, v17  }
0x75: {  	s22 =	simm.s32 $0x0;
	v10 =	vadd.s32 s21, v3;
	v6 =	vadd.f32 v6, v13  }
0x76: {  	v4 =	vadd.f32 v5, v4;
	v5 =	vmov s22;
	v7 =	vmul.f32 v7, v12  }
0x77: {  	v5 =	vshll.u32 v5, $0x7;
	v6 =	vmul.f32 v6, v12  }
0x78: {  	v11 =	vmul.f32 v4, v12;
	v4 =	vor.u32 v1, v5;
	[tilespmem:v8+s29+$0x0] =	vst.idx.msk $0xffff, v7  }
0x79: {  	v5 =	vor.u32 $0x7, v4;
	[tilespmem:v9+s29+$0x0] =	vst.idx.msk $0xffff, v6  }
0x7a: {  	v7 =	vor.u32 $0x9, v4;
	[tilespmem:v10+s29+$0x0] =	vst.idx.msk $0xffff, v11  }
0x7b: {  	v9 =	vor.u32 $0x1, v4;
	_ =	swait.ge [sflag:s30], $0x4000  }
0x7c: {  	v6 =	vmov s15;
	[sflag:s30] =	ssyncset.done $0x0  }
0x7d: {  	v13 =	vor.u32 $0x6, v4;
	[sflag:s30] =	ssyncadd.s32 $0xFFFFC000  }
0x7e: {  	v8 =	vmov s17;
	v17 =	vld.idx.msk [tilespmem:v5+s26+$0x0], $0xffff  }
0x7f: {  	v10 =	vor.u32 $0xA, v4;
	v15 =	vld.idx.msk [tilespmem:v7+s26+$0x0], $0xffff  }
0x80: {  	s2 =	simm.s32 $0x0;
	v7 =	vld.idx.msk [tilespmem:v9+s26+$0x0], $0xffff;
	v9 =	vmov s14  }
0x81: {  	v20 =	vld.idx.msk [tilespmem:v6+s2+$0x0 ss:$0x1], $0xffff  }
0x82: {  	v11 =	vor.u32 $0x2, v4;
	v16 =	vld.idx.msk [tilespmem:v13+s26+$0x0], $0xffff  }
0x83: {  	v12 =	vor.u32 $0xC, v4;
	v14 =	vor.u32 $0x8, v4;
	v19 =	vld.idx.msk [tilespmem:v8+s2+$0x0 ss:$0x1], $0xffff  }
0x84: {  	s6 =	smov.u32 s16;
	s1 =	simm.s32 $0x40;
	s21 =	smov.u32 s16;
	v5 =	vmov s13;
	v13 =	vor.u32 $0xB, v4;
	v18 =	vld.idx.msk [tilespmem:v10+s26+$0x0], $0xffff;
	v10 =	vor.u32 $0xD, v4  }
.LBB2_5:
0x85: {  	p0 =	sne.s32 s1, $0x1C0;
	v21 =	vld.idx.msk [tilespmem:v9+s2+$0x0 ss:$0x1], $0xffff;
	s6 =	sadd.s32 $0x30, s6;
	s22 =	sadd.s32 $0x10, s22  }
0x86: {  	s7 =	smov.u32 s1;
	s1 =	sadd.s32 $0x40, s1;
	v22 =	vmov s22;
	v23 =	vld.idx.msk [tilespmem:v4+s26+$0x0], $0xffff  }
0x87: {  	v25 =	vor.u32 $0xE, v4;
	v20 =	vsub.f32 v20, v7;
	v22 =	vshll.u32 v22, $0x7;
	v24 =	vld.idx.msk [tilespmem:v11+s26+$0x0], $0xffff  }
0x88: {  	v26 =	vor.u32 $0x4, v4;
	v22 =	vor.u32 v1, v22;
	v27 =	vld.idx.msk [tilespmem:v12+s26+$0x0], $0xffff  }
0x89: {  	v17 =	vmul.f32 v20, v17;
	v28 =	vor.u32 $0x1, v22;
	v11 =	vor.u32 $0x2, v22;
	v29 =	vld.idx.msk [tilespmem:v14+s26+$0x0], $0xffff  }
0x8a: {  	v18 =	vmul.f32 v20, v18;
	v30 =	vor.u32 $0x7, v22;
	v31 =	vor.u32 $0x9, v22;
	v32 =	vld.idx.msk [tilespmem:v10+s26+$0x0], $0xffff  }
0x8b: {  	v33 =	vor.u32 $0x3, v4;
	s7 =	sshra.s32 s7, $0x2;
	v12 =	vor.u32 $0xC, v22;
	v10 =	vor.u32 $0xD, v22;
	v34 =	vld.idx.msk [tilespmem:v13+s26+$0x0], $0xffff  }
0x8c: {  	v35 =	vor.u32 $0x6, v22;
	v14 =	vor.u32 $0x8, v22;
	v19 =	vsub.f32 v19, v23;
	v25 =	vld.idx.msk [tilespmem:v25+s26+$0x0], $0xffff  }
0x8d: {  	v36 =	vor.u32 $0x5, v4;
	v4 =	vmov v22;
	v21 =	vsub.f32 v21, v24  }
0x8e: {  	v16 =	vmul.f32 v19, v16;
	v15 =	vmul.f32 v19, v15  }
0x8f: {  	v13 =	vor.u32 $0xB, v4;
	v19 =	vmul.f32 v19, v27;
	v29 =	vmul.f32 v21, v29;
	v22 =	vld.idx.msk [tilespmem:v5+s2+$0x0 ss:$0x1], $0xffff;
	s2 =	smov.u32 s7  }
0x90: {  	v16 =	vadd.f32 v17, v16;
	v15 =	vadd.f32 v18, v15;
	v17 =	vmul.f32 v20, v32;
	v27 =	vld.idx.msk [tilespmem:v33+s26+$0x0], $0xffff  }
0x91: {  	v20 =	vmul.f32 v21, v34;
	v18 =	vld.idx.msk [tilespmem:v26+s26+$0x0], $0xffff  }
0x92: {  	v16 =	vadd.f32 v29, v16;
	v17 =	vadd.f32 v17, v19;
	v19 =	vmul.f32 v21, v25;
	v26 =	vld.idx.msk [tilespmem:v36+s26+$0x0], $0xffff  }
0x93: {  	v15 =	vadd.f32 v20, v15  }
0x94: {  	v17 =	vadd.f32 v19, v17;
	v16 =	vadd.f32 v16, v23  }
0x95: {  	v7 =	vadd.f32 v15, v7;
	v15 =	vadd.s32 s21, v0  }
0x96: {  	v19 =	vadd.s32 s21, v2;
	v16 =	vadd.f32 v16, v27;
	v17 =	vadd.f32 v17, v24  }
0x97: {  	v7 =	vadd.f32 v7, v18;
	v18 =	vadd.s32 s21, v3;
	s21 =	smov.u32 s6  }
0x98: {  	v16 =	vmul.f32 v16, v22;
	v17 =	vadd.f32 v17, v26  }
0x99: {  	v7 =	vmul.f32 v7, v22  }
0x9a: {  	v17 =	vmul.f32 v17, v22;
	[tilespmem:v15+s29+$0x0] =	vst.idx.msk $0xffff, v16  }
0x9b: {  	[tilespmem:v19+s29+$0x0] =	vst.idx.msk $0xffff, v7  }
0x9c: {  	v16 =	vor.u32 $0xA, v4;
	[tilespmem:v18+s29+$0x0] =	vst.idx.msk $0xffff, v17  }
0x9d: {  	v17 =	vld.idx.msk [tilespmem:v30+s26+$0x0], $0xffff  }
0x9e: {  	v15 =	vld.idx.msk [tilespmem:v31+s26+$0x0], $0xffff  }
.Ltmp1:
0x9f: {  	v20 =	vld.idx.msk [tilespmem:v6+s2+$0x0 ss:$0x1], $0xffff;
	(pc) =	sbr.rel @p0 .LBB2_5-.Ltmp1, $4  }
0xa0: {  	v7 =	vld.idx.msk [tilespmem:v28+s26+$0x0], $0xffff  }
0xa1: {  	v18 =	vld.idx.msk [tilespmem:v16+s26+$0x0], $0xffff  }
0xa2: {  	v16 =	vld.idx.msk [tilespmem:v35+s26+$0x0], $0xffff  }
0xa3: {  	v19 =	vld.idx.msk [tilespmem:v8+s2+$0x0 ss:$0x1], $0xffff  }
0xa4: {  	_ =	sdelay $0x3  }
0xa5: {  	v6 =	vld.idx.msk [tilespmem:v9+s2+$0x0 ss:$0x1], $0xffff  }
0xa6: {  	v8 =	vld.idx.msk [tilespmem:v4+s26+$0x0], $0xffff  }
0xa7: {  	v54 =	vld.idx.msk [tilespmem:v11+s26+$0x0], $0xffff;
	v55 =	vor.u32 $0xE, v4  }
0xa8: {  	v12 =	vld.idx.msk [tilespmem:v12+s26+$0x0], $0xffff  }
0xa9: {  	v10 =	vld.idx.msk [tilespmem:v10+s26+$0x0], $0xffff  }
0xaa: {  	v14 =	vld.idx.msk [tilespmem:v14+s26+$0x0], $0xffff;
	v20 =	vsub.f32 v20, v7  }
0xab: {  	v21 =	vor.u32 $0x3, v4;
	v13 =	vld.idx.msk [tilespmem:v13+s26+$0x0], $0xffff;
	v19 =	vsub.f32 v19, v8  }
0xac: {  	v22 =	vor.u32 $0x4, v4;
	v4 =	vor.u32 $0x5, v4;
	v17 =	vmul.f32 v20, v17;
	v11 =	vld.idx.msk [tilespmem:v55+s26+$0x0], $0xffff  }
0xad: {  	v18 =	vmul.f32 v20, v18;
	v6 =	vsub.f32 v6, v54;
	v16 =	vmul.f32 v19, v16  }
0xae: {  	v10 =	vmul.f32 v20, v10;
	v15 =	vmul.f32 v19, v15  }
0xaf: {  	v5 =	vld.idx.msk [tilespmem:v5+s2+$0x0 ss:$0x1], $0xffff;
	v14 =	vmul.f32 v6, v14;
	v12 =	vmul.f32 v19, v12;
	v16 =	vadd.f32 v17, v16  }
0xb0: {  	v56 =	vld.idx.msk [tilespmem:v21+s26+$0x0], $0xffff;
	v13 =	vmul.f32 v6, v13;
	v15 =	vadd.f32 v18, v15  }
0xb1: {  	v57 =	vld.idx.msk [tilespmem:v22+s26+$0x0], $0xffff;
	v10 =	vadd.f32 v10, v12;
	v6 =	vmul.f32 v6, v11;
	v14 =	vadd.f32 v14, v16  }
0xb2: {  	v4 =	vld.idx.msk [tilespmem:v4+s26+$0x0], $0xffff;
	v58 =	vadd.f32 v13, v15  }
0xb3: {  	v6 =	vadd.f32 v6, v10;
	v8 =	vadd.f32 v14, v8  }
0xb4: {  	v60 =	vadd.s32 s21, v0;
	v59 =	vadd.f32 v58, v7  }
0xb5: {  	v61 =	vadd.s32 s21, v2;
	s19 =	sadd.s32 $0x1, s19;
	v6 =	vadd.f32 v6, v54;
	v8 =	vadd.f32 v8, v56  }
0xb6: {  	v62 =	vadd.s32 s21, v3;
	p0 =	sne.s32 s19, $0x6;
	v7 =	vadd.f32 v59, v57  }
.Ltmp2:
0xb7: {  	v4 =	vadd.f32 v6, v4;
	v8 =	vmul.f32 v8, v5;
	(pc) =	sbr.rel @p0 .LBB2_2-.Ltmp2, $4  }
0xb8: {  	s12 =	sadd.s32 $0x100, s12;
	v63 =	vmul.f32 v7, v5  }
0xb9: {  	s11 =	sadd.s32 $0x100, s11;
	s10 =	sadd.s32 $0x100, s10;
	s0 =	sadd.s32 $0x100, s0;
	v4 =	vmul.f32 v4, v5;
	[tilespmem:v60+s29+$0x0] =	vst.idx.msk $0xffff, v8  }
0xba: {  	s18 =	sadd.s32 $0x300, s18;
	s13 =	sadd.s32 $0x100, s13;
	s14 =	sadd.s32 $0x100, s14;
	[tilespmem:v61+s29+$0x0] =	vst.idx.msk $0xffff, v63  }
0xbb: {  	s15 =	sadd.s32 $0x100, s15;
	s17 =	sadd.s32 $0x100, s17;
	s16 =	sadd.s32 $0x300, s16;
	[tilespmem:v62+s29+$0x0] =	vst.idx.msk $0xffff, v4  }
0xbc: {  	s0 =	simm.s32 $0x0;
	s1 =	rddreg [dreg:$0xb]  }
0xbd: {  	[tilespmem:s0], [sflag:$0x3] =	stream.linear.gather [hbm4b:s1+s0], $0x80, $0x38;
	v4 =	vmov s0;
	[tilespmem:$0xF300] =	vst v63  }
0xbe: {  	_ =	swait.ge [sflag:s23], $0x80;
	v4 =	vshll.u32 v4, $0x7  }
0xbf: {  	[sflag:s23] =	ssyncset.done $0x0;
	v4 =	vor.u32 v1, v4  }
0xc0: {  	[sflag:s23] =	ssyncadd.s32 $0xFFFFFF80;
	v5 =	vor.u32 $0x6, v4  }
0xc1: {  	[tilespmem:s25], [sflag:$0x1] =	stream.indirect.gather [hbm4b:s3+s24], $0x80, s0, s24, $0xb8;
	[tilespmem:$0xF300] =	vst v63  }
0xc2: {  	v6 =	vor.u32 $0x7, v4;
	_ =	swait.ge [sflag:s28], $0x4000  }
0xc3: {  	v7 =	vor.u32 $0xC, v4;
	[sflag:s28] =	ssyncset.done $0x0  }
0xc4: {  	[sflag:s28] =	ssyncadd.s32 $0xFFFFC000  }
0xc5: {  	s1 =	simm.s32 $0x700;
	v12 =	vld.idx.msk [tilespmem:v5+s25+$0x0], $0xffff  }
0xc6: {  	v9 =	vor.u32 $0x2, v4;
	v14 =	vld [tilespmem:s1+$0x0]  }
0xc7: {  	v5 =	vor.u32 $0x1, v4;
	v13 =	vld.idx.msk [tilespmem:v6+s25+$0x0], $0xffff  }
0xc8: {  	s2 =	simm.s32 $0x1400;
	v11 =	vld.idx.msk [tilespmem:v7+s25+$0x0], $0xffff  }
0xc9: {  	s11 =	simm.s32 $0xD80;
	v16 =	vor.u32 $0xD, v4;
	v15 =	vld [tilespmem:s2+$0x0]  }
0xca: {  	v10 =	vor.u32 $0x9, v4;
	v17 =	vld [tilespmem:s11+$0x0]  }
0xcb: {  	s10 =	simm.s32 $0x1A80;
	s12 =	simm.s32 $0x1230;
	v18 =	vor.u32 $0xA, v4;
	v9 =	vld.idx.msk [tilespmem:v9+s25+$0x0], $0xffff  }
0xcc: {  	s6 =	simm.s32 $0x1A90;
	s7 =	simm.s32 $0x10;
	s0 =	simm.s32 $0x1200;
	v7 =	vor.u32 $0x8, v4;
	v6 =	vor.u32 $0xB, v4;
	v8 =	vld.idx.msk [tilespmem:v5+s25+$0x0], $0xffff;
	v5 =	vor.u32 $0xE, v4  }
.LBB2_8:
0xcd: {  	v19 =	vld.idx.msk [tilespmem:v4+s25+$0x0], $0xffff;
	s1 =	sadd.s32 $0x10, s1;
	s11 =	sadd.s32 $0x10, s11;
	s2 =	sadd.s32 $0x10, s2  }
0xce: {  	v20 =	vmov s7;
	p0 =	sne.s32 s12, $0x1350;
	s8 =	smov.u32 s12;
	s12 =	sadd.s32 $0x30, s12;
	v16 =	vld.idx.msk [tilespmem:v16+s25+$0x0], $0xffff  }
0xcf: {  	v21 =	vor.u32 $0x5, v4;
	v20 =	vshll.u32 v20, $0x7;
	v22 =	vld.idx.msk [tilespmem:v10+s25+$0x0], $0xffff  }
0xd0: {  	v23 =	vor.u32 $0x3, v4;
	v24 =	vor.u32 $0x4, v4;
	v4 =	vor.u32 v1, v20;
	v18 =	vld.idx.msk [tilespmem:v18+s25+$0x0], $0xffff  }
0xd1: {  	v20 =	vor.u32 $0x1, v4;
	v25 =	vor.u32 $0x2, v4;
	v17 =	vsub.f32 v17, v8;
	v26 =	vld.idx.msk [tilespmem:v7+s25+$0x0], $0xffff  }
0xd2: {  	v27 =	vor.u32 $0x7, v4;
	v10 =	vor.u32 $0x9, v4;
	v15 =	vsub.f32 v15, v9;
	v28 =	vld.idx.msk [tilespmem:v6+s25+$0x0], $0xffff  }
0xd3: {  	v29 =	vor.u32 $0xC, v4;
	v7 =	vor.u32 $0x8, v4;
	v14 =	vsub.f32 v14, v19;
	v30 =	vld.idx.msk [tilespmem:v5+s25+$0x0], $0xffff  }
0xd4: {  	v6 =	vor.u32 $0xB, v4;
	v13 =	vmul.f32 v17, v13;
	v5 =	vor.u32 $0xE, v4  }
0xd5: {  	v12 =	vmul.f32 v14, v12;
	v22 =	vmul.f32 v14, v22  }
0xd6: {  	v16 =	vmul.f32 v17, v16;
	v18 =	vmul.f32 v17, v18  }
0xd7: {  	v11 =	vmul.f32 v14, v11;
	v12 =	vadd.f32 v13, v12;
	v13 =	vmul.f32 v15, v26;
	v17 =	vld.idx.msk [tilespmem:v23+s25+$0x0], $0xffff  }
0xd8: {  	v18 =	vadd.f32 v18, v22;
	v22 =	vmul.f32 v15, v28;
	v14 =	vld.idx.msk [tilespmem:v24+s25+$0x0], $0xffff  }
0xd9: {  	v11 =	vadd.f32 v16, v11;
	v12 =	vadd.f32 v13, v12;
	v13 =	vmul.f32 v15, v30;
	v21 =	vld.idx.msk [tilespmem:v21+s25+$0x0], $0xffff  }
0xda: {  	v16 =	vor.u32 $0xD, v4;
	v18 =	vadd.f32 v22, v18;
	v15 =	vld [tilespmem:s10+$0x0];
	s10 =	smov.u32 s6  }
0xdb: {  	v11 =	vadd.f32 v13, v11;
	v12 =	vadd.f32 v12, v19  }
0xdc: {  	v13 =	vadd.s32 s0, v0;
	v8 =	vadd.f32 v18, v8  }
0xdd: {  	v12 =	vadd.f32 v12, v17;
	v9 =	vadd.f32 v11, v9;
	v11 =	vadd.s32 s0, v2  }
0xde: {  	v8 =	vadd.f32 v8, v14;
	v14 =	vadd.s32 s0, v3;
	s0 =	smov.u32 s8  }
0xdf: {  	v17 =	vor.u32 $0x6, v4;
	v9 =	vadd.f32 v9, v21;
	v12 =	vmul.f32 v12, v15  }
0xe0: {  	v8 =	vmul.f32 v8, v15  }
0xe1: {  	v9 =	vmul.f32 v9, v15;
	[tilespmem:v13+s29+$0x0] =	vst.idx.msk $0xffff, v12  }
0xe2: {  	[tilespmem:v11+s29+$0x0] =	vst.idx.msk $0xffff, v8  }
0xe3: {  	[tilespmem:v14+s29+$0x0] =	vst.idx.msk $0xffff, v9  }
0xe4: {  	v12 =	vld.idx.msk [tilespmem:v17+s25+$0x0], $0xffff  }
0xe5: {  	v14 =	vld [tilespmem:s1+$0x0]  }
0xe6: {  	v13 =	vld.idx.msk [tilespmem:v27+s25+$0x0], $0xffff  }
.Ltmp3:
0xe7: {  	v11 =	vld.idx.msk [tilespmem:v29+s25+$0x0], $0xffff;
	(pc) =	sbr.rel @p0 .LBB2_8-.Ltmp3, $4  }
0xe8: {  	v15 =	vld [tilespmem:s2+$0x0]  }
0xe9: {  	v17 =	vld [tilespmem:s11+$0x0]  }
0xea: {  	v18 =	vor.u32 $0xA, v4;
	v8 =	vld.idx.msk [tilespmem:v20+s25+$0x0], $0xffff  }
0xeb: {  	s7 =	sadd.s32 $0x10, s7;
	s6 =	sadd.s32 $0x10, s6;
	v9 =	vld.idx.msk [tilespmem:v25+s25+$0x0], $0xffff  }
0xec: {  	_ =	sdelay $0x3  }
0xed: {  	v19 =	vld.idx.msk [tilespmem:v4+s25+$0x0], $0xffff  }
0xee: {  	v16 =	vld.idx.msk [tilespmem:v16+s25+$0x0], $0xffff  }
0xef: {  	v18 =	vld.idx.msk [tilespmem:v18+s25+$0x0], $0xffff  }
0xf0: {  	v10 =	vld.idx.msk [tilespmem:v10+s25+$0x0], $0xffff  }
0xf1: {  	v7 =	vld.idx.msk [tilespmem:v7+s25+$0x0], $0xffff;
	v17 =	vsub.f32 v17, v8  }
0xf2: {  	v20 =	vor.u32 $0x3, v4;
	v6 =	vld.idx.msk [tilespmem:v6+s25+$0x0], $0xffff;
	v14 =	vsub.f32 v14, v19  }
0xf3: {  	v21 =	vor.u32 $0x4, v4;
	v4 =	vor.u32 $0x5, v4;
	v5 =	vld.idx.msk [tilespmem:v5+s25+$0x0], $0xffff;
	v13 =	vmul.f32 v17, v13  }
0xf4: {  	v15 =	vsub.f32 v15, v9;
	v18 =	vmul.f32 v17, v18;
	v12 =	vmul.f32 v14, v12  }
0xf5: {  	v16 =	vmul.f32 v17, v16;
	v10 =	vmul.f32 v14, v10  }
0xf6: {  	v60 =	vld [tilespmem:s10+$0x0];
	v7 =	vmul.f32 v15, v7;
	v11 =	vmul.f32 v14, v11;
	v12 =	vadd.f32 v13, v12  }
0xf7: {  	v58 =	vld.idx.msk [tilespmem:v20+s25+$0x0], $0xffff;
	v6 =	vmul.f32 v15, v6;
	v10 =	vadd.f32 v18, v10  }
0xf8: {  	v59 =	vld.idx.msk [tilespmem:v21+s25+$0x0], $0xffff;
	v5 =	vmul.f32 v15, v5;
	v11 =	vadd.f32 v16, v11;
	v7 =	vadd.f32 v7, v12  }
0xf9: {  	v4 =	vld.idx.msk [tilespmem:v4+s25+$0x0], $0xffff;
	v6 =	vadd.f32 v6, v10  }
0xfa: {  	v5 =	vadd.f32 v5, v11;
	v7 =	vadd.f32 v7, v19  }
0xfb: {  	v61 =	vadd.s32 s0, v0;
	v6 =	vadd.f32 v6, v8  }
0xfc: {  	v62 =	vadd.s32 s0, v2;
	v5 =	vadd.f32 v5, v9;
	v7 =	vadd.f32 v7, v58  }
0xfd: {  	v63 =	vadd.s32 s0, v3;
	v6 =	vadd.f32 v6, v59  }
0xfe: {  	v4 =	vadd.f32 v5, v4;
	v7 =	vmul.f32 v7, v60  }
0xff: {  	v5 =	vmul.f32 v6, v60  }
0x100: {  	s0 =	simm.s32 $0x0;
	v4 =	vmul.f32 v4, v60;
	[tilespmem:v61+s29+$0x0] =	vst.idx.msk $0xffff, v7  }
0x101: {  	s6 =	simm.s32 $0x1480;
	s1 =	rddreg [dreg:$0xc];
	s9 =	simm.s32 $0xE00;
	[tilespmem:v62+s29+$0x0] =	vst.idx.msk $0xffff, v5  }
0x102: {  	s20 =	simm.s32 $0x780;
	s13 =	simm.s32 $0x100;
	s14 =	simm.s32 $0x1500;
	[tilespmem:v63+s29+$0x0] =	vst.idx.msk $0xffff, v4  }
0x103: {  	[tilespmem:s6], [sflag:$0x3] =	stream.linear.gather [hbm4b:s1+s0], $0x680, $0x38;
	[tilespmem:$0xF300] =	vst v63  }
0x104: {  	s15 =	simm.s32 $0xE80;
	s16 =	simm.s32 $0x800;
	_ =	swait.ge [sflag:s23], $0x680  }
0x105: {  	s22 =	simm.s32 $0x180;
	s18 =	simm.s32 $0x180;
	[sflag:s23] =	ssyncset.done $0x0  }
0x106: {  	s19 =	simm.s32 $0x0;
	s21 =	simm.s32 $0x0;
	[sflag:s23] =	ssyncadd.s32 $0xFFFFF980  }
.LBB2_10:
0x107: {  	s1 =	sshll.u32 s21, $0x8;
	s2 =	rddreg [dreg:$0x5]  }
0x108: {  	s1 =	sadd.s32 s2, s1  }
0x109: {  	s2 =	sshrl.u32 s1, $0x3  }
0x10a: {  	s2 =	sadd.s32 s4, s2  }
0x10b: {  	[tilespmem:s0], [sflag:$0x3] =	stream.linear.gather [hbm4b:s2+s0], $0x80, $0x38;
	[tilespmem:$0xF300] =	vst v63  }
0x10c: {  	_ =	swait.ge [sflag:s23], $0x80  }
0x10d: {  	s1 =	sadd.s32 $0x80, s1;
	[sflag:s23] =	ssyncset.done $0x0  }
0x10e: {  	s1 =	sshrl.u32 s1, $0x3;
	[sflag:s23] =	ssyncadd.s32 $0xFFFFFF80  }
0x10f: {  	[tilespmem:s25], [sflag:$0x1] =	stream.indirect.gather [hbm4b:s3+s24], $0x80, s0, s24, $0xb8;
	[tilespmem:$0xF300] =	vst v63  }
0x110: {  	s1 =	sadd.s32 s4, s1  }
0x111: {  	v4 =	vmov s0;
	[tilespmem:s24], [sflag:$0x3] =	stream.linear.gather [hbm4b:s1+s0], $0x80, $0x38;
	[tilespmem:$0xF300] =	vst v63  }
0x112: {  	v4 =	vshll.u32 v4, $0x7;
	_ =	swait.ge [sflag:s23], $0x80  }
0x113: {  	v4 =	vor.u32 v1, v4;
	[sflag:s23] =	ssyncset.done $0x0  }
0x114: {  	v5 =	vor.u32 $0x6, v4;
	[sflag:s23] =	ssyncadd.s32 $0xFFFFFF80  }
0x115: {  	[tilespmem:s26], [sflag:$0x2] =	stream.indirect.gather [hbm4b:s3+s24], $0x80, s24, s24, $0xb8;
	[tilespmem:$0xF300] =	vst v63  }
0x116: {  	v6 =	vor.u32 $0x7, v4;
	_ =	swait.ge [sflag:s28], $0x4000  }
0x117: {  	v7 =	vor.u32 $0xC, v4;
	[sflag:s28] =	ssyncset.done $0x0  }
0x118: {  	[sflag:s28] =	ssyncadd.s32 $0xFFFFC000  }
0x119: {  	v12 =	vld.idx.msk [tilespmem:v5+s25+$0x0], $0xffff  }
0x11a: {  	v9 =	vor.u32 $0x2, v4;
	v14 =	vld [tilespmem:s13+$0x0]  }
0x11b: {  	v5 =	vor.u32 $0x1, v4;
	v13 =	vld.idx.msk [tilespmem:v6+s25+$0x0], $0xffff  }
0x11c: {  	v11 =	vld.idx.msk [tilespmem:v7+s25+$0x0], $0xffff  }
0x11d: {  	v15 =	vor.u32 $0xD, v4;
	v16 =	vld [tilespmem:s9+$0x0]  }
0x11e: {  	s7 =	sadd.s32 $0x10, s13;
	s8 =	sadd.s32 $0x30, s19;
	v10 =	vor.u32 $0x9, v4;
	v17 =	vld [tilespmem:s20+$0x0]  }
0x11f: {  	s10 =	smov.u32 s6;
	s11 =	smov.u32 s9;
	s12 =	smov.u32 s20;
	v18 =	vor.u32 $0xA, v4;
	v9 =	vld.idx.msk [tilespmem:v9+s25+$0x0], $0xffff  }
0x120: {  	s17 =	smov.u32 s19;
	s2 =	simm.s32 $0x10;
	s1 =	smov.u32 s6;
	v7 =	vor.u32 $0x8, v4;
	v6 =	vor.u32 $0xB, v4;
	v8 =	vld.idx.msk [tilespmem:v5+s25+$0x0], $0xffff;
	v5 =	vor.u32 $0xE, v4  }
.LBB2_11:
0x121: {  	v19 =	vld.idx.msk [tilespmem:v4+s25+$0x0], $0xffff;
	s10 =	sadd.s32 $0x10, s10;
	s11 =	sadd.s32 $0x10, s11;
	s12 =	sadd.s32 $0x10, s12  }
0x122: {  	v20 =	vmov s2;
	p0 =	sne.s32 s2, $0x70;
	s2 =	sadd.s32 $0x10, s2;
	v15 =	vld.idx.msk [tilespmem:v15+s25+$0x0], $0xffff  }
0x123: {  	v21 =	vor.u32 $0x5, v4;
	v20 =	vshll.u32 v20, $0x7;
	v22 =	vld.idx.msk [tilespmem:v10+s25+$0x0], $0xffff  }
0x124: {  	v23 =	vor.u32 $0x3, v4;
	v24 =	vor.u32 $0x4, v4;
	v4 =	vor.u32 v1, v20;
	v18 =	vld.idx.msk [tilespmem:v18+s25+$0x0], $0xffff  }
0x125: {  	v20 =	vor.u32 $0x1, v4;
	v25 =	vor.u32 $0x2, v4;
	v17 =	vsub.f32 v17, v8;
	v26 =	vld.idx.msk [tilespmem:v7+s25+$0x0], $0xffff  }
0x126: {  	v27 =	vor.u32 $0x7, v4;
	v10 =	vor.u32 $0x9, v4;
	v16 =	vsub.f32 v16, v9;
	v28 =	vld.idx.msk [tilespmem:v6+s25+$0x0], $0xffff  }
0x127: {  	v29 =	vor.u32 $0xC, v4;
	v7 =	vor.u32 $0x8, v4;
	v14 =	vsub.f32 v14, v19;
	v30 =	vld.idx.msk [tilespmem:v5+s25+$0x0], $0xffff  }
0x128: {  	v6 =	vor.u32 $0xB, v4;
	v13 =	vmul.f32 v17, v13;
	v5 =	vor.u32 $0xE, v4  }
0x129: {  	v12 =	vmul.f32 v14, v12;
	v22 =	vmul.f32 v14, v22  }
0x12a: {  	v15 =	vmul.f32 v17, v15;
	v18 =	vmul.f32 v17, v18  }
0x12b: {  	v11 =	vmul.f32 v14, v11;
	v12 =	vadd.f32 v13, v12;
	v13 =	vmul.f32 v16, v26;
	v17 =	vld.idx.msk [tilespmem:v23+s25+$0x0], $0xffff  }
0x12c: {  	v18 =	vadd.f32 v18, v22;
	v22 =	vmul.f32 v16, v28;
	v14 =	vld.idx.msk [tilespmem:v24+s25+$0x0], $0xffff  }
0x12d: {  	v11 =	vadd.f32 v15, v11;
	v12 =	vadd.f32 v13, v12;
	v13 =	vmul.f32 v16, v30;
	v21 =	vld.idx.msk [tilespmem:v21+s25+$0x0], $0xffff  }
0x12e: {  	v15 =	vor.u32 $0xD, v4;
	v18 =	vadd.f32 v22, v18;
	v16 =	vld [tilespmem:s1+$0x0];
	s1 =	smov.u32 s10  }
0x12f: {  	v11 =	vadd.f32 v13, v11;
	v12 =	vadd.f32 v12, v19  }
0x130: {  	v13 =	vadd.s32 s17, v0;
	v8 =	vadd.f32 v18, v8  }
0x131: {  	v12 =	vadd.f32 v12, v17;
	v9 =	vadd.f32 v11, v9;
	v11 =	vadd.s32 s17, v2  }
0x132: {  	v8 =	vadd.f32 v8, v14;
	v14 =	vadd.s32 s17, v3;
	s17 =	smov.u32 s8  }
0x133: {  	v17 =	vor.u32 $0x6, v4;
	v9 =	vadd.f32 v9, v21;
	v12 =	vmul.f32 v12, v16  }
0x134: {  	v8 =	vmul.f32 v8, v16  }
0x135: {  	v9 =	vmul.f32 v9, v16;
	[tilespmem:v13+s29+$0x0] =	vst.idx.add.f32.msk $0xffff, v12  }
0x136: {  	[tilespmem:v11+s29+$0x0] =	vst.idx.add.f32.msk $0xffff, v8  }
0x137: {  	[tilespmem:v14+s29+$0x0] =	vst.idx.add.f32.msk $0xffff, v9  }
0x138: {  	v12 =	vld.idx.msk [tilespmem:v17+s25+$0x0], $0xffff  }
0x139: {  	v14 =	vld [tilespmem:s7+$0x0]  }
0x13a: {  	v13 =	vld.idx.msk [tilespmem:v27+s25+$0x0], $0xffff  }
.Ltmp4:
0x13b: {  	v11 =	vld.idx.msk [tilespmem:v29+s25+$0x0], $0xffff;
	(pc) =	sbr.rel @p0 .LBB2_11-.Ltmp4, $4  }
0x13c: {  	v16 =	vld [tilespmem:s11+$0x0]  }
0x13d: {  	v17 =	vld [tilespmem:s12+$0x0]  }
0x13e: {  	v18 =	vor.u32 $0xA, v4;
	v8 =	vld.idx.msk [tilespmem:v20+s25+$0x0], $0xffff  }
0x13f: {  	s8 =	sadd.s32 $0x30, s8;
	s7 =	sadd.s32 $0x10, s7;
	v9 =	vld.idx.msk [tilespmem:v25+s25+$0x0], $0xffff  }
0x140: {  	_ =	sdelay $0x3  }
0x141: {  	v19 =	vld.idx.msk [tilespmem:v4+s25+$0x0], $0xffff  }
0x142: {  	v15 =	vld.idx.msk [tilespmem:v15+s25+$0x0], $0xffff  }
0x143: {  	v18 =	vld.idx.msk [tilespmem:v18+s25+$0x0], $0xffff  }
0x144: {  	v10 =	vld.idx.msk [tilespmem:v10+s25+$0x0], $0xffff  }
0x145: {  	v20 =	vor.u32 $0x3, v4;
	v7 =	vld.idx.msk [tilespmem:v7+s25+$0x0], $0xffff;
	v17 =	vsub.f32 v17, v8  }
0x146: {  	v21 =	vor.u32 $0x4, v4;
	v6 =	vld.idx.msk [tilespmem:v6+s25+$0x0], $0xffff;
	v4 =	vor.u32 $0x5, v4;
	v14 =	vsub.f32 v14, v19  }
0x147: {  	v5 =	vld.idx.msk [tilespmem:v5+s25+$0x0], $0xffff;
	v13 =	vmul.f32 v17, v13  }
0x148: {  	v16 =	vsub.f32 v16, v9;
	v18 =	vmul.f32 v17, v18;
	v12 =	vmul.f32 v14, v12  }
0x149: {  	v15 =	vmul.f32 v17, v15;
	v10 =	vmul.f32 v14, v10  }
0x14a: {  	v17 =	vld.idx.msk [tilespmem:v20+s25+$0x0], $0xffff;
	v7 =	vmul.f32 v16, v7;
	v11 =	vmul.f32 v14, v11;
	v12 =	vadd.f32 v13, v12  }
0x14b: {  	v4 =	vld.idx.msk [tilespmem:v4+s25+$0x0], $0xffff;
	v6 =	vmul.f32 v16, v6;
	v10 =	vadd.f32 v18, v10  }
0x14c: {  	v5 =	vmul.f32 v16, v5;
	v13 =	vld.idx.msk [tilespmem:v21+s25+$0x0], $0xffff;
	v11 =	vadd.f32 v15, v11;
	v7 =	vadd.f32 v7, v12  }
0x14d: {  	v12 =	vld [tilespmem:s1+$0x0];
	v6 =	vadd.f32 v6, v10  }
0x14e: {  	v5 =	vadd.f32 v5, v11;
	v7 =	vadd.f32 v7, v19  }
0x14f: {  	v6 =	vadd.f32 v6, v8;
	v8 =	vadd.s32 s17, v0  }
0x150: {  	v5 =	vadd.f32 v5, v9;
	v9 =	vadd.s32 s17, v2;
	v7 =	vadd.f32 v7, v17  }
0x151: {  	s2 =	simm.s32 $0x0;
	v10 =	vadd.s32 s17, v3;
	v6 =	vadd.f32 v6, v13  }
0x152: {  	v4 =	vadd.f32 v5, v4;
	v5 =	vmov s2;
	v7 =	vmul.f32 v7, v12  }
0x153: {  	v5 =	vshll.u32 v5, $0x7;
	v6 =	vmul.f32 v6, v12  }
0x154: {  	v11 =	vmul.f32 v4, v12;
	v4 =	vor.u32 v1, v5;
	[tilespmem:v8+s29+$0x0] =	vst.idx.add.f32.msk $0xffff, v7  }
0x155: {  	v5 =	vor.u32 $0x7, v4;
	[tilespmem:v9+s29+$0x0] =	vst.idx.add.f32.msk $0xffff, v6  }
0x156: {  	v7 =	vor.u32 $0x9, v4;
	[tilespmem:v10+s29+$0x0] =	vst.idx.add.f32.msk $0xffff, v11  }
0x157: {  	v9 =	vor.u32 $0x1, v4;
	_ =	swait.ge [sflag:s30], $0x4000  }
0x158: {  	v6 =	vmov s16;
	[sflag:s30] =	ssyncset.done $0x0  }
0x159: {  	v13 =	vor.u32 $0x6, v4;
	[sflag:s30] =	ssyncadd.s32 $0xFFFFC000  }
0x15a: {  	v8 =	vmov s18;
	v17 =	vld.idx.msk [tilespmem:v5+s26+$0x0], $0xffff  }
0x15b: {  	v10 =	vor.u32 $0xA, v4;
	v15 =	vld.idx.msk [tilespmem:v7+s26+$0x0], $0xffff  }
0x15c: {  	s1 =	simm.s32 $0x0;
	v7 =	vld.idx.msk [tilespmem:v9+s26+$0x0], $0xffff;
	v9 =	vmov s15  }
0x15d: {  	v20 =	vld.idx.msk [tilespmem:v6+s1+$0x0 ss:$0x1], $0xffff  }
0x15e: {  	v11 =	vor.u32 $0x2, v4;
	v16 =	vld.idx.msk [tilespmem:v13+s26+$0x0], $0xffff  }
0x15f: {  	v12 =	vor.u32 $0xC, v4;
	v14 =	vor.u32 $0x8, v4;
	v19 =	vld.idx.msk [tilespmem:v8+s1+$0x0 ss:$0x1], $0xffff  }
0x160: {  	s7 =	simm.s32 $0x40;
	s8 =	smov.u32 s22;
	s17 =	smov.u32 s22;
	v5 =	vmov s14;
	v13 =	vor.u32 $0xB, v4;
	v18 =	vld.idx.msk [tilespmem:v10+s26+$0x0], $0xffff;
	v10 =	vor.u32 $0xD, v4  }
.LBB2_13:
0x161: {  	p0 =	sne.s32 s7, $0x1C0;
	v21 =	vld.idx.msk [tilespmem:v9+s1+$0x0 ss:$0x1], $0xffff;
	s8 =	sadd.s32 $0x30, s8;
	s2 =	sadd.s32 $0x10, s2  }
0x162: {  	s10 =	smov.u32 s7;
	s7 =	sadd.s32 $0x40, s7;
	v22 =	vmov s2;
	v23 =	vld.idx.msk [tilespmem:v4+s26+$0x0], $0xffff  }
0x163: {  	v25 =	vor.u32 $0xE, v4;
	v20 =	vsub.f32 v20, v7;
	v22 =	vshll.u32 v22, $0x7;
	v24 =	vld.idx.msk [tilespmem:v11+s26+$0x0], $0xffff  }
0x164: {  	v26 =	vor.u32 $0x4, v4;
	v22 =	vor.u32 v1, v22;
	v27 =	vld.idx.msk [tilespmem:v12+s26+$0x0], $0xffff  }
0x165: {  	v17 =	vmul.f32 v20, v17;
	v28 =	vor.u32 $0x1, v22;
	v11 =	vor.u32 $0x2, v22;
	v29 =	vld.idx.msk [tilespmem:v14+s26+$0x0], $0xffff  }
0x166: {  	v18 =	vmul.f32 v20, v18;
	v30 =	vor.u32 $0x7, v22;
	v31 =	vor.u32 $0x9, v22;
	v32 =	vld.idx.msk [tilespmem:v10+s26+$0x0], $0xffff  }
0x167: {  	v33 =	vor.u32 $0x3, v4;
	s10 =	sshra.s32 s10, $0x2;
	v12 =	vor.u32 $0xC, v22;
	v10 =	vor.u32 $0xD, v22;
	v34 =	vld.idx.msk [tilespmem:v13+s26+$0x0], $0xffff  }
0x168: {  	v35 =	vor.u32 $0x6, v22;
	v14 =	vor.u32 $0x8, v22;
	v19 =	vsub.f32 v19, v23;
	v25 =	vld.idx.msk [tilespmem:v25+s26+$0x0], $0xffff  }
0x169: {  	v36 =	vor.u32 $0x5, v4;
	v4 =	vmov v22;
	v21 =	vsub.f32 v21, v24  }
0x16a: {  	v16 =	vmul.f32 v19, v16;
	v15 =	vmul.f32 v19, v15  }
0x16b: {  	v13 =	vor.u32 $0xB, v4;
	v19 =	vmul.f32 v19, v27;
	v29 =	vmul.f32 v21, v29;
	v22 =	vld.idx.msk [tilespmem:v5+s1+$0x0 ss:$0x1], $0xffff;
	s1 =	smov.u32 s10  }
0x16c: {  	v16 =	vadd.f32 v17, v16;
	v15 =	vadd.f32 v18, v15;
	v17 =	vmul.f32 v20, v32;
	v27 =	vld.idx.msk [tilespmem:v33+s26+$0x0], $0xffff  }
0x16d: {  	v20 =	vmul.f32 v21, v34;
	v18 =	vld.idx.msk [tilespmem:v26+s26+$0x0], $0xffff  }
0x16e: {  	v16 =	vadd.f32 v29, v16;
	v17 =	vadd.f32 v17, v19;
	v19 =	vmul.f32 v21, v25;
	v26 =	vld.idx.msk [tilespmem:v36+s26+$0x0], $0xffff  }
0x16f: {  	v15 =	vadd.f32 v20, v15  }
0x170: {  	v17 =	vadd.f32 v19, v17;
	v16 =	vadd.f32 v16, v23  }
0x171: {  	v7 =	vadd.f32 v15, v7;
	v15 =	vadd.s32 s17, v0  }
0x172: {  	v19 =	vadd.s32 s17, v2;
	v16 =	vadd.f32 v16, v27;
	v17 =	vadd.f32 v17, v24  }
0x173: {  	v7 =	vadd.f32 v7, v18;
	v18 =	vadd.s32 s17, v3;
	s17 =	smov.u32 s8  }
0x174: {  	v16 =	vmul.f32 v16, v22;
	v17 =	vadd.f32 v17, v26  }
0x175: {  	v7 =	vmul.f32 v7, v22  }
0x176: {  	v17 =	vmul.f32 v17, v22;
	[tilespmem:v15+s29+$0x0] =	vst.idx.add.f32.msk $0xffff, v16  }
0x177: {  	[tilespmem:v19+s29+$0x0] =	vst.idx.add.f32.msk $0xffff, v7  }
0x178: {  	v16 =	vor.u32 $0xA, v4;
	[tilespmem:v18+s29+$0x0] =	vst.idx.add.f32.msk $0xffff, v17  }
0x179: {  	v17 =	vld.idx.msk [tilespmem:v30+s26+$0x0], $0xffff  }
0x17a: {  	v15 =	vld.idx.msk [tilespmem:v31+s26+$0x0], $0xffff  }
.Ltmp5:
0x17b: {  	v20 =	vld.idx.msk [tilespmem:v6+s1+$0x0 ss:$0x1], $0xffff;
	(pc) =	sbr.rel @p0 .LBB2_13-.Ltmp5, $4  }
0x17c: {  	v7 =	vld.idx.msk [tilespmem:v28+s26+$0x0], $0xffff  }
0x17d: {  	v18 =	vld.idx.msk [tilespmem:v16+s26+$0x0], $0xffff  }
0x17e: {  	v16 =	vld.idx.msk [tilespmem:v35+s26+$0x0], $0xffff  }
0x17f: {  	v19 =	vld.idx.msk [tilespmem:v8+s1+$0x0 ss:$0x1], $0xffff  }
0x180: {  	_ =	sdelay $0x3  }
0x181: {  	v6 =	vld.idx.msk [tilespmem:v9+s1+$0x0 ss:$0x1], $0xffff  }
0x182: {  	v8 =	vld.idx.msk [tilespmem:v4+s26+$0x0], $0xffff  }
0x183: {  	v54 =	vld.idx.msk [tilespmem:v11+s26+$0x0], $0xffff;
	v55 =	vor.u32 $0xE, v4  }
0x184: {  	v12 =	vld.idx.msk [tilespmem:v12+s26+$0x0], $0xffff  }
0x185: {  	v10 =	vld.idx.msk [tilespmem:v10+s26+$0x0], $0xffff  }
0x186: {  	v14 =	vld.idx.msk [tilespmem:v14+s26+$0x0], $0xffff;
	v20 =	vsub.f32 v20, v7  }
0x187: {  	v21 =	vor.u32 $0x3, v4;
	v13 =	vld.idx.msk [tilespmem:v13+s26+$0x0], $0xffff;
	v19 =	vsub.f32 v19, v8  }
0x188: {  	v22 =	vor.u32 $0x4, v4;
	v4 =	vor.u32 $0x5, v4;
	v17 =	vmul.f32 v20, v17;
	v11 =	vld.idx.msk [tilespmem:v55+s26+$0x0], $0xffff  }
0x189: {  	v18 =	vmul.f32 v20, v18;
	v6 =	vsub.f32 v6, v54;
	v16 =	vmul.f32 v19, v16  }
0x18a: {  	v10 =	vmul.f32 v20, v10;
	v15 =	vmul.f32 v19, v15  }
0x18b: {  	v5 =	vld.idx.msk [tilespmem:v5+s1+$0x0 ss:$0x1], $0xffff;
	v14 =	vmul.f32 v6, v14;
	v12 =	vmul.f32 v19, v12;
	v16 =	vadd.f32 v17, v16  }
0x18c: {  	v56 =	vld.idx.msk [tilespmem:v21+s26+$0x0], $0xffff;
	v13 =	vmul.f32 v6, v13;
	v15 =	vadd.f32 v18, v15  }
0x18d: {  	v57 =	vld.idx.msk [tilespmem:v22+s26+$0x0], $0xffff;
	v10 =	vadd.f32 v10, v12;
	v6 =	vmul.f32 v6, v11;
	v14 =	vadd.f32 v14, v16  }
0x18e: {  	v4 =	vld.idx.msk [tilespmem:v4+s26+$0x0], $0xffff;
	v58 =	vadd.f32 v13, v15  }
0x18f: {  	v6 =	vadd.f32 v6, v10;
	v8 =	vadd.f32 v14, v8  }
0x190: {  	v60 =	vadd.s32 s17, v0;
	v59 =	vadd.f32 v58, v7  }
0x191: {  	v61 =	vadd.s32 s17, v2;
	s21 =	sadd.s32 $0x1, s21;
	v6 =	vadd.f32 v6, v54;
	v8 =	vadd.f32 v8, v56  }
0x192: {  	v62 =	vadd.s32 s17, v3;
	p0 =	sne.s32 s21, $0x6;
	v7 =	vadd.f32 v59, v57  }
.Ltmp6:
0x193: {  	v4 =	vadd.f32 v6, v4;
	v8 =	vmul.f32 v8, v5;
	(pc) =	sbr.rel @p0 .LBB2_10-.Ltmp6, $4  }
0x194: {  	s6 =	sadd.s32 $0x100, s6;
	v63 =	vmul.f32 v7, v5  }
0x195: {  	s9 =	sadd.s32 $0x100, s9;
	s20 =	sadd.s32 $0x100, s20;
	s13 =	sadd.s32 $0x100, s13;
	v4 =	vmul.f32 v4, v5;
	[tilespmem:v60+s29+$0x0] =	vst.idx.add.f32.msk $0xffff, v8  }
0x196: {  	s19 =	sadd.s32 $0x300, s19;
	s14 =	sadd.s32 $0x100, s14;
	s15 =	sadd.s32 $0x100, s15;
	[tilespmem:v61+s29+$0x0] =	vst.idx.add.f32.msk $0xffff, v63  }
0x197: {  	s16 =	sadd.s32 $0x100, s16;
	s18 =	sadd.s32 $0x100, s18;
	s22 =	sadd.s32 $0x300, s22;
	[tilespmem:v62+s29+$0x0] =	vst.idx.add.f32.msk $0xffff, v4  }
0x198: {  	s0 =	simm.s32 $0x0;
	s1 =	rddreg [dreg:$0xd]  }
0x199: {  	[tilespmem:s0], [sflag:$0x3] =	stream.linear.gather [hbm4b:s1+s0], $0x80, $0x38;
	v4 =	vmov s0;
	[tilespmem:$0xF300] =	vst v63  }
0x19a: {  	_ =	swait.ge [sflag:s23], $0x80;
	v4 =	vshll.u32 v4, $0x7  }
0x19b: {  	[sflag:s23] =	ssyncset.done $0x0;
	v4 =	vor.u32 v1, v4  }
0x19c: {  	[sflag:s23] =	ssyncadd.s32 $0xFFFFFF80;
	v5 =	vor.u32 $0x6, v4  }
0x19d: {  	[tilespmem:s25], [sflag:$0x1] =	stream.indirect.gather [hbm4b:s3+s24], $0x80, s0, s24, $0xb8;
	[tilespmem:$0xF300] =	vst v63  }
0x19e: {  	v6 =	vor.u32 $0x7, v4;
	_ =	swait.ge [sflag:s28], $0x4000  }
0x19f: {  	v7 =	vor.u32 $0xC, v4;
	[sflag:s28] =	ssyncset.done $0x0  }
0x1a0: {  	[sflag:s28] =	ssyncadd.s32 $0xFFFFC000  }
0x1a1: {  	s1 =	simm.s32 $0x700;
	v12 =	vld.idx.msk [tilespmem:v5+s25+$0x0], $0xffff  }
0x1a2: {  	v9 =	vor.u32 $0x2, v4;
	v14 =	vld [tilespmem:s1+$0x0]  }
0x1a3: {  	v5 =	vor.u32 $0x1, v4;
	v13 =	vld.idx.msk [tilespmem:v6+s25+$0x0], $0xffff  }
0x1a4: {  	s2 =	simm.s32 $0x1400;
	v11 =	vld.idx.msk [tilespmem:v7+s25+$0x0], $0xffff  }
0x1a5: {  	s11 =	simm.s32 $0xD80;
	v16 =	vor.u32 $0xD, v4;
	v15 =	vld [tilespmem:s2+$0x0]  }
0x1a6: {  	v10 =	vor.u32 $0x9, v4;
	v17 =	vld [tilespmem:s11+$0x0]  }
0x1a7: {  	s10 =	simm.s32 $0x1A80;
	s12 =	simm.s32 $0x1230;
	v18 =	vor.u32 $0xA, v4;
	v9 =	vld.idx.msk [tilespmem:v9+s25+$0x0], $0xffff  }
0x1a8: {  	s6 =	simm.s32 $0x1A90;
	s7 =	simm.s32 $0x10;
	s0 =	simm.s32 $0x1200;
	v7 =	vor.u32 $0x8, v4;
	v6 =	vor.u32 $0xB, v4;
	v8 =	vld.idx.msk [tilespmem:v5+s25+$0x0], $0xffff;
	v5 =	vor.u32 $0xE, v4  }
.LBB2_16:
0x1a9: {  	v19 =	vld.idx.msk [tilespmem:v4+s25+$0x0], $0xffff;
	s1 =	sadd.s32 $0x10, s1;
	s11 =	sadd.s32 $0x10, s11;
	s2 =	sadd.s32 $0x10, s2  }
0x1aa: {  	v20 =	vmov s7;
	p0 =	sne.s32 s12, $0x1350;
	s8 =	smov.u32 s12;
	s12 =	sadd.s32 $0x30, s12;
	v16 =	vld.idx.msk [tilespmem:v16+s25+$0x0], $0xffff  }
0x1ab: {  	v21 =	vor.u32 $0x5, v4;
	v20 =	vshll.u32 v20, $0x7;
	v22 =	vld.idx.msk [tilespmem:v10+s25+$0x0], $0xffff  }
0x1ac: {  	v23 =	vor.u32 $0x3, v4;
	v24 =	vor.u32 $0x4, v4;
	v4 =	vor.u32 v1, v20;
	v18 =	vld.idx.msk [tilespmem:v18+s25+$0x0], $0xffff  }
0x1ad: {  	v20 =	vor.u32 $0x1, v4;
	v25 =	vor.u32 $0x2, v4;
	v17 =	vsub.f32 v17, v8;
	v26 =	vld.idx.msk [tilespmem:v7+s25+$0x0], $0xffff  }
0x1ae: {  	v27 =	vor.u32 $0x7, v4;
	v10 =	vor.u32 $0x9, v4;
	v15 =	vsub.f32 v15, v9;
	v28 =	vld.idx.msk [tilespmem:v6+s25+$0x0], $0xffff  }
0x1af: {  	v29 =	vor.u32 $0xC, v4;
	v7 =	vor.u32 $0x8, v4;
	v14 =	vsub.f32 v14, v19;
	v30 =	vld.idx.msk [tilespmem:v5+s25+$0x0], $0xffff  }
0x1b0: {  	v6 =	vor.u32 $0xB, v4;
	v13 =	vmul.f32 v17, v13;
	v5 =	vor.u32 $0xE, v4  }
0x1b1: {  	v12 =	vmul.f32 v14, v12;
	v22 =	vmul.f32 v14, v22  }
0x1b2: {  	v16 =	vmul.f32 v17, v16;
	v18 =	vmul.f32 v17, v18  }
0x1b3: {  	v11 =	vmul.f32 v14, v11;
	v12 =	vadd.f32 v13, v12;
	v13 =	vmul.f32 v15, v26;
	v17 =	vld.idx.msk [tilespmem:v23+s25+$0x0], $0xffff  }
0x1b4: {  	v18 =	vadd.f32 v18, v22;
	v22 =	vmul.f32 v15, v28;
	v14 =	vld.idx.msk [tilespmem:v24+s25+$0x0], $0xffff  }
0x1b5: {  	v11 =	vadd.f32 v16, v11;
	v12 =	vadd.f32 v13, v12;
	v13 =	vmul.f32 v15, v30;
	v21 =	vld.idx.msk [tilespmem:v21+s25+$0x0], $0xffff  }
0x1b6: {  	v16 =	vor.u32 $0xD, v4;
	v18 =	vadd.f32 v22, v18;
	v15 =	vld [tilespmem:s10+$0x0];
	s10 =	smov.u32 s6  }
0x1b7: {  	v11 =	vadd.f32 v13, v11;
	v12 =	vadd.f32 v12, v19  }
0x1b8: {  	v13 =	vadd.s32 s0, v0;
	v8 =	vadd.f32 v18, v8  }
0x1b9: {  	v12 =	vadd.f32 v12, v17;
	v9 =	vadd.f32 v11, v9;
	v11 =	vadd.s32 s0, v2  }
0x1ba: {  	v8 =	vadd.f32 v8, v14;
	v14 =	vadd.s32 s0, v3;
	s0 =	smov.u32 s8  }
0x1bb: {  	v17 =	vor.u32 $0x6, v4;
	v9 =	vadd.f32 v9, v21;
	v12 =	vmul.f32 v12, v15  }
0x1bc: {  	v8 =	vmul.f32 v8, v15  }
0x1bd: {  	v9 =	vmul.f32 v9, v15;
	[tilespmem:v13+s29+$0x0] =	vst.idx.add.f32.msk $0xffff, v12  }
0x1be: {  	[tilespmem:v11+s29+$0x0] =	vst.idx.add.f32.msk $0xffff, v8  }
0x1bf: {  	[tilespmem:v14+s29+$0x0] =	vst.idx.add.f32.msk $0xffff, v9  }
0x1c0: {  	v12 =	vld.idx.msk [tilespmem:v17+s25+$0x0], $0xffff  }
0x1c1: {  	v14 =	vld [tilespmem:s1+$0x0]  }
0x1c2: {  	v13 =	vld.idx.msk [tilespmem:v27+s25+$0x0], $0xffff  }
.Ltmp7:
0x1c3: {  	v11 =	vld.idx.msk [tilespmem:v29+s25+$0x0], $0xffff;
	(pc) =	sbr.rel @p0 .LBB2_16-.Ltmp7, $4  }
0x1c4: {  	v15 =	vld [tilespmem:s2+$0x0]  }
0x1c5: {  	v17 =	vld [tilespmem:s11+$0x0]  }
0x1c6: {  	v18 =	vor.u32 $0xA, v4;
	v8 =	vld.idx.msk [tilespmem:v20+s25+$0x0], $0xffff  }
0x1c7: {  	s7 =	sadd.s32 $0x10, s7;
	s6 =	sadd.s32 $0x10, s6;
	v9 =	vld.idx.msk [tilespmem:v25+s25+$0x0], $0xffff  }
0x1c8: {  	_ =	sdelay $0x3  }
0x1c9: {  	v19 =	vld.idx.msk [tilespmem:v4+s25+$0x0], $0xffff  }
0x1ca: {  	v16 =	vld.idx.msk [tilespmem:v16+s25+$0x0], $0xffff  }
0x1cb: {  	v18 =	vld.idx.msk [tilespmem:v18+s25+$0x0], $0xffff  }
0x1cc: {  	v10 =	vld.idx.msk [tilespmem:v10+s25+$0x0], $0xffff  }
0x1cd: {  	v7 =	vld.idx.msk [tilespmem:v7+s25+$0x0], $0xffff;
	v17 =	vsub.f32 v17, v8  }
0x1ce: {  	v20 =	vor.u32 $0x3, v4;
	v6 =	vld.idx.msk [tilespmem:v6+s25+$0x0], $0xffff;
	v14 =	vsub.f32 v14, v19  }
0x1cf: {  	v21 =	vor.u32 $0x4, v4;
	v4 =	vor.u32 $0x5, v4;
	v5 =	vld.idx.msk [tilespmem:v5+s25+$0x0], $0xffff;
	v13 =	vmul.f32 v17, v13  }
0x1d0: {  	v15 =	vsub.f32 v15, v9;
	v18 =	vmul.f32 v17, v18;
	v12 =	vmul.f32 v14, v12  }
0x1d1: {  	v16 =	vmul.f32 v17, v16;
	v10 =	vmul.f32 v14, v10  }
0x1d2: {  	v60 =	vld [tilespmem:s10+$0x0];
	v7 =	vmul.f32 v15, v7;
	v11 =	vmul.f32 v14, v11;
	v12 =	vadd.f32 v13, v12  }
0x1d3: {  	v58 =	vld.idx.msk [tilespmem:v20+s25+$0x0], $0xffff;
	v6 =	vmul.f32 v15, v6;
	v10 =	vadd.f32 v18, v10  }
0x1d4: {  	v59 =	vld.idx.msk [tilespmem:v21+s25+$0x0], $0xffff;
	v5 =	vmul.f32 v15, v5;
	v11 =	vadd.f32 v16, v11;
	v7 =	vadd.f32 v7, v12  }
0x1d5: {  	v4 =	vld.idx.msk [tilespmem:v4+s25+$0x0], $0xffff;
	v6 =	vadd.f32 v6, v10  }
0x1d6: {  	v5 =	vadd.f32 v5, v11;
	v7 =	vadd.f32 v7, v19  }
0x1d7: {  	v61 =	vadd.s32 s0, v0;
	v6 =	vadd.f32 v6, v8  }
0x1d8: {  	v62 =	vadd.s32 s0, v2;
	v5 =	vadd.f32 v5, v9;
	v7 =	vadd.f32 v7, v58  }
0x1d9: {  	v63 =	vadd.s32 s0, v3;
	v6 =	vadd.f32 v6, v59  }
0x1da: {  	v4 =	vadd.f32 v5, v4;
	v7 =	vmul.f32 v7, v60  }
0x1db: {  	v5 =	vmul.f32 v6, v60  }
0x1dc: {  	s0 =	simm.s32 $0x0;
	v4 =	vmul.f32 v4, v60;
	[tilespmem:v61+s29+$0x0] =	vst.idx.add.f32.msk $0xffff, v7  }
0x1dd: {  	s10 =	simm.s32 $0x1480;
	s1 =	rddreg [dreg:$0xe];
	s11 =	simm.s32 $0xE00;
	[tilespmem:v62+s29+$0x0] =	vst.idx.add.f32.msk $0xffff, v5  }
0x1de: {  	s12 =	simm.s32 $0x780;
	s13 =	simm.s32 $0x100;
	s14 =	simm.s32 $0x1500;
	[tilespmem:v63+s29+$0x0] =	vst.idx.add.f32.msk $0xffff, v4  }
0x1df: {  	[tilespmem:s10], [sflag:$0x3] =	stream.linear.gather [hbm4b:s1+s0], $0x680, $0x38;
	[tilespmem:$0xF300] =	vst v63  }
0x1e0: {  	s15 =	simm.s32 $0xE80;
	s16 =	simm.s32 $0x800;
	_ =	swait.ge [sflag:s23], $0x680  }
0x1e1: {  	s17 =	simm.s32 $0x180;
	s18 =	simm.s32 $0x180;
	[sflag:s23] =	ssyncset.done $0x0  }
0x1e2: {  	s19 =	simm.s32 $0x0;
	s21 =	simm.s32 $0x0;
	[sflag:s23] =	ssyncadd.s32 $0xFFFFF980  }
.LBB2_18:
0x1e3: {  	s1 =	sshll.u32 s21, $0x8;
	s2 =	rddreg [dreg:$0x6]  }
0x1e4: {  	s1 =	sadd.s32 s2, s1  }
0x1e5: {  	s2 =	sshrl.u32 s1, $0x3  }
0x1e6: {  	s2 =	sadd.s32 s4, s2  }
0x1e7: {  	[tilespmem:s0], [sflag:$0x3] =	stream.linear.gather [hbm4b:s2+s0], $0x80, $0x38;
	[tilespmem:$0xF300] =	vst v63  }
0x1e8: {  	_ =	swait.ge [sflag:s23], $0x80  }
0x1e9: {  	s1 =	sadd.s32 $0x80, s1;
	[sflag:s23] =	ssyncset.done $0x0  }
0x1ea: {  	s1 =	sshrl.u32 s1, $0x3;
	[sflag:s23] =	ssyncadd.s32 $0xFFFFFF80  }
0x1eb: {  	[tilespmem:s25], [sflag:$0x1] =	stream.indirect.gather [hbm4b:s3+s24], $0x80, s0, s24, $0xb8;
	[tilespmem:$0xF300] =	vst v63  }
0x1ec: {  	s1 =	sadd.s32 s4, s1  }
0x1ed: {  	v4 =	vmov s0;
	[tilespmem:s24], [sflag:$0x3] =	stream.linear.gather [hbm4b:s1+s0], $0x80, $0x38;
	[tilespmem:$0xF300] =	vst v63  }
0x1ee: {  	v4 =	vshll.u32 v4, $0x7;
	_ =	swait.ge [sflag:s23], $0x80  }
0x1ef: {  	v4 =	vor.u32 v1, v4;
	[sflag:s23] =	ssyncset.done $0x0  }
0x1f0: {  	v5 =	vor.u32 $0x6, v4;
	[sflag:s23] =	ssyncadd.s32 $0xFFFFFF80  }
0x1f1: {  	[tilespmem:s26], [sflag:$0x2] =	stream.indirect.gather [hbm4b:s3+s24], $0x80, s24, s24, $0xb8;
	[tilespmem:$0xF300] =	vst v63  }
0x1f2: {  	v6 =	vor.u32 $0x7, v4;
	_ =	swait.ge [sflag:s28], $0x4000  }
0x1f3: {  	v7 =	vor.u32 $0xC, v4;
	[sflag:s28] =	ssyncset.done $0x0  }
0x1f4: {  	[sflag:s28] =	ssyncadd.s32 $0xFFFFC000  }
0x1f5: {  	v12 =	vld.idx.msk [tilespmem:v5+s25+$0x0], $0xffff  }
0x1f6: {  	v9 =	vor.u32 $0x2, v4;
	v14 =	vld [tilespmem:s13+$0x0]  }
0x1f7: {  	v5 =	vor.u32 $0x1, v4;
	v13 =	vld.idx.msk [tilespmem:v6+s25+$0x0], $0xffff  }
0x1f8: {  	v11 =	vld.idx.msk [tilespmem:v7+s25+$0x0], $0xffff  }
0x1f9: {  	v15 =	vor.u32 $0xD, v4;
	v16 =	vld [tilespmem:s11+$0x0]  }
0x1fa: {  	s7 =	sadd.s32 $0x10, s13;
	s8 =	sadd.s32 $0x30, s19;
	v10 =	vor.u32 $0x9, v4;
	v17 =	vld [tilespmem:s12+$0x0]  }
0x1fb: {  	s6 =	smov.u32 s10;
	s9 =	smov.u32 s11;
	s20 =	smov.u32 s12;
	v18 =	vor.u32 $0xA, v4;
	v9 =	vld.idx.msk [tilespmem:v9+s25+$0x0], $0xffff  }
0x1fc: {  	s22 =	smov.u32 s19;
	s2 =	simm.s32 $0x10;
	s1 =	smov.u32 s10;
	v7 =	vor.u32 $0x8, v4;
	v6 =	vor.u32 $0xB, v4;
	v8 =	vld.idx.msk [tilespmem:v5+s25+$0x0], $0xffff;
	v5 =	vor.u32 $0xE, v4  }
.LBB2_19:
0x1fd: {  	v19 =	vld.idx.msk [tilespmem:v4+s25+$0x0], $0xffff;
	s6 =	sadd.s32 $0x10, s6;
	s9 =	sadd.s32 $0x10, s9;
	s20 =	sadd.s32 $0x10, s20  }
0x1fe: {  	v20 =	vmov s2;
	p0 =	sne.s32 s2, $0x70;
	s2 =	sadd.s32 $0x10, s2;
	v15 =	vld.idx.msk [tilespmem:v15+s25+$0x0], $0xffff  }
0x1ff: {  	v21 =	vor.u32 $0x5, v4;
	v20 =	vshll.u32 v20, $0x7;
	v22 =	vld.idx.msk [tilespmem:v10+s25+$0x0], $0xffff  }
0x200: {  	v23 =	vor.u32 $0x3, v4;
	v24 =	vor.u32 $0x4, v4;
	v4 =	vor.u32 v1, v20;
	v18 =	vld.idx.msk [tilespmem:v18+s25+$0x0], $0xffff  }
0x201: {  	v20 =	vor.u32 $0x1, v4;
	v25 =	vor.u32 $0x2, v4;
	v17 =	vsub.f32 v17, v8;
	v26 =	vld.idx.msk [tilespmem:v7+s25+$0x0], $0xffff  }
0x202: {  	v27 =	vor.u32 $0x7, v4;
	v10 =	vor.u32 $0x9, v4;
	v16 =	vsub.f32 v16, v9;
	v28 =	vld.idx.msk [tilespmem:v6+s25+$0x0], $0xffff  }
0x203: {  	v29 =	vor.u32 $0xC, v4;
	v7 =	vor.u32 $0x8, v4;
	v14 =	vsub.f32 v14, v19;
	v30 =	vld.idx.msk [tilespmem:v5+s25+$0x0], $0xffff  }
0x204: {  	v6 =	vor.u32 $0xB, v4;
	v13 =	vmul.f32 v17, v13;
	v5 =	vor.u32 $0xE, v4  }
0x205: {  	v12 =	vmul.f32 v14, v12;
	v22 =	vmul.f32 v14, v22  }
0x206: {  	v15 =	vmul.f32 v17, v15;
	v18 =	vmul.f32 v17, v18  }
0x207: {  	v11 =	vmul.f32 v14, v11;
	v12 =	vadd.f32 v13, v12;
	v13 =	vmul.f32 v16, v26;
	v17 =	vld.idx.msk [tilespmem:v23+s25+$0x0], $0xffff  }
0x208: {  	v18 =	vadd.f32 v18, v22;
	v22 =	vmul.f32 v16, v28;
	v14 =	vld.idx.msk [tilespmem:v24+s25+$0x0], $0xffff  }
0x209: {  	v11 =	vadd.f32 v15, v11;
	v12 =	vadd.f32 v13, v12;
	v13 =	vmul.f32 v16, v30;
	v21 =	vld.idx.msk [tilespmem:v21+s25+$0x0], $0xffff  }
0x20a: {  	v15 =	vor.u32 $0xD, v4;
	v18 =	vadd.f32 v22, v18;
	v16 =	vld [tilespmem:s1+$0x0];
	s1 =	smov.u32 s6  }
0x20b: {  	v11 =	vadd.f32 v13, v11;
	v12 =	vadd.f32 v12, v19  }
0x20c: {  	v13 =	vadd.s32 s22, v0;
	v8 =	vadd.f32 v18, v8  }
0x20d: {  	v12 =	vadd.f32 v12, v17;
	v9 =	vadd.f32 v11, v9;
	v11 =	vadd.s32 s22, v2  }
0x20e: {  	v8 =	vadd.f32 v8, v14;
	v14 =	vadd.s32 s22, v3;
	s22 =	smov.u32 s8  }
0x20f: {  	v17 =	vor.u32 $0x6, v4;
	v9 =	vadd.f32 v9, v21;
	v12 =	vmul.f32 v12, v16  }
0x210: {  	v8 =	vmul.f32 v8, v16  }
0x211: {  	v9 =	vmul.f32 v9, v16;
	[tilespmem:v13+s29+$0x0] =	vst.idx.add.f32.msk $0xffff, v12  }
0x212: {  	[tilespmem:v11+s29+$0x0] =	vst.idx.add.f32.msk $0xffff, v8  }
0x213: {  	[tilespmem:v14+s29+$0x0] =	vst.idx.add.f32.msk $0xffff, v9  }
0x214: {  	v12 =	vld.idx.msk [tilespmem:v17+s25+$0x0], $0xffff  }
0x215: {  	v14 =	vld [tilespmem:s7+$0x0]  }
0x216: {  	v13 =	vld.idx.msk [tilespmem:v27+s25+$0x0], $0xffff  }
.Ltmp8:
0x217: {  	v11 =	vld.idx.msk [tilespmem:v29+s25+$0x0], $0xffff;
	(pc) =	sbr.rel @p0 .LBB2_19-.Ltmp8, $4  }
0x218: {  	v16 =	vld [tilespmem:s9+$0x0]  }
0x219: {  	v17 =	vld [tilespmem:s20+$0x0]  }
0x21a: {  	v18 =	vor.u32 $0xA, v4;
	v8 =	vld.idx.msk [tilespmem:v20+s25+$0x0], $0xffff  }
0x21b: {  	s8 =	sadd.s32 $0x30, s8;
	s7 =	sadd.s32 $0x10, s7;
	v9 =	vld.idx.msk [tilespmem:v25+s25+$0x0], $0xffff  }
0x21c: {  	_ =	sdelay $0x3  }
0x21d: {  	v19 =	vld.idx.msk [tilespmem:v4+s25+$0x0], $0xffff  }
0x21e: {  	v15 =	vld.idx.msk [tilespmem:v15+s25+$0x0], $0xffff  }
0x21f: {  	v18 =	vld.idx.msk [tilespmem:v18+s25+$0x0], $0xffff  }
0x220: {  	v10 =	vld.idx.msk [tilespmem:v10+s25+$0x0], $0xffff  }
0x221: {  	v20 =	vor.u32 $0x3, v4;
	v7 =	vld.idx.msk [tilespmem:v7+s25+$0x0], $0xffff;
	v17 =	vsub.f32 v17, v8  }
0x222: {  	v21 =	vor.u32 $0x4, v4;
	v6 =	vld.idx.msk [tilespmem:v6+s25+$0x0], $0xffff;
	v4 =	vor.u32 $0x5, v4;
	v14 =	vsub.f32 v14, v19  }
0x223: {  	v5 =	vld.idx.msk [tilespmem:v5+s25+$0x0], $0xffff;
	v13 =	vmul.f32 v17, v13  }
0x224: {  	v16 =	vsub.f32 v16, v9;
	v18 =	vmul.f32 v17, v18;
	v12 =	vmul.f32 v14, v12  }
0x225: {  	v15 =	vmul.f32 v17, v15;
	v10 =	vmul.f32 v14, v10  }
0x226: {  	v17 =	vld.idx.msk [tilespmem:v20+s25+$0x0], $0xffff;
	v7 =	vmul.f32 v16, v7;
	v11 =	vmul.f32 v14, v11;
	v12 =	vadd.f32 v13, v12  }
0x227: {  	v4 =	vld.idx.msk [tilespmem:v4+s25+$0x0], $0xffff;
	v6 =	vmul.f32 v16, v6;
	v10 =	vadd.f32 v18, v10  }
0x228: {  	v5 =	vmul.f32 v16, v5;
	v13 =	vld.idx.msk [tilespmem:v21+s25+$0x0], $0xffff;
	v11 =	vadd.f32 v15, v11;
	v7 =	vadd.f32 v7, v12  }
0x229: {  	v12 =	vld [tilespmem:s1+$0x0];
	v6 =	vadd.f32 v6, v10  }
0x22a: {  	v5 =	vadd.f32 v5, v11;
	v7 =	vadd.f32 v7, v19  }
0x22b: {  	v6 =	vadd.f32 v6, v8;
	v8 =	vadd.s32 s22, v0  }
0x22c: {  	v5 =	vadd.f32 v5, v9;
	v9 =	vadd.s32 s22, v2;
	v7 =	vadd.f32 v7, v17  }
0x22d: {  	s2 =	simm.s32 $0x0;
	v10 =	vadd.s32 s22, v3;
	v6 =	vadd.f32 v6, v13  }
0x22e: {  	v4 =	vadd.f32 v5, v4;
	v5 =	vmov s2;
	v7 =	vmul.f32 v7, v12  }
0x22f: {  	v5 =	vshll.u32 v5, $0x7;
	v6 =	vmul.f32 v6, v12  }
0x230: {  	v11 =	vmul.f32 v4, v12;
	v4 =	vor.u32 v1, v5;
	[tilespmem:v8+s29+$0x0] =	vst.idx.add.f32.msk $0xffff, v7  }
0x231: {  	v5 =	vor.u32 $0x7, v4;
	[tilespmem:v9+s29+$0x0] =	vst.idx.add.f32.msk $0xffff, v6  }
0x232: {  	v7 =	vor.u32 $0x9, v4;
	[tilespmem:v10+s29+$0x0] =	vst.idx.add.f32.msk $0xffff, v11  }
0x233: {  	v9 =	vor.u32 $0x1, v4;
	_ =	swait.ge [sflag:s30], $0x4000  }
0x234: {  	v6 =	vmov s16;
	[sflag:s30] =	ssyncset.done $0x0  }
0x235: {  	v13 =	vor.u32 $0x6, v4;
	[sflag:s30] =	ssyncadd.s32 $0xFFFFC000  }
0x236: {  	v8 =	vmov s18;
	v17 =	vld.idx.msk [tilespmem:v5+s26+$0x0], $0xffff  }
0x237: {  	v10 =	vor.u32 $0xA, v4;
	v15 =	vld.idx.msk [tilespmem:v7+s26+$0x0], $0xffff  }
0x238: {  	s1 =	simm.s32 $0x0;
	v7 =	vld.idx.msk [tilespmem:v9+s26+$0x0], $0xffff;
	v9 =	vmov s15  }
0x239: {  	v20 =	vld.idx.msk [tilespmem:v6+s1+$0x0 ss:$0x1], $0xffff  }
0x23a: {  	v11 =	vor.u32 $0x2, v4;
	v16 =	vld.idx.msk [tilespmem:v13+s26+$0x0], $0xffff  }
0x23b: {  	v12 =	vor.u32 $0xC, v4;
	v14 =	vor.u32 $0x8, v4;
	v19 =	vld.idx.msk [tilespmem:v8+s1+$0x0 ss:$0x1], $0xffff  }
0x23c: {  	s7 =	simm.s32 $0x40;
	s6 =	smov.u32 s17;
	s22 =	smov.u32 s17;
	v5 =	vmov s14;
	v13 =	vor.u32 $0xB, v4;
	v18 =	vld.idx.msk [tilespmem:v10+s26+$0x0], $0xffff;
	v10 =	vor.u32 $0xD, v4  }
.LBB2_21:
0x23d: {  	p0 =	sne.s32 s7, $0x1C0;
	v21 =	vld.idx.msk [tilespmem:v9+s1+$0x0 ss:$0x1], $0xffff;
	s6 =	sadd.s32 $0x30, s6;
	s2 =	sadd.s32 $0x10, s2  }
0x23e: {  	s8 =	smov.u32 s7;
	s7 =	sadd.s32 $0x40, s7;
	v22 =	vmov s2;
	v23 =	vld.idx.msk [tilespmem:v4+s26+$0x0], $0xffff  }
0x23f: {  	v25 =	vor.u32 $0xE, v4;
	v20 =	vsub.f32 v20, v7;
	v22 =	vshll.u32 v22, $0x7;
	v24 =	vld.idx.msk [tilespmem:v11+s26+$0x0], $0xffff  }
0x240: {  	v26 =	vor.u32 $0x4, v4;
	v22 =	vor.u32 v1, v22;
	v27 =	vld.idx.msk [tilespmem:v12+s26+$0x0], $0xffff  }
0x241: {  	v17 =	vmul.f32 v20, v17;
	v28 =	vor.u32 $0x1, v22;
	v11 =	vor.u32 $0x2, v22;
	v29 =	vld.idx.msk [tilespmem:v14+s26+$0x0], $0xffff  }
0x242: {  	v18 =	vmul.f32 v20, v18;
	v30 =	vor.u32 $0x7, v22;
	v31 =	vor.u32 $0x9, v22;
	v32 =	vld.idx.msk [tilespmem:v10+s26+$0x0], $0xffff  }
0x243: {  	v33 =	vor.u32 $0x3, v4;
	s8 =	sshra.s32 s8, $0x2;
	v12 =	vor.u32 $0xC, v22;
	v10 =	vor.u32 $0xD, v22;
	v34 =	vld.idx.msk [tilespmem:v13+s26+$0x0], $0xffff  }
0x244: {  	v35 =	vor.u32 $0x6, v22;
	v14 =	vor.u32 $0x8, v22;
	v19 =	vsub.f32 v19, v23;
	v25 =	vld.idx.msk [tilespmem:v25+s26+$0x0], $0xffff  }
0x245: {  	v36 =	vor.u32 $0x5, v4;
	v4 =	vmov v22;
	v21 =	vsub.f32 v21, v24  }
0x246: {  	v16 =	vmul.f32 v19, v16;
	v15 =	vmul.f32 v19, v15  }
0x247: {  	v13 =	vor.u32 $0xB, v4;
	v19 =	vmul.f32 v19, v27;
	v29 =	vmul.f32 v21, v29;
	v22 =	vld.idx.msk [tilespmem:v5+s1+$0x0 ss:$0x1], $0xffff;
	s1 =	smov.u32 s8  }
0x248: {  	v16 =	vadd.f32 v17, v16;
	v15 =	vadd.f32 v18, v15;
	v17 =	vmul.f32 v20, v32;
	v27 =	vld.idx.msk [tilespmem:v33+s26+$0x0], $0xffff  }
0x249: {  	v20 =	vmul.f32 v21, v34;
	v18 =	vld.idx.msk [tilespmem:v26+s26+$0x0], $0xffff  }
0x24a: {  	v16 =	vadd.f32 v29, v16;
	v17 =	vadd.f32 v17, v19;
	v19 =	vmul.f32 v21, v25;
	v26 =	vld.idx.msk [tilespmem:v36+s26+$0x0], $0xffff  }
0x24b: {  	v15 =	vadd.f32 v20, v15  }
0x24c: {  	v17 =	vadd.f32 v19, v17;
	v16 =	vadd.f32 v16, v23  }
0x24d: {  	v7 =	vadd.f32 v15, v7;
	v15 =	vadd.s32 s22, v0  }
0x24e: {  	v19 =	vadd.s32 s22, v2;
	v16 =	vadd.f32 v16, v27;
	v17 =	vadd.f32 v17, v24  }
0x24f: {  	v7 =	vadd.f32 v7, v18;
	v18 =	vadd.s32 s22, v3;
	s22 =	smov.u32 s6  }
0x250: {  	v16 =	vmul.f32 v16, v22;
	v17 =	vadd.f32 v17, v26  }
0x251: {  	v7 =	vmul.f32 v7, v22  }
0x252: {  	v17 =	vmul.f32 v17, v22;
	[tilespmem:v15+s29+$0x0] =	vst.idx.add.f32.msk $0xffff, v16  }
0x253: {  	[tilespmem:v19+s29+$0x0] =	vst.idx.add.f32.msk $0xffff, v7  }
0x254: {  	v16 =	vor.u32 $0xA, v4;
	[tilespmem:v18+s29+$0x0] =	vst.idx.add.f32.msk $0xffff, v17  }
0x255: {  	v17 =	vld.idx.msk [tilespmem:v30+s26+$0x0], $0xffff  }
0x256: {  	v15 =	vld.idx.msk [tilespmem:v31+s26+$0x0], $0xffff  }
.Ltmp9:
0x257: {  	v20 =	vld.idx.msk [tilespmem:v6+s1+$0x0 ss:$0x1], $0xffff;
	(pc) =	sbr.rel @p0 .LBB2_21-.Ltmp9, $4  }
0x258: {  	v7 =	vld.idx.msk [tilespmem:v28+s26+$0x0], $0xffff  }
0x259: {  	v18 =	vld.idx.msk [tilespmem:v16+s26+$0x0], $0xffff  }
0x25a: {  	v16 =	vld.idx.msk [tilespmem:v35+s26+$0x0], $0xffff  }
0x25b: {  	v19 =	vld.idx.msk [tilespmem:v8+s1+$0x0 ss:$0x1], $0xffff  }
0x25c: {  	_ =	sdelay $0x3  }
0x25d: {  	v6 =	vld.idx.msk [tilespmem:v9+s1+$0x0 ss:$0x1], $0xffff  }
0x25e: {  	v8 =	vld.idx.msk [tilespmem:v4+s26+$0x0], $0xffff  }
0x25f: {  	v54 =	vld.idx.msk [tilespmem:v11+s26+$0x0], $0xffff;
	v55 =	vor.u32 $0xE, v4  }
0x260: {  	v12 =	vld.idx.msk [tilespmem:v12+s26+$0x0], $0xffff  }
0x261: {  	v10 =	vld.idx.msk [tilespmem:v10+s26+$0x0], $0xffff  }
0x262: {  	v14 =	vld.idx.msk [tilespmem:v14+s26+$0x0], $0xffff;
	v20 =	vsub.f32 v20, v7  }
0x263: {  	v21 =	vor.u32 $0x3, v4;
	v13 =	vld.idx.msk [tilespmem:v13+s26+$0x0], $0xffff;
	v19 =	vsub.f32 v19, v8  }
0x264: {  	v22 =	vor.u32 $0x4, v4;
	v4 =	vor.u32 $0x5, v4;
	v17 =	vmul.f32 v20, v17;
	v11 =	vld.idx.msk [tilespmem:v55+s26+$0x0], $0xffff  }
0x265: {  	v18 =	vmul.f32 v20, v18;
	v6 =	vsub.f32 v6, v54;
	v16 =	vmul.f32 v19, v16  }
0x266: {  	v10 =	vmul.f32 v20, v10;
	v15 =	vmul.f32 v19, v15  }
0x267: {  	v5 =	vld.idx.msk [tilespmem:v5+s1+$0x0 ss:$0x1], $0xffff;
	v14 =	vmul.f32 v6, v14;
	v12 =	vmul.f32 v19, v12;
	v16 =	vadd.f32 v17, v16  }
0x268: {  	v56 =	vld.idx.msk [tilespmem:v21+s26+$0x0], $0xffff;
	v13 =	vmul.f32 v6, v13;
	v15 =	vadd.f32 v18, v15  }
0x269: {  	v57 =	vld.idx.msk [tilespmem:v22+s26+$0x0], $0xffff;
	v10 =	vadd.f32 v10, v12;
	v6 =	vmul.f32 v6, v11;
	v14 =	vadd.f32 v14, v16  }
0x26a: {  	v4 =	vld.idx.msk [tilespmem:v4+s26+$0x0], $0xffff;
	v58 =	vadd.f32 v13, v15  }
0x26b: {  	v6 =	vadd.f32 v6, v10;
	v8 =	vadd.f32 v14, v8  }
0x26c: {  	v60 =	vadd.s32 s22, v0;
	v59 =	vadd.f32 v58, v7  }
0x26d: {  	v61 =	vadd.s32 s22, v2;
	s21 =	sadd.s32 $0x1, s21;
	v6 =	vadd.f32 v6, v54;
	v8 =	vadd.f32 v8, v56  }
0x26e: {  	v62 =	vadd.s32 s22, v3;
	p0 =	sne.s32 s21, $0x6;
	v7 =	vadd.f32 v59, v57  }
.Ltmp10:
0x26f: {  	v4 =	vadd.f32 v6, v4;
	v8 =	vmul.f32 v8, v5;
	(pc) =	sbr.rel @p0 .LBB2_18-.Ltmp10, $4  }
0x270: {  	s10 =	sadd.s32 $0x100, s10;
	v63 =	vmul.f32 v7, v5  }
0x271: {  	s11 =	sadd.s32 $0x100, s11;
	s12 =	sadd.s32 $0x100, s12;
	s13 =	sadd.s32 $0x100, s13;
	v4 =	vmul.f32 v4, v5;
	[tilespmem:v60+s29+$0x0] =	vst.idx.add.f32.msk $0xffff, v8  }
0x272: {  	s19 =	sadd.s32 $0x300, s19;
	s14 =	sadd.s32 $0x100, s14;
	s15 =	sadd.s32 $0x100, s15;
	[tilespmem:v61+s29+$0x0] =	vst.idx.add.f32.msk $0xffff, v63  }
0x273: {  	s16 =	sadd.s32 $0x100, s16;
	s18 =	sadd.s32 $0x100, s18;
	s17 =	sadd.s32 $0x300, s17;
	[tilespmem:v62+s29+$0x0] =	vst.idx.add.f32.msk $0xffff, v4  }
0x274: {  	s0 =	simm.s32 $0x0;
	s1 =	rddreg [dreg:$0xf]  }
0x275: {  	[tilespmem:s0], [sflag:$0x3] =	stream.linear.gather [hbm4b:s1+s0], $0x80, $0x38;
	v4 =	vmov s0;
	[tilespmem:$0xF300] =	vst v63  }
0x276: {  	_ =	swait.ge [sflag:s23], $0x80;
	v4 =	vshll.u32 v4, $0x7  }
0x277: {  	[sflag:s23] =	ssyncset.done $0x0;
	v4 =	vor.u32 v1, v4  }
0x278: {  	[sflag:s23] =	ssyncadd.s32 $0xFFFFFF80;
	v5 =	vor.u32 $0x6, v4  }
0x279: {  	[tilespmem:s25], [sflag:$0x1] =	stream.indirect.gather [hbm4b:s3+s24], $0x80, s0, s24, $0xb8;
	[tilespmem:$0xF300] =	vst v63  }
0x27a: {  	v6 =	vor.u32 $0x7, v4;
	_ =	swait.ge [sflag:s28], $0x4000  }
0x27b: {  	v7 =	vor.u32 $0xC, v4;
	[sflag:s28] =	ssyncset.done $0x0  }
0x27c: {  	[sflag:s28] =	ssyncadd.s32 $0xFFFFC000  }
0x27d: {  	s1 =	simm.s32 $0x700;
	v12 =	vld.idx.msk [tilespmem:v5+s25+$0x0], $0xffff  }
0x27e: {  	v9 =	vor.u32 $0x2, v4;
	v14 =	vld [tilespmem:s1+$0x0]  }
0x27f: {  	v5 =	vor.u32 $0x1, v4;
	v13 =	vld.idx.msk [tilespmem:v6+s25+$0x0], $0xffff  }
0x280: {  	s2 =	simm.s32 $0x1400;
	v11 =	vld.idx.msk [tilespmem:v7+s25+$0x0], $0xffff  }
0x281: {  	s11 =	simm.s32 $0xD80;
	v16 =	vor.u32 $0xD, v4;
	v15 =	vld [tilespmem:s2+$0x0]  }
0x282: {  	v10 =	vor.u32 $0x9, v4;
	v17 =	vld [tilespmem:s11+$0x0]  }
0x283: {  	s10 =	simm.s32 $0x1A80;
	s12 =	simm.s32 $0x1230;
	v18 =	vor.u32 $0xA, v4;
	v9 =	vld.idx.msk [tilespmem:v9+s25+$0x0], $0xffff  }
0x284: {  	s6 =	simm.s32 $0x1A90;
	s7 =	simm.s32 $0x10;
	s0 =	simm.s32 $0x1200;
	v7 =	vor.u32 $0x8, v4;
	v6 =	vor.u32 $0xB, v4;
	v8 =	vld.idx.msk [tilespmem:v5+s25+$0x0], $0xffff;
	v5 =	vor.u32 $0xE, v4  }
.LBB2_24:
0x285: {  	v19 =	vld.idx.msk [tilespmem:v4+s25+$0x0], $0xffff;
	s1 =	sadd.s32 $0x10, s1;
	s11 =	sadd.s32 $0x10, s11;
	s2 =	sadd.s32 $0x10, s2  }
0x286: {  	v20 =	vmov s7;
	p0 =	sne.s32 s12, $0x1350;
	s8 =	smov.u32 s12;
	s12 =	sadd.s32 $0x30, s12;
	v16 =	vld.idx.msk [tilespmem:v16+s25+$0x0], $0xffff  }
0x287: {  	v21 =	vor.u32 $0x5, v4;
	v20 =	vshll.u32 v20, $0x7;
	v22 =	vld.idx.msk [tilespmem:v10+s25+$0x0], $0xffff  }
0x288: {  	v23 =	vor.u32 $0x3, v4;
	v24 =	vor.u32 $0x4, v4;
	v4 =	vor.u32 v1, v20;
	v18 =	vld.idx.msk [tilespmem:v18+s25+$0x0], $0xffff  }
0x289: {  	v20 =	vor.u32 $0x1, v4;
	v25 =	vor.u32 $0x2, v4;
	v17 =	vsub.f32 v17, v8;
	v26 =	vld.idx.msk [tilespmem:v7+s25+$0x0], $0xffff  }
0x28a: {  	v27 =	vor.u32 $0x7, v4;
	v10 =	vor.u32 $0x9, v4;
	v15 =	vsub.f32 v15, v9;
	v28 =	vld.idx.msk [tilespmem:v6+s25+$0x0], $0xffff  }
0x28b: {  	v29 =	vor.u32 $0xC, v4;
	v7 =	vor.u32 $0x8, v4;
	v14 =	vsub.f32 v14, v19;
	v30 =	vld.idx.msk [tilespmem:v5+s25+$0x0], $0xffff  }
0x28c: {  	v6 =	vor.u32 $0xB, v4;
	v13 =	vmul.f32 v17, v13;
	v5 =	vor.u32 $0xE, v4  }
0x28d: {  	v12 =	vmul.f32 v14, v12;
	v22 =	vmul.f32 v14, v22  }
0x28e: {  	v16 =	vmul.f32 v17, v16;
	v18 =	vmul.f32 v17, v18  }
0x28f: {  	v11 =	vmul.f32 v14, v11;
	v12 =	vadd.f32 v13, v12;
	v13 =	vmul.f32 v15, v26;
	v17 =	vld.idx.msk [tilespmem:v23+s25+$0x0], $0xffff  }
0x290: {  	v18 =	vadd.f32 v18, v22;
	v22 =	vmul.f32 v15, v28;
	v14 =	vld.idx.msk [tilespmem:v24+s25+$0x0], $0xffff  }
0x291: {  	v11 =	vadd.f32 v16, v11;
	v12 =	vadd.f32 v13, v12;
	v13 =	vmul.f32 v15, v30;
	v21 =	vld.idx.msk [tilespmem:v21+s25+$0x0], $0xffff  }
0x292: {  	v16 =	vor.u32 $0xD, v4;
	v18 =	vadd.f32 v22, v18;
	v15 =	vld [tilespmem:s10+$0x0];
	s10 =	smov.u32 s6  }
0x293: {  	v11 =	vadd.f32 v13, v11;
	v12 =	vadd.f32 v12, v19  }
0x294: {  	v13 =	vadd.s32 s0, v0;
	v8 =	vadd.f32 v18, v8  }
0x295: {  	v12 =	vadd.f32 v12, v17;
	v9 =	vadd.f32 v11, v9;
	v11 =	vadd.s32 s0, v2  }
0x296: {  	v8 =	vadd.f32 v8, v14;
	v14 =	vadd.s32 s0, v3;
	s0 =	smov.u32 s8  }
0x297: {  	v17 =	vor.u32 $0x6, v4;
	v9 =	vadd.f32 v9, v21;
	v12 =	vmul.f32 v12, v15  }
0x298: {  	v8 =	vmul.f32 v8, v15  }
0x299: {  	v9 =	vmul.f32 v9, v15;
	[tilespmem:v13+s29+$0x0] =	vst.idx.add.f32.msk $0xffff, v12  }
0x29a: {  	[tilespmem:v11+s29+$0x0] =	vst.idx.add.f32.msk $0xffff, v8  }
0x29b: {  	[tilespmem:v14+s29+$0x0] =	vst.idx.add.f32.msk $0xffff, v9  }
0x29c: {  	v12 =	vld.idx.msk [tilespmem:v17+s25+$0x0], $0xffff  }
0x29d: {  	v14 =	vld [tilespmem:s1+$0x0]  }
0x29e: {  	v13 =	vld.idx.msk [tilespmem:v27+s25+$0x0], $0xffff  }
.Ltmp11:
0x29f: {  	v11 =	vld.idx.msk [tilespmem:v29+s25+$0x0], $0xffff;
	(pc) =	sbr.rel @p0 .LBB2_24-.Ltmp11, $4  }
0x2a0: {  	v15 =	vld [tilespmem:s2+$0x0]  }
0x2a1: {  	v17 =	vld [tilespmem:s11+$0x0]  }
0x2a2: {  	v18 =	vor.u32 $0xA, v4;
	v8 =	vld.idx.msk [tilespmem:v20+s25+$0x0], $0xffff  }
0x2a3: {  	s7 =	sadd.s32 $0x10, s7;
	s6 =	sadd.s32 $0x10, s6;
	v9 =	vld.idx.msk [tilespmem:v25+s25+$0x0], $0xffff  }
0x2a4: {  	_ =	sdelay $0x3  }
0x2a5: {  	v19 =	vld.idx.msk [tilespmem:v4+s25+$0x0], $0xffff  }
0x2a6: {  	v16 =	vld.idx.msk [tilespmem:v16+s25+$0x0], $0xffff  }
0x2a7: {  	v18 =	vld.idx.msk [tilespmem:v18+s25+$0x0], $0xffff  }
0x2a8: {  	v10 =	vld.idx.msk [tilespmem:v10+s25+$0x0], $0xffff  }
0x2a9: {  	v7 =	vld.idx.msk [tilespmem:v7+s25+$0x0], $0xffff;
	v17 =	vsub.f32 v17, v8  }
0x2aa: {  	v20 =	vor.u32 $0x3, v4;
	v6 =	vld.idx.msk [tilespmem:v6+s25+$0x0], $0xffff;
	v14 =	vsub.f32 v14, v19  }
0x2ab: {  	v21 =	vor.u32 $0x4, v4;
	v4 =	vor.u32 $0x5, v4;
	v5 =	vld.idx.msk [tilespmem:v5+s25+$0x0], $0xffff;
	v13 =	vmul.f32 v17, v13  }
0x2ac: {  	v15 =	vsub.f32 v15, v9;
	v18 =	vmul.f32 v17, v18;
	v12 =	vmul.f32 v14, v12  }
0x2ad: {  	v16 =	vmul.f32 v17, v16;
	v10 =	vmul.f32 v14, v10  }
0x2ae: {  	v61 =	vld [tilespmem:s10+$0x0];
	v7 =	vmul.f32 v15, v7;
	v11 =	vmul.f32 v14, v11;
	v12 =	vadd.f32 v13, v12  }
0x2af: {  	v59 =	vld.idx.msk [tilespmem:v20+s25+$0x0], $0xffff;
	v6 =	vmul.f32 v15, v6;
	v10 =	vadd.f32 v18, v10  }
0x2b0: {  	v60 =	vld.idx.msk [tilespmem:v21+s25+$0x0], $0xffff;
	v5 =	vmul.f32 v15, v5;
	v11 =	vadd.f32 v16, v11;
	v7 =	vadd.f32 v7, v12  }
0x2b1: {  	v4 =	vld.idx.msk [tilespmem:v4+s25+$0x0], $0xffff;
	v6 =	vadd.f32 v6, v10  }
0x2b2: {  	v5 =	vadd.f32 v5, v11;
	v7 =	vadd.f32 v7, v19  }
0x2b3: {  	v6 =	vadd.f32 v6, v8;
	v8 =	vadd.s32 s0, v0  }
0x2b4: {  	v62 =	vadd.s32 s0, v2;
	v5 =	vadd.f32 v5, v9;
	v7 =	vadd.f32 v7, v59  }
0x2b5: {  	v63 =	vadd.s32 s0, v3;
	v6 =	vadd.f32 v6, v60  }
0x2b6: {  	v4 =	vadd.f32 v5, v4;
	v7 =	vmul.f32 v7, v61  }
0x2b7: {  	v5 =	vmul.f32 v6, v61  }
0x2b8: {  	v4 =	vmul.f32 v4, v61;
	[tilespmem:v8+s29+$0x0] =	vst.idx.add.f32.msk $0xffff, v7  }
0x2b9: {  	[tilespmem:v62+s29+$0x0] =	vst.idx.add.f32.msk $0xffff, v5  }
0x2ba: {  	s1 =	rddreg [dreg:$0x10];
	s0 =	simm.s32 $0x0;
	[tilespmem:v63+s29+$0x0] =	vst.idx.add.f32.msk $0xffff, v4  }
0x2bb: {  	[hbm4b:s1+s0] =	stream.linear.scatter [tilespmem:s29], [sflag:$0x3], $0x1380, $0x38;
	[tilespmem:$0xF300] =	vst v63  }
0x2bc: {  	_ =	swait.ge [sflag:s23], $0x1380  }
0x2bd: {  	s20 =	rddreg [dreg:$0x3]  }
0x2be: {  	[sflag:s23] =	ssyncset.done $0x0;
	s17 =	rddreg [dreg:$0x4]  }
0x2bf: {  	s10 =	simm.s32 $0x0;
	v7 =	vimm.f32 $0.0e+00;
	v5 =	vimm.f32 $0.0e+00;
	s8 =	rddreg [dreg:$0x11];
	[sflag:s23] =	ssyncadd.s32 $0xFFFFEC80  }
.LBB2_26:
0x2c0: {  	s1 =	sshll.u32 s10, $0xA  }
0x2c1: {  	s11 =	sadd.s32 s8, s1  }
0x2c2: {  	s1 =	sshrl.u32 s11, $0x3  }
0x2c3: {  	s12 =	simm.s32 $0xEE80;
	s2 =	smulhi.u32 $0x38E38E39, s11;
	s1 =	sadd.s32 s17, s1  }
0x2c4: {  	[tilespmem:s12], [sflag:$0x3] =	stream.linear.gather [hbm4b:s1+s0], $0x400, $0x38;
	[tilespmem:$0xF300] =	vst v63  }
0x2c5: {  	s21 =	sshrl.u32 s2, $0x1  }
0x2c6: {  	s1 =	sand.u32 $0xFFFFFF8, s21  }
0x2c7: {  	_ =	swait.ge [sflag:s23], $0x400;
	s1 =	smin.u32 s1, $0x61A0  }
0x2c8: {  	[sflag:s23] =	ssyncset.done $0x0;
	s22 =	sshll.u32 s1, $0x4  }
0x2c9: {  	[sflag:s23] =	ssyncadd.s32 $0xFFFFFC00;
	s2 =	sadd.s32 s3, s22  }
0x2ca: {  	[tilespmem:s31], [sflag:$0x3] =	stream.linear.gather [hbm4b:s2+s0], $0x4000, $0x38;
	[tilespmem:$0xF300] =	vst v63  }
0x2cb: {  	_ =	swait.ge [sflag:s23], $0x4000  }
0x2cc: {  	[sflag:s23] =	ssyncset.done $0x0  }
0x2cd: {  	s13 =	simm.s32 $0xEF00;
	s14 =	simm.s32 $0x0;
	v4 =	vmov s1;
	[sflag:s23] =	ssyncadd.s32 $0xFFFFC000  }
.LBB2_27:
0x2ce: {  	s1 =	sshll.u32 s14, $0x8  }
0x2cf: {  	s1 =	sor.u32 s11, s1  }
0x2d0: {  	s2 =	sshrl.u32 s1, $0x3  }
0x2d1: {  	s6 =	simm.s32 $0x0;
	s2 =	sadd.s32 s5, s2  }
0x2d2: {  	[tilespmem:s6], [sflag:$0x3] =	stream.linear.gather [hbm4b:s2+s6], $0x80, $0x38;
	[tilespmem:$0xF300] =	vst v63  }
0x2d3: {  	_ =	swait.ge [sflag:s23], $0x80  }
0x2d4: {  	s1 =	sor.u32 $0x80, s1;
	[sflag:s23] =	ssyncset.done $0x0  }
0x2d5: {  	s1 =	sshrl.u32 s1, $0x3;
	[sflag:s23] =	ssyncadd.s32 $0xFFFFFF80  }
0x2d6: {  	[tilespmem:s25], [sflag:$0x1] =	stream.indirect.gather [hbm4b:s3+s24], $0x80, s6, s24, $0xb8;
	[tilespmem:$0xF300] =	vst v63  }
0x2d7: {  	s1 =	sadd.s32 s5, s1  }
0x2d8: {  	[tilespmem:s24], [sflag:$0x3] =	stream.linear.gather [hbm4b:s1+s6], $0x80, $0x38;
	[tilespmem:$0xF300] =	vst v63  }
0x2d9: {  	_ =	swait.ge [sflag:s23], $0x80  }
0x2da: {  	[sflag:s23] =	ssyncset.done $0x0  }
0x2db: {  	[sflag:s23] =	ssyncadd.s32 $0xFFFFFF80  }
0x2dc: {  	v8 =	vmov s6;
	[tilespmem:s26], [sflag:$0x2] =	stream.indirect.gather [hbm4b:s3+s24], $0x80, s24, s24, $0xb8;
	[tilespmem:$0xF300] =	vst v63  }
0x2dd: {  	v8 =	vshll.u32 v8, $0x7;
	_ =	swait.ge [sflag:s28], $0x4000  }
0x2de: {  	v9 =	vor.u32 v1, v8;
	[sflag:s28] =	ssyncset.done $0x0  }
0x2df: {  	v8 =	vor.u32 $0x8, v9;
	[sflag:s28] =	ssyncadd.s32 $0xFFFFC000  }
0x2e0: {  	v10 =	vor.u32 $0x7, v9;
	v6 =	vld [tilespmem:s12+$0x0]  }
0x2e1: {  	v11 =	vor.u32 $0x6, v9  }
0x2e2: {  	v13 =	vor.u32 $0x3, v9  }
0x2e3: {  	v15 =	vor.u32 $0x9, v9;
	v14 =	vld.idx.msk [tilespmem:v9+s25+$0x0], $0xffff  }
0x2e4: {  	v19 =	vor.u32 $0x1, v9;
	v16 =	vld.idx.msk [tilespmem:v8+s25+$0x0], $0xffff  }
0x2e5: {  	v23 =	vor.u32 $0xA, v9;
	v10 =	vld.idx.msk [tilespmem:v10+s25+$0x0], $0xffff;
	v6 =	vsub.s32 v6, v4  }
0x2e6: {  	v11 =	vld.idx.msk [tilespmem:v11+s25+$0x0], $0xffff;
	v6 =	vshll.u32 v6, $0x7  }
0x2e7: {  	v21 =	vld.idx.msk [tilespmem:v13+s25+$0x0], $0xffff;
	v12 =	vor.u32 $0x6, v6  }
0x2e8: {  	v15 =	vld.idx.msk [tilespmem:v15+s25+$0x0], $0xffff;
	v8 =	vor.u32 $0x9, v6  }
0x2e9: {  	v19 =	vld.idx.msk [tilespmem:v19+s25+$0x0], $0xffff;
	v17 =	vor.u32 $0x3, v6  }
0x2ea: {  	v23 =	vld.idx.msk [tilespmem:v23+s25+$0x0], $0xffff;
	v20 =	vor.u32 $0x7, v6  }
0x2eb: {  	v22 =	vor.u32 $0x1, v6;
	v18 =	vld.idx.msk [tilespmem:v6+s31+$0x0], $0xffff  }
0x2ec: {  	v28 =	vor.u32 $0xA, v6;
	v12 =	vld.idx.msk [tilespmem:v12+s31+$0x0], $0xffff  }
0x2ed: {  	v8 =	vld.idx.msk [tilespmem:v8+s31+$0x0], $0xffff  }
0x2ee: {  	v13 =	vor.u32 $0x2, v9;
	v17 =	vld.idx.msk [tilespmem:v17+s31+$0x0], $0xffff  }
0x2ef: {  	v24 =	vor.u32 $0x8, v6;
	v20 =	vld.idx.msk [tilespmem:v20+s31+$0x0], $0xffff  }
0x2f0: {  	v37 =	vor.u32 $0xB, v9;
	v25 =	vor.u32 $0xD, v6;
	v22 =	vld.idx.msk [tilespmem:v22+s31+$0x0], $0xffff  }
0x2f1: {  	s15 =	sadd.s32 $0x10, s12;
	v39 =	vor.u32 $0xC, v9;
	v40 =	vor.u32 $0xE, v9;
	v26 =	vor.u32 $0x2, v6;
	v28 =	vld.idx.msk [tilespmem:v28+s31+$0x0], $0xffff  }
0x2f2: {  	v42 =	vld [tilespmem:s15+$0x0];
	v29 =	vor.u32 $0xC, v6;
	v30 =	vor.u32 $0x4, v6;
	v31 =	vor.u32 $0xB, v6  }
0x2f3: {  	v27 =	vld.idx.msk [tilespmem:v13+s25+$0x0], $0xffff;
	v32 =	vor.u32 $0x5, v6;
	v13 =	vor.u32 $0xE, v6;
	v38 =	vsub.f32 v18, v14  }
0x2f4: {  	v33 =	vld.idx.msk [tilespmem:v24+s31+$0x0], $0xffff;
	v24 =	vor.u32 $0x4, v9;
	v11 =	vsub.f32 v12, v11;
	v18 =	vsub.f32 v8, v15  }
0x2f5: {  	v6 =	vld.idx.msk [tilespmem:v25+s31+$0x0], $0xffff;
	v14 =	vor.u32 $0x5, v9;
	v25 =	vsub.f32 v17, v21;
	v10 =	vsub.f32 v20, v10  }
0x2f6: {  	v34 =	vld.idx.msk [tilespmem:v26+s31+$0x0], $0xffff;
	v23 =	vsub.f32 v28, v23;
	v35 =	vmul.f32 v38, v12;
	v12 =	vsub.f32 v22, v19  }
0x2f7: {  	s22 =	simm.s32 $0x10;
	v15 =	vld.idx.msk [tilespmem:v31+s31+$0x0], $0xffff;
	v8 =	vmul.f32 v38, v8;
	v22 =	vor.u32 $0xD, v9;
	v17 =	vmul.f32 v11, v11  }
0x2f8: {  	v21 =	vld.idx.msk [tilespmem:v32+s31+$0x0], $0xffff;
	v41 =	vmul.f32 v10, v10;
	v9 =	vmul.f32 v18, v18;
	v18 =	vmov s22  }
0x2f9: {  	v24 =	vld.idx.msk [tilespmem:v24+s25+$0x0], $0xffff;
	v10 =	vmul.f32 v12, v20;
	v20 =	vadd.f32 v25, v38;
	v19 =	vmul.f32 v12, v28  }
0x2fa: {  	v11 =	vld.idx.msk [tilespmem:v29+s31+$0x0], $0xffff;
	v63 =	vadd.f32 v17, v7;
	v7 =	vsub.f32 v33, v16;
	v17 =	vmul.f32 v12, v6  }
0x2fb: {  	v26 =	vld.idx.msk [tilespmem:v14+s25+$0x0], $0xffff;
	v16 =	vsub.f32 v34, v27;
	v31 =	vadd.f32 v10, v35;
	v10 =	vshll.u32 v18, $0x7  }
0x2fc: {  	v29 =	vld.idx.msk [tilespmem:v30+s31+$0x0], $0xffff;
	v14 =	vsub.s32 v42, v4;
	v27 =	vmul.f32 v7, v7;
	v7 =	vor.u32 v1, v10  }
0x2fd: {  	v30 =	vld.idx.msk [tilespmem:v37+s25+$0x0], $0xffff;
	v14 =	vshll.u32 v14, $0x7;
	v34 =	vmul.f32 v16, v33;
	v18 =	vmul.f32 v16, v15  }
0x2fe: {  	v25 =	vld.idx.msk [tilespmem:v39+s25+$0x0], $0xffff;
	v37 =	vadd.f32 v41, v63;
	v33 =	vor.u32 $0x7, v7;
	v36 =	vor.u32 $0x8, v7  }
0x2ff: {  	s16 =	simm.s32 $0x20;
	v10 =	vld.idx.msk [tilespmem:v40+s25+$0x0], $0xffff;
	v35 =	vor.u32 $0x6, v7;
	v32 =	vor.u32 $0x3, v7;
	v28 =	vmul.f32 v38, v11  }
.LBB2_28:
0x300: {  	p0 =	sne.s32 s16, $0x70;
	v38 =	vor.u32 $0x6, v14;
	v39 =	vld.idx.msk [tilespmem:v13+s31+$0x0], $0xffff;
	v13 =	vadd.f32 v34, v31;
	v21 =	vsub.f32 v21, v26;
	s1 =	smov.u32 s16;
	s16 =	sadd.s32 $0x10, s16  }
0x301: {  	v26 =	vor.u32 $0x9, v14;
	v34 =	vor.u32 $0x9, v7;
	v27 =	vadd.f32 v27, v37;
	v31 =	vld.idx.msk [tilespmem:v7+s25+$0x0], $0xffff  }
0x302: {  	v37 =	vor.u32 $0x7, v14;
	v23 =	vmul.f32 v23, v23;
	v24 =	vsub.f32 v29, v24;
	v22 =	vld.idx.msk [tilespmem:v22+s25+$0x0], $0xffff  }
0x303: {  	v29 =	vor.u32 $0x3, v14;
	v13 =	vsub.f32 v20, v13;
	v15 =	vsub.f32 v15, v30;
	v36 =	vld.idx.msk [tilespmem:v36+s25+$0x0], $0xffff  }
0x304: {  	v20 =	vor.u32 $0x1, v14;
	v30 =	vor.u32 $0x8, v14;
	v21 =	vadd.f32 v21, v16;
	v33 =	vld.idx.msk [tilespmem:v33+s25+$0x0], $0xffff  }
0x305: {  	v40 =	vor.u32 $0x1, v7;
	v12 =	vadd.f32 v24, v12;
	v11 =	vsub.f32 v11, v25;
	v35 =	vld.idx.msk [tilespmem:v35+s25+$0x0], $0xffff  }
0x306: {  	v41 =	vor.u32 $0xA, v14;
	v17 =	vadd.f32 v17, v28;
	v25 =	vor.u32 $0x2, v14;
	v24 =	vld.idx.msk [tilespmem:v14+s31+$0x0], $0xffff  }
0x307: {  	v42 =	vor.u32 $0xD, v14;
	v8 =	vadd.f32 v19, v8;
	v28 =	vld.idx.msk [tilespmem:v38+s31+$0x0], $0xffff;
	v38 =	vor.u32 $0xC, v14  }
0x308: {  	v19 =	vor.u32 $0x2, v7;
	v13 =	vmul.f32 v13, v13;
	v16 =	vmul.f32 v16, v39;
	v32 =	vld.idx.msk [tilespmem:v32+s25+$0x0], $0xffff  }
0x309: {  	v43 =	vor.u32 $0x4, v14;
	v44 =	vor.u32 $0xB, v14;
	v8 =	vadd.f32 v18, v8;
	v26 =	vld.idx.msk [tilespmem:v26+s31+$0x0], $0xffff  }
0x30a: {  	v9 =	vadd.f32 v9, v27;
	v16 =	vadd.f32 v16, v17;
	v18 =	vld.idx.msk [tilespmem:v34+s25+$0x0], $0xffff;
	v34 =	vor.u32 $0xA, v7  }
0x30b: {  	v27 =	vor.u32 $0x5, v14;
	v8 =	vsub.f32 v12, v8;
	v12 =	vmul.f32 v15, v15;
	v17 =	vld.idx.msk [tilespmem:v29+s31+$0x0], $0xffff  }
0x30c: {  	v5 =	vadd.f32 v13, v5;
	v11 =	vmul.f32 v11, v11;
	v15 =	vsub.f32 v21, v16;
	v29 =	vld.idx.msk [tilespmem:v40+s25+$0x0], $0xffff  }
0x30d: {  	v9 =	vadd.f32 v23, v9;
	v13 =	vor.u32 $0xE, v14;
	v8 =	vmul.f32 v8, v8;
	v16 =	vld.idx.msk [tilespmem:v37+s31+$0x0], $0xffff  }
0x30e: {  	v10 =	vsub.f32 v39, v10;
	v6 =	vsub.f32 v6, v22;
	v14 =	vld.idx.msk [tilespmem:v19+s25+$0x0], $0xffff;
	v19 =	vor.u32 $0x5, v7  }
0x30f: {  	v9 =	vadd.f32 v12, v9;
	v15 =	vmul.f32 v15, v15;
	v21 =	vsub.f32 v28, v35;
	v20 =	vld.idx.msk [tilespmem:v20+s31+$0x0], $0xffff  }
0x310: {  	v5 =	vadd.f32 v8, v5;
	v8 =	vmul.f32 v6, v6;
	v18 =	vsub.f32 v26, v18;
	v23 =	vld.idx.msk [tilespmem:v34+s25+$0x0], $0xffff  }
0x311: {  	v9 =	vadd.f32 v11, v9;
	v39 =	vsub.f32 v24, v31;
	v34 =	vor.u32 $0x4, v7;
	v30 =	vld.idx.msk [tilespmem:v30+s31+$0x0], $0xffff  }
0x312: {  	v10 =	vmul.f32 v10, v10;
	v5 =	vadd.f32 v15, v5;
	v24 =	vsub.f32 v17, v32;
	v6 =	vld.idx.msk [tilespmem:v42+s31+$0x0], $0xffff  }
0x313: {  	v9 =	vadd.f32 v8, v9;
	v28 =	vmul.f32 v39, v28;
	v17 =	vsub.f32 v16, v33;
	v25 =	vld.idx.msk [tilespmem:v25+s31+$0x0], $0xffff  }
0x314: {  	v35 =	vor.u32 $0xB, v7;
	v40 =	vor.u32 $0xC, v7;
	v31 =	vmul.f32 v21, v21;
	v32 =	vld.idx.msk [tilespmem:v41+s31+$0x0], $0xffff  }
0x315: {  	v9 =	vadd.f32 v10, v9;
	v8 =	vmul.f32 v39, v26;
	v12 =	vsub.f32 v20, v29;
	v15 =	vld.idx.msk [tilespmem:v44+s31+$0x0], $0xffff  }
0x316: {  	v22 =	vor.u32 $0xD, v7;
	v10 =	vor.u32 $0xE, v7;
	v37 =	vmul.f32 v17, v17;
	v11 =	vld.idx.msk [tilespmem:v38+s31+$0x0], $0xffff  }
0x317: {  	s15 =	sadd.s32 $0x10, s15;
	v7 =	vmul.f32 v12, v16;
	v38 =	vadd.f32 v31, v9;
	v21 =	vld.idx.msk [tilespmem:v27+s31+$0x0], $0xffff;
	v27 =	vsub.f32 v30, v36  }
0x318: {  	v20 =	vadd.f32 v24, v39;
	v9 =	vmul.f32 v18, v18;
	v17 =	vmul.f32 v12, v6;
	v41 =	vld [tilespmem:s15+$0x0]  }
0x319: {  	v18 =	vmov s1;
	v16 =	vsub.f32 v25, v14;
	v31 =	vadd.f32 v7, v28;
	v26 =	vld.idx.msk [tilespmem:v19+s25+$0x0], $0xffff  }
.Ltmp12:
0x31a: {  	v7 =	vshll.u32 v18, $0x7;
	v27 =	vmul.f32 v27, v27;
	v23 =	vsub.f32 v32, v23;
	v24 =	vld.idx.msk [tilespmem:v34+s25+$0x0], $0xffff;
	(pc) =	sbr.rel @p0 .LBB2_28-.Ltmp12, $4  }
0x31b: {  	v7 =	vor.u32 v1, v7;
	v19 =	vmul.f32 v12, v32;
	v34 =	vmul.f32 v16, v30;
	v29 =	vld.idx.msk [tilespmem:v43+s31+$0x0], $0xffff  }
0x31c: {  	v33 =	vor.u32 $0x7, v7;
	v36 =	vor.u32 $0x8, v7;
	v18 =	vmul.f32 v16, v15;
	v30 =	vld.idx.msk [tilespmem:v35+s25+$0x0], $0xffff  }
0x31d: {  	v37 =	vadd.f32 v37, v38;
	v35 =	vor.u32 $0x6, v7;
	v14 =	vsub.s32 v41, v4;
	v10 =	vld.idx.msk [tilespmem:v10+s25+$0x0], $0xffff  }
0x31e: {  	v32 =	vor.u32 $0x3, v7;
	v28 =	vmul.f32 v39, v11;
	v14 =	vshll.u32 v14, $0x7;
	v25 =	vld.idx.msk [tilespmem:v40+s25+$0x0], $0xffff  }
0x31f: {  	_ =	sdelay $0x3  }
0x320: {  	v13 =	vld.idx.msk [tilespmem:v13+s31+$0x0], $0xffff  }
0x321: {  	v38 =	vld.idx.msk [tilespmem:v7+s25+$0x0], $0xffff  }
0x322: {  	v22 =	vld.idx.msk [tilespmem:v22+s25+$0x0], $0xffff  }
0x323: {  	v39 =	vor.u32 $0x6, v14;
	v36 =	vld.idx.msk [tilespmem:v36+s25+$0x0], $0xffff  }
0x324: {  	v40 =	vor.u32 $0x9, v14;
	v33 =	vld.idx.msk [tilespmem:v33+s25+$0x0], $0xffff  }
0x325: {  	v41 =	vor.u32 $0x9, v7;
	v35 =	vld.idx.msk [tilespmem:v35+s25+$0x0], $0xffff;
	v42 =	vor.u32 $0x3, v14  }
0x326: {  	v43 =	vld.idx.msk [tilespmem:v14+s31+$0x0], $0xffff;
	v44 =	vor.u32 $0x1, v7;
	v45 =	vor.u32 $0x7, v14;
	v46 =	vor.u32 $0x2, v7  }
0x327: {  	v32 =	vld.idx.msk [tilespmem:v32+s25+$0x0], $0xffff;
	v47 =	vor.u32 $0x1, v14;
	v31 =	vadd.f32 v34, v31;
	v21 =	vsub.f32 v21, v26  }
0x328: {  	v26 =	vor.u32 $0xA, v7;
	v27 =	vadd.f32 v27, v37;
	v23 =	vmul.f32 v23, v23;
	v39 =	vld.idx.msk [tilespmem:v39+s31+$0x0], $0xffff  }
0x329: {  	v8 =	vadd.f32 v19, v8;
	v19 =	vor.u32 $0xB, v14;
	v24 =	vsub.f32 v29, v24;
	v40 =	vld.idx.msk [tilespmem:v40+s31+$0x0], $0xffff  }
0x32a: {  	s1 =	simm.s32 $0x0;
	v29 =	vor.u32 $0x8, v14;
	v17 =	vadd.f32 v17, v28;
	v28 =	vor.u32 $0xA, v14;
	v41 =	vld.idx.msk [tilespmem:v41+s25+$0x0], $0xffff  }
0x32b: {  	v54 =	vmov s1;
	v20 =	vsub.f32 v20, v31;
	v15 =	vsub.f32 v15, v30;
	v48 =	vld.idx.msk [tilespmem:v42+s31+$0x0], $0xffff  }
0x32c: {  	v30 =	vor.u32 $0xD, v14;
	v21 =	vadd.f32 v21, v16;
	v8 =	vadd.f32 v18, v8;
	v49 =	vld.idx.msk [tilespmem:v44+s25+$0x0], $0xffff  }
0x32d: {  	v9 =	vadd.f32 v9, v27;
	v27 =	vor.u32 $0x5, v7;
	v12 =	vadd.f32 v24, v12;
	v31 =	vld.idx.msk [tilespmem:v45+s31+$0x0], $0xffff  }
0x32e: {  	v24 =	vor.u32 $0x2, v14;
	v11 =	vsub.f32 v11, v25;
	v25 =	vor.u32 $0xC, v14;
	v50 =	vld.idx.msk [tilespmem:v46+s25+$0x0], $0xffff  }
0x32f: {  	v20 =	vmul.f32 v20, v20;
	v15 =	vmul.f32 v15, v15;
	v9 =	vadd.f32 v23, v9;
	v51 =	vld.idx.msk [tilespmem:v47+s31+$0x0], $0xffff  }
0x330: {  	v16 =	vmul.f32 v16, v13;
	v26 =	vld.idx.msk [tilespmem:v26+s25+$0x0], $0xffff;
	v8 =	vsub.f32 v12, v8;
	v6 =	vsub.f32 v6, v22  }
0x331: {  	v19 =	vld.idx.msk [tilespmem:v19+s31+$0x0], $0xffff;
	v10 =	vsub.f32 v13, v10;
	v13 =	vor.u32 $0xC, v7;
	v5 =	vadd.f32 v20, v5  }
0x332: {  	v29 =	vld.idx.msk [tilespmem:v29+s31+$0x0], $0xffff;
	v11 =	vmul.f32 v11, v11;
	v20 =	vor.u32 $0xB, v7;
	v9 =	vadd.f32 v15, v9  }
0x333: {  	v15 =	vor.u32 $0xE, v7;
	v16 =	vadd.f32 v16, v17;
	v17 =	vor.u32 $0x5, v14;
	v18 =	vld.idx.msk [tilespmem:v30+s31+$0x0], $0xffff  }
0x334: {  	v30 =	vor.u32 $0x4, v14;
	v14 =	vor.u32 $0xE, v14;
	v8 =	vmul.f32 v8, v8;
	v22 =	vld.idx.msk [tilespmem:v27+s25+$0x0], $0xffff  }
0x335: {  	v6 =	vmul.f32 v6, v6;
	v27 =	vsub.f32 v43, v38;
	v10 =	vmul.f32 v10, v10;
	v24 =	vld.idx.msk [tilespmem:v24+s31+$0x0], $0xffff  }
0x336: {  	v9 =	vadd.f32 v11, v9;
	v12 =	vsub.f32 v21, v16;
	v16 =	vor.u32 $0x4, v7;
	v21 =	vld.idx.msk [tilespmem:v28+s31+$0x0], $0xffff  }
0x337: {  	v23 =	vld.idx.msk [tilespmem:v25+s31+$0x0], $0xffff;
	v5 =	vadd.f32 v8, v5;
	v7 =	vor.u32 $0xD, v7;
	v25 =	vsub.f32 v39, v35  }
0x338: {  	v6 =	vadd.f32 v6, v9;
	v28 =	vsub.f32 v31, v33;
	v9 =	vld.idx.msk [tilespmem:v20+s25+$0x0], $0xffff;
	v12 =	vmul.f32 v12, v12  }
0x339: {  	v20 =	vsub.f32 v48, v32;
	v8 =	vld.idx.msk [tilespmem:v30+s31+$0x0], $0xffff;
	v25 =	vmul.f32 v25, v25;
	v30 =	vsub.f32 v51, v49  }
0x33a: {  	v6 =	vadd.f32 v10, v6;
	v10 =	vld.idx.msk [tilespmem:v13+s25+$0x0], $0xffff;
	v13 =	vmul.f32 v27, v40;
	v28 =	vmul.f32 v28, v28  }
0x33b: {  	v15 =	vld.idx.msk [tilespmem:v15+s25+$0x0], $0xffff;
	v5 =	vadd.f32 v12, v5;
	v12 =	vmul.f32 v27, v39;
	v24 =	vsub.f32 v24, v50  }
0x33c: {  	v20 =	vadd.f32 v20, v27;
	v11 =	vld.idx.msk [tilespmem:v16+s25+$0x0], $0xffff;
	v16 =	vsub.f32 v40, v41;
	v31 =	vmul.f32 v30, v31  }
0x33d: {  	v17 =	vld.idx.msk [tilespmem:v17+s31+$0x0], $0xffff;
	v6 =	vadd.f32 v25, v6;
	v25 =	vsub.f32 v29, v36;
	v52 =	vmul.f32 v30, v18  }
0x33e: {  	v14 =	vld.idx.msk [tilespmem:v14+s31+$0x0], $0xffff;
	v26 =	vsub.f32 v21, v26;
	v21 =	vmul.f32 v30, v21;
	v27 =	vmul.f32 v27, v23  }
0x33f: {  	v7 =	vld.idx.msk [tilespmem:v7+s25+$0x0], $0xffff;
	_ =	swait.ge [sflag:s30], $0x4000;
	v29 =	vmul.f32 v24, v29;
	v16 =	vmul.f32 v16, v16;
	v12 =	vadd.f32 v31, v12  }
0x340: {  	[sflag:s30] =	ssyncset.done $0x0;
	v25 =	vmul.f32 v25, v25;
	v31 =	vmul.f32 v24, v19;
	v6 =	vadd.f32 v28, v6  }
0x341: {  	[sflag:s30] =	ssyncadd.s32 $0xFFFFC000;
	v28 =	vshll.u32 v54, $0x7;
	v9 =	vsub.f32 v19, v9;
	v27 =	vadd.f32 v52, v27  }
0x342: {  	v53 =	vld [tilespmem:s13+$0x0];
	v17 =	vsub.f32 v17, v22;
	v22 =	vor.u32 v1, v28;
	v10 =	vsub.f32 v23, v10  }
0x343: {  	v6 =	vadd.f32 v25, v6;
	v25 =	vmul.f32 v26, v26;
	v26 =	vor.u32 $0x6, v22  }
0x344: {  	v12 =	vadd.f32 v29, v12;
	v28 =	vor.u32 $0x3, v22;
	v8 =	vsub.f32 v8, v11  }
0x345: {  	v11 =	vor.u32 $0x8, v22;
	v17 =	vadd.f32 v17, v24;
	v24 =	vmul.f32 v24, v14  }
0x346: {  	v12 =	vsub.f32 v20, v12;
	v20 =	vor.u32 $0x7, v22;
	v6 =	vadd.f32 v16, v6  }
0x347: {  	v16 =	vor.u32 $0x9, v22;
	v24 =	vadd.f32 v24, v27;
	v19 =	vsub.s32 v53, v4;
	v23 =	vld.idx.msk [tilespmem:v22+s26+$0x0], $0xffff  }
0x348: {  	v13 =	vadd.f32 v21, v13;
	v19 =	vshll.u32 v19, $0x7;
	v26 =	vld.idx.msk [tilespmem:v26+s26+$0x0], $0xffff  }
0x349: {  	v6 =	vadd.f32 v25, v6;
	v17 =	vsub.f32 v17, v24;
	v24 =	vor.u32 $0x1, v22;
	v25 =	vld.idx.msk [tilespmem:v28+s26+$0x0], $0xffff  }
0x34a: {  	v13 =	vadd.f32 v31, v13;
	v8 =	vadd.f32 v8, v30;
	v21 =	vor.u32 $0x6, v19;
	v11 =	vld.idx.msk [tilespmem:v11+s26+$0x0], $0xffff  }
0x34b: {  	v12 =	vmul.f32 v12, v12;
	v29 =	vor.u32 $0x9, v19;
	v20 =	vld.idx.msk [tilespmem:v20+s26+$0x0], $0xffff  }
0x34c: {  	v9 =	vmul.f32 v9, v9;
	v8 =	vsub.f32 v8, v13;
	v13 =	vor.u32 $0x3, v19;
	v16 =	vld.idx.msk [tilespmem:v16+s26+$0x0], $0xffff  }
0x34d: {  	v5 =	vadd.f32 v12, v5;
	v12 =	vor.u32 $0x7, v19;
	v27 =	vld.idx.msk [tilespmem:v19+s31+$0x0], $0xffff  }
0x34e: {  	v6 =	vadd.f32 v9, v6;
	v9 =	vor.u32 $0x2, v22;
	v24 =	vld.idx.msk [tilespmem:v24+s26+$0x0], $0xffff  }
0x34f: {  	v10 =	vmul.f32 v10, v10;
	v7 =	vsub.f32 v18, v7;
	v28 =	vor.u32 $0xD, v19;
	v21 =	vld.idx.msk [tilespmem:v21+s31+$0x0], $0xffff  }
0x350: {  	v14 =	vsub.f32 v14, v15;
	v15 =	vor.u32 $0x1, v19;
	v8 =	vmul.f32 v8, v8;
	v18 =	vld.idx.msk [tilespmem:v29+s31+$0x0], $0xffff  }
0x351: {  	v7 =	vmul.f32 v7, v7;
	v6 =	vadd.f32 v10, v6;
	v10 =	vor.u32 $0xA, v22;
	v13 =	vld.idx.msk [tilespmem:v13+s31+$0x0], $0xffff  }
0x352: {  	v17 =	vmul.f32 v17, v17;
	v5 =	vadd.f32 v8, v5;
	v8 =	vor.u32 $0x8, v19;
	v29 =	vld.idx.msk [tilespmem:v12+s31+$0x0], $0xffff  }
0x353: {  	v14 =	vmul.f32 v14, v14;
	v7 =	vadd.f32 v7, v6;
	v12 =	vor.u32 $0x2, v19;
	v30 =	vld.idx.msk [tilespmem:v9+s26+$0x0], $0xffff  }
0x354: {  	v60 =	vor.u32 $0xB, v22;
	v6 =	vadd.f32 v17, v5;
	v9 =	vor.u32 $0xA, v19;
	v5 =	vld.idx.msk [tilespmem:v28+s31+$0x0], $0xffff  }
0x355: {  	v61 =	vor.u32 $0xC, v22;
	v17 =	vor.u32 $0xC, v19;
	v7 =	vadd.f32 v14, v7;
	v14 =	vld.idx.msk [tilespmem:v15+s31+$0x0], $0xffff  }
0x356: {  	v31 =	vor.u32 $0x4, v19;
	v56 =	vor.u32 $0x5, v19;
	v15 =	vor.u32 $0xB, v19;
	v55 =	vld.idx.msk [tilespmem:v10+s26+$0x0], $0xffff  }
0x357: {  	v10 =	vor.u32 $0xE, v19;
	v19 =	vld.idx.msk [tilespmem:v8+s31+$0x0], $0xffff;
	v57 =	vsub.f32 v27, v23;
	v23 =	vor.u32 $0x5, v22  }
0x358: {  	v8 =	vsub.f32 v21, v26;
	v16 =	vsub.f32 v18, v16;
	v26 =	vor.u32 $0x4, v22;
	v27 =	vld.idx.msk [tilespmem:v12+s31+$0x0], $0xffff  }
0x359: {  	v25 =	vsub.f32 v13, v25;
	v59 =	vld.idx.msk [tilespmem:v9+s31+$0x0], $0xffff;
	v58 =	vmul.f32 v57, v21;
	v21 =	vsub.f32 v29, v20  }
0x35a: {  	s22 =	simm.s32 $0x10;
	v13 =	vld.idx.msk [tilespmem:v17+s31+$0x0], $0xffff;
	v12 =	vsub.f32 v14, v24;
	v20 =	vor.u32 $0xD, v22;
	v14 =	vor.u32 $0xE, v22  }
0x35b: {  	v15 =	vld.idx.msk [tilespmem:v15+s31+$0x0], $0xffff;
	v24 =	vmov s22;
	v9 =	vmul.f32 v8, v8;
	v8 =	vmul.f32 v57, v18  }
0x35c: {  	s15 =	sadd.s32 $0x10, s13;
	v22 =	vld.idx.msk [tilespmem:v56+s31+$0x0], $0xffff;
	v62 =	vmul.f32 v21, v21;
	v18 =	vmul.f32 v12, v29;
	v21 =	vadd.f32 v25, v57  }
0x35d: {  	v17 =	vmul.f32 v12, v5;
	v63 =	vadd.f32 v9, v7;
	v7 =	vsub.f32 v19, v11;
	v11 =	vld [tilespmem:s15+$0x0]  }
0x35e: {  	v9 =	vmul.f32 v16, v16;
	v28 =	vld.idx.msk [tilespmem:v23+s26+$0x0], $0xffff;
	v16 =	vsub.f32 v27, v30;
	v34 =	vadd.f32 v18, v58  }
0x35f: {  	v18 =	vshll.u32 v24, $0x7;
	v24 =	vld.idx.msk [tilespmem:v26+s26+$0x0], $0xffff;
	v25 =	vsub.f32 v59, v55;
	v26 =	vmul.f32 v57, v13  }
0x360: {  	v33 =	vld.idx.msk [tilespmem:v61+s26+$0x0], $0xffff;
	v29 =	vmul.f32 v7, v7;
	v7 =	vor.u32 v1, v18;
	v37 =	vadd.f32 v62, v63  }
0x361: {  	v32 =	vld.idx.msk [tilespmem:v31+s31+$0x0], $0xffff;
	v36 =	vmul.f32 v16, v19;
	v19 =	vmul.f32 v12, v59;
	v27 =	vor.u32 $0x7, v7  }
0x362: {  	v30 =	vld.idx.msk [tilespmem:v60+s26+$0x0], $0xffff;
	v35 =	vor.u32 $0x8, v7;
	v18 =	vmul.f32 v16, v15;
	v23 =	vsub.s32 v11, v4  }
0x363: {  	s16 =	simm.s32 $0x20;
	v31 =	vor.u32 $0x6, v7;
	v11 =	vld.idx.msk [tilespmem:v14+s26+$0x0], $0xffff;
	v14 =	vshll.u32 v23, $0x7;
	v23 =	vor.u32 $0x3, v7  }
.LBB2_30:
0x364: {  	p0 =	sne.s32 s16, $0x70;
	v38 =	vor.u32 $0x6, v14;
	v39 =	vld.idx.msk [tilespmem:v10+s31+$0x0], $0xffff;
	v10 =	vadd.f32 v36, v34;
	v22 =	vsub.f32 v22, v28;
	s1 =	smov.u32 s16;
	s16 =	sadd.s32 $0x10, s16  }
0x365: {  	v28 =	vor.u32 $0x9, v14;
	v36 =	vor.u32 $0x9, v7;
	v29 =	vadd.f32 v29, v37;
	v34 =	vld.idx.msk [tilespmem:v7+s26+$0x0], $0xffff  }
0x366: {  	v37 =	vor.u32 $0x7, v14;
	v25 =	vmul.f32 v25, v25;
	v24 =	vsub.f32 v32, v24;
	v20 =	vld.idx.msk [tilespmem:v20+s26+$0x0], $0xffff  }
0x367: {  	v32 =	vor.u32 $0x3, v14;
	v10 =	vsub.f32 v21, v10;
	v15 =	vsub.f32 v15, v30;
	v35 =	vld.idx.msk [tilespmem:v35+s26+$0x0], $0xffff  }
0x368: {  	v21 =	vor.u32 $0x1, v14;
	v30 =	vor.u32 $0x8, v14;
	v22 =	vadd.f32 v22, v16;
	v27 =	vld.idx.msk [tilespmem:v27+s26+$0x0], $0xffff  }
0x369: {  	v40 =	vor.u32 $0x1, v7;
	v12 =	vadd.f32 v24, v12;
	v13 =	vsub.f32 v13, v33;
	v31 =	vld.idx.msk [tilespmem:v31+s26+$0x0], $0xffff  }
0x36a: {  	v41 =	vor.u32 $0xA, v14;
	v17 =	vadd.f32 v17, v26;
	v33 =	vor.u32 $0x2, v14;
	v24 =	vld.idx.msk [tilespmem:v14+s31+$0x0], $0xffff  }
0x36b: {  	v42 =	vor.u32 $0xD, v14;
	v8 =	vadd.f32 v19, v8;
	v26 =	vld.idx.msk [tilespmem:v38+s31+$0x0], $0xffff;
	v38 =	vor.u32 $0xC, v14  }
0x36c: {  	v19 =	vor.u32 $0x2, v7;
	v10 =	vmul.f32 v10, v10;
	v16 =	vmul.f32 v16, v39;
	v23 =	vld.idx.msk [tilespmem:v23+s26+$0x0], $0xffff  }
0x36d: {  	v43 =	vor.u32 $0x4, v14;
	v44 =	vor.u32 $0xB, v14;
	v8 =	vadd.f32 v18, v8;
	v28 =	vld.idx.msk [tilespmem:v28+s31+$0x0], $0xffff  }
0x36e: {  	v9 =	vadd.f32 v9, v29;
	v16 =	vadd.f32 v16, v17;
	v18 =	vld.idx.msk [tilespmem:v36+s26+$0x0], $0xffff;
	v36 =	vor.u32 $0xA, v7  }
0x36f: {  	v29 =	vor.u32 $0x5, v14;
	v8 =	vsub.f32 v12, v8;
	v12 =	vmul.f32 v15, v15;
	v17 =	vld.idx.msk [tilespmem:v32+s31+$0x0], $0xffff  }
0x370: {  	v6 =	vadd.f32 v10, v6;
	v13 =	vmul.f32 v13, v13;
	v15 =	vsub.f32 v22, v16;
	v32 =	vld.idx.msk [tilespmem:v40+s26+$0x0], $0xffff  }
0x371: {  	v9 =	vadd.f32 v25, v9;
	v10 =	vor.u32 $0xE, v14;
	v8 =	vmul.f32 v8, v8;
	v16 =	vld.idx.msk [tilespmem:v37+s31+$0x0], $0xffff  }
0x372: {  	v11 =	vsub.f32 v39, v11;
	v5 =	vsub.f32 v5, v20;
	v14 =	vld.idx.msk [tilespmem:v19+s26+$0x0], $0xffff;
	v19 =	vor.u32 $0x5, v7  }
0x373: {  	v9 =	vadd.f32 v12, v9;
	v15 =	vmul.f32 v15, v15;
	v20 =	vld.idx.msk [tilespmem:v21+s31+$0x0], $0xffff;
	v21 =	vsub.f32 v26, v31  }
0x374: {  	v6 =	vadd.f32 v8, v6;
	v8 =	vmul.f32 v5, v5;
	v18 =	vsub.f32 v28, v18;
	v25 =	vld.idx.msk [tilespmem:v36+s26+$0x0], $0xffff  }
0x375: {  	v9 =	vadd.f32 v13, v9;
	v39 =	vsub.f32 v24, v34;
	v31 =	vor.u32 $0x4, v7;
	v30 =	vld.idx.msk [tilespmem:v30+s31+$0x0], $0xffff  }
0x376: {  	v11 =	vmul.f32 v11, v11;
	v6 =	vadd.f32 v15, v6;
	v23 =	vsub.f32 v17, v23;
	v5 =	vld.idx.msk [tilespmem:v42+s31+$0x0], $0xffff  }
0x377: {  	v9 =	vadd.f32 v8, v9;
	v26 =	vmul.f32 v39, v26;
	v17 =	vsub.f32 v16, v27;
	v24 =	vld.idx.msk [tilespmem:v33+s31+$0x0], $0xffff  }
0x378: {  	v40 =	vor.u32 $0xC, v7;
	v21 =	vmul.f32 v21, v21;
	v33 =	vor.u32 $0xB, v7;
	v27 =	vld.idx.msk [tilespmem:v41+s31+$0x0], $0xffff  }
0x379: {  	v9 =	vadd.f32 v11, v9;
	v8 =	vmul.f32 v39, v28;
	v12 =	vsub.f32 v20, v32;
	v15 =	vld.idx.msk [tilespmem:v44+s31+$0x0], $0xffff  }
0x37a: {  	v11 =	vor.u32 $0xE, v7;
	v20 =	vor.u32 $0xD, v7;
	v37 =	vmul.f32 v17, v17;
	v13 =	vld.idx.msk [tilespmem:v38+s31+$0x0], $0xffff  }
0x37b: {  	s15 =	sadd.s32 $0x10, s15;
	v7 =	vmul.f32 v12, v16;
	v38 =	vadd.f32 v21, v9;
	v22 =	vld.idx.msk [tilespmem:v29+s31+$0x0], $0xffff;
	v29 =	vsub.f32 v30, v35  }
0x37c: {  	v21 =	vadd.f32 v23, v39;
	v9 =	vmul.f32 v18, v18;
	v17 =	vmul.f32 v12, v5;
	v41 =	vld [tilespmem:s15+$0x0]  }
0x37d: {  	v18 =	vmov s1;
	v16 =	vsub.f32 v24, v14;
	v34 =	vadd.f32 v7, v26;
	v28 =	vld.idx.msk [tilespmem:v19+s26+$0x0], $0xffff  }
.Ltmp13:
0x37e: {  	v7 =	vshll.u32 v18, $0x7;
	v29 =	vmul.f32 v29, v29;
	v25 =	vsub.f32 v27, v25;
	v24 =	vld.idx.msk [tilespmem:v31+s26+$0x0], $0xffff;
	(pc) =	sbr.rel @p0 .LBB2_30-.Ltmp13, $4  }
0x37f: {  	v7 =	vor.u32 v1, v7;
	v19 =	vmul.f32 v12, v27;
	v36 =	vmul.f32 v16, v30;
	v32 =	vld.idx.msk [tilespmem:v43+s31+$0x0], $0xffff  }
0x380: {  	v27 =	vor.u32 $0x7, v7;
	v35 =	vor.u32 $0x8, v7;
	v18 =	vmul.f32 v16, v15;
	v30 =	vld.idx.msk [tilespmem:v33+s26+$0x0], $0xffff  }
0x381: {  	v37 =	vadd.f32 v37, v38;
	v31 =	vor.u32 $0x6, v7;
	v14 =	vsub.s32 v41, v4;
	v11 =	vld.idx.msk [tilespmem:v11+s26+$0x0], $0xffff  }
0x382: {  	v23 =	vor.u32 $0x3, v7;
	v26 =	vmul.f32 v39, v13;
	v14 =	vshll.u32 v14, $0x7;
	v33 =	vld.idx.msk [tilespmem:v40+s26+$0x0], $0xffff  }
0x383: {  	_ =	sdelay $0x3  }
0x384: {  	v10 =	vld.idx.msk [tilespmem:v10+s31+$0x0], $0xffff  }
0x385: {  	v38 =	vld.idx.msk [tilespmem:v7+s26+$0x0], $0xffff  }
0x386: {  	v20 =	vld.idx.msk [tilespmem:v20+s26+$0x0], $0xffff  }
0x387: {  	v39 =	vor.u32 $0x6, v14;
	v34 =	vadd.f32 v36, v34;
	v22 =	vsub.f32 v22, v28;
	v35 =	vld.idx.msk [tilespmem:v35+s26+$0x0], $0xffff  }
0x388: {  	v58 =	vor.u32 $0x9, v14;
	v59 =	vor.u32 $0x9, v7;
	v29 =	vadd.f32 v29, v37;
	v27 =	vld.idx.msk [tilespmem:v27+s26+$0x0], $0xffff  }
0x389: {  	v60 =	vor.u32 $0x7, v14;
	v25 =	vmul.f32 v25, v25;
	v61 =	vor.u32 $0x3, v14;
	v31 =	vld.idx.msk [tilespmem:v31+s26+$0x0], $0xffff  }
0x38a: {  	v62 =	vor.u32 $0x1, v14;
	v63 =	vor.u32 $0x8, v14;
	v40 =	vld.idx.msk [tilespmem:v14+s31+$0x0], $0xffff;
	v24 =	vsub.f32 v32, v24  }
0x38b: {  	v41 =	vor.u32 $0x1, v7;
	v48 =	vor.u32 $0xA, v14;
	v23 =	vld.idx.msk [tilespmem:v23+s26+$0x0], $0xffff;
	v8 =	vadd.f32 v19, v8  }
0x38c: {  	v49 =	vor.u32 $0x2, v7;
	v51 =	vor.u32 $0xC, v14;
	v12 =	vadd.f32 v24, v12;
	v24 =	vld.idx.msk [tilespmem:v39+s31+$0x0], $0xffff  }
0x38d: {  	v42 =	vor.u32 $0xD, v14;
	v53 =	vor.u32 $0xA, v7;
	v43 =	vor.u32 $0x4, v14;
	v50 =	vld.idx.msk [tilespmem:v58+s31+$0x0], $0xffff  }
0x38e: {  	v44 =	vor.u32 $0xB, v14;
	v55 =	vor.u32 $0x5, v14;
	v17 =	vadd.f32 v17, v26;
	v36 =	vld.idx.msk [tilespmem:v59+s26+$0x0], $0xffff  }
0x38f: {  	v57 =	vor.u32 $0xE, v14;
	v21 =	vsub.f32 v21, v34;
	v15 =	vsub.f32 v15, v30;
	v32 =	vld.idx.msk [tilespmem:v61+s31+$0x0], $0xffff  }
0x390: {  	v46 =	vor.u32 $0xD, v7;
	v22 =	vadd.f32 v22, v16;
	v9 =	vadd.f32 v9, v29;
	v54 =	vld.idx.msk [tilespmem:v41+s26+$0x0], $0xffff  }
0x391: {  	v8 =	vadd.f32 v18, v8;
	v13 =	vsub.f32 v13, v33;
	v33 =	vor.u32 $0x2, v14;
	v56 =	vld.idx.msk [tilespmem:v60+s31+$0x0], $0xffff  }
0x392: {  	v21 =	vmul.f32 v21, v21;
	v15 =	vmul.f32 v15, v15;
	v9 =	vadd.f32 v25, v9;
	v58 =	vld.idx.msk [tilespmem:v62+s31+$0x0], $0xffff  }
0x393: {  	v52 =	vmul.f32 v16, v10;
	v8 =	vsub.f32 v12, v8;
	v5 =	vsub.f32 v5, v20;
	v59 =	vld.idx.msk [tilespmem:v53+s26+$0x0], $0xffff  }
0x394: {  	v10 =	vsub.f32 v10, v11;
	v60 =	vor.u32 $0x5, v7;
	v62 =	vld.idx.msk [tilespmem:v63+s31+$0x0], $0xffff;
	v37 =	vsub.f32 v40, v38  }
0x395: {  	v40 =	vld.idx.msk [tilespmem:v48+s31+$0x0], $0xffff;
	v41 =	vor.u32 $0xB, v7;
	v6 =	vadd.f32 v21, v6;
	v8 =	vmul.f32 v8, v8  }
0x396: {  	v28 =	vld.idx.msk [tilespmem:v51+s31+$0x0], $0xffff;
	v13 =	vmul.f32 v13, v13;
	v9 =	vadd.f32 v15, v9;
	v16 =	vadd.f32 v52, v17  }
0x397: {  	v5 =	vmul.f32 v5, v5;
	v10 =	vmul.f32 v10, v10;
	v6 =	vadd.f32 v8, v6;
	v8 =	vld.idx.msk [tilespmem:v42+s31+$0x0], $0xffff  }
0x398: {  	v9 =	vadd.f32 v13, v9;
	v16 =	vsub.f32 v22, v16;
	v42 =	vld.idx.msk [tilespmem:v44+s31+$0x0], $0xffff;
	v44 =	vor.u32 $0xC, v7  }
0x399: {  	v19 =	vld.idx.msk [tilespmem:v49+s26+$0x0], $0xffff;
	v61 =	vsub.f32 v24, v31;
	v63 =	vsub.f32 v50, v36;
	v36 =	vor.u32 $0x4, v7  }
0x39a: {  	v29 =	vld.idx.msk [tilespmem:v55+s31+$0x0], $0xffff;
	v23 =	vsub.f32 v32, v23;
	v24 =	vmul.f32 v37, v24;
	v27 =	vsub.f32 v56, v27  }
0x39b: {  	v38 =	vld.idx.msk [tilespmem:v33+s31+$0x0], $0xffff;
	v5 =	vadd.f32 v5, v9;
	v17 =	vsub.f32 v58, v54;
	v45 =	vmul.f32 v37, v50  }
0x39c: {  	v18 =	vld.idx.msk [tilespmem:v60+s26+$0x0], $0xffff;
	v7 =	vor.u32 $0xE, v7;
	v49 =	vsub.f32 v62, v35;
	v55 =	vmul.f32 v37, v28  }
0x39d: {  	v31 =	vld.idx.msk [tilespmem:v41+s26+$0x0], $0xffff;
	v11 =	vsub.f32 v40, v59;
	v16 =	vmul.f32 v16, v16;
	v20 =	vmul.f32 v61, v61  }
0x39e: {  	v5 =	vadd.f32 v10, v5;
	v47 =	vmul.f32 v27, v27;
	v12 =	vmul.f32 v17, v56  }
0x39f: {  	v48 =	vld.idx.msk [tilespmem:v43+s31+$0x0], $0xffff;
	v23 =	vadd.f32 v23, v37;
	v6 =	vadd.f32 v16, v6;
	v16 =	vmul.f32 v17, v40  }
0x3a0: {  	v14 =	vld.idx.msk [tilespmem:v57+s31+$0x0], $0xffff;
	v13 =	vsub.f32 v38, v19;
	v5 =	vadd.f32 v20, v5;
	v50 =	vmul.f32 v17, v8  }
0x3a1: {  	v12 =	vadd.f32 v12, v24;
	v20 =	vmul.f32 v49, v49;
	v25 =	vld.idx.msk [tilespmem:v36+s26+$0x0], $0xffff;
	v51 =	vsub.f32 v29, v18  }
0x3a2: {  	v9 =	vld.idx.msk [tilespmem:v44+s26+$0x0], $0xffff;
	v54 =	vsub.f32 v42, v31;
	v15 =	vmul.f32 v13, v62;
	v5 =	vadd.f32 v47, v5  }
0x3a3: {  	v16 =	vadd.f32 v16, v45;
	v53 =	vmul.f32 v13, v42;
	v56 =	vadd.f32 v50, v55  }
0x3a4: {  	v22 =	vmul.f32 v63, v63;
	v10 =	vld.idx.msk [tilespmem:v46+s26+$0x0], $0xffff;
	v12 =	vadd.f32 v15, v12;
	v5 =	vadd.f32 v20, v5  }
0x3a5: {  	v15 =	vadd.f32 v51, v13;
	v16 =	vadd.f32 v53, v16  }
0x3a6: {  	v11 =	vmul.f32 v11, v11;
	v7 =	vld.idx.msk [tilespmem:v7+s26+$0x0], $0xffff;
	v52 =	vsub.f32 v48, v25;
	v5 =	vadd.f32 v22, v5  }
0x3a7: {  	v13 =	vmul.f32 v13, v14;
	v9 =	vsub.f32 v28, v9;
	v12 =	vsub.f32 v23, v12  }
0x3a8: {  	v57 =	vmul.f32 v54, v54;
	v17 =	vadd.f32 v52, v17;
	v5 =	vadd.f32 v11, v5  }
0x3a9: {  	v8 =	vsub.f32 v8, v10;
	v59 =	vadd.f32 v13, v56;
	v9 =	vmul.f32 v9, v9  }
0x3aa: {  	s14 =	sadd.s32 $0x1, s14;
	v58 =	vmul.f32 v12, v12;
	v60 =	vsub.f32 v17, v16;
	v5 =	vadd.f32 v57, v5  }
0x3ab: {  	p0 =	sne.s32 s14, $0x4;
	v8 =	vmul.f32 v8, v8;
	v7 =	vsub.f32 v14, v7;
	v61 =	vsub.f32 v15, v59  }
.Ltmp14:
0x3ac: {  	v6 =	vadd.f32 v58, v6;
	v62 =	vmul.f32 v60, v60;
	v5 =	vadd.f32 v9, v5;
	(pc) =	sbr.rel @p0 .LBB2_27-.Ltmp14, $3  }
0x3ad: {  	v7 =	vmul.f32 v7, v7  }
0x3ae: {  	v63 =	vmul.f32 v61, v61;
	v6 =	vadd.f32 v62, v6;
	v8 =	vadd.f32 v8, v5;
	_ =	sdelay $0x1  }
0x3af: {  	s12 =	sadd.s32 $0x100, s12;
	s13 =	sadd.s32 $0x100, s13;
	v5 =	vadd.f32 v63, v6;
	v7 =	vadd.f32 v7, v8  }
0x3b0: {  	s10 =	sadd.s32 $0x1, s10  }
0x3b1: {  	p0 =	sne.s32 s10, $0x7  }
.Ltmp15:
0x3b2: {  	_ = 	snop;
	(pc) =	sbr.rel @p0 .LBB2_26-.Ltmp15, $1  }
0x3b3: {  	_ =	sdelay $0x3  }
0x3b4: {  	[tilespmem:$0xF280] =	vst v5  }
0x3b5: {  	[tilespmem:$0xF290] =	vst v7;
	s13 =	simm.s32 $0x0;
	s0 =	rddreg [dreg:$0x12];
	s1 =	simm.s32 $0xF280  }
0x3b6: {  	[hbm4b:s0+s13] =	stream.linear.scatter [tilespmem:s1], [sflag:$0x3], $0x20, $0x38;
	[tilespmem:$0xF300] =	vst v63  }
0x3b7: {  	_ =	swait.ge [sflag:s23], $0x20  }
0x3b8: {  	s21 =	rddreg [dreg:$0x14]  }
0x3b9: {  	s22 =	rddreg [dreg:$0x13];
	s1 =	sadd.s32 $0x1, s21  }
0x3ba: {  	p0 =	sne.s32 s1, s22  }
.Ltmp16:
0x3bb: {  	_ = 	snop;
	(pc) =	sbr.rel @p0 .LBB2_1-.Ltmp16, $3  }
0x3bc: {  	_ =	sdelay $0x1  }
0x3bd: {  	[sflag:s23] =	ssyncset.done $0x0  }
0x3be: {  	[sflag:s23] =	ssyncadd.s32 $0xFFFFFFE0  }
0x3bf: {  	_ =	sfence.sel $0x180000  }
0x3c0: {  	[bflag:$0x0] =	sbarrier.arrive $0xFFFF  }
0x3c1: {  	_ =	strace $0x9000004A  }
0x3c2: {  	s0 =	stileid.u32;
	[bflag:$0x2] =	sbarrier.arrive $0xFFFF  }
0x3c3: {  	p0 =	sne.s32 s0, $0x0;
	s0 =	rddreg [dreg:$0x2]  }
0x3c4: {  	s0 =	sadd.s32 @!p0 $0x100000, s0  }
0x3c5: {  	[sflag:s0] =	ssyncadd.tile.s32 @!p0 $0x1;
	_ =	shalt  }
.Lfunc_end2:
_tile_overlayer_lowered:
.L_overlay_start_2:
0x3c6: {  	(tag) =	ssettag $0x2  }
0x3c7: {  	s0 =	rddreg [dreg:$0x0];
	s2 =	stileid.u32  }
0x3c8: {  	s1 =	rddreg [dreg:$0x1];
	p0 =	sne.s32 s2, $0x0  }
0x3c9: {  	s3 =	rddreg [dreg:$0x2];
	[bflag:$0x3] =	sbarrier.arrive $0xFFFF;
	s2 =	simm.s32 @!p0 $0x1C03  }
0x3ca: {  	[timem:s3], [sflag:s2] =	dma.local @!p0 [hbm:s0], s1  }
0x3cb: {  	s0 =	simm.s32 @!p0 $0x3  }
0x3cc: {  	_ =	swait.ge @!p0 [sflag:s0], s1  }
0x3cd: {  	s1 =	ssub.s32 @!p0 $0x0, s1;
	[sflag:s0] =	ssyncset.done @!p0 $0x0  }
0x3ce: {  	[sflag:s0] =	ssyncadd.s32 @!p0 s1  }
0x3cf: {  	[bflag:$0x3] =	sbarrier.arrive $0xFFFF  }
0x3d0: {  	_ =	shalt  }

</sc_bundles>
